<compile_context>
chip_gen: v7x
topology: tpu7x:2x2x1
jax: 0.10.2.dev20260603
libtpu: 0.0.44.dev20260713+nightly
codegen_flags: <defaults>
</compile_context>

<pallas_src>
import functools

import jax
import jax.numpy as jnp
from jax import lax
from jax.experimental import pallas as pl
from jax.experimental.pallas import tpu as pltpu
from jax.experimental.pallas import tpu_sc as plsc

K_NN = 32
TR = 512
CT = 512
EPS = 1e-5



_DEPTH = 8
_NCH = 64


def _topk_body(xr_ref, xa_ref, idx_ref):
    xr = xr_ref[0]
    xa = xa_ref[0]
    N = xa.shape[0]
    G, S, D = _NCH, N // _NCH, _DEPTH
    inner = lax.dot_general(xa, xr, (((1,), (1,)), ((), ())),
                            preferred_element_type=jnp.float32)
    sqr = jnp.sum(xr * xr, axis=1)
    sqa = jnp.sum(xa * xa, axis=1)
    dist = sqa[:, None] - 2.0 * inner + sqr[None, :]
    iota_k = lax.broadcasted_iota(jnp.int32, (K_NN, TR), 0)

    d3 = dist.reshape(G, S, TR)
    wiota = lax.broadcasted_iota(jnp.int32, (G, S, TR), 1)
    giota = lax.broadcasted_iota(jnp.int32, (G, TR), 0)
    lv, li = [], []
    for _ in range(D):
        mc = jnp.min(d3, axis=1)
        wi = jnp.min(jnp.where(d3 == mc[:, None, :], wiota, S), axis=1)
        lv.append(mc)
        li.append(giota * S + wi)
        d3 = jnp.where(wiota == wi[:, None, :], jnp.inf, d3)

    hv, hi = lv[0], li[0]
    ptr = jnp.zeros((G, TR), jnp.int32)
    acc = jnp.zeros((K_NN, TR), jnp.int32)
    for k in range(K_NN):
        m = jnp.min(hv, axis=0)
        sel = jnp.min(jnp.where(hv == m[None, :], hi, N), axis=0)
        acc = jnp.where(iota_k == k, sel[None, :], acc)
        hit = giota == (sel // S)[None, :]
        ptr = jnp.where(hit, ptr + 1, ptr)
        nv = jnp.full((G, TR), jnp.inf, jnp.float32)
        ni = jnp.full((G, TR), N, jnp.int32)
        for d in range(1, D):
            pd = ptr == d
            nv = jnp.where(pd, lv[d], nv)
            ni = jnp.where(pd, li[d], ni)
        hv = jnp.where(hit, nv, hv)
        hi = jnp.where(hit, ni, hi)
    exhausted = jnp.max(ptr) >= D

    def classic():
        dist = sqa[:, None] - 2.0 * inner + sqr[None, :]
        iota = lax.broadcasted_iota(jnp.int32, (N, TR), 0)

        def body(k, carry):
            dist, acc = carry
            m = jnp.min(dist, axis=0)
            sel = jnp.min(jnp.where(dist == m[None, :], iota, N), axis=0)
            acc = jnp.where(iota_k == k, sel[None, :], acc)
            dist = jnp.where(iota == sel[None, :], jnp.inf, dist)
            return dist, acc

        return lax.fori_loop(
            0, K_NN, body, (dist, jnp.zeros((K_NN, TR), jnp.int32)))[1]

    idx_ref[0] = lax.cond(exhausted, classic, lambda: acc)


def _topk_idx(xt4):
    B, N, _ = xt4.shape
    kt = pl.pallas_call(
        _topk_body,
        out_shape=jax.ShapeDtypeStruct((B, K_NN, N), jnp.int32),
        grid=(B, N // TR),
        in_specs=[
            pl.BlockSpec((1, TR, 4), lambda b, t: (b, t, 0)),
            pl.BlockSpec((1, N, 4), lambda b, t: (b, 0, 0)),
        ],
        out_specs=pl.BlockSpec((1, K_NN, TR), lambda b, t: (b, 0, t)),
    )(xt4, xt4)
    return jnp.transpose(kt, (0, 2, 1))



def _sc_gather(x, idx_flat):
    B, _, N = x.shape
    NW = 32
    pts_w = (B * N) // NW
    idx_w = pts_w * K_NN
    mesh = plsc.VectorSubcoreMesh(core_axis_name="c", subcore_axis_name="s")

    @functools.partial(
        pl.kernel, mesh=mesh,
        out_type=jax.ShapeDtypeStruct((B * N * K_NN * 4,), jnp.float32),
        compiler_params=pltpu.CompilerParams(needs_layout_passes=False),
        scratch_types=[
            pltpu.VMEM((idx_w,), jnp.int32),
            pltpu.VMEM((N,), jnp.float32),
            pltpu.VMEM((N,), jnp.float32),
            pltpu.VMEM((N,), jnp.float32),
            pltpu.VMEM((idx_w * 4,), jnp.float32),
        ],
    )
    def gk(x_hbm, idx_hbm, out_hbm, idx_v, tx, ty, tz, out_v):
        wid = lax.axis_index("s") * 2 + lax.axis_index("c")
        b = (wid * pts_w) // N
        pltpu.sync_copy(x_hbm.at[pl.ds((b * 3 + 0) * N, N)], tx)
        pltpu.sync_copy(x_hbm.at[pl.ds((b * 3 + 1) * N, N)], ty)
        pltpu.sync_copy(x_hbm.at[pl.ds((b * 3 + 2) * N, N)], tz)
        pltpu.sync_copy(idx_hbm.at[pl.ds(wid * idx_w, idx_w)], idx_v)
        lane4 = lax.broadcasted_iota(jnp.int32, (16,), 0) * 4
        zero16 = jnp.zeros((16,), jnp.float32)

        def body(i, _):
            iv = idx_v[pl.ds(i * 16, 16)]
            gx = plsc.load_gather(tx, [iv])
            gy = plsc.load_gather(ty, [iv])
            gz = plsc.load_gather(tz, [iv])
            pos = lane4 + i * 64
            plsc.store_scatter(out_v, [pos], gx)
            plsc.store_scatter(out_v, [pos + 1], gy)
            plsc.store_scatter(out_v, [pos + 2], gz)
            plsc.store_scatter(out_v, [pos + 3], zero16)
            return 0

        lax.fori_loop(0, idx_w // 16, body, 0)
        pltpu.sync_copy(out_v, out_hbm.at[pl.ds(wid * idx_w * 4, idx_w * 4)])

    return gk(x.reshape(-1), idx_flat)



def _dotf(a, b, dims):
    return lax.dot_general(a, b, (dims, ((), ())),
                           preferred_element_type=jnp.float32)


def _diff128(xt_ref, nb_ref):
    c = xt_ref[0]
    cb = jnp.broadcast_to(c[:, None, :], (CT, K_NN, 4)).reshape(CT * K_NN, 4)
    return nb_ref[0] - cb


def _c1_body(xt_ref, nb_ref, sc_ref, snb_ref, cc_ref, nn_ref, cn_ref):
    @pl.when((pl.program_id(0) == 0) & (pl.program_id(1) == 0))
    def _():
        for r in (sc_ref, snb_ref, cc_ref, nn_ref, cn_ref):
            r[...] = jnp.zeros_like(r)
    c = xt_ref[0]
    nbt = nb_ref[0]
    nbs = jnp.sum(nbt.reshape(CT, K_NN, 4), axis=1)
    sc_ref[...] += jnp.sum(c, axis=0)[None, :]
    snb_ref[...] += jnp.sum(nbs, axis=0)[None, :]
    cc_ref[...] += _dotf(c, c, ((0,), (0,)))
    nn_ref[...] += _dotf(nbt, nbt, ((0,), (0,)))
    cn_ref[...] += _dotf(c, nbs, ((0,), (0,)))


def _z_edge(xt_ref, nb_ref, w1c_ref, w1d_ref, c1_ref):
    c = xt_ref[0]
    d = _diff128(xt_ref, nb_ref)
    tc = _dotf(c, w1c_ref[...], ((1,), (0,))) + c1_ref[...]
    nw = _dotf(d, w1d_ref[...], ((1,), (0,)))
    y = nw.reshape(CT, K_NN, 64) + tc[:, None, :]
    return jnp.where(y > 0, y, 0.2 * y)


def _c2_body(xt_ref, nb_ref, w1c_ref, w1d_ref, c1_ref, sz_ref, szz_ref):
    @pl.when((pl.program_id(0) == 0) & (pl.program_id(1) == 0))
    def _():
        sz_ref[...] = jnp.zeros_like(sz_ref)
        szz_ref[...] = jnp.zeros_like(szz_ref)
    z = _z_edge(xt_ref, nb_ref, w1c_ref, w1d_ref, c1_ref).reshape(CT * K_NN, 64)
    sz_ref[...] += jnp.sum(z, axis=0)[None, :]
    szz_ref[...] += _dotf(z, z, ((0,), (0,)))


def _c3_body(xt_ref, nb_ref, w1c_ref, w1d_ref, c1_ref, w2_ref, c2_ref, o_ref):
    z = _z_edge(xt_ref, nb_ref, w1c_ref, w1d_ref, c1_ref).reshape(CT * K_NN, 64)
    y2 = _dotf(z, w2_ref[...], ((1,), (0,))) + c2_ref[...]
    z2 = jnp.where(y2 > 0, y2, 0.2 * y2)
    o_ref[0] = jnp.max(z2.reshape(CT, K_NN, 64), axis=1)


def _conv_stack(xt4, nb4, W1, g1, b1, W2, g2, b2):
    B, N, _ = xt4.shape
    NT = N // CT
    cnt = B * N * K_NN
    xt_spec = pl.BlockSpec((1, CT, 4), lambda b, t: (b, t, 0))
    nb_spec = pl.BlockSpec((1, CT * K_NN, 4), lambda b, t: (b, t, 0))
    full = lambda shape: pl.BlockSpec(shape, lambda b, t: tuple(0 for _ in shape))

    sc, snb, cc, nn, cn = pl.pallas_call(
        _c1_body,
        out_shape=(jax.ShapeDtypeStruct((1, 4), jnp.float32),
                   jax.ShapeDtypeStruct((1, 4), jnp.float32),
                   jax.ShapeDtypeStruct((4, 4), jnp.float32),
                   jax.ShapeDtypeStruct((4, 4), jnp.float32),
                   jax.ShapeDtypeStruct((4, 4), jnp.float32)),
        grid=(B, NT),
        in_specs=[xt_spec, nb_spec],
        out_specs=(full((1, 4)), full((1, 4)), full((4, 4)),
                   full((4, 4)), full((4, 4))),
    )(xt4, nb4)

    Kf = float(K_NN)
    sh = jnp.concatenate([Kf * sc[0], snb[0] - Kf * sc[0]])
    cd = cn - Kf * cc
    shh = jnp.concatenate([
        jnp.concatenate([Kf * cc, cd], axis=1),
        jnp.concatenate([cd.T, nn - cn - cn.T + Kf * cc], axis=1),
    ], axis=0)
    mh = sh / cnt
    M2 = shh / cnt
    z31 = jnp.zeros((64, 1), jnp.float32)
    W1p = jnp.concatenate([W1[:, :3], z31, W1[:, 3:], z31], axis=1)
    mean1 = W1p @ mh
    ey2 = jnp.sum((W1p @ M2) * W1p, axis=1)
    var1 = ey2 - mean1 * mean1
    a1 = g1 / jnp.sqrt(var1 + EPS)
    c1v = b1 - mean1 * a1
    W1effT = (a1[:, None] * W1p).T
    W1d = W1effT[4:8]
    W1c = W1effT[0:4]

    sz, szz = pl.pallas_call(
        _c2_body,
        out_shape=(jax.ShapeDtypeStruct((1, 64), jnp.float32),
                   jax.ShapeDtypeStruct((64, 64), jnp.float32)),
        grid=(B, NT),
        in_specs=[xt_spec, nb_spec, full((4, 64)), full((4, 64)),
                  full((1, 64))],
        out_specs=(full((1, 64)), full((64, 64))),
    )(xt4, nb4, W1c, W1d, c1v[None])

    mz = sz[0] / cnt
    Mzz = szz / cnt
    mean2 = W2 @ mz
    ey2b = jnp.sum((W2 @ Mzz) * W2, axis=1)
    var2 = ey2b - mean2 * mean2
    a2 = g2 / jnp.sqrt(var2 + EPS)
    c2v = b2 - mean2 * a2
    W2effT = (a2[:, None] * W2).T

    out = pl.pallas_call(
        _c3_body,
        out_shape=jax.ShapeDtypeStruct((B, N, 64), jnp.float32),
        grid=(B, NT),
        in_specs=[xt_spec, nb_spec, full((4, 64)), full((4, 64)),
                  full((1, 64)), full((64, 64)), full((1, 64))],
        out_specs=pl.BlockSpec((1, CT, 64), lambda b, t: (b, t, 0)),
    )(xt4, nb4, W1c, W1d, c1v[None], W2effT, c2v[None])
    return out


def kernel(x, W1, g1, b1, W2, g2, b2):
    B, C, N = x.shape
    xt = jnp.transpose(x, (0, 2, 1))
    xt4 = jnp.pad(xt, ((0, 0), (0, 0), (0, 1)))
    idx = _topk_idx(xt4)
    nb_flat = _sc_gather(x, idx.reshape(-1))
    nb4 = nb_flat.reshape(B, N * K_NN, 4)
    out = _conv_stack(xt4, nb4, W1, g1, b1, W2, g2, b2)
    return jnp.transpose(out, (0, 2, 1))

# --- scband reference (transcript-rebuilt; emitter-appended) ---
"""Pipeline reference for scband-edge-conv-block-17145509446483 (READ-ONLY COPY).

The authoritative reference and input builder live on the scoring server;
editing this copy changes nothing except your own understanding.
"""

import jax, jax.numpy as jnp
import numpy as np

K_NEIGH = 32

def knn_idx(x, K):
    # x: (B, C, N)
    inner = jnp.einsum('bcn,bcm->bnm', x, x)
    sq = jnp.sum(x * x, axis=1)  # (B, N)
    dist = sq[:, :, None] - 2.0 * inner + sq[:, None, :]  # (B, N, N)
    _, idx = jax.lax.top_k(-dist, K)  # nearest K (including self), (B, N, K)
    return idx

def group(x, K, group_type):
    # x: (B, C, N) -> (B, 2C, N, K) for 'center_diff'
    B, C, N = x.shape
    idx = knn_idx(x, K)  # (B, N, K)
    xt = jnp.transpose(x, (0, 2, 1))  # (B, N, C)
    neighbors = jax.vmap(lambda feat, ind: feat[ind])(xt, idx)  # (B, N, K, C)
    neighbors = jnp.transpose(neighbors, (0, 3, 1, 2))  # (B, C, N, K)
    center = x[:, :, :, None]  # (B, C, N, 1)
    center_exp = jnp.broadcast_to(center, (B, C, N, K))
    if group_type == 'center_diff':
        return jnp.concatenate([center_exp, neighbors - center_exp], axis=1)
    elif group_type == 'diff':
        return neighbors - center_exp
    else:
        return neighbors

def conv_bn_lrelu(h, W, gamma, beta):
    # 1x1 Conv2d (no bias) + BatchNorm2d (batch stats, train mode) + LeakyReLU(0.2)
    y = jnp.einsum('oc,bcnk->bonk', W, h)
    mean = jnp.mean(y, axis=(0, 2, 3), keepdims=True)
    var = jnp.var(y, axis=(0, 2, 3), keepdims=True)
    y = (y - mean) / jnp.sqrt(var + 1e-5)
    y = y * gamma[None, :, None, None] + beta[None, :, None, None]
    return jnp.where(y > 0, y, 0.2 * y)


def setup_inputs(seed: int = 0) -> dict:
    key = jax.random.key(seed)
    k1, k2, k3 = jax.random.split(key, 3)
    x = jax.random.normal(k1, (8, 3, 2048), dtype=jnp.float32)
    W1 = jax.random.normal(k2, (64, 6), dtype=jnp.float32) * 0.05
    W2 = jax.random.normal(k3, (64, 64), dtype=jnp.float32) * 0.05
    g1 = jnp.ones((64,), dtype=jnp.float32)
    b1 = jnp.zeros((64,), dtype=jnp.float32)
    g2 = jnp.ones((64,), dtype=jnp.float32)
    b2 = jnp.zeros((64,), dtype=jnp.float32)
    return {"x": x, "W1": W1, "g1": g1, "b1": b1, "W2": W2, "g2": g2, "b2": b2}


def reference(x, W1, g1, b1, W2, g2, b2):
    h = group(x, K_NEIGH, 'center_diff')  # (B, 6, N, K)
    h = conv_bn_lrelu(h, W1, g1, b1)      # (B, 64, N, K)
    h = conv_bn_lrelu(h, W2, g2, b2)      # (B, 64, N, K)
    out = jnp.max(h, axis=-1)             # (B, 64, N)
    return out

if __name__ == "__main__":
    import jax
    _d = setup_inputs()
    print(jax.jit(kernel)(*tuple(_d.values())))

</pallas_src>

<mosaic_0001>
#map = affine_map<(d0, d1) -> (0)>
module attributes {stable_mosaic.version = 14 : i64} {
  func.func @gk(%arg0: i32, %arg1: i32, %arg2: memref<49152xf32, #tpu.memory_space<hbm>>, %arg3: memref<524288xi32, #tpu.memory_space<hbm>>, %arg4: memref<2097152xf32, #tpu.memory_space<hbm>>, %arg5: memref<16384xi32, #tpu.memory_space<vmem>>, %arg6: memref<2048xf32, #tpu.memory_space<vmem>>, %arg7: memref<2048xf32, #tpu.memory_space<vmem>>, %arg8: memref<2048xf32, #tpu.memory_space<vmem>>, %arg9: memref<65536xf32, #tpu.memory_space<vmem>>) attributes {dimension_semantics = [#tpu.dimension_semantics<core_parallel>, #tpu.dimension_semantics<subcore_parallel>], iteration_bounds = array<i64: 2, 16>, scalar_prefetch = 0 : i64, scratch_operands = 5 : i64, tpu.core_type = #tpu.core_type<sc_vector_subcore>, window_params = [{transform_indices = #map}, {transform_indices = #map}, {transform_indices = #map}]} {
    %mul3A = arith.constant 2 : i32
    %mul3A_0 = arith.muli %arg1, %mul3A : i32
    %add3A = arith.addi %mul3A_0, %arg0 : i32
    %mul3A_1 = arith.constant 512 : i32
    %mul3A_2 = arith.muli %add3A, %mul3A_1 : i32
    %jit3A = arith.constant 2048 : i32
    %div3A = arith.divsi %mul3A_2, %jit3A : i32
    %sign3A = arith.constant 0 : i32
    %sign3A_3 = arith.cmpi sgt, %mul3A_2, %sign3A : i32
    %sign3A_4 = arith.extui %sign3A_3 : i1 to i32
    %sign3A_5 = arith.constant 0 : i32
    %sign3A_6 = arith.cmpi slt, %mul3A_2, %sign3A_5 : i32
    %sign3A_7 = arith.extui %sign3A_6 : i1 to i32
    %sign3A_8 = arith.subi %sign3A_4, %sign3A_7 : i32
    %sign3A_9 = arith.constant 0 : i32
    %sign3A_10 = arith.cmpi sgt, %jit3A, %sign3A_9 : i32
    %sign3A_11 = arith.extui %sign3A_10 : i1 to i32
    %sign3A_12 = arith.constant 0 : i32
    %sign3A_13 = arith.cmpi slt, %jit3A, %sign3A_12 : i32
    %sign3A_14 = arith.extui %sign3A_13 : i1 to i32
    %sign3A_15 = arith.subi %sign3A_11, %sign3A_14 : i32
    %ne3A = arith.cmpi ne, %sign3A_8, %sign3A_15 : i32
    %rem3A = arith.remsi %mul3A_2, %jit3A : i32
    %ne3A_16 = arith.constant 0 : i32
    %ne3A_17 = arith.cmpi ne, %rem3A, %ne3A_16 : i32
    %and3A = arith.andi %ne3A, %ne3A_17 : i1
    %sub3A = arith.constant 1 : i32
    %sub3A_18 = arith.subi %div3A, %sub3A : i32
    %select_n3A = arith.select %and3A, %sub3A_18, %div3A : i32
    %mul3A_19 = arith.constant 3 : i32
    %mul3A_20 = arith.muli %select_n3A, %mul3A_19 : i32
    %add3A_21 = arith.constant 0 : i32
    %add3A_22 = arith.addi %mul3A_20, %add3A_21 : i32
    %mul3A_23 = arith.constant 2048 : i32
    %mul3A_24 = arith.muli %add3A_22, %mul3A_23 : i32
    "tpu.region"() ({
      %run_scoped3A = tpu.sem_alloc : memref<!tpu.dma_semaphore, #tpu.memory_space<semaphore_mem>>
      %dma_start3A = tpu.memref_slice %arg2[%mul3A_24] : memref<49152xf32, #tpu.memory_space<hbm>> -> memref<2048xf32, #tpu.memory_space<hbm>>
      %dma_start3A_53 = tpu.memref_slice %arg2[%mul3A_24] : memref<49152xf32, #tpu.memory_space<hbm>> -> memref<2048xf32, #tpu.memory_space<hbm>>
      tpu.enqueue_dma source(%dma_start3A_53 : memref<2048xf32, #tpu.memory_space<hbm>>) target(%arg6 : memref<2048xf32, #tpu.memory_space<vmem>>) target_semaphore(%run_scoped3A : memref<!tpu.dma_semaphore, #tpu.memory_space<semaphore_mem>>)
      %dma_wait3A = tpu.memref_slice %arg2[%mul3A_24] : memref<49152xf32, #tpu.memory_space<hbm>> -> memref<2048xf32, #tpu.memory_space<hbm>>
      %dma_wait3A_54 = tpu.memref_slice %arg2[%mul3A_24] : memref<49152xf32, #tpu.memory_space<hbm>> -> memref<2048xf32, #tpu.memory_space<hbm>>
      tpu.wait_dma2 semaphore(%run_scoped3A : memref<!tpu.dma_semaphore, #tpu.memory_space<semaphore_mem>>) src(%dma_wait3A_54 : memref<2048xf32, #tpu.memory_space<hbm>>) dst(%arg6 : memref<2048xf32, #tpu.memory_space<vmem>>)
      tpu.yield
    }) : () -> ()
    %mul3A_25 = arith.constant 3 : i32
    %mul3A_26 = arith.muli %select_n3A, %mul3A_25 : i32
    %add3A_27 = arith.constant 1 : i32
    %add3A_28 = arith.addi %mul3A_26, %add3A_27 : i32
    %mul3A_29 = arith.constant 2048 : i32
    %mul3A_30 = arith.muli %add3A_28, %mul3A_29 : i32
    "tpu.region"() ({
      %run_scoped3A = tpu.sem_alloc : memref<!tpu.dma_semaphore, #tpu.memory_space<semaphore_mem>>
      %dma_start3A = tpu.memref_slice %arg2[%mul3A_30] : memref<49152xf32, #tpu.memory_space<hbm>> -> memref<2048xf32, #tpu.memory_space<hbm>>
      %dma_start3A_53 = tpu.memref_slice %arg2[%mul3A_30] : memref<49152xf32, #tpu.memory_space<hbm>> -> memref<2048xf32, #tpu.memory_space<hbm>>
      tpu.enqueue_dma source(%dma_start3A_53 : memref<2048xf32, #tpu.memory_space<hbm>>) target(%arg7 : memref<2048xf32, #tpu.memory_space<vmem>>) target_semaphore(%run_scoped3A : memref<!tpu.dma_semaphore, #tpu.memory_space<semaphore_mem>>)
      %dma_wait3A = tpu.memref_slice %arg2[%mul3A_30] : memref<49152xf32, #tpu.memory_space<hbm>> -> memref<2048xf32, #tpu.memory_space<hbm>>
      %dma_wait3A_54 = tpu.memref_slice %arg2[%mul3A_30] : memref<49152xf32, #tpu.memory_space<hbm>> -> memref<2048xf32, #tpu.memory_space<hbm>>
      tpu.wait_dma2 semaphore(%run_scoped3A : memref<!tpu.dma_semaphore, #tpu.memory_space<semaphore_mem>>) src(%dma_wait3A_54 : memref<2048xf32, #tpu.memory_space<hbm>>) dst(%arg7 : memref<2048xf32, #tpu.memory_space<vmem>>)
      tpu.yield
    }) : () -> ()
    %mul3A_31 = arith.constant 3 : i32
    %mul3A_32 = arith.muli %select_n3A, %mul3A_31 : i32
    %add3A_33 = arith.constant 2 : i32
    %add3A_34 = arith.addi %mul3A_32, %add3A_33 : i32
    %mul3A_35 = arith.constant 2048 : i32
    %mul3A_36 = arith.muli %add3A_34, %mul3A_35 : i32
    "tpu.region"() ({
      %run_scoped3A = tpu.sem_alloc : memref<!tpu.dma_semaphore, #tpu.memory_space<semaphore_mem>>
      %dma_start3A = tpu.memref_slice %arg2[%mul3A_36] : memref<49152xf32, #tpu.memory_space<hbm>> -> memref<2048xf32, #tpu.memory_space<hbm>>
      %dma_start3A_53 = tpu.memref_slice %arg2[%mul3A_36] : memref<49152xf32, #tpu.memory_space<hbm>> -> memref<2048xf32, #tpu.memory_space<hbm>>
      tpu.enqueue_dma source(%dma_start3A_53 : memref<2048xf32, #tpu.memory_space<hbm>>) target(%arg8 : memref<2048xf32, #tpu.memory_space<vmem>>) target_semaphore(%run_scoped3A : memref<!tpu.dma_semaphore, #tpu.memory_space<semaphore_mem>>)
      %dma_wait3A = tpu.memref_slice %arg2[%mul3A_36] : memref<49152xf32, #tpu.memory_space<hbm>> -> memref<2048xf32, #tpu.memory_space<hbm>>
      %dma_wait3A_54 = tpu.memref_slice %arg2[%mul3A_36] : memref<49152xf32, #tpu.memory_space<hbm>> -> memref<2048xf32, #tpu.memory_space<hbm>>
      tpu.wait_dma2 semaphore(%run_scoped3A : memref<!tpu.dma_semaphore, #tpu.memory_space<semaphore_mem>>) src(%dma_wait3A_54 : memref<2048xf32, #tpu.memory_space<hbm>>) dst(%arg8 : memref<2048xf32, #tpu.memory_space<vmem>>)
      tpu.yield
    }) : () -> ()
    %mul3A_37 = arith.constant 16384 : i32
    %mul3A_38 = arith.muli %add3A, %mul3A_37 : i32
    "tpu.region"() ({
      %run_scoped3A = tpu.sem_alloc : memref<!tpu.dma_semaphore, #tpu.memory_space<semaphore_mem>>
      %dma_start3A = tpu.memref_slice %arg3[%mul3A_38] : memref<524288xi32, #tpu.memory_space<hbm>> -> memref<16384xi32, #tpu.memory_space<hbm>>
      %dma_start3A_53 = tpu.memref_slice %arg3[%mul3A_38] : memref<524288xi32, #tpu.memory_space<hbm>> -> memref<16384xi32, #tpu.memory_space<hbm>>
      tpu.enqueue_dma source(%dma_start3A_53 : memref<16384xi32, #tpu.memory_space<hbm>>) target(%arg5 : memref<16384xi32, #tpu.memory_space<vmem>>) target_semaphore(%run_scoped3A : memref<!tpu.dma_semaphore, #tpu.memory_space<semaphore_mem>>)
      %dma_wait3A = tpu.memref_slice %arg3[%mul3A_38] : memref<524288xi32, #tpu.memory_space<hbm>> -> memref<16384xi32, #tpu.memory_space<hbm>>
      %dma_wait3A_54 = tpu.memref_slice %arg3[%mul3A_38] : memref<524288xi32, #tpu.memory_space<hbm>> -> memref<16384xi32, #tpu.memory_space<hbm>>
      tpu.wait_dma2 semaphore(%run_scoped3A : memref<!tpu.dma_semaphore, #tpu.memory_space<semaphore_mem>>) src(%dma_wait3A_54 : memref<16384xi32, #tpu.memory_space<hbm>>) dst(%arg5 : memref<16384xi32, #tpu.memory_space<vmem>>)
      tpu.yield
    }) : () -> ()
    %iota3A = tpu.iota {dimensions = array<i32: 0>} : vector<16xi32>
    %mul3A_39 = arith.constant 4 : i32
    %mul3A_40 = vector.broadcast %mul3A_39 : i32 to vector<16xi32>
    %mul3A_41 = arith.muli %iota3A, %mul3A_40 : vector<16xi32>
    %broadcast_in_dim3A = arith.constant 0.000000e+00 : f32
    %broadcast_in_dim3A_42 = vector.broadcast %broadcast_in_dim3A : f32 to vector<16xf32>
    %scan3A = arith.constant 0 : i32
    %scan3A_43 = arith.constant 0 : i32
    %scan3A_44 = arith.constant 1024 : i32
    %scan3A_45 = arith.addi %scan3A_43, %scan3A_44 : i32
    %scan3A_46 = arith.constant 1 : i32
    %scan3A_47 = scf.for %scan3A_53 = %scan3A_43 to %scan3A_45 step %scan3A_46 iter_args(%scan3A_54 = %scan3A) -> (i32)  : i32 {
      %mul3A_55 = arith.constant 16 : i32
      %mul3A_56 = arith.muli %scan3A_53, %mul3A_55 : i32
      %get3A = arith.index_cast %mul3A_56 : i32 to index
      %get3A_57 = tpu.vector_load %arg5[%get3A] {strides = array<i32>} : memref<16384xi32, #tpu.memory_space<vmem>>, vector<16xi32>,
      %gather3A = tpu.vector_load_idx %arg6[%get3A_57] : memref<2048xf32, #tpu.memory_space<vmem>>[vector<16xi32>], vector<16xf32>,
      %gather3A_58 = tpu.vector_load_idx %arg7[%get3A_57] : memref<2048xf32, #tpu.memory_space<vmem>>[vector<16xi32>], vector<16xf32>,
      %gather3A_59 = tpu.vector_load_idx %arg8[%get3A_57] : memref<2048xf32, #tpu.memory_space<vmem>>[vector<16xi32>], vector<16xf32>,
      %mul3A_60 = arith.constant 64 : i32
      %mul3A_61 = arith.muli %scan3A_53, %mul3A_60 : i32
      %add3A_62 = vector.broadcast %mul3A_61 : i32 to vector<16xi32>
      %add3A_63 = arith.addi %mul3A_41, %add3A_62 : vector<16xi32>
      tpu.vector_store_idx %arg9[%add3A_63], %gather3A : memref<65536xf32, #tpu.memory_space<vmem>>[vector<16xi32>], vector<16xf32>,
      %add3A_64 = arith.constant 1 : i32
      %add3A_65 = vector.broadcast %add3A_64 : i32 to vector<16xi32>
      %add3A_66 = arith.addi %add3A_63, %add3A_65 : vector<16xi32>
      tpu.vector_store_idx %arg9[%add3A_66], %gather3A_58 : memref<65536xf32, #tpu.memory_space<vmem>>[vector<16xi32>], vector<16xf32>,
      %add3A_67 = arith.constant 2 : i32
      %add3A_68 = vector.broadcast %add3A_67 : i32 to vector<16xi32>
      %add3A_69 = arith.addi %add3A_63, %add3A_68 : vector<16xi32>
      tpu.vector_store_idx %arg9[%add3A_69], %gather3A_59 : memref<65536xf32, #tpu.memory_space<vmem>>[vector<16xi32>], vector<16xf32>,
      %add3A_70 = arith.constant 3 : i32
      %add3A_71 = vector.broadcast %add3A_70 : i32 to vector<16xi32>
      %add3A_72 = arith.addi %add3A_63, %add3A_71 : vector<16xi32>
      tpu.vector_store_idx %arg9[%add3A_72], %broadcast_in_dim3A_42 : memref<65536xf32, #tpu.memory_space<vmem>>[vector<16xi32>], vector<16xf32>,
      %scan3A_73 = arith.constant 0 : i32
      scf.yield %scan3A_73 : i32
    }
    %scan3A_48 = arith.constant 1024 : i32
    %mul3A_49 = arith.constant 16384 : i32
    %mul3A_50 = arith.muli %add3A, %mul3A_49 : i32
    %mul3A_51 = arith.constant 4 : i32
    %mul3A_52 = arith.muli %mul3A_50, %mul3A_51 : i32
    "tpu.region"() ({
      %run_scoped3A = tpu.sem_alloc : memref<!tpu.dma_semaphore, #tpu.memory_space<semaphore_mem>>
      %dma_start3A = tpu.memref_slice %arg4[%mul3A_52] : memref<2097152xf32, #tpu.memory_space<hbm>> -> memref<65536xf32, #tpu.memory_space<hbm>>
      %dma_start3A_53 = tpu.memref_slice %arg4[%mul3A_52] : memref<2097152xf32, #tpu.memory_space<hbm>> -> memref<65536xf32, #tpu.memory_space<hbm>>
      tpu.enqueue_dma source(%arg9 : memref<65536xf32, #tpu.memory_space<vmem>>) target(%dma_start3A_53 : memref<65536xf32, #tpu.memory_space<hbm>>) target_semaphore(%run_scoped3A : memref<!tpu.dma_semaphore, #tpu.memory_space<semaphore_mem>>)
      %dma_wait3A = tpu.memref_slice %arg4[%mul3A_52] : memref<2097152xf32, #tpu.memory_space<hbm>> -> memref<65536xf32, #tpu.memory_space<hbm>>
      %dma_wait3A_54 = tpu.memref_slice %arg4[%mul3A_52] : memref<2097152xf32, #tpu.memory_space<hbm>> -> memref<65536xf32, #tpu.memory_space<hbm>>
      tpu.wait_dma2 semaphore(%run_scoped3A : memref<!tpu.dma_semaphore, #tpu.memory_space<semaphore_mem>>) src(%arg9 : memref<65536xf32, #tpu.memory_space<vmem>>) dst(%dma_wait3A_54 : memref<65536xf32, #tpu.memory_space<hbm>>)
      tpu.yield
    }) : () -> ()
    return
  }
}

module attributes {stable_mosaic.version = 14 : i64} {
  func.func @_topk_body(%arg0: i32, %arg1: i32, %arg2: memref<1x512x4xf32, #tpu.memory_space<vmem>>, %arg3: memref<1x2048x4xf32, #tpu.memory_space<vmem>>, %arg4: memref<1x32x512xi32, #tpu.memory_space<vmem>>) attributes {dimension_semantics = [#tpu.dimension_semantics<arbitrary>, #tpu.dimension_semantics<arbitrary>], iteration_bounds = array<i64: 8, 4>, scalar_prefetch = 0 : i64, scratch_operands = 0 : i64, tpu.core_type = #tpu.core_type<tc>, window_params = [{transform_indices = @transform_0, window_bounds = array<i64: 1, 512, 4>}, {transform_indices = @transform_1, window_bounds = array<i64: 1, 2048, 4>}, {transform_indices = @transform_2, window_bounds = array<i64: 1, 32, 512>}]} {
    %get3A = arith.constant 0 : index
    %get3A_0 = arith.constant 0 : index
    %get3A_1 = arith.constant 0 : index
    %get3A_2 = vector.load %arg2[%get3A, %get3A_0, %get3A_1] : memref<1x512x4xf32, #tpu.memory_space<vmem>>, vector<1x512x4xf32>
    %get3A_3 = vector.shape_cast %get3A_2 : vector<1x512x4xf32> to vector<512x4xf32>
    %get3A_4 = arith.constant 0 : index
    %get3A_5 = arith.constant 0 : index
    %get3A_6 = arith.constant 0 : index
    %get3A_7 = vector.load %arg3[%get3A_4, %get3A_5, %get3A_6] : memref<1x2048x4xf32, #tpu.memory_space<vmem>>, vector<1x2048x4xf32>
    %get3A_8 = vector.shape_cast %get3A_7 : vector<1x2048x4xf32> to vector<2048x4xf32>
    %dot_general3A = arith.constant dense<0.000000e+00> : vector<2048x512xf32>
    %dot_general3A_9 = tpu.matmul %get3A_8, %get3A_3, %dot_general3A {dimension_numbers = #tpu.dot_dimension_numbers<[1], [1], [0], [0], [0, 0, 1, 0], [], []>, transpose_lhs_hint = false} : vector<2048x4xf32>, vector<512x4xf32>, vector<2048x512xf32> -> vector<2048x512xf32>
    %mul3A = arith.mulf %get3A_3, %get3A_3 : vector<512x4xf32>
    %reduce_sum3A = arith.constant dense<0.000000e+00> : vector<512xf32>
    %reduce_sum3A_10 = vector.multi_reduction <add>, %mul3A, %reduce_sum3A [1] : vector<512x4xf32> to vector<512xf32>
    %mul3A_11 = arith.mulf %get3A_8, %get3A_8 : vector<2048x4xf32>
    %reduce_sum3A_12 = arith.constant dense<0.000000e+00> : vector<2048xf32>
    %reduce_sum3A_13 = vector.multi_reduction <add>, %mul3A_11, %reduce_sum3A_12 [1] : vector<2048x4xf32> to vector<2048xf32>
    %broadcast_in_dim3A = vector.shape_cast %reduce_sum3A_13 : vector<2048xf32> to vector<2048x1xf32>
    %mul3A_14 = arith.constant 2.000000e+00 : f32
    %mul3A_15 = vector.broadcast %mul3A_14 : f32 to vector<2048x512xf32>
    %mul3A_16 = arith.mulf %mul3A_15, %dot_general3A_9 : vector<2048x512xf32>
    %sub3A = vector.broadcast %broadcast_in_dim3A : vector<2048x1xf32> to vector<2048x512xf32>
    %sub3A_17 = arith.subf %sub3A, %mul3A_16 : vector<2048x512xf32>
    %broadcast_in_dim3A_18 = vector.shape_cast %reduce_sum3A_10 : vector<512xf32> to vector<1x512xf32>
    %add3A = vector.broadcast %broadcast_in_dim3A_18 : vector<1x512xf32> to vector<2048x512xf32>
    %add3A_19 = arith.addf %sub3A_17, %add3A : vector<2048x512xf32>
    %iota3A = tpu.iota {dimensions = array<i32: 0>} : vector<32x512xi32>
    %reshape3A = vector.shape_cast %add3A_19 : vector<2048x512xf32> to vector<64x32x512xf32>
    %iota3A_20 = tpu.iota {dimensions = array<i32: 1>} : vector<64x32x512xi32>
    %iota3A_21 = tpu.iota {dimensions = array<i32: 0>} : vector<64x512xi32>
    %reduce_min3A = arith.constant dense<0x7F800000> : vector<64x512xf32>
    %reduce_min3A_22 = vector.multi_reduction <minimumf>, %reshape3A, %reduce_min3A [1] : vector<64x32x512xf32> to vector<64x512xf32>
    %broadcast_in_dim3A_23 = vector.shape_cast %reduce_min3A_22 : vector<64x512xf32> to vector<64x1x512xf32>
    %eq3A = vector.broadcast %broadcast_in_dim3A_23 : vector<64x1x512xf32> to vector<64x32x512xf32>
    %eq3A_24 = arith.cmpf oeq, %reshape3A, %eq3A : vector<64x32x512xf32>
    %jit3A = arith.constant 32 : i32
    %broadcast_in_dim3A_25 = vector.broadcast %jit3A : i32 to vector<64x32x512xi32>
    %select_n3A = arith.select %eq3A_24, %iota3A_20, %broadcast_in_dim3A_25 : vector<64x32x512xi1>, vector<64x32x512xi32>
    %reduce_min3A_26 = arith.constant dense<2147483647> : vector<64x512xi32>
    %reduce_min3A_27 = vector.multi_reduction <minsi>, %select_n3A, %reduce_min3A_26 [1] : vector<64x32x512xi32> to vector<64x512xi32>
    %mul3A_28 = arith.constant 32 : i32
    %mul3A_29 = vector.broadcast %mul3A_28 : i32 to vector<64x512xi32>
    %mul3A_30 = arith.muli %iota3A_21, %mul3A_29 : vector<64x512xi32>
    %add3A_31 = arith.addi %mul3A_30, %reduce_min3A_27 : vector<64x512xi32>
    %broadcast_in_dim3A_32 = vector.shape_cast %reduce_min3A_27 : vector<64x512xi32> to vector<64x1x512xi32>
    %eq3A_33 = vector.broadcast %broadcast_in_dim3A_32 : vector<64x1x512xi32> to vector<64x32x512xi32>
    %eq3A_34 = arith.cmpi eq, %iota3A_20, %eq3A_33 : vector<64x32x512xi32>
    %jit3A_35 = arith.constant 0x7F800000 : f32
    %broadcast_in_dim3A_36 = vector.broadcast %jit3A_35 : f32 to vector<64x32x512xf32>
    %select_n3A_37 = arith.select %eq3A_34, %broadcast_in_dim3A_36, %reshape3A : vector<64x32x512xi1>, vector<64x32x512xf32>
    %reduce_min3A_38 = arith.constant dense<0x7F800000> : vector<64x512xf32>
    %reduce_min3A_39 = vector.multi_reduction <minimumf>, %select_n3A_37, %reduce_min3A_38 [1] : vector<64x32x512xf32> to vector<64x512xf32>
    %broadcast_in_dim3A_40 = vector.shape_cast %reduce_min3A_39 : vector<64x512xf32> to vector<64x1x512xf32>
    %eq3A_41 = vector.broadcast %broadcast_in_dim3A_40 : vector<64x1x512xf32> to vector<64x32x512xf32>
    %eq3A_42 = arith.cmpf oeq, %select_n3A_37, %eq3A_41 : vector<64x32x512xf32>
    %jit3A_43 = arith.constant 32 : i32
    %broadcast_in_dim3A_44 = vector.broadcast %jit3A_43 : i32 to vector<64x32x512xi32>
    %select_n3A_45 = arith.select %eq3A_42, %iota3A_20, %broadcast_in_dim3A_44 : vector<64x32x512xi1>, vector<64x32x512xi32>
    %reduce_min3A_46 = arith.constant dense<2147483647> : vector<64x512xi32>
    %reduce_min3A_47 = vector.multi_reduction <minsi>, %select_n3A_45, %reduce_min3A_46 [1] : vector<64x32x512xi32> to vector<64x512xi32>
    %mul3A_48 = arith.constant 32 : i32
    %mul3A_49 = vector.broadcast %mul3A_48 : i32 to vector<64x512xi32>
    %mul3A_50 = arith.muli %iota3A_21, %mul3A_49 : vector<64x512xi32>
    %add3A_51 = arith.addi %mul3A_50, %reduce_min3A_47 : vector<64x512xi32>
    %broadcast_in_dim3A_52 = vector.shape_cast %reduce_min3A_47 : vector<64x512xi32> to vector<64x1x512xi32>
    %eq3A_53 = vector.broadcast %broadcast_in_dim3A_52 : vector<64x1x512xi32> to vector<64x32x512xi32>
    %eq3A_54 = arith.cmpi eq, %iota3A_20, %eq3A_53 : vector<64x32x512xi32>
    %jit3A_55 = arith.constant 0x7F800000 : f32
    %broadcast_in_dim3A_56 = vector.broadcast %jit3A_55 : f32 to vector<64x32x512xf32>
    %select_n3A_57 = arith.select %eq3A_54, %broadcast_in_dim3A_56, %select_n3A_37 : vector<64x32x512xi1>, vector<64x32x512xf32>
    %reduce_min3A_58 = arith.constant dense<0x7F800000> : vector<64x512xf32>
    %reduce_min3A_59 = vector.multi_reduction <minimumf>, %select_n3A_57, %reduce_min3A_58 [1] : vector<64x32x512xf32> to vector<64x512xf32>
    %broadcast_in_dim3A_60 = vector.shape_cast %reduce_min3A_59 : vector<64x512xf32> to vector<64x1x512xf32>
    %eq3A_61 = vector.broadcast %broadcast_in_dim3A_60 : vector<64x1x512xf32> to vector<64x32x512xf32>
    %eq3A_62 = arith.cmpf oeq, %select_n3A_57, %eq3A_61 : vector<64x32x512xf32>
    %jit3A_63 = arith.constant 32 : i32
    %broadcast_in_dim3A_64 = vector.broadcast %jit3A_63 : i32 to vector<64x32x512xi32>
    %select_n3A_65 = arith.select %eq3A_62, %iota3A_20, %broadcast_in_dim3A_64 : vector<64x32x512xi1>, vector<64x32x512xi32>
    %reduce_min3A_66 = arith.constant dense<2147483647> : vector<64x512xi32>
    %reduce_min3A_67 = vector.multi_reduction <minsi>, %select_n3A_65, %reduce_min3A_66 [1] : vector<64x32x512xi32> to vector<64x512xi32>
    %mul3A_68 = arith.constant 32 : i32
    %mul3A_69 = vector.broadcast %mul3A_68 : i32 to vector<64x512xi32>
    %mul3A_70 = arith.muli %iota3A_21, %mul3A_69 : vector<64x512xi32>
    %add3A_71 = arith.addi %mul3A_70, %reduce_min3A_67 : vector<64x512xi32>
    %broadcast_in_dim3A_72 = vector.shape_cast %reduce_min3A_67 : vector<64x512xi32> to vector<64x1x512xi32>
    %eq3A_73 = vector.broadcast %broadcast_in_dim3A_72 : vector<64x1x512xi32> to vector<64x32x512xi32>
    %eq3A_74 = arith.cmpi eq, %iota3A_20, %eq3A_73 : vector<64x32x512xi32>
    %jit3A_75 = arith.constant 0x7F800000 : f32
    %broadcast_in_dim3A_76 = vector.broadcast %jit3A_75 : f32 to vector<64x32x512xf32>
    %select_n3A_77 = arith.select %eq3A_74, %broadcast_in_dim3A_76, %select_n3A_57 : vector<64x32x512xi1>, vector<64x32x512xf32>
    %reduce_min3A_78 = arith.constant dense<0x7F800000> : vector<64x512xf32>
    %reduce_min3A_79 = vector.multi_reduction <minimumf>, %select_n3A_77, %reduce_min3A_78 [1] : vector<64x32x512xf32> to vector<64x512xf32>
    %broadcast_in_dim3A_80 = vector.shape_cast %reduce_min3A_79 : vector<64x512xf32> to vector<64x1x512xf32>
    %eq3A_81 = vector.broadcast %broadcast_in_dim3A_80 : vector<64x1x512xf32> to vector<64x32x512xf32>
    %eq3A_82 = arith.cmpf oeq, %select_n3A_77, %eq3A_81 : vector<64x32x512xf32>
    %jit3A_83 = arith.constant 32 : i32
    %broadcast_in_dim3A_84 = vector.broadcast %jit3A_83 : i32 to vector<64x32x512xi32>
    %select_n3A_85 = arith.select %eq3A_82, %iota3A_20, %broadcast_in_dim3A_84 : vector<64x32x512xi1>, vector<64x32x512xi32>
    %reduce_min3A_86 = arith.constant dense<2147483647> : vector<64x512xi32>
    %reduce_min3A_87 = vector.multi_reduction <minsi>, %select_n3A_85, %reduce_min3A_86 [1] : vector<64x32x512xi32> to vector<64x512xi32>
    %mul3A_88 = arith.constant 32 : i32
    %mul3A_89 = vector.broadcast %mul3A_88 : i32 to vector<64x512xi32>
    %mul3A_90 = arith.muli %iota3A_21, %mul3A_89 : vector<64x512xi32>
    %add3A_91 = arith.addi %mul3A_90, %reduce_min3A_87 : vector<64x512xi32>
    %broadcast_in_dim3A_92 = vector.shape_cast %reduce_min3A_87 : vector<64x512xi32> to vector<64x1x512xi32>
    %eq3A_93 = vector.broadcast %broadcast_in_dim3A_92 : vector<64x1x512xi32> to vector<64x32x512xi32>
    %eq3A_94 = arith.cmpi eq, %iota3A_20, %eq3A_93 : vector<64x32x512xi32>
    %jit3A_95 = arith.constant 0x7F800000 : f32
    %broadcast_in_dim3A_96 = vector.broadcast %jit3A_95 : f32 to vector<64x32x512xf32>
    %select_n3A_97 = arith.select %eq3A_94, %broadcast_in_dim3A_96, %select_n3A_77 : vector<64x32x512xi1>, vector<64x32x512xf32>
    %reduce_min3A_98 = arith.constant dense<0x7F800000> : vector<64x512xf32>
    %reduce_min3A_99 = vector.multi_reduction <minimumf>, %select_n3A_97, %reduce_min3A_98 [1] : vector<64x32x512xf32> to vector<64x512xf32>
    %broadcast_in_dim3A_100 = vector.shape_cast %reduce_min3A_99 : vector<64x512xf32> to vector<64x1x512xf32>
    %eq3A_101 = vector.broadcast %broadcast_in_dim3A_100 : vector<64x1x512xf32> to vector<64x32x512xf32>
    %eq3A_102 = arith.cmpf oeq, %select_n3A_97, %eq3A_101 : vector<64x32x512xf32>
    %jit3A_103 = arith.constant 32 : i32
    %broadcast_in_dim3A_104 = vector.broadcast %jit3A_103 : i32 to vector<64x32x512xi32>
    %select_n3A_105 = arith.select %eq3A_102, %iota3A_20, %broadcast_in_dim3A_104 : vector<64x32x512xi1>, vector<64x32x512xi32>
    %reduce_min3A_106 = arith.constant dense<2147483647> : vector<64x512xi32>
    %reduce_min3A_107 = vector.multi_reduction <minsi>, %select_n3A_105, %reduce_min3A_106 [1] : vector<64x32x512xi32> to vector<64x512xi32>
    %mul3A_108 = arith.constant 32 : i32
    %mul3A_109 = vector.broadcast %mul3A_108 : i32 to vector<64x512xi32>
    %mul3A_110 = arith.muli %iota3A_21, %mul3A_109 : vector<64x512xi32>
    %add3A_111 = arith.addi %mul3A_110, %reduce_min3A_107 : vector<64x512xi32>
    %broadcast_in_dim3A_112 = vector.shape_cast %reduce_min3A_107 : vector<64x512xi32> to vector<64x1x512xi32>
    %eq3A_113 = vector.broadcast %broadcast_in_dim3A_112 : vector<64x1x512xi32> to vector<64x32x512xi32>
    %eq3A_114 = arith.cmpi eq, %iota3A_20, %eq3A_113 : vector<64x32x512xi32>
    %jit3A_115 = arith.constant 0x7F800000 : f32
    %broadcast_in_dim3A_116 = vector.broadcast %jit3A_115 : f32 to vector<64x32x512xf32>
    %select_n3A_117 = arith.select %eq3A_114, %broadcast_in_dim3A_116, %select_n3A_97 : vector<64x32x512xi1>, vector<64x32x512xf32>
    %reduce_min3A_118 = arith.constant dense<0x7F800000> : vector<64x512xf32>
    %reduce_min3A_119 = vector.multi_reduction <minimumf>, %select_n3A_117, %reduce_min3A_118 [1] : vector<64x32x512xf32> to vector<64x512xf32>
    %broadcast_in_dim3A_120 = vector.shape_cast %reduce_min3A_119 : vector<64x512xf32> to vector<64x1x512xf32>
    %eq3A_121 = vector.broadcast %broadcast_in_dim3A_120 : vector<64x1x512xf32> to vector<64x32x512xf32>
    %eq3A_122 = arith.cmpf oeq, %select_n3A_117, %eq3A_121 : vector<64x32x512xf32>
    %jit3A_123 = arith.constant 32 : i32
    %broadcast_in_dim3A_124 = vector.broadcast %jit3A_123 : i32 to vector<64x32x512xi32>
    %select_n3A_125 = arith.select %eq3A_122, %iota3A_20, %broadcast_in_dim3A_124 : vector<64x32x512xi1>, vector<64x32x512xi32>
    %reduce_min3A_126 = arith.constant dense<2147483647> : vector<64x512xi32>
    %reduce_min3A_127 = vector.multi_reduction <minsi>, %select_n3A_125, %reduce_min3A_126 [1] : vector<64x32x512xi32> to vector<64x512xi32>
    %mul3A_128 = arith.constant 32 : i32
    %mul3A_129 = vector.broadcast %mul3A_128 : i32 to vector<64x512xi32>
    %mul3A_130 = arith.muli %iota3A_21, %mul3A_129 : vector<64x512xi32>
    %add3A_131 = arith.addi %mul3A_130, %reduce_min3A_127 : vector<64x512xi32>
    %broadcast_in_dim3A_132 = vector.shape_cast %reduce_min3A_127 : vector<64x512xi32> to vector<64x1x512xi32>
    %eq3A_133 = vector.broadcast %broadcast_in_dim3A_132 : vector<64x1x512xi32> to vector<64x32x512xi32>
    %eq3A_134 = arith.cmpi eq, %iota3A_20, %eq3A_133 : vector<64x32x512xi32>
    %jit3A_135 = arith.constant 0x7F800000 : f32
    %broadcast_in_dim3A_136 = vector.broadcast %jit3A_135 : f32 to vector<64x32x512xf32>
    %select_n3A_137 = arith.select %eq3A_134, %broadcast_in_dim3A_136, %select_n3A_117 : vector<64x32x512xi1>, vector<64x32x512xf32>
    %reduce_min3A_138 = arith.constant dense<0x7F800000> : vector<64x512xf32>
    %reduce_min3A_139 = vector.multi_reduction <minimumf>, %select_n3A_137, %reduce_min3A_138 [1] : vector<64x32x512xf32> to vector<64x512xf32>
    %broadcast_in_dim3A_140 = vector.shape_cast %reduce_min3A_139 : vector<64x512xf32> to vector<64x1x512xf32>
    %eq3A_141 = vector.broadcast %broadcast_in_dim3A_140 : vector<64x1x512xf32> to vector<64x32x512xf32>
    %eq3A_142 = arith.cmpf oeq, %select_n3A_137, %eq3A_141 : vector<64x32x512xf32>
    %jit3A_143 = arith.constant 32 : i32
    %broadcast_in_dim3A_144 = vector.broadcast %jit3A_143 : i32 to vector<64x32x512xi32>
    %select_n3A_145 = arith.select %eq3A_142, %iota3A_20, %broadcast_in_dim3A_144 : vector<64x32x512xi1>, vector<64x32x512xi32>
    %reduce_min3A_146 = arith.constant dense<2147483647> : vector<64x512xi32>
    %reduce_min3A_147 = vector.multi_reduction <minsi>, %select_n3A_145, %reduce_min3A_146 [1] : vector<64x32x512xi32> to vector<64x512xi32>
    %mul3A_148 = arith.constant 32 : i32
    %mul3A_149 = vector.broadcast %mul3A_148 : i32 to vector<64x512xi32>
    %mul3A_150 = arith.muli %iota3A_21, %mul3A_149 : vector<64x512xi32>
    %add3A_151 = arith.addi %mul3A_150, %reduce_min3A_147 : vector<64x512xi32>
    %broadcast_in_dim3A_152 = vector.shape_cast %reduce_min3A_147 : vector<64x512xi32> to vector<64x1x512xi32>
    %eq3A_153 = vector.broadcast %broadcast_in_dim3A_152 : vector<64x1x512xi32> to vector<64x32x512xi32>
    %eq3A_154 = arith.cmpi eq, %iota3A_20, %eq3A_153 : vector<64x32x512xi32>
    %jit3A_155 = arith.constant 0x7F800000 : f32
    %broadcast_in_dim3A_156 = vector.broadcast %jit3A_155 : f32 to vector<64x32x512xf32>
    %select_n3A_157 = arith.select %eq3A_154, %broadcast_in_dim3A_156, %select_n3A_137 : vector<64x32x512xi1>, vector<64x32x512xf32>
    %reduce_min3A_158 = arith.constant dense<0x7F800000> : vector<64x512xf32>
    %reduce_min3A_159 = vector.multi_reduction <minimumf>, %select_n3A_157, %reduce_min3A_158 [1] : vector<64x32x512xf32> to vector<64x512xf32>
    %broadcast_in_dim3A_160 = vector.shape_cast %reduce_min3A_159 : vector<64x512xf32> to vector<64x1x512xf32>
    %eq3A_161 = vector.broadcast %broadcast_in_dim3A_160 : vector<64x1x512xf32> to vector<64x32x512xf32>
    %eq3A_162 = arith.cmpf oeq, %select_n3A_157, %eq3A_161 : vector<64x32x512xf32>
    %jit3A_163 = arith.constant 32 : i32
    %broadcast_in_dim3A_164 = vector.broadcast %jit3A_163 : i32 to vector<64x32x512xi32>
    %select_n3A_165 = arith.select %eq3A_162, %iota3A_20, %broadcast_in_dim3A_164 : vector<64x32x512xi1>, vector<64x32x512xi32>
    %reduce_min3A_166 = arith.constant dense<2147483647> : vector<64x512xi32>
    %reduce_min3A_167 = vector.multi_reduction <minsi>, %select_n3A_165, %reduce_min3A_166 [1] : vector<64x32x512xi32> to vector<64x512xi32>
    %mul3A_168 = arith.constant 32 : i32
    %mul3A_169 = vector.broadcast %mul3A_168 : i32 to vector<64x512xi32>
    %mul3A_170 = arith.muli %iota3A_21, %mul3A_169 : vector<64x512xi32>
    %add3A_171 = arith.addi %mul3A_170, %reduce_min3A_167 : vector<64x512xi32>
    %broadcast_in_dim3A_172 = arith.constant 0 : i32
    %broadcast_in_dim3A_173 = vector.broadcast %broadcast_in_dim3A_172 : i32 to vector<64x512xi32>
    %broadcast_in_dim3A_174 = arith.constant 0 : i32
    %broadcast_in_dim3A_175 = vector.broadcast %broadcast_in_dim3A_174 : i32 to vector<32x512xi32>
    %reduce_min3A_176 = arith.constant dense<0x7F800000> : vector<512xf32>
    %reduce_min3A_177 = vector.multi_reduction <minimumf>, %reduce_min3A_22, %reduce_min3A_176 [0] : vector<64x512xf32> to vector<512xf32>
    %broadcast_in_dim3A_178 = vector.shape_cast %reduce_min3A_177 : vector<512xf32> to vector<1x512xf32>
    %eq3A_179 = vector.broadcast %broadcast_in_dim3A_178 : vector<1x512xf32> to vector<64x512xf32>
    %eq3A_180 = arith.cmpf oeq, %reduce_min3A_22, %eq3A_179 : vector<64x512xf32>
    %jit3A_181 = arith.constant 2048 : i32
    %broadcast_in_dim3A_182 = vector.broadcast %jit3A_181 : i32 to vector<64x512xi32>
    %select_n3A_183 = arith.select %eq3A_180, %add3A_31, %broadcast_in_dim3A_182 : vector<64x512xi1>, vector<64x512xi32>
    %reduce_min3A_184 = arith.constant dense<2147483647> : vector<512xi32>
    %reduce_min3A_185 = vector.multi_reduction <minsi>, %select_n3A_183, %reduce_min3A_184 [0] : vector<64x512xi32> to vector<512xi32>
    %eq3A_186 = arith.constant 0 : i32
    %eq3A_187 = vector.broadcast %eq3A_186 : i32 to vector<32x512xi32>
    %eq3A_188 = arith.cmpi eq, %iota3A, %eq3A_187 : vector<32x512xi32>
    %broadcast_in_dim3A_189 = vector.shape_cast %reduce_min3A_185 : vector<512xi32> to vector<1x512xi32>
    %broadcast_in_dim3A_190 = vector.shape_cast %broadcast_in_dim3A_189 : vector<1x512xi32> to vector<1x512xi32>
    %broadcast_in_dim3A_191 = vector.broadcast %broadcast_in_dim3A_190 : vector<1x512xi32> to vector<32x512xi32>
    %select_n3A_192 = arith.select %eq3A_188, %broadcast_in_dim3A_191, %broadcast_in_dim3A_175 : vector<32x512xi1>, vector<32x512xi32>
    %jit3A_193 = arith.constant 32 : i32
    %div3A = vector.broadcast %jit3A_193 : i32 to vector<512xi32>
    %div3A_194 = arith.divsi %reduce_min3A_185, %div3A : vector<512xi32>
    %sign3A = arith.constant 0 : i32
    %sign3A_195 = vector.broadcast %sign3A : i32 to vector<512xi32>
    %sign3A_196 = arith.cmpi sgt, %reduce_min3A_185, %sign3A_195 : vector<512xi32>
    %sign3A_197 = arith.extui %sign3A_196 : vector<512xi1> to vector<512xi32>
    %sign3A_198 = arith.constant 0 : i32
    %sign3A_199 = vector.broadcast %sign3A_198 : i32 to vector<512xi32>
    %sign3A_200 = arith.cmpi slt, %reduce_min3A_185, %sign3A_199 : vector<512xi32>
    %sign3A_201 = arith.extui %sign3A_200 : vector<512xi1> to vector<512xi32>
    %sign3A_202 = arith.subi %sign3A_197, %sign3A_201 : vector<512xi32>
    %sign3A_203 = arith.constant 0 : i32
    %sign3A_204 = arith.cmpi sgt, %jit3A_193, %sign3A_203 : i32
    %sign3A_205 = arith.extui %sign3A_204 : i1 to i32
    %sign3A_206 = arith.constant 0 : i32
    %sign3A_207 = arith.cmpi slt, %jit3A_193, %sign3A_206 : i32
    %sign3A_208 = arith.extui %sign3A_207 : i1 to i32
    %sign3A_209 = arith.subi %sign3A_205, %sign3A_208 : i32
    %ne3A = vector.broadcast %sign3A_209 : i32 to vector<512xi32>
    %ne3A_210 = arith.cmpi ne, %sign3A_202, %ne3A : vector<512xi32>
    %rem3A = vector.broadcast %jit3A_193 : i32 to vector<512xi32>
    %rem3A_211 = arith.remsi %reduce_min3A_185, %rem3A : vector<512xi32>
    %ne3A_212 = arith.constant 0 : i32
    %ne3A_213 = vector.broadcast %ne3A_212 : i32 to vector<512xi32>
    %ne3A_214 = arith.cmpi ne, %rem3A_211, %ne3A_213 : vector<512xi32>
    %and3A = arith.andi %ne3A_210, %ne3A_214 : vector<512xi1>
    %sub3A_215 = arith.constant 1 : i32
    %sub3A_216 = vector.broadcast %sub3A_215 : i32 to vector<512xi32>
    %sub3A_217 = arith.subi %div3A_194, %sub3A_216 : vector<512xi32>
    %select_n3A_218 = arith.select %and3A, %sub3A_217, %div3A_194 : vector<512xi1>, vector<512xi32>
    %broadcast_in_dim3A_219 = vector.shape_cast %select_n3A_218 : vector<512xi32> to vector<1x512xi32>
    %eq3A_220 = vector.broadcast %broadcast_in_dim3A_219 : vector<1x512xi32> to vector<64x512xi32>
    %eq3A_221 = arith.cmpi eq, %iota3A_21, %eq3A_220 : vector<64x512xi32>
    %add3A_222 = arith.constant 1 : i32
    %add3A_223 = vector.broadcast %add3A_222 : i32 to vector<64x512xi32>
    %add3A_224 = arith.addi %broadcast_in_dim3A_173, %add3A_223 : vector<64x512xi32>
    %select_n3A_225 = arith.select %eq3A_221, %add3A_224, %broadcast_in_dim3A_173 : vector<64x512xi1>, vector<64x512xi32>
    %broadcast_in_dim3A_226 = arith.constant 0x7F800000 : f32
    %broadcast_in_dim3A_227 = vector.broadcast %broadcast_in_dim3A_226 : f32 to vector<64x512xf32>
    %broadcast_in_dim3A_228 = arith.constant 2048 : i32
    %broadcast_in_dim3A_229 = vector.broadcast %broadcast_in_dim3A_228 : i32 to vector<64x512xi32>
    %eq3A_230 = arith.constant 1 : i32
    %eq3A_231 = vector.broadcast %eq3A_230 : i32 to vector<64x512xi32>
    %eq3A_232 = arith.cmpi eq, %select_n3A_225, %eq3A_231 : vector<64x512xi32>
    %select_n3A_233 = arith.select %eq3A_232, %reduce_min3A_39, %broadcast_in_dim3A_227 : vector<64x512xi1>, vector<64x512xf32>
    %select_n3A_234 = arith.select %eq3A_232, %add3A_51, %broadcast_in_dim3A_229 : vector<64x512xi1>, vector<64x512xi32>
    %eq3A_235 = arith.constant 2 : i32
    %eq3A_236 = vector.broadcast %eq3A_235 : i32 to vector<64x512xi32>
    %eq3A_237 = arith.cmpi eq, %select_n3A_225, %eq3A_236 : vector<64x512xi32>
    %select_n3A_238 = arith.select %eq3A_237, %reduce_min3A_59, %select_n3A_233 : vector<64x512xi1>, vector<64x512xf32>
    %select_n3A_239 = arith.select %eq3A_237, %add3A_71, %select_n3A_234 : vector<64x512xi1>, vector<64x512xi32>
    %eq3A_240 = arith.constant 3 : i32
    %eq3A_241 = vector.broadcast %eq3A_240 : i32 to vector<64x512xi32>
    %eq3A_242 = arith.cmpi eq, %select_n3A_225, %eq3A_241 : vector<64x512xi32>
    %select_n3A_243 = arith.select %eq3A_242, %reduce_min3A_79, %select_n3A_238 : vector<64x512xi1>, vector<64x512xf32>
    %select_n3A_244 = arith.select %eq3A_242, %add3A_91, %select_n3A_239 : vector<64x512xi1>, vector<64x512xi32>
    %eq3A_245 = arith.constant 4 : i32
    %eq3A_246 = vector.broadcast %eq3A_245 : i32 to vector<64x512xi32>
    %eq3A_247 = arith.cmpi eq, %select_n3A_225, %eq3A_246 : vector<64x512xi32>
    %select_n3A_248 = arith.select %eq3A_247, %reduce_min3A_99, %select_n3A_243 : vector<64x512xi1>, vector<64x512xf32>
    %select_n3A_249 = arith.select %eq3A_247, %add3A_111, %select_n3A_244 : vector<64x512xi1>, vector<64x512xi32>
    %eq3A_250 = arith.constant 5 : i32
    %eq3A_251 = vector.broadcast %eq3A_250 : i32 to vector<64x512xi32>
    %eq3A_252 = arith.cmpi eq, %select_n3A_225, %eq3A_251 : vector<64x512xi32>
    %select_n3A_253 = arith.select %eq3A_252, %reduce_min3A_119, %select_n3A_248 : vector<64x512xi1>, vector<64x512xf32>
    %select_n3A_254 = arith.select %eq3A_252, %add3A_131, %select_n3A_249 : vector<64x512xi1>, vector<64x512xi32>
    %eq3A_255 = arith.constant 6 : i32
    %eq3A_256 = vector.broadcast %eq3A_255 : i32 to vector<64x512xi32>
    %eq3A_257 = arith.cmpi eq, %select_n3A_225, %eq3A_256 : vector<64x512xi32>
    %select_n3A_258 = arith.select %eq3A_257, %reduce_min3A_139, %select_n3A_253 : vector<64x512xi1>, vector<64x512xf32>
    %select_n3A_259 = arith.select %eq3A_257, %add3A_151, %select_n3A_254 : vector<64x512xi1>, vector<64x512xi32>
    %eq3A_260 = arith.constant 7 : i32
    %eq3A_261 = vector.broadcast %eq3A_260 : i32 to vector<64x512xi32>
    %eq3A_262 = arith.cmpi eq, %select_n3A_225, %eq3A_261 : vector<64x512xi32>
    %select_n3A_263 = arith.select %eq3A_262, %reduce_min3A_159, %select_n3A_258 : vector<64x512xi1>, vector<64x512xf32>
    %select_n3A_264 = arith.select %eq3A_262, %add3A_171, %select_n3A_259 : vector<64x512xi1>, vector<64x512xi32>
    %select_n3A_265 = arith.select %eq3A_221, %select_n3A_263, %reduce_min3A_22 : vector<64x512xi1>, vector<64x512xf32>
    %select_n3A_266 = arith.select %eq3A_221, %select_n3A_264, %add3A_31 : vector<64x512xi1>, vector<64x512xi32>
    %reduce_min3A_267 = arith.constant dense<0x7F800000> : vector<512xf32>
    %reduce_min3A_268 = vector.multi_reduction <minimumf>, %select_n3A_265, %reduce_min3A_267 [0] : vector<64x512xf32> to vector<512xf32>
    %broadcast_in_dim3A_269 = vector.shape_cast %reduce_min3A_268 : vector<512xf32> to vector<1x512xf32>
    %eq3A_270 = vector.broadcast %broadcast_in_dim3A_269 : vector<1x512xf32> to vector<64x512xf32>
    %eq3A_271 = arith.cmpf oeq, %select_n3A_265, %eq3A_270 : vector<64x512xf32>
    %jit3A_272 = arith.constant 2048 : i32
    %broadcast_in_dim3A_273 = vector.broadcast %jit3A_272 : i32 to vector<64x512xi32>
    %select_n3A_274 = arith.select %eq3A_271, %select_n3A_266, %broadcast_in_dim3A_273 : vector<64x512xi1>, vector<64x512xi32>
    %reduce_min3A_275 = arith.constant dense<2147483647> : vector<512xi32>
    %reduce_min3A_276 = vector.multi_reduction <minsi>, %select_n3A_274, %reduce_min3A_275 [0] : vector<64x512xi32> to vector<512xi32>
    %eq3A_277 = arith.constant 1 : i32
    %eq3A_278 = vector.broadcast %eq3A_277 : i32 to vector<32x512xi32>
    %eq3A_279 = arith.cmpi eq, %iota3A, %eq3A_278 : vector<32x512xi32>
    %broadcast_in_dim3A_280 = vector.shape_cast %reduce_min3A_276 : vector<512xi32> to vector<1x512xi32>
    %broadcast_in_dim3A_281 = vector.shape_cast %broadcast_in_dim3A_280 : vector<1x512xi32> to vector<1x512xi32>
    %broadcast_in_dim3A_282 = vector.broadcast %broadcast_in_dim3A_281 : vector<1x512xi32> to vector<32x512xi32>
    %select_n3A_283 = arith.select %eq3A_279, %broadcast_in_dim3A_282, %select_n3A_192 : vector<32x512xi1>, vector<32x512xi32>
    %jit3A_284 = arith.constant 32 : i32
    %div3A_285 = vector.broadcast %jit3A_284 : i32 to vector<512xi32>
    %div3A_286 = arith.divsi %reduce_min3A_276, %div3A_285 : vector<512xi32>
    %sign3A_287 = arith.constant 0 : i32
    %sign3A_288 = vector.broadcast %sign3A_287 : i32 to vector<512xi32>
    %sign3A_289 = arith.cmpi sgt, %reduce_min3A_276, %sign3A_288 : vector<512xi32>
    %sign3A_290 = arith.extui %sign3A_289 : vector<512xi1> to vector<512xi32>
    %sign3A_291 = arith.constant 0 : i32
    %sign3A_292 = vector.broadcast %sign3A_291 : i32 to vector<512xi32>
    %sign3A_293 = arith.cmpi slt, %reduce_min3A_276, %sign3A_292 : vector<512xi32>
    %sign3A_294 = arith.extui %sign3A_293 : vector<512xi1> to vector<512xi32>
    %sign3A_295 = arith.subi %sign3A_290, %sign3A_294 : vector<512xi32>
    %sign3A_296 = arith.constant 0 : i32
    %sign3A_297 = arith.cmpi sgt, %jit3A_284, %sign3A_296 : i32
    %sign3A_298 = arith.extui %sign3A_297 : i1 to i32
    %sign3A_299 = arith.constant 0 : i32
    %sign3A_300 = arith.cmpi slt, %jit3A_284, %sign3A_299 : i32
    %sign3A_301 = arith.extui %sign3A_300 : i1 to i32
    %sign3A_302 = arith.subi %sign3A_298, %sign3A_301 : i32
    %ne3A_303 = vector.broadcast %sign3A_302 : i32 to vector<512xi32>
    %ne3A_304 = arith.cmpi ne, %sign3A_295, %ne3A_303 : vector<512xi32>
    %rem3A_305 = vector.broadcast %jit3A_284 : i32 to vector<512xi32>
    %rem3A_306 = arith.remsi %reduce_min3A_276, %rem3A_305 : vector<512xi32>
    %ne3A_307 = arith.constant 0 : i32
    %ne3A_308 = vector.broadcast %ne3A_307 : i32 to vector<512xi32>
    %ne3A_309 = arith.cmpi ne, %rem3A_306, %ne3A_308 : vector<512xi32>
    %and3A_310 = arith.andi %ne3A_304, %ne3A_309 : vector<512xi1>
    %sub3A_311 = arith.constant 1 : i32
    %sub3A_312 = vector.broadcast %sub3A_311 : i32 to vector<512xi32>
    %sub3A_313 = arith.subi %div3A_286, %sub3A_312 : vector<512xi32>
    %select_n3A_314 = arith.select %and3A_310, %sub3A_313, %div3A_286 : vector<512xi1>, vector<512xi32>
    %broadcast_in_dim3A_315 = vector.shape_cast %select_n3A_314 : vector<512xi32> to vector<1x512xi32>
    %eq3A_316 = vector.broadcast %broadcast_in_dim3A_315 : vector<1x512xi32> to vector<64x512xi32>
    %eq3A_317 = arith.cmpi eq, %iota3A_21, %eq3A_316 : vector<64x512xi32>
    %add3A_318 = arith.constant 1 : i32
    %add3A_319 = vector.broadcast %add3A_318 : i32 to vector<64x512xi32>
    %add3A_320 = arith.addi %select_n3A_225, %add3A_319 : vector<64x512xi32>
    %select_n3A_321 = arith.select %eq3A_317, %add3A_320, %select_n3A_225 : vector<64x512xi1>, vector<64x512xi32>
    %broadcast_in_dim3A_322 = arith.constant 0x7F800000 : f32
    %broadcast_in_dim3A_323 = vector.broadcast %broadcast_in_dim3A_322 : f32 to vector<64x512xf32>
    %broadcast_in_dim3A_324 = arith.constant 2048 : i32
    %broadcast_in_dim3A_325 = vector.broadcast %broadcast_in_dim3A_324 : i32 to vector<64x512xi32>
    %eq3A_326 = arith.constant 1 : i32
    %eq3A_327 = vector.broadcast %eq3A_326 : i32 to vector<64x512xi32>
    %eq3A_328 = arith.cmpi eq, %select_n3A_321, %eq3A_327 : vector<64x512xi32>
    %select_n3A_329 = arith.select %eq3A_328, %reduce_min3A_39, %broadcast_in_dim3A_323 : vector<64x512xi1>, vector<64x512xf32>
    %select_n3A_330 = arith.select %eq3A_328, %add3A_51, %broadcast_in_dim3A_325 : vector<64x512xi1>, vector<64x512xi32>
    %eq3A_331 = arith.constant 2 : i32
    %eq3A_332 = vector.broadcast %eq3A_331 : i32 to vector<64x512xi32>
    %eq3A_333 = arith.cmpi eq, %select_n3A_321, %eq3A_332 : vector<64x512xi32>
    %select_n3A_334 = arith.select %eq3A_333, %reduce_min3A_59, %select_n3A_329 : vector<64x512xi1>, vector<64x512xf32>
    %select_n3A_335 = arith.select %eq3A_333, %add3A_71, %select_n3A_330 : vector<64x512xi1>, vector<64x512xi32>
    %eq3A_336 = arith.constant 3 : i32
    %eq3A_337 = vector.broadcast %eq3A_336 : i32 to vector<64x512xi32>
    %eq3A_338 = arith.cmpi eq, %select_n3A_321, %eq3A_337 : vector<64x512xi32>
    %select_n3A_339 = arith.select %eq3A_338, %reduce_min3A_79, %select_n3A_334 : vector<64x512xi1>, vector<64x512xf32>
    %select_n3A_340 = arith.select %eq3A_338, %add3A_91, %select_n3A_335 : vector<64x512xi1>, vector<64x512xi32>
    %eq3A_341 = arith.constant 4 : i32
    %eq3A_342 = vector.broadcast %eq3A_341 : i32 to vector<64x512xi32>
    %eq3A_343 = arith.cmpi eq, %select_n3A_321, %eq3A_342 : vector<64x512xi32>
    %select_n3A_344 = arith.select %eq3A_343, %reduce_min3A_99, %select_n3A_339 : vector<64x512xi1>, vector<64x512xf32>
    %select_n3A_345 = arith.select %eq3A_343, %add3A_111, %select_n3A_340 : vector<64x512xi1>, vector<64x512xi32>
    %eq3A_346 = arith.constant 5 : i32
    %eq3A_347 = vector.broadcast %eq3A_346 : i32 to vector<64x512xi32>
    %eq3A_348 = arith.cmpi eq, %select_n3A_321, %eq3A_347 : vector<64x512xi32>
    %select_n3A_349 = arith.select %eq3A_348, %reduce_min3A_119, %select_n3A_344 : vector<64x512xi1>, vector<64x512xf32>
    %select_n3A_350 = arith.select %eq3A_348, %add3A_131, %select_n3A_345 : vector<64x512xi1>, vector<64x512xi32>
    %eq3A_351 = arith.constant 6 : i32
    %eq3A_352 = vector.broadcast %eq3A_351 : i32 to vector<64x512xi32>
    %eq3A_353 = arith.cmpi eq, %select_n3A_321, %eq3A_352 : vector<64x512xi32>
    %select_n3A_354 = arith.select %eq3A_353, %reduce_min3A_139, %select_n3A_349 : vector<64x512xi1>, vector<64x512xf32>
    %select_n3A_355 = arith.select %eq3A_353, %add3A_151, %select_n3A_350 : vector<64x512xi1>, vector<64x512xi32>
    %eq3A_356 = arith.constant 7 : i32
    %eq3A_357 = vector.broadcast %eq3A_356 : i32 to vector<64x512xi32>
    %eq3A_358 = arith.cmpi eq, %select_n3A_321, %eq3A_357 : vector<64x512xi32>
    %select_n3A_359 = arith.select %eq3A_358, %reduce_min3A_159, %select_n3A_354 : vector<64x512xi1>, vector<64x512xf32>
    %select_n3A_360 = arith.select %eq3A_358, %add3A_171, %select_n3A_355 : vector<64x512xi1>, vector<64x512xi32>
    %select_n3A_361 = arith.select %eq3A_317, %select_n3A_359, %select_n3A_265 : vector<64x512xi1>, vector<64x512xf32>
    %select_n3A_362 = arith.select %eq3A_317, %select_n3A_360, %select_n3A_266 : vector<64x512xi1>, vector<64x512xi32>
    %reduce_min3A_363 = arith.constant dense<0x7F800000> : vector<512xf32>
    %reduce_min3A_364 = vector.multi_reduction <minimumf>, %select_n3A_361, %reduce_min3A_363 [0] : vector<64x512xf32> to vector<512xf32>
    %broadcast_in_dim3A_365 = vector.shape_cast %reduce_min3A_364 : vector<512xf32> to vector<1x512xf32>
    %eq3A_366 = vector.broadcast %broadcast_in_dim3A_365 : vector<1x512xf32> to vector<64x512xf32>
    %eq3A_367 = arith.cmpf oeq, %select_n3A_361, %eq3A_366 : vector<64x512xf32>
    %jit3A_368 = arith.constant 2048 : i32
    %broadcast_in_dim3A_369 = vector.broadcast %jit3A_368 : i32 to vector<64x512xi32>
    %select_n3A_370 = arith.select %eq3A_367, %select_n3A_362, %broadcast_in_dim3A_369 : vector<64x512xi1>, vector<64x512xi32>
    %reduce_min3A_371 = arith.constant dense<2147483647> : vector<512xi32>
    %reduce_min3A_372 = vector.multi_reduction <minsi>, %select_n3A_370, %reduce_min3A_371 [0] : vector<64x512xi32> to vector<512xi32>
    %eq3A_373 = arith.constant 2 : i32
    %eq3A_374 = vector.broadcast %eq3A_373 : i32 to vector<32x512xi32>
    %eq3A_375 = arith.cmpi eq, %iota3A, %eq3A_374 : vector<32x512xi32>
    %broadcast_in_dim3A_376 = vector.shape_cast %reduce_min3A_372 : vector<512xi32> to vector<1x512xi32>
    %broadcast_in_dim3A_377 = vector.shape_cast %broadcast_in_dim3A_376 : vector<1x512xi32> to vector<1x512xi32>
    %broadcast_in_dim3A_378 = vector.broadcast %broadcast_in_dim3A_377 : vector<1x512xi32> to vector<32x512xi32>
    %select_n3A_379 = arith.select %eq3A_375, %broadcast_in_dim3A_378, %select_n3A_283 : vector<32x512xi1>, vector<32x512xi32>
    %jit3A_380 = arith.constant 32 : i32
    %div3A_381 = vector.broadcast %jit3A_380 : i32 to vector<512xi32>
    %div3A_382 = arith.divsi %reduce_min3A_372, %div3A_381 : vector<512xi32>
    %sign3A_383 = arith.constant 0 : i32
    %sign3A_384 = vector.broadcast %sign3A_383 : i32 to vector<512xi32>
    %sign3A_385 = arith.cmpi sgt, %reduce_min3A_372, %sign3A_384 : vector<512xi32>
    %sign3A_386 = arith.extui %sign3A_385 : vector<512xi1> to vector<512xi32>
    %sign3A_387 = arith.constant 0 : i32
    %sign3A_388 = vector.broadcast %sign3A_387 : i32 to vector<512xi32>
    %sign3A_389 = arith.cmpi slt, %reduce_min3A_372, %sign3A_388 : vector<512xi32>
    %sign3A_390 = arith.extui %sign3A_389 : vector<512xi1> to vector<512xi32>
    %sign3A_391 = arith.subi %sign3A_386, %sign3A_390 : vector<512xi32>
    %sign3A_392 = arith.constant 0 : i32
    %sign3A_393 = arith.cmpi sgt, %jit3A_380, %sign3A_392 : i32
    %sign3A_394 = arith.extui %sign3A_393 : i1 to i32
    %sign3A_395 = arith.constant 0 : i32
    %sign3A_396 = arith.cmpi slt, %jit3A_380, %sign3A_395 : i32
    %sign3A_397 = arith.extui %sign3A_396 : i1 to i32
    %sign3A_398 = arith.subi %sign3A_394, %sign3A_397 : i32
    %ne3A_399 = vector.broadcast %sign3A_398 : i32 to vector<512xi32>
    %ne3A_400 = arith.cmpi ne, %sign3A_391, %ne3A_399 : vector<512xi32>
    %rem3A_401 = vector.broadcast %jit3A_380 : i32 to vector<512xi32>
    %rem3A_402 = arith.remsi %reduce_min3A_372, %rem3A_401 : vector<512xi32>
    %ne3A_403 = arith.constant 0 : i32
    %ne3A_404 = vector.broadcast %ne3A_403 : i32 to vector<512xi32>
    %ne3A_405 = arith.cmpi ne, %rem3A_402, %ne3A_404 : vector<512xi32>
    %and3A_406 = arith.andi %ne3A_400, %ne3A_405 : vector<512xi1>
    %sub3A_407 = arith.constant 1 : i32
    %sub3A_408 = vector.broadcast %sub3A_407 : i32 to vector<512xi32>
    %sub3A_409 = arith.subi %div3A_382, %sub3A_408 : vector<512xi32>
    %select_n3A_410 = arith.select %and3A_406, %sub3A_409, %div3A_382 : vector<512xi1>, vector<512xi32>
    %broadcast_in_dim3A_411 = vector.shape_cast %select_n3A_410 : vector<512xi32> to vector<1x512xi32>
    %eq3A_412 = vector.broadcast %broadcast_in_dim3A_411 : vector<1x512xi32> to vector<64x512xi32>
    %eq3A_413 = arith.cmpi eq, %iota3A_21, %eq3A_412 : vector<64x512xi32>
    %add3A_414 = arith.constant 1 : i32
    %add3A_415 = vector.broadcast %add3A_414 : i32 to vector<64x512xi32>
    %add3A_416 = arith.addi %select_n3A_321, %add3A_415 : vector<64x512xi32>
    %select_n3A_417 = arith.select %eq3A_413, %add3A_416, %select_n3A_321 : vector<64x512xi1>, vector<64x512xi32>
    %broadcast_in_dim3A_418 = arith.constant 0x7F800000 : f32
    %broadcast_in_dim3A_419 = vector.broadcast %broadcast_in_dim3A_418 : f32 to vector<64x512xf32>
    %broadcast_in_dim3A_420 = arith.constant 2048 : i32
    %broadcast_in_dim3A_421 = vector.broadcast %broadcast_in_dim3A_420 : i32 to vector<64x512xi32>
    %eq3A_422 = arith.constant 1 : i32
    %eq3A_423 = vector.broadcast %eq3A_422 : i32 to vector<64x512xi32>
    %eq3A_424 = arith.cmpi eq, %select_n3A_417, %eq3A_423 : vector<64x512xi32>
    %select_n3A_425 = arith.select %eq3A_424, %reduce_min3A_39, %broadcast_in_dim3A_419 : vector<64x512xi1>, vector<64x512xf32>
    %select_n3A_426 = arith.select %eq3A_424, %add3A_51, %broadcast_in_dim3A_421 : vector<64x512xi1>, vector<64x512xi32>
    %eq3A_427 = arith.constant 2 : i32
    %eq3A_428 = vector.broadcast %eq3A_427 : i32 to vector<64x512xi32>
    %eq3A_429 = arith.cmpi eq, %select_n3A_417, %eq3A_428 : vector<64x512xi32>
    %select_n3A_430 = arith.select %eq3A_429, %reduce_min3A_59, %select_n3A_425 : vector<64x512xi1>, vector<64x512xf32>
    %select_n3A_431 = arith.select %eq3A_429, %add3A_71, %select_n3A_426 : vector<64x512xi1>, vector<64x512xi32>
    %eq3A_432 = arith.constant 3 : i32
    %eq3A_433 = vector.broadcast %eq3A_432 : i32 to vector<64x512xi32>
    %eq3A_434 = arith.cmpi eq, %select_n3A_417, %eq3A_433 : vector<64x512xi32>
    %select_n3A_435 = arith.select %eq3A_434, %reduce_min3A_79, %select_n3A_430 : vector<64x512xi1>, vector<64x512xf32>
    %select_n3A_436 = arith.select %eq3A_434, %add3A_91, %select_n3A_431 : vector<64x512xi1>, vector<64x512xi32>
    %eq3A_437 = arith.constant 4 : i32
    %eq3A_438 = vector.broadcast %eq3A_437 : i32 to vector<64x512xi32>
    %eq3A_439 = arith.cmpi eq, %select_n3A_417, %eq3A_438 : vector<64x512xi32>
    %select_n3A_440 = arith.select %eq3A_439, %reduce_min3A_99, %select_n3A_435 : vector<64x512xi1>, vector<64x512xf32>
    %select_n3A_441 = arith.select %eq3A_439, %add3A_111, %select_n3A_436 : vector<64x512xi1>, vector<64x512xi32>
    %eq3A_442 = arith.constant 5 : i32
    %eq3A_443 = vector.broadcast %eq3A_442 : i32 to vector<64x512xi32>
    %eq3A_444 = arith.cmpi eq, %select_n3A_417, %eq3A_443 : vector<64x512xi32>
    %select_n3A_445 = arith.select %eq3A_444, %reduce_min3A_119, %select_n3A_440 : vector<64x512xi1>, vector<64x512xf32>
    %select_n3A_446 = arith.select %eq3A_444, %add3A_131, %select_n3A_441 : vector<64x512xi1>, vector<64x512xi32>
    %eq3A_447 = arith.constant 6 : i32
    %eq3A_448 = vector.broadcast %eq3A_447 : i32 to vector<64x512xi32>
    %eq3A_449 = arith.cmpi eq, %select_n3A_417, %eq3A_448 : vector<64x512xi32>
    %select_n3A_450 = arith.select %eq3A_449, %reduce_min3A_139, %select_n3A_445 : vector<64x512xi1>, vector<64x512xf32>
    %select_n3A_451 = arith.select %eq3A_449, %add3A_151, %select_n3A_446 : vector<64x512xi1>, vector<64x512xi32>
    %eq3A_452 = arith.constant 7 : i32
    %eq3A_453 = vector.broadcast %eq3A_452 : i32 to vector<64x512xi32>
    %eq3A_454 = arith.cmpi eq, %select_n3A_417, %eq3A_453 : vector<64x512xi32>
    %select_n3A_455 = arith.select %eq3A_454, %reduce_min3A_159, %select_n3A_450 : vector<64x512xi1>, vector<64x512xf32>
    %select_n3A_456 = arith.select %eq3A_454, %add3A_171, %select_n3A_451 : vector<64x512xi1>, vector<64x512xi32>
    %select_n3A_457 = arith.select %eq3A_413, %select_n3A_455, %select_n3A_361 : vector<64x512xi1>, vector<64x512xf32>
    %select_n3A_458 = arith.select %eq3A_413, %select_n3A_456, %select_n3A_362 : vector<64x512xi1>, vector<64x512xi32>
    %reduce_min3A_459 = arith.constant dense<0x7F800000> : vector<512xf32>
    %reduce_min3A_460 = vector.multi_reduction <minimumf>, %select_n3A_457, %reduce_min3A_459 [0] : vector<64x512xf32> to vector<512xf32>
    %broadcast_in_dim3A_461 = vector.shape_cast %reduce_min3A_460 : vector<512xf32> to vector<1x512xf32>
    %eq3A_462 = vector.broadcast %broadcast_in_dim3A_461 : vector<1x512xf32> to vector<64x512xf32>
    %eq3A_463 = arith.cmpf oeq, %select_n3A_457, %eq3A_462 : vector<64x512xf32>
    %jit3A_464 = arith.constant 2048 : i32
    %broadcast_in_dim3A_465 = vector.broadcast %jit3A_464 : i32 to vector<64x512xi32>
    %select_n3A_466 = arith.select %eq3A_463, %select_n3A_458, %broadcast_in_dim3A_465 : vector<64x512xi1>, vector<64x512xi32>
    %reduce_min3A_467 = arith.constant dense<2147483647> : vector<512xi32>
    %reduce_min3A_468 = vector.multi_reduction <minsi>, %select_n3A_466, %reduce_min3A_467 [0] : vector<64x512xi32> to vector<512xi32>
    %eq3A_469 = arith.constant 3 : i32
    %eq3A_470 = vector.broadcast %eq3A_469 : i32 to vector<32x512xi32>
    %eq3A_471 = arith.cmpi eq, %iota3A, %eq3A_470 : vector<32x512xi32>
    %broadcast_in_dim3A_472 = vector.shape_cast %reduce_min3A_468 : vector<512xi32> to vector<1x512xi32>
    %broadcast_in_dim3A_473 = vector.shape_cast %broadcast_in_dim3A_472 : vector<1x512xi32> to vector<1x512xi32>
    %broadcast_in_dim3A_474 = vector.broadcast %broadcast_in_dim3A_473 : vector<1x512xi32> to vector<32x512xi32>
    %select_n3A_475 = arith.select %eq3A_471, %broadcast_in_dim3A_474, %select_n3A_379 : vector<32x512xi1>, vector<32x512xi32>
    %jit3A_476 = arith.constant 32 : i32
    %div3A_477 = vector.broadcast %jit3A_476 : i32 to vector<512xi32>
    %div3A_478 = arith.divsi %reduce_min3A_468, %div3A_477 : vector<512xi32>
    %sign3A_479 = arith.constant 0 : i32
    %sign3A_480 = vector.broadcast %sign3A_479 : i32 to vector<512xi32>
    %sign3A_481 = arith.cmpi sgt, %reduce_min3A_468, %sign3A_480 : vector<512xi32>
    %sign3A_482 = arith.extui %sign3A_481 : vector<512xi1> to vector<512xi32>
    %sign3A_483 = arith.constant 0 : i32
    %sign3A_484 = vector.broadcast %sign3A_483 : i32 to vector<512xi32>
    %sign3A_485 = arith.cmpi slt, %reduce_min3A_468, %sign3A_484 : vector<512xi32>
    %sign3A_486 = arith.extui %sign3A_485 : vector<512xi1> to vector<512xi32>
    %sign3A_487 = arith.subi %sign3A_482, %sign3A_486 : vector<512xi32>
    %sign3A_488 = arith.constant 0 : i32
    %sign3A_489 = arith.cmpi sgt, %jit3A_476, %sign3A_488 : i32
    %sign3A_490 = arith.extui %sign3A_489 : i1 to i32
    %sign3A_491 = arith.constant 0 : i32
    %sign3A_492 = arith.cmpi slt, %jit3A_476, %sign3A_491 : i32
    %sign3A_493 = arith.extui %sign3A_492 : i1 to i32
    %sign3A_494 = arith.subi %sign3A_490, %sign3A_493 : i32
    %ne3A_495 = vector.broadcast %sign3A_494 : i32 to vector<512xi32>
    %ne3A_496 = arith.cmpi ne, %sign3A_487, %ne3A_495 : vector<512xi32>
    %rem3A_497 = vector.broadcast %jit3A_476 : i32 to vector<512xi32>
    %rem3A_498 = arith.remsi %reduce_min3A_468, %rem3A_497 : vector<512xi32>
    %ne3A_499 = arith.constant 0 : i32
    %ne3A_500 = vector.broadcast %ne3A_499 : i32 to vector<512xi32>
    %ne3A_501 = arith.cmpi ne, %rem3A_498, %ne3A_500 : vector<512xi32>
    %and3A_502 = arith.andi %ne3A_496, %ne3A_501 : vector<512xi1>
    %sub3A_503 = arith.constant 1 : i32
    %sub3A_504 = vector.broadcast %sub3A_503 : i32 to vector<512xi32>
    %sub3A_505 = arith.subi %div3A_478, %sub3A_504 : vector<512xi32>
    %select_n3A_506 = arith.select %and3A_502, %sub3A_505, %div3A_478 : vector<512xi1>, vector<512xi32>
    %broadcast_in_dim3A_507 = vector.shape_cast %select_n3A_506 : vector<512xi32> to vector<1x512xi32>
    %eq3A_508 = vector.broadcast %broadcast_in_dim3A_507 : vector<1x512xi32> to vector<64x512xi32>
    %eq3A_509 = arith.cmpi eq, %iota3A_21, %eq3A_508 : vector<64x512xi32>
    %add3A_510 = arith.constant 1 : i32
    %add3A_511 = vector.broadcast %add3A_510 : i32 to vector<64x512xi32>
    %add3A_512 = arith.addi %select_n3A_417, %add3A_511 : vector<64x512xi32>
    %select_n3A_513 = arith.select %eq3A_509, %add3A_512, %select_n3A_417 : vector<64x512xi1>, vector<64x512xi32>
    %broadcast_in_dim3A_514 = arith.constant 0x7F800000 : f32
    %broadcast_in_dim3A_515 = vector.broadcast %broadcast_in_dim3A_514 : f32 to vector<64x512xf32>
    %broadcast_in_dim3A_516 = arith.constant 2048 : i32
    %broadcast_in_dim3A_517 = vector.broadcast %broadcast_in_dim3A_516 : i32 to vector<64x512xi32>
    %eq3A_518 = arith.constant 1 : i32
    %eq3A_519 = vector.broadcast %eq3A_518 : i32 to vector<64x512xi32>
    %eq3A_520 = arith.cmpi eq, %select_n3A_513, %eq3A_519 : vector<64x512xi32>
    %select_n3A_521 = arith.select %eq3A_520, %reduce_min3A_39, %broadcast_in_dim3A_515 : vector<64x512xi1>, vector<64x512xf32>
    %select_n3A_522 = arith.select %eq3A_520, %add3A_51, %broadcast_in_dim3A_517 : vector<64x512xi1>, vector<64x512xi32>
    %eq3A_523 = arith.constant 2 : i32
    %eq3A_524 = vector.broadcast %eq3A_523 : i32 to vector<64x512xi32>
    %eq3A_525 = arith.cmpi eq, %select_n3A_513, %eq3A_524 : vector<64x512xi32>
    %select_n3A_526 = arith.select %eq3A_525, %reduce_min3A_59, %select_n3A_521 : vector<64x512xi1>, vector<64x512xf32>
    %select_n3A_527 = arith.select %eq3A_525, %add3A_71, %select_n3A_522 : vector<64x512xi1>, vector<64x512xi32>
    %eq3A_528 = arith.constant 3 : i32
    %eq3A_529 = vector.broadcast %eq3A_528 : i32 to vector<64x512xi32>
    %eq3A_530 = arith.cmpi eq, %select_n3A_513, %eq3A_529 : vector<64x512xi32>
    %select_n3A_531 = arith.select %eq3A_530, %reduce_min3A_79, %select_n3A_526 : vector<64x512xi1>, vector<64x512xf32>
    %select_n3A_532 = arith.select %eq3A_530, %add3A_91, %select_n3A_527 : vector<64x512xi1>, vector<64x512xi32>
    %eq3A_533 = arith.constant 4 : i32
    %eq3A_534 = vector.broadcast %eq3A_533 : i32 to vector<64x512xi32>
    %eq3A_535 = arith.cmpi eq, %select_n3A_513, %eq3A_534 : vector<64x512xi32>
    %select_n3A_536 = arith.select %eq3A_535, %reduce_min3A_99, %select_n3A_531 : vector<64x512xi1>, vector<64x512xf32>
    %select_n3A_537 = arith.select %eq3A_535, %add3A_111, %select_n3A_532 : vector<64x512xi1>, vector<64x512xi32>
    %eq3A_538 = arith.constant 5 : i32
    %eq3A_539 = vector.broadcast %eq3A_538 : i32 to vector<64x512xi32>
    %eq3A_540 = arith.cmpi eq, %select_n3A_513, %eq3A_539 : vector<64x512xi32>
    %select_n3A_541 = arith.select %eq3A_540, %reduce_min3A_119, %select_n3A_536 : vector<64x512xi1>, vector<64x512xf32>
    %select_n3A_542 = arith.select %eq3A_540, %add3A_131, %select_n3A_537 : vector<64x512xi1>, vector<64x512xi32>
    %eq3A_543 = arith.constant 6 : i32
    %eq3A_544 = vector.broadcast %eq3A_543 : i32 to vector<64x512xi32>
    %eq3A_545 = arith.cmpi eq, %select_n3A_513, %eq3A_544 : vector<64x512xi32>
    %select_n3A_546 = arith.select %eq3A_545, %reduce_min3A_139, %select_n3A_541 : vector<64x512xi1>, vector<64x512xf32>
    %select_n3A_547 = arith.select %eq3A_545, %add3A_151, %select_n3A_542 : vector<64x512xi1>, vector<64x512xi32>
    %eq3A_548 = arith.constant 7 : i32
    %eq3A_549 = vector.broadcast %eq3A_548 : i32 to vector<64x512xi32>
    %eq3A_550 = arith.cmpi eq, %select_n3A_513, %eq3A_549 : vector<64x512xi32>
    %select_n3A_551 = arith.select %eq3A_550, %reduce_min3A_159, %select_n3A_546 : vector<64x512xi1>, vector<64x512xf32>
    %select_n3A_552 = arith.select %eq3A_550, %add3A_171, %select_n3A_547 : vector<64x512xi1>, vector<64x512xi32>
    %select_n3A_553 = arith.select %eq3A_509, %select_n3A_551, %select_n3A_457 : vector<64x512xi1>, vector<64x512xf32>
    %select_n3A_554 = arith.select %eq3A_509, %select_n3A_552, %select_n3A_458 : vector<64x512xi1>, vector<64x512xi32>
    %reduce_min3A_555 = arith.constant dense<0x7F800000> : vector<512xf32>
    %reduce_min3A_556 = vector.multi_reduction <minimumf>, %select_n3A_553, %reduce_min3A_555 [0] : vector<64x512xf32> to vector<512xf32>
    %broadcast_in_dim3A_557 = vector.shape_cast %reduce_min3A_556 : vector<512xf32> to vector<1x512xf32>
    %eq3A_558 = vector.broadcast %broadcast_in_dim3A_557 : vector<1x512xf32> to vector<64x512xf32>
    %eq3A_559 = arith.cmpf oeq, %select_n3A_553, %eq3A_558 : vector<64x512xf32>
    %jit3A_560 = arith.constant 2048 : i32
    %broadcast_in_dim3A_561 = vector.broadcast %jit3A_560 : i32 to vector<64x512xi32>
    %select_n3A_562 = arith.select %eq3A_559, %select_n3A_554, %broadcast_in_dim3A_561 : vector<64x512xi1>, vector<64x512xi32>
    %reduce_min3A_563 = arith.constant dense<2147483647> : vector<512xi32>
    %reduce_min3A_564 = vector.multi_reduction <minsi>, %select_n3A_562, %reduce_min3A_563 [0] : vector<64x512xi32> to vector<512xi32>
    %eq3A_565 = arith.constant 4 : i32
    %eq3A_566 = vector.broadcast %eq3A_565 : i32 to vector<32x512xi32>
    %eq3A_567 = arith.cmpi eq, %iota3A, %eq3A_566 : vector<32x512xi32>
    %broadcast_in_dim3A_568 = vector.shape_cast %reduce_min3A_564 : vector<512xi32> to vector<1x512xi32>
    %broadcast_in_dim3A_569 = vector.shape_cast %broadcast_in_dim3A_568 : vector<1x512xi32> to vector<1x512xi32>
    %broadcast_in_dim3A_570 = vector.broadcast %broadcast_in_dim3A_569 : vector<1x512xi32> to vector<32x512xi32>
    %select_n3A_571 = arith.select %eq3A_567, %broadcast_in_dim3A_570, %select_n3A_475 : vector<32x512xi1>, vector<32x512xi32>
    %jit3A_572 = arith.constant 32 : i32
    %div3A_573 = vector.broadcast %jit3A_572 : i32 to vector<512xi32>
    %div3A_574 = arith.divsi %reduce_min3A_564, %div3A_573 : vector<512xi32>
    %sign3A_575 = arith.constant 0 : i32
    %sign3A_576 = vector.broadcast %sign3A_575 : i32 to vector<512xi32>
    %sign3A_577 = arith.cmpi sgt, %reduce_min3A_564, %sign3A_576 : vector<512xi32>
    %sign3A_578 = arith.extui %sign3A_577 : vector<512xi1> to vector<512xi32>
    %sign3A_579 = arith.constant 0 : i32
    %sign3A_580 = vector.broadcast %sign3A_579 : i32 to vector<512xi32>
    %sign3A_581 = arith.cmpi slt, %reduce_min3A_564, %sign3A_580 : vector<512xi32>
    %sign3A_582 = arith.extui %sign3A_581 : vector<512xi1> to vector<512xi32>
    %sign3A_583 = arith.subi %sign3A_578, %sign3A_582 : vector<512xi32>
    %sign3A_584 = arith.constant 0 : i32
    %sign3A_585 = arith.cmpi sgt, %jit3A_572, %sign3A_584 : i32
    %sign3A_586 = arith.extui %sign3A_585 : i1 to i32
    %sign3A_587 = arith.constant 0 : i32
    %sign3A_588 = arith.cmpi slt, %jit3A_572, %sign3A_587 : i32
    %sign3A_589 = arith.extui %sign3A_588 : i1 to i32
    %sign3A_590 = arith.subi %sign3A_586, %sign3A_589 : i32
    %ne3A_591 = vector.broadcast %sign3A_590 : i32 to vector<512xi32>
    %ne3A_592 = arith.cmpi ne, %sign3A_583, %ne3A_591 : vector<512xi32>
    %rem3A_593 = vector.broadcast %jit3A_572 : i32 to vector<512xi32>
    %rem3A_594 = arith.remsi %reduce_min3A_564, %rem3A_593 : vector<512xi32>
    %ne3A_595 = arith.constant 0 : i32
    %ne3A_596 = vector.broadcast %ne3A_595 : i32 to vector<512xi32>
    %ne3A_597 = arith.cmpi ne, %rem3A_594, %ne3A_596 : vector<512xi32>
    %and3A_598 = arith.andi %ne3A_592, %ne3A_597 : vector<512xi1>
    %sub3A_599 = arith.constant 1 : i32
    %sub3A_600 = vector.broadcast %sub3A_599 : i32 to vector<512xi32>
    %sub3A_601 = arith.subi %div3A_574, %sub3A_600 : vector<512xi32>
    %select_n3A_602 = arith.select %and3A_598, %sub3A_601, %div3A_574 : vector<512xi1>, vector<512xi32>
    %broadcast_in_dim3A_603 = vector.shape_cast %select_n3A_602 : vector<512xi32> to vector<1x512xi32>
    %eq3A_604 = vector.broadcast %broadcast_in_dim3A_603 : vector<1x512xi32> to vector<64x512xi32>
    %eq3A_605 = arith.cmpi eq, %iota3A_21, %eq3A_604 : vector<64x512xi32>
    %add3A_606 = arith.constant 1 : i32
    %add3A_607 = vector.broadcast %add3A_606 : i32 to vector<64x512xi32>
    %add3A_608 = arith.addi %select_n3A_513, %add3A_607 : vector<64x512xi32>
    %select_n3A_609 = arith.select %eq3A_605, %add3A_608, %select_n3A_513 : vector<64x512xi1>, vector<64x512xi32>
    %broadcast_in_dim3A_610 = arith.constant 0x7F800000 : f32
    %broadcast_in_dim3A_611 = vector.broadcast %broadcast_in_dim3A_610 : f32 to vector<64x512xf32>
    %broadcast_in_dim3A_612 = arith.constant 2048 : i32
    %broadcast_in_dim3A_613 = vector.broadcast %broadcast_in_dim3A_612 : i32 to vector<64x512xi32>
    %eq3A_614 = arith.constant 1 : i32
    %eq3A_615 = vector.broadcast %eq3A_614 : i32 to vector<64x512xi32>
    %eq3A_616 = arith.cmpi eq, %select_n3A_609, %eq3A_615 : vector<64x512xi32>
    %select_n3A_617 = arith.select %eq3A_616, %reduce_min3A_39, %broadcast_in_dim3A_611 : vector<64x512xi1>, vector<64x512xf32>
    %select_n3A_618 = arith.select %eq3A_616, %add3A_51, %broadcast_in_dim3A_613 : vector<64x512xi1>, vector<64x512xi32>
    %eq3A_619 = arith.constant 2 : i32
    %eq3A_620 = vector.broadcast %eq3A_619 : i32 to vector<64x512xi32>
    %eq3A_621 = arith.cmpi eq, %select_n3A_609, %eq3A_620 : vector<64x512xi32>
    %select_n3A_622 = arith.select %eq3A_621, %reduce_min3A_59, %select_n3A_617 : vector<64x512xi1>, vector<64x512xf32>
    %select_n3A_623 = arith.select %eq3A_621, %add3A_71, %select_n3A_618 : vector<64x512xi1>, vector<64x512xi32>
    %eq3A_624 = arith.constant 3 : i32
    %eq3A_625 = vector.broadcast %eq3A_624 : i32 to vector<64x512xi32>
    %eq3A_626 = arith.cmpi eq, %select_n3A_609, %eq3A_625 : vector<64x512xi32>
    %select_n3A_627 = arith.select %eq3A_626, %reduce_min3A_79, %select_n3A_622 : vector<64x512xi1>, vector<64x512xf32>
    %select_n3A_628 = arith.select %eq3A_626, %add3A_91, %select_n3A_623 : vector<64x512xi1>, vector<64x512xi32>
    %eq3A_629 = arith.constant 4 : i32
    %eq3A_630 = vector.broadcast %eq3A_629 : i32 to vector<64x512xi32>
    %eq3A_631 = arith.cmpi eq, %select_n3A_609, %eq3A_630 : vector<64x512xi32>
    %select_n3A_632 = arith.select %eq3A_631, %reduce_min3A_99, %select_n3A_627 : vector<64x512xi1>, vector<64x512xf32>
    %select_n3A_633 = arith.select %eq3A_631, %add3A_111, %select_n3A_628 : vector<64x512xi1>, vector<64x512xi32>
    %eq3A_634 = arith.constant 5 : i32
    %eq3A_635 = vector.broadcast %eq3A_634 : i32 to vector<64x512xi32>
    %eq3A_636 = arith.cmpi eq, %select_n3A_609, %eq3A_635 : vector<64x512xi32>
    %select_n3A_637 = arith.select %eq3A_636, %reduce_min3A_119, %select_n3A_632 : vector<64x512xi1>, vector<64x512xf32>
    %select_n3A_638 = arith.select %eq3A_636, %add3A_131, %select_n3A_633 : vector<64x512xi1>, vector<64x512xi32>
    %eq3A_639 = arith.constant 6 : i32
    %eq3A_640 = vector.broadcast %eq3A_639 : i32 to vector<64x512xi32>
    %eq3A_641 = arith.cmpi eq, %select_n3A_609, %eq3A_640 : vector<64x512xi32>
    %select_n3A_642 = arith.select %eq3A_641, %reduce_min3A_139, %select_n3A_637 : vector<64x512xi1>, vector<64x512xf32>
    %select_n3A_643 = arith.select %eq3A_641, %add3A_151, %select_n3A_638 : vector<64x512xi1>, vector<64x512xi32>
    %eq3A_644 = arith.constant 7 : i32
    %eq3A_645 = vector.broadcast %eq3A_644 : i32 to vector<64x512xi32>
    %eq3A_646 = arith.cmpi eq, %select_n3A_609, %eq3A_645 : vector<64x512xi32>
    %select_n3A_647 = arith.select %eq3A_646, %reduce_min3A_159, %select_n3A_642 : vector<64x512xi1>, vector<64x512xf32>
    %select_n3A_648 = arith.select %eq3A_646, %add3A_171, %select_n3A_643 : vector<64x512xi1>, vector<64x512xi32>
    %select_n3A_649 = arith.select %eq3A_605, %select_n3A_647, %select_n3A_553 : vector<64x512xi1>, vector<64x512xf32>
    %select_n3A_650 = arith.select %eq3A_605, %select_n3A_648, %select_n3A_554 : vector<64x512xi1>, vector<64x512xi32>
    %reduce_min3A_651 = arith.constant dense<0x7F800000> : vector<512xf32>
    %reduce_min3A_652 = vector.multi_reduction <minimumf>, %select_n3A_649, %reduce_min3A_651 [0] : vector<64x512xf32> to vector<512xf32>
    %broadcast_in_dim3A_653 = vector.shape_cast %reduce_min3A_652 : vector<512xf32> to vector<1x512xf32>
    %eq3A_654 = vector.broadcast %broadcast_in_dim3A_653 : vector<1x512xf32> to vector<64x512xf32>
    %eq3A_655 = arith.cmpf oeq, %select_n3A_649, %eq3A_654 : vector<64x512xf32>
    %jit3A_656 = arith.constant 2048 : i32
    %broadcast_in_dim3A_657 = vector.broadcast %jit3A_656 : i32 to vector<64x512xi32>
    %select_n3A_658 = arith.select %eq3A_655, %select_n3A_650, %broadcast_in_dim3A_657 : vector<64x512xi1>, vector<64x512xi32>
    %reduce_min3A_659 = arith.constant dense<2147483647> : vector<512xi32>
    %reduce_min3A_660 = vector.multi_reduction <minsi>, %select_n3A_658, %reduce_min3A_659 [0] : vector<64x512xi32> to vector<512xi32>
    %eq3A_661 = arith.constant 5 : i32
    %eq3A_662 = vector.broadcast %eq3A_661 : i32 to vector<32x512xi32>
    %eq3A_663 = arith.cmpi eq, %iota3A, %eq3A_662 : vector<32x512xi32>
    %broadcast_in_dim3A_664 = vector.shape_cast %reduce_min3A_660 : vector<512xi32> to vector<1x512xi32>
    %broadcast_in_dim3A_665 = vector.shape_cast %broadcast_in_dim3A_664 : vector<1x512xi32> to vector<1x512xi32>
    %broadcast_in_dim3A_666 = vector.broadcast %broadcast_in_dim3A_665 : vector<1x512xi32> to vector<32x512xi32>
    %select_n3A_667 = arith.select %eq3A_663, %broadcast_in_dim3A_666, %select_n3A_571 : vector<32x512xi1>, vector<32x512xi32>
    %jit3A_668 = arith.constant 32 : i32
    %div3A_669 = vector.broadcast %jit3A_668 : i32 to vector<512xi32>
    %div3A_670 = arith.divsi %reduce_min3A_660, %div3A_669 : vector<512xi32>
    %sign3A_671 = arith.constant 0 : i32
    %sign3A_672 = vector.broadcast %sign3A_671 : i32 to vector<512xi32>
    %sign3A_673 = arith.cmpi sgt, %reduce_min3A_660, %sign3A_672 : vector<512xi32>
    %sign3A_674 = arith.extui %sign3A_673 : vector<512xi1> to vector<512xi32>
    %sign3A_675 = arith.constant 0 : i32
    %sign3A_676 = vector.broadcast %sign3A_675 : i32 to vector<512xi32>
    %sign3A_677 = arith.cmpi slt, %reduce_min3A_660, %sign3A_676 : vector<512xi32>
    %sign3A_678 = arith.extui %sign3A_677 : vector<512xi1> to vector<512xi32>
    %sign3A_679 = arith.subi %sign3A_674, %sign3A_678 : vector<512xi32>
    %sign3A_680 = arith.constant 0 : i32
    %sign3A_681 = arith.cmpi sgt, %jit3A_668, %sign3A_680 : i32
    %sign3A_682 = arith.extui %sign3A_681 : i1 to i32
    %sign3A_683 = arith.constant 0 : i32
    %sign3A_684 = arith.cmpi slt, %jit3A_668, %sign3A_683 : i32
    %sign3A_685 = arith.extui %sign3A_684 : i1 to i32
    %sign3A_686 = arith.subi %sign3A_682, %sign3A_685 : i32
    %ne3A_687 = vector.broadcast %sign3A_686 : i32 to vector<512xi32>
    %ne3A_688 = arith.cmpi ne, %sign3A_679, %ne3A_687 : vector<512xi32>
    %rem3A_689 = vector.broadcast %jit3A_668 : i32 to vector<512xi32>
    %rem3A_690 = arith.remsi %reduce_min3A_660, %rem3A_689 : vector<512xi32>
    %ne3A_691 = arith.constant 0 : i32
    %ne3A_692 = vector.broadcast %ne3A_691 : i32 to vector<512xi32>
    %ne3A_693 = arith.cmpi ne, %rem3A_690, %ne3A_692 : vector<512xi32>
    %and3A_694 = arith.andi %ne3A_688, %ne3A_693 : vector<512xi1>
    %sub3A_695 = arith.constant 1 : i32
    %sub3A_696 = vector.broadcast %sub3A_695 : i32 to vector<512xi32>
    %sub3A_697 = arith.subi %div3A_670, %sub3A_696 : vector<512xi32>
    %select_n3A_698 = arith.select %and3A_694, %sub3A_697, %div3A_670 : vector<512xi1>, vector<512xi32>
    %broadcast_in_dim3A_699 = vector.shape_cast %select_n3A_698 : vector<512xi32> to vector<1x512xi32>
    %eq3A_700 = vector.broadcast %broadcast_in_dim3A_699 : vector<1x512xi32> to vector<64x512xi32>
    %eq3A_701 = arith.cmpi eq, %iota3A_21, %eq3A_700 : vector<64x512xi32>
    %add3A_702 = arith.constant 1 : i32
    %add3A_703 = vector.broadcast %add3A_702 : i32 to vector<64x512xi32>
    %add3A_704 = arith.addi %select_n3A_609, %add3A_703 : vector<64x512xi32>
    %select_n3A_705 = arith.select %eq3A_701, %add3A_704, %select_n3A_609 : vector<64x512xi1>, vector<64x512xi32>
    %broadcast_in_dim3A_706 = arith.constant 0x7F800000 : f32
    %broadcast_in_dim3A_707 = vector.broadcast %broadcast_in_dim3A_706 : f32 to vector<64x512xf32>
    %broadcast_in_dim3A_708 = arith.constant 2048 : i32
    %broadcast_in_dim3A_709 = vector.broadcast %broadcast_in_dim3A_708 : i32 to vector<64x512xi32>
    %eq3A_710 = arith.constant 1 : i32
    %eq3A_711 = vector.broadcast %eq3A_710 : i32 to vector<64x512xi32>
    %eq3A_712 = arith.cmpi eq, %select_n3A_705, %eq3A_711 : vector<64x512xi32>
    %select_n3A_713 = arith.select %eq3A_712, %reduce_min3A_39, %broadcast_in_dim3A_707 : vector<64x512xi1>, vector<64x512xf32>
    %select_n3A_714 = arith.select %eq3A_712, %add3A_51, %broadcast_in_dim3A_709 : vector<64x512xi1>, vector<64x512xi32>
    %eq3A_715 = arith.constant 2 : i32
    %eq3A_716 = vector.broadcast %eq3A_715 : i32 to vector<64x512xi32>
    %eq3A_717 = arith.cmpi eq, %select_n3A_705, %eq3A_716 : vector<64x512xi32>
    %select_n3A_718 = arith.select %eq3A_717, %reduce_min3A_59, %select_n3A_713 : vector<64x512xi1>, vector<64x512xf32>
    %select_n3A_719 = arith.select %eq3A_717, %add3A_71, %select_n3A_714 : vector<64x512xi1>, vector<64x512xi32>
    %eq3A_720 = arith.constant 3 : i32
    %eq3A_721 = vector.broadcast %eq3A_720 : i32 to vector<64x512xi32>
    %eq3A_722 = arith.cmpi eq, %select_n3A_705, %eq3A_721 : vector<64x512xi32>
    %select_n3A_723 = arith.select %eq3A_722, %reduce_min3A_79, %select_n3A_718 : vector<64x512xi1>, vector<64x512xf32>
    %select_n3A_724 = arith.select %eq3A_722, %add3A_91, %select_n3A_719 : vector<64x512xi1>, vector<64x512xi32>
    %eq3A_725 = arith.constant 4 : i32
    %eq3A_726 = vector.broadcast %eq3A_725 : i32 to vector<64x512xi32>
    %eq3A_727 = arith.cmpi eq, %select_n3A_705, %eq3A_726 : vector<64x512xi32>
    %select_n3A_728 = arith.select %eq3A_727, %reduce_min3A_99, %select_n3A_723 : vector<64x512xi1>, vector<64x512xf32>
    %select_n3A_729 = arith.select %eq3A_727, %add3A_111, %select_n3A_724 : vector<64x512xi1>, vector<64x512xi32>
    %eq3A_730 = arith.constant 5 : i32
    %eq3A_731 = vector.broadcast %eq3A_730 : i32 to vector<64x512xi32>
    %eq3A_732 = arith.cmpi eq, %select_n3A_705, %eq3A_731 : vector<64x512xi32>
    %select_n3A_733 = arith.select %eq3A_732, %reduce_min3A_119, %select_n3A_728 : vector<64x512xi1>, vector<64x512xf32>
    %select_n3A_734 = arith.select %eq3A_732, %add3A_131, %select_n3A_729 : vector<64x512xi1>, vector<64x512xi32>
    %eq3A_735 = arith.constant 6 : i32
    %eq3A_736 = vector.broadcast %eq3A_735 : i32 to vector<64x512xi32>
    %eq3A_737 = arith.cmpi eq, %select_n3A_705, %eq3A_736 : vector<64x512xi32>
    %select_n3A_738 = arith.select %eq3A_737, %reduce_min3A_139, %select_n3A_733 : vector<64x512xi1>, vector<64x512xf32>
    %select_n3A_739 = arith.select %eq3A_737, %add3A_151, %select_n3A_734 : vector<64x512xi1>, vector<64x512xi32>
    %eq3A_740 = arith.constant 7 : i32
    %eq3A_741 = vector.broadcast %eq3A_740 : i32 to vector<64x512xi32>
    %eq3A_742 = arith.cmpi eq, %select_n3A_705, %eq3A_741 : vector<64x512xi32>
    %select_n3A_743 = arith.select %eq3A_742, %reduce_min3A_159, %select_n3A_738 : vector<64x512xi1>, vector<64x512xf32>
    %select_n3A_744 = arith.select %eq3A_742, %add3A_171, %select_n3A_739 : vector<64x512xi1>, vector<64x512xi32>
    %select_n3A_745 = arith.select %eq3A_701, %select_n3A_743, %select_n3A_649 : vector<64x512xi1>, vector<64x512xf32>
    %select_n3A_746 = arith.select %eq3A_701, %select_n3A_744, %select_n3A_650 : vector<64x512xi1>, vector<64x512xi32>
    %reduce_min3A_747 = arith.constant dense<0x7F800000> : vector<512xf32>
    %reduce_min3A_748 = vector.multi_reduction <minimumf>, %select_n3A_745, %reduce_min3A_747 [0] : vector<64x512xf32> to vector<512xf32>
    %broadcast_in_dim3A_749 = vector.shape_cast %reduce_min3A_748 : vector<512xf32> to vector<1x512xf32>
    %eq3A_750 = vector.broadcast %broadcast_in_dim3A_749 : vector<1x512xf32> to vector<64x512xf32>
    %eq3A_751 = arith.cmpf oeq, %select_n3A_745, %eq3A_750 : vector<64x512xf32>
    %jit3A_752 = arith.constant 2048 : i32
    %broadcast_in_dim3A_753 = vector.broadcast %jit3A_752 : i32 to vector<64x512xi32>
    %select_n3A_754 = arith.select %eq3A_751, %select_n3A_746, %broadcast_in_dim3A_753 : vector<64x512xi1>, vector<64x512xi32>
    %reduce_min3A_755 = arith.constant dense<2147483647> : vector<512xi32>
    %reduce_min3A_756 = vector.multi_reduction <minsi>, %select_n3A_754, %reduce_min3A_755 [0] : vector<64x512xi32> to vector<512xi32>
    %eq3A_757 = arith.constant 6 : i32
    %eq3A_758 = vector.broadcast %eq3A_757 : i32 to vector<32x512xi32>
    %eq3A_759 = arith.cmpi eq, %iota3A, %eq3A_758 : vector<32x512xi32>
    %broadcast_in_dim3A_760 = vector.shape_cast %reduce_min3A_756 : vector<512xi32> to vector<1x512xi32>
    %broadcast_in_dim3A_761 = vector.shape_cast %broadcast_in_dim3A_760 : vector<1x512xi32> to vector<1x512xi32>
    %broadcast_in_dim3A_762 = vector.broadcast %broadcast_in_dim3A_761 : vector<1x512xi32> to vector<32x512xi32>
    %select_n3A_763 = arith.select %eq3A_759, %broadcast_in_dim3A_762, %select_n3A_667 : vector<32x512xi1>, vector<32x512xi32>
    %jit3A_764 = arith.constant 32 : i32
    %div3A_765 = vector.broadcast %jit3A_764 : i32 to vector<512xi32>
    %div3A_766 = arith.divsi %reduce_min3A_756, %div3A_765 : vector<512xi32>
    %sign3A_767 = arith.constant 0 : i32
    %sign3A_768 = vector.broadcast %sign3A_767 : i32 to vector<512xi32>
    %sign3A_769 = arith.cmpi sgt, %reduce_min3A_756, %sign3A_768 : vector<512xi32>
    %sign3A_770 = arith.extui %sign3A_769 : vector<512xi1> to vector<512xi32>
    %sign3A_771 = arith.constant 0 : i32
    %sign3A_772 = vector.broadcast %sign3A_771 : i32 to vector<512xi32>
    %sign3A_773 = arith.cmpi slt, %reduce_min3A_756, %sign3A_772 : vector<512xi32>
    %sign3A_774 = arith.extui %sign3A_773 : vector<512xi1> to vector<512xi32>
    %sign3A_775 = arith.subi %sign3A_770, %sign3A_774 : vector<512xi32>
    %sign3A_776 = arith.constant 0 : i32
    %sign3A_777 = arith.cmpi sgt, %jit3A_764, %sign3A_776 : i32
    %sign3A_778 = arith.extui %sign3A_777 : i1 to i32
    %sign3A_779 = arith.constant 0 : i32
    %sign3A_780 = arith.cmpi slt, %jit3A_764, %sign3A_779 : i32
    %sign3A_781 = arith.extui %sign3A_780 : i1 to i32
    %sign3A_782 = arith.subi %sign3A_778, %sign3A_781 : i32
    %ne3A_783 = vector.broadcast %sign3A_782 : i32 to vector<512xi32>
    %ne3A_784 = arith.cmpi ne, %sign3A_775, %ne3A_783 : vector<512xi32>
    %rem3A_785 = vector.broadcast %jit3A_764 : i32 to vector<512xi32>
    %rem3A_786 = arith.remsi %reduce_min3A_756, %rem3A_785 : vector<512xi32>
    %ne3A_787 = arith.constant 0 : i32
    %ne3A_788 = vector.broadcast %ne3A_787 : i32 to vector<512xi32>
    %ne3A_789 = arith.cmpi ne, %rem3A_786, %ne3A_788 : vector<512xi32>
    %and3A_790 = arith.andi %ne3A_784, %ne3A_789 : vector<512xi1>
    %sub3A_791 = arith.constant 1 : i32
    %sub3A_792 = vector.broadcast %sub3A_791 : i32 to vector<512xi32>
    %sub3A_793 = arith.subi %div3A_766, %sub3A_792 : vector<512xi32>
    %select_n3A_794 = arith.select %and3A_790, %sub3A_793, %div3A_766 : vector<512xi1>, vector<512xi32>
    %broadcast_in_dim3A_795 = vector.shape_cast %select_n3A_794 : vector<512xi32> to vector<1x512xi32>
    %eq3A_796 = vector.broadcast %broadcast_in_dim3A_795 : vector<1x512xi32> to vector<64x512xi32>
    %eq3A_797 = arith.cmpi eq, %iota3A_21, %eq3A_796 : vector<64x512xi32>
    %add3A_798 = arith.constant 1 : i32
    %add3A_799 = vector.broadcast %add3A_798 : i32 to vector<64x512xi32>
    %add3A_800 = arith.addi %select_n3A_705, %add3A_799 : vector<64x512xi32>
    %select_n3A_801 = arith.select %eq3A_797, %add3A_800, %select_n3A_705 : vector<64x512xi1>, vector<64x512xi32>
    %broadcast_in_dim3A_802 = arith.constant 0x7F800000 : f32
    %broadcast_in_dim3A_803 = vector.broadcast %broadcast_in_dim3A_802 : f32 to vector<64x512xf32>
    %broadcast_in_dim3A_804 = arith.constant 2048 : i32
    %broadcast_in_dim3A_805 = vector.broadcast %broadcast_in_dim3A_804 : i32 to vector<64x512xi32>
    %eq3A_806 = arith.constant 1 : i32
    %eq3A_807 = vector.broadcast %eq3A_806 : i32 to vector<64x512xi32>
    %eq3A_808 = arith.cmpi eq, %select_n3A_801, %eq3A_807 : vector<64x512xi32>
    %select_n3A_809 = arith.select %eq3A_808, %reduce_min3A_39, %broadcast_in_dim3A_803 : vector<64x512xi1>, vector<64x512xf32>
    %select_n3A_810 = arith.select %eq3A_808, %add3A_51, %broadcast_in_dim3A_805 : vector<64x512xi1>, vector<64x512xi32>
    %eq3A_811 = arith.constant 2 : i32
    %eq3A_812 = vector.broadcast %eq3A_811 : i32 to vector<64x512xi32>
    %eq3A_813 = arith.cmpi eq, %select_n3A_801, %eq3A_812 : vector<64x512xi32>
    %select_n3A_814 = arith.select %eq3A_813, %reduce_min3A_59, %select_n3A_809 : vector<64x512xi1>, vector<64x512xf32>
    %select_n3A_815 = arith.select %eq3A_813, %add3A_71, %select_n3A_810 : vector<64x512xi1>, vector<64x512xi32>
    %eq3A_816 = arith.constant 3 : i32
    %eq3A_817 = vector.broadcast %eq3A_816 : i32 to vector<64x512xi32>
    %eq3A_818 = arith.cmpi eq, %select_n3A_801, %eq3A_817 : vector<64x512xi32>
    %select_n3A_819 = arith.select %eq3A_818, %reduce_min3A_79, %select_n3A_814 : vector<64x512xi1>, vector<64x512xf32>
    %select_n3A_820 = arith.select %eq3A_818, %add3A_91, %select_n3A_815 : vector<64x512xi1>, vector<64x512xi32>
    %eq3A_821 = arith.constant 4 : i32
    %eq3A_822 = vector.broadcast %eq3A_821 : i32 to vector<64x512xi32>
    %eq3A_823 = arith.cmpi eq, %select_n3A_801, %eq3A_822 : vector<64x512xi32>
    %select_n3A_824 = arith.select %eq3A_823, %reduce_min3A_99, %select_n3A_819 : vector<64x512xi1>, vector<64x512xf32>
    %select_n3A_825 = arith.select %eq3A_823, %add3A_111, %select_n3A_820 : vector<64x512xi1>, vector<64x512xi32>
    %eq3A_826 = arith.constant 5 : i32
    %eq3A_827 = vector.broadcast %eq3A_826 : i32 to vector<64x512xi32>
    %eq3A_828 = arith.cmpi eq, %select_n3A_801, %eq3A_827 : vector<64x512xi32>
    %select_n3A_829 = arith.select %eq3A_828, %reduce_min3A_119, %select_n3A_824 : vector<64x512xi1>, vector<64x512xf32>
    %select_n3A_830 = arith.select %eq3A_828, %add3A_131, %select_n3A_825 : vector<64x512xi1>, vector<64x512xi32>
    %eq3A_831 = arith.constant 6 : i32
    %eq3A_832 = vector.broadcast %eq3A_831 : i32 to vector<64x512xi32>
    %eq3A_833 = arith.cmpi eq, %select_n3A_801, %eq3A_832 : vector<64x512xi32>
    %select_n3A_834 = arith.select %eq3A_833, %reduce_min3A_139, %select_n3A_829 : vector<64x512xi1>, vector<64x512xf32>
    %select_n3A_835 = arith.select %eq3A_833, %add3A_151, %select_n3A_830 : vector<64x512xi1>, vector<64x512xi32>
    %eq3A_836 = arith.constant 7 : i32
    %eq3A_837 = vector.broadcast %eq3A_836 : i32 to vector<64x512xi32>
    %eq3A_838 = arith.cmpi eq, %select_n3A_801, %eq3A_837 : vector<64x512xi32>
    %select_n3A_839 = arith.select %eq3A_838, %reduce_min3A_159, %select_n3A_834 : vector<64x512xi1>, vector<64x512xf32>
    %select_n3A_840 = arith.select %eq3A_838, %add3A_171, %select_n3A_835 : vector<64x512xi1>, vector<64x512xi32>
    %select_n3A_841 = arith.select %eq3A_797, %select_n3A_839, %select_n3A_745 : vector<64x512xi1>, vector<64x512xf32>
    %select_n3A_842 = arith.select %eq3A_797, %select_n3A_840, %select_n3A_746 : vector<64x512xi1>, vector<64x512xi32>
    %reduce_min3A_843 = arith.constant dense<0x7F800000> : vector<512xf32>
    %reduce_min3A_844 = vector.multi_reduction <minimumf>, %select_n3A_841, %reduce_min3A_843 [0] : vector<64x512xf32> to vector<512xf32>
    %broadcast_in_dim3A_845 = vector.shape_cast %reduce_min3A_844 : vector<512xf32> to vector<1x512xf32>
    %eq3A_846 = vector.broadcast %broadcast_in_dim3A_845 : vector<1x512xf32> to vector<64x512xf32>
    %eq3A_847 = arith.cmpf oeq, %select_n3A_841, %eq3A_846 : vector<64x512xf32>
    %jit3A_848 = arith.constant 2048 : i32
    %broadcast_in_dim3A_849 = vector.broadcast %jit3A_848 : i32 to vector<64x512xi32>
    %select_n3A_850 = arith.select %eq3A_847, %select_n3A_842, %broadcast_in_dim3A_849 : vector<64x512xi1>, vector<64x512xi32>
    %reduce_min3A_851 = arith.constant dense<2147483647> : vector<512xi32>
    %reduce_min3A_852 = vector.multi_reduction <minsi>, %select_n3A_850, %reduce_min3A_851 [0] : vector<64x512xi32> to vector<512xi32>
    %eq3A_853 = arith.constant 7 : i32
    %eq3A_854 = vector.broadcast %eq3A_853 : i32 to vector<32x512xi32>
    %eq3A_855 = arith.cmpi eq, %iota3A, %eq3A_854 : vector<32x512xi32>
    %broadcast_in_dim3A_856 = vector.shape_cast %reduce_min3A_852 : vector<512xi32> to vector<1x512xi32>
    %broadcast_in_dim3A_857 = vector.shape_cast %broadcast_in_dim3A_856 : vector<1x512xi32> to vector<1x512xi32>
    %broadcast_in_dim3A_858 = vector.broadcast %broadcast_in_dim3A_857 : vector<1x512xi32> to vector<32x512xi32>
    %select_n3A_859 = arith.select %eq3A_855, %broadcast_in_dim3A_858, %select_n3A_763 : vector<32x512xi1>, vector<32x512xi32>
    %jit3A_860 = arith.constant 32 : i32
    %div3A_861 = vector.broadcast %jit3A_860 : i32 to vector<512xi32>
    %div3A_862 = arith.divsi %reduce_min3A_852, %div3A_861 : vector<512xi32>
    %sign3A_863 = arith.constant 0 : i32
    %sign3A_864 = vector.broadcast %sign3A_863 : i32 to vector<512xi32>
    %sign3A_865 = arith.cmpi sgt, %reduce_min3A_852, %sign3A_864 : vector<512xi32>
    %sign3A_866 = arith.extui %sign3A_865 : vector<512xi1> to vector<512xi32>
    %sign3A_867 = arith.constant 0 : i32
    %sign3A_868 = vector.broadcast %sign3A_867 : i32 to vector<512xi32>
    %sign3A_869 = arith.cmpi slt, %reduce_min3A_852, %sign3A_868 : vector<512xi32>
    %sign3A_870 = arith.extui %sign3A_869 : vector<512xi1> to vector<512xi32>
    %sign3A_871 = arith.subi %sign3A_866, %sign3A_870 : vector<512xi32>
    %sign3A_872 = arith.constant 0 : i32
    %sign3A_873 = arith.cmpi sgt, %jit3A_860, %sign3A_872 : i32
    %sign3A_874 = arith.extui %sign3A_873 : i1 to i32
    %sign3A_875 = arith.constant 0 : i32
    %sign3A_876 = arith.cmpi slt, %jit3A_860, %sign3A_875 : i32
    %sign3A_877 = arith.extui %sign3A_876 : i1 to i32
    %sign3A_878 = arith.subi %sign3A_874, %sign3A_877 : i32
    %ne3A_879 = vector.broadcast %sign3A_878 : i32 to vector<512xi32>
    %ne3A_880 = arith.cmpi ne, %sign3A_871, %ne3A_879 : vector<512xi32>
    %rem3A_881 = vector.broadcast %jit3A_860 : i32 to vector<512xi32>
    %rem3A_882 = arith.remsi %reduce_min3A_852, %rem3A_881 : vector<512xi32>
    %ne3A_883 = arith.constant 0 : i32
    %ne3A_884 = vector.broadcast %ne3A_883 : i32 to vector<512xi32>
    %ne3A_885 = arith.cmpi ne, %rem3A_882, %ne3A_884 : vector<512xi32>
    %and3A_886 = arith.andi %ne3A_880, %ne3A_885 : vector<512xi1>
    %sub3A_887 = arith.constant 1 : i32
    %sub3A_888 = vector.broadcast %sub3A_887 : i32 to vector<512xi32>
    %sub3A_889 = arith.subi %div3A_862, %sub3A_888 : vector<512xi32>
    %select_n3A_890 = arith.select %and3A_886, %sub3A_889, %div3A_862 : vector<512xi1>, vector<512xi32>
    %broadcast_in_dim3A_891 = vector.shape_cast %select_n3A_890 : vector<512xi32> to vector<1x512xi32>
    %eq3A_892 = vector.broadcast %broadcast_in_dim3A_891 : vector<1x512xi32> to vector<64x512xi32>
    %eq3A_893 = arith.cmpi eq, %iota3A_21, %eq3A_892 : vector<64x512xi32>
    %add3A_894 = arith.constant 1 : i32
    %add3A_895 = vector.broadcast %add3A_894 : i32 to vector<64x512xi32>
    %add3A_896 = arith.addi %select_n3A_801, %add3A_895 : vector<64x512xi32>
    %select_n3A_897 = arith.select %eq3A_893, %add3A_896, %select_n3A_801 : vector<64x512xi1>, vector<64x512xi32>
    %broadcast_in_dim3A_898 = arith.constant 0x7F800000 : f32
    %broadcast_in_dim3A_899 = vector.broadcast %broadcast_in_dim3A_898 : f32 to vector<64x512xf32>
    %broadcast_in_dim3A_900 = arith.constant 2048 : i32
    %broadcast_in_dim3A_901 = vector.broadcast %broadcast_in_dim3A_900 : i32 to vector<64x512xi32>
    %eq3A_902 = arith.constant 1 : i32
    %eq3A_903 = vector.broadcast %eq3A_902 : i32 to vector<64x512xi32>
    %eq3A_904 = arith.cmpi eq, %select_n3A_897, %eq3A_903 : vector<64x512xi32>
    %select_n3A_905 = arith.select %eq3A_904, %reduce_min3A_39, %broadcast_in_dim3A_899 : vector<64x512xi1>, vector<64x512xf32>
    %select_n3A_906 = arith.select %eq3A_904, %add3A_51, %broadcast_in_dim3A_901 : vector<64x512xi1>, vector<64x512xi32>
    %eq3A_907 = arith.constant 2 : i32
    %eq3A_908 = vector.broadcast %eq3A_907 : i32 to vector<64x512xi32>
    %eq3A_909 = arith.cmpi eq, %select_n3A_897, %eq3A_908 : vector<64x512xi32>
    %select_n3A_910 = arith.select %eq3A_909, %reduce_min3A_59, %select_n3A_905 : vector<64x512xi1>, vector<64x512xf32>
    %select_n3A_911 = arith.select %eq3A_909, %add3A_71, %select_n3A_906 : vector<64x512xi1>, vector<64x512xi32>
    %eq3A_912 = arith.constant 3 : i32
    %eq3A_913 = vector.broadcast %eq3A_912 : i32 to vector<64x512xi32>
    %eq3A_914 = arith.cmpi eq, %select_n3A_897, %eq3A_913 : vector<64x512xi32>
    %select_n3A_915 = arith.select %eq3A_914, %reduce_min3A_79, %select_n3A_910 : vector<64x512xi1>, vector<64x512xf32>
    %select_n3A_916 = arith.select %eq3A_914, %add3A_91, %select_n3A_911 : vector<64x512xi1>, vector<64x512xi32>
    %eq3A_917 = arith.constant 4 : i32
    %eq3A_918 = vector.broadcast %eq3A_917 : i32 to vector<64x512xi32>
    %eq3A_919 = arith.cmpi eq, %select_n3A_897, %eq3A_918 : vector<64x512xi32>
    %select_n3A_920 = arith.select %eq3A_919, %reduce_min3A_99, %select_n3A_915 : vector<64x512xi1>, vector<64x512xf32>
    %select_n3A_921 = arith.select %eq3A_919, %add3A_111, %select_n3A_916 : vector<64x512xi1>, vector<64x512xi32>
    %eq3A_922 = arith.constant 5 : i32
    %eq3A_923 = vector.broadcast %eq3A_922 : i32 to vector<64x512xi32>
    %eq3A_924 = arith.cmpi eq, %select_n3A_897, %eq3A_923 : vector<64x512xi32>
    %select_n3A_925 = arith.select %eq3A_924, %reduce_min3A_119, %select_n3A_920 : vector<64x512xi1>, vector<64x512xf32>
    %select_n3A_926 = arith.select %eq3A_924, %add3A_131, %select_n3A_921 : vector<64x512xi1>, vector<64x512xi32>
    %eq3A_927 = arith.constant 6 : i32
    %eq3A_928 = vector.broadcast %eq3A_927 : i32 to vector<64x512xi32>
    %eq3A_929 = arith.cmpi eq, %select_n3A_897, %eq3A_928 : vector<64x512xi32>
    %select_n3A_930 = arith.select %eq3A_929, %reduce_min3A_139, %select_n3A_925 : vector<64x512xi1>, vector<64x512xf32>
    %select_n3A_931 = arith.select %eq3A_929, %add3A_151, %select_n3A_926 : vector<64x512xi1>, vector<64x512xi32>
    %eq3A_932 = arith.constant 7 : i32
    %eq3A_933 = vector.broadcast %eq3A_932 : i32 to vector<64x512xi32>
    %eq3A_934 = arith.cmpi eq, %select_n3A_897, %eq3A_933 : vector<64x512xi32>
    %select_n3A_935 = arith.select %eq3A_934, %reduce_min3A_159, %select_n3A_930 : vector<64x512xi1>, vector<64x512xf32>
    %select_n3A_936 = arith.select %eq3A_934, %add3A_171, %select_n3A_931 : vector<64x512xi1>, vector<64x512xi32>
    %select_n3A_937 = arith.select %eq3A_893, %select_n3A_935, %select_n3A_841 : vector<64x512xi1>, vector<64x512xf32>
    %select_n3A_938 = arith.select %eq3A_893, %select_n3A_936, %select_n3A_842 : vector<64x512xi1>, vector<64x512xi32>
    %reduce_min3A_939 = arith.constant dense<0x7F800000> : vector<512xf32>
    %reduce_min3A_940 = vector.multi_reduction <minimumf>, %select_n3A_937, %reduce_min3A_939 [0] : vector<64x512xf32> to vector<512xf32>
    %broadcast_in_dim3A_941 = vector.shape_cast %reduce_min3A_940 : vector<512xf32> to vector<1x512xf32>
    %eq3A_942 = vector.broadcast %broadcast_in_dim3A_941 : vector<1x512xf32> to vector<64x512xf32>
    %eq3A_943 = arith.cmpf oeq, %select_n3A_937, %eq3A_942 : vector<64x512xf32>
    %jit3A_944 = arith.constant 2048 : i32
    %broadcast_in_dim3A_945 = vector.broadcast %jit3A_944 : i32 to vector<64x512xi32>
    %select_n3A_946 = arith.select %eq3A_943, %select_n3A_938, %broadcast_in_dim3A_945 : vector<64x512xi1>, vector<64x512xi32>
    %reduce_min3A_947 = arith.constant dense<2147483647> : vector<512xi32>
    %reduce_min3A_948 = vector.multi_reduction <minsi>, %select_n3A_946, %reduce_min3A_947 [0] : vector<64x512xi32> to vector<512xi32>
    %eq3A_949 = arith.constant 8 : i32
    %eq3A_950 = vector.broadcast %eq3A_949 : i32 to vector<32x512xi32>
    %eq3A_951 = arith.cmpi eq, %iota3A, %eq3A_950 : vector<32x512xi32>
    %broadcast_in_dim3A_952 = vector.shape_cast %reduce_min3A_948 : vector<512xi32> to vector<1x512xi32>
    %broadcast_in_dim3A_953 = vector.shape_cast %broadcast_in_dim3A_952 : vector<1x512xi32> to vector<1x512xi32>
    %broadcast_in_dim3A_954 = vector.broadcast %broadcast_in_dim3A_953 : vector<1x512xi32> to vector<32x512xi32>
    %select_n3A_955 = arith.select %eq3A_951, %broadcast_in_dim3A_954, %select_n3A_859 : vector<32x512xi1>, vector<32x512xi32>
    %jit3A_956 = arith.constant 32 : i32
    %div3A_957 = vector.broadcast %jit3A_956 : i32 to vector<512xi32>
    %div3A_958 = arith.divsi %reduce_min3A_948, %div3A_957 : vector<512xi32>
    %sign3A_959 = arith.constant 0 : i32
    %sign3A_960 = vector.broadcast %sign3A_959 : i32 to vector<512xi32>
    %sign3A_961 = arith.cmpi sgt, %reduce_min3A_948, %sign3A_960 : vector<512xi32>
    %sign3A_962 = arith.extui %sign3A_961 : vector<512xi1> to vector<512xi32>
    %sign3A_963 = arith.constant 0 : i32
    %sign3A_964 = vector.broadcast %sign3A_963 : i32 to vector<512xi32>
    %sign3A_965 = arith.cmpi slt, %reduce_min3A_948, %sign3A_964 : vector<512xi32>
    %sign3A_966 = arith.extui %sign3A_965 : vector<512xi1> to vector<512xi32>
    %sign3A_967 = arith.subi %sign3A_962, %sign3A_966 : vector<512xi32>
    %sign3A_968 = arith.constant 0 : i32
    %sign3A_969 = arith.cmpi sgt, %jit3A_956, %sign3A_968 : i32
    %sign3A_970 = arith.extui %sign3A_969 : i1 to i32
    %sign3A_971 = arith.constant 0 : i32
    %sign3A_972 = arith.cmpi slt, %jit3A_956, %sign3A_971 : i32
    %sign3A_973 = arith.extui %sign3A_972 : i1 to i32
    %sign3A_974 = arith.subi %sign3A_970, %sign3A_973 : i32
    %ne3A_975 = vector.broadcast %sign3A_974 : i32 to vector<512xi32>
    %ne3A_976 = arith.cmpi ne, %sign3A_967, %ne3A_975 : vector<512xi32>
    %rem3A_977 = vector.broadcast %jit3A_956 : i32 to vector<512xi32>
    %rem3A_978 = arith.remsi %reduce_min3A_948, %rem3A_977 : vector<512xi32>
    %ne3A_979 = arith.constant 0 : i32
    %ne3A_980 = vector.broadcast %ne3A_979 : i32 to vector<512xi32>
    %ne3A_981 = arith.cmpi ne, %rem3A_978, %ne3A_980 : vector<512xi32>
    %and3A_982 = arith.andi %ne3A_976, %ne3A_981 : vector<512xi1>
    %sub3A_983 = arith.constant 1 : i32
    %sub3A_984 = vector.broadcast %sub3A_983 : i32 to vector<512xi32>
    %sub3A_985 = arith.subi %div3A_958, %sub3A_984 : vector<512xi32>
    %select_n3A_986 = arith.select %and3A_982, %sub3A_985, %div3A_958 : vector<512xi1>, vector<512xi32>
    %broadcast_in_dim3A_987 = vector.shape_cast %select_n3A_986 : vector<512xi32> to vector<1x512xi32>
    %eq3A_988 = vector.broadcast %broadcast_in_dim3A_987 : vector<1x512xi32> to vector<64x512xi32>
    %eq3A_989 = arith.cmpi eq, %iota3A_21, %eq3A_988 : vector<64x512xi32>
    %add3A_990 = arith.constant 1 : i32
    %add3A_991 = vector.broadcast %add3A_990 : i32 to vector<64x512xi32>
    %add3A_992 = arith.addi %select_n3A_897, %add3A_991 : vector<64x512xi32>
    %select_n3A_993 = arith.select %eq3A_989, %add3A_992, %select_n3A_897 : vector<64x512xi1>, vector<64x512xi32>
    %broadcast_in_dim3A_994 = arith.constant 0x7F800000 : f32
    %broadcast_in_dim3A_995 = vector.broadcast %broadcast_in_dim3A_994 : f32 to vector<64x512xf32>
    %broadcast_in_dim3A_996 = arith.constant 2048 : i32
    %broadcast_in_dim3A_997 = vector.broadcast %broadcast_in_dim3A_996 : i32 to vector<64x512xi32>
    %eq3A_998 = arith.constant 1 : i32
    %eq3A_999 = vector.broadcast %eq3A_998 : i32 to vector<64x512xi32>
    %eq3A_1000 = arith.cmpi eq, %select_n3A_993, %eq3A_999 : vector<64x512xi32>
    %select_n3A_1001 = arith.select %eq3A_1000, %reduce_min3A_39, %broadcast_in_dim3A_995 : vector<64x512xi1>, vector<64x512xf32>
    %select_n3A_1002 = arith.select %eq3A_1000, %add3A_51, %broadcast_in_dim3A_997 : vector<64x512xi1>, vector<64x512xi32>
    %eq3A_1003 = arith.constant 2 : i32
    %eq3A_1004 = vector.broadcast %eq3A_1003 : i32 to vector<64x512xi32>
    %eq3A_1005 = arith.cmpi eq, %select_n3A_993, %eq3A_1004 : vector<64x512xi32>
    %select_n3A_1006 = arith.select %eq3A_1005, %reduce_min3A_59, %select_n3A_1001 : vector<64x512xi1>, vector<64x512xf32>
    %select_n3A_1007 = arith.select %eq3A_1005, %add3A_71, %select_n3A_1002 : vector<64x512xi1>, vector<64x512xi32>
    %eq3A_1008 = arith.constant 3 : i32
    %eq3A_1009 = vector.broadcast %eq3A_1008 : i32 to vector<64x512xi32>
    %eq3A_1010 = arith.cmpi eq, %select_n3A_993, %eq3A_1009 : vector<64x512xi32>
    %select_n3A_1011 = arith.select %eq3A_1010, %reduce_min3A_79, %select_n3A_1006 : vector<64x512xi1>, vector<64x512xf32>
    %select_n3A_1012 = arith.select %eq3A_1010, %add3A_91, %select_n3A_1007 : vector<64x512xi1>, vector<64x512xi32>
    %eq3A_1013 = arith.constant 4 : i32
    %eq3A_1014 = vector.broadcast %eq3A_1013 : i32 to vector<64x512xi32>
    %eq3A_1015 = arith.cmpi eq, %select_n3A_993, %eq3A_1014 : vector<64x512xi32>
    %select_n3A_1016 = arith.select %eq3A_1015, %reduce_min3A_99, %select_n3A_1011 : vector<64x512xi1>, vector<64x512xf32>
    %select_n3A_1017 = arith.select %eq3A_1015, %add3A_111, %select_n3A_1012 : vector<64x512xi1>, vector<64x512xi32>
    %eq3A_1018 = arith.constant 5 : i32
    %eq3A_1019 = vector.broadcast %eq3A_1018 : i32 to vector<64x512xi32>
    %eq3A_1020 = arith.cmpi eq, %select_n3A_993, %eq3A_1019 : vector<64x512xi32>
    %select_n3A_1021 = arith.select %eq3A_1020, %reduce_min3A_119, %select_n3A_1016 : vector<64x512xi1>, vector<64x512xf32>
    %select_n3A_1022 = arith.select %eq3A_1020, %add3A_131, %select_n3A_1017 : vector<64x512xi1>, vector<64x512xi32>
    %eq3A_1023 = arith.constant 6 : i32
    %eq3A_1024 = vector.broadcast %eq3A_1023 : i32 to vector<64x512xi32>
    %eq3A_1025 = arith.cmpi eq, %select_n3A_993, %eq3A_1024 : vector<64x512xi32>
    %select_n3A_1026 = arith.select %eq3A_1025, %reduce_min3A_139, %select_n3A_1021 : vector<64x512xi1>, vector<64x512xf32>
    %select_n3A_1027 = arith.select %eq3A_1025, %add3A_151, %select_n3A_1022 : vector<64x512xi1>, vector<64x512xi32>
    %eq3A_1028 = arith.constant 7 : i32
    %eq3A_1029 = vector.broadcast %eq3A_1028 : i32 to vector<64x512xi32>
    %eq3A_1030 = arith.cmpi eq, %select_n3A_993, %eq3A_1029 : vector<64x512xi32>
    %select_n3A_1031 = arith.select %eq3A_1030, %reduce_min3A_159, %select_n3A_1026 : vector<64x512xi1>, vector<64x512xf32>
    %select_n3A_1032 = arith.select %eq3A_1030, %add3A_171, %select_n3A_1027 : vector<64x512xi1>, vector<64x512xi32>
    %select_n3A_1033 = arith.select %eq3A_989, %select_n3A_1031, %select_n3A_937 : vector<64x512xi1>, vector<64x512xf32>
    %select_n3A_1034 = arith.select %eq3A_989, %select_n3A_1032, %select_n3A_938 : vector<64x512xi1>, vector<64x512xi32>
    %reduce_min3A_1035 = arith.constant dense<0x7F800000> : vector<512xf32>
    %reduce_min3A_1036 = vector.multi_reduction <minimumf>, %select_n3A_1033, %reduce_min3A_1035 [0] : vector<64x512xf32> to vector<512xf32>
    %broadcast_in_dim3A_1037 = vector.shape_cast %reduce_min3A_1036 : vector<512xf32> to vector<1x512xf32>
    %eq3A_1038 = vector.broadcast %broadcast_in_dim3A_1037 : vector<1x512xf32> to vector<64x512xf32>
    %eq3A_1039 = arith.cmpf oeq, %select_n3A_1033, %eq3A_1038 : vector<64x512xf32>
    %jit3A_1040 = arith.constant 2048 : i32
    %broadcast_in_dim3A_1041 = vector.broadcast %jit3A_1040 : i32 to vector<64x512xi32>
    %select_n3A_1042 = arith.select %eq3A_1039, %select_n3A_1034, %broadcast_in_dim3A_1041 : vector<64x512xi1>, vector<64x512xi32>
    %reduce_min3A_1043 = arith.constant dense<2147483647> : vector<512xi32>
    %reduce_min3A_1044 = vector.multi_reduction <minsi>, %select_n3A_1042, %reduce_min3A_1043 [0] : vector<64x512xi32> to vector<512xi32>
    %eq3A_1045 = arith.constant 9 : i32
    %eq3A_1046 = vector.broadcast %eq3A_1045 : i32 to vector<32x512xi32>
    %eq3A_1047 = arith.cmpi eq, %iota3A, %eq3A_1046 : vector<32x512xi32>
    %broadcast_in_dim3A_1048 = vector.shape_cast %reduce_min3A_1044 : vector<512xi32> to vector<1x512xi32>
    %broadcast_in_dim3A_1049 = vector.shape_cast %broadcast_in_dim3A_1048 : vector<1x512xi32> to vector<1x512xi32>
    %broadcast_in_dim3A_1050 = vector.broadcast %broadcast_in_dim3A_1049 : vector<1x512xi32> to vector<32x512xi32>
    %select_n3A_1051 = arith.select %eq3A_1047, %broadcast_in_dim3A_1050, %select_n3A_955 : vector<32x512xi1>, vector<32x512xi32>
    %jit3A_1052 = arith.constant 32 : i32
    %div3A_1053 = vector.broadcast %jit3A_1052 : i32 to vector<512xi32>
    %div3A_1054 = arith.divsi %reduce_min3A_1044, %div3A_1053 : vector<512xi32>
    %sign3A_1055 = arith.constant 0 : i32
    %sign3A_1056 = vector.broadcast %sign3A_1055 : i32 to vector<512xi32>
    %sign3A_1057 = arith.cmpi sgt, %reduce_min3A_1044, %sign3A_1056 : vector<512xi32>
    %sign3A_1058 = arith.extui %sign3A_1057 : vector<512xi1> to vector<512xi32>
    %sign3A_1059 = arith.constant 0 : i32
    %sign3A_1060 = vector.broadcast %sign3A_1059 : i32 to vector<512xi32>
    %sign3A_1061 = arith.cmpi slt, %reduce_min3A_1044, %sign3A_1060 : vector<512xi32>
    %sign3A_1062 = arith.extui %sign3A_1061 : vector<512xi1> to vector<512xi32>
    %sign3A_1063 = arith.subi %sign3A_1058, %sign3A_1062 : vector<512xi32>
    %sign3A_1064 = arith.constant 0 : i32
    %sign3A_1065 = arith.cmpi sgt, %jit3A_1052, %sign3A_1064 : i32
    %sign3A_1066 = arith.extui %sign3A_1065 : i1 to i32
    %sign3A_1067 = arith.constant 0 : i32
    %sign3A_1068 = arith.cmpi slt, %jit3A_1052, %sign3A_1067 : i32
    %sign3A_1069 = arith.extui %sign3A_1068 : i1 to i32
    %sign3A_1070 = arith.subi %sign3A_1066, %sign3A_1069 : i32
    %ne3A_1071 = vector.broadcast %sign3A_1070 : i32 to vector<512xi32>
    %ne3A_1072 = arith.cmpi ne, %sign3A_1063, %ne3A_1071 : vector<512xi32>
    %rem3A_1073 = vector.broadcast %jit3A_1052 : i32 to vector<512xi32>
    %rem3A_1074 = arith.remsi %reduce_min3A_1044, %rem3A_1073 : vector<512xi32>
    %ne3A_1075 = arith.constant 0 : i32
    %ne3A_1076 = vector.broadcast %ne3A_1075 : i32 to vector<512xi32>
    %ne3A_1077 = arith.cmpi ne, %rem3A_1074, %ne3A_1076 : vector<512xi32>
    %and3A_1078 = arith.andi %ne3A_1072, %ne3A_1077 : vector<512xi1>
    %sub3A_1079 = arith.constant 1 : i32
    %sub3A_1080 = vector.broadcast %sub3A_1079 : i32 to vector<512xi32>
    %sub3A_1081 = arith.subi %div3A_1054, %sub3A_1080 : vector<512xi32>
    %select_n3A_1082 = arith.select %and3A_1078, %sub3A_1081, %div3A_1054 : vector<512xi1>, vector<512xi32>
    %broadcast_in_dim3A_1083 = vector.shape_cast %select_n3A_1082 : vector<512xi32> to vector<1x512xi32>
    %eq3A_1084 = vector.broadcast %broadcast_in_dim3A_1083 : vector<1x512xi32> to vector<64x512xi32>
    %eq3A_1085 = arith.cmpi eq, %iota3A_21, %eq3A_1084 : vector<64x512xi32>
    %add3A_1086 = arith.constant 1 : i32
    %add3A_1087 = vector.broadcast %add3A_1086 : i32 to vector<64x512xi32>
    %add3A_1088 = arith.addi %select_n3A_993, %add3A_1087 : vector<64x512xi32>
    %select_n3A_1089 = arith.select %eq3A_1085, %add3A_1088, %select_n3A_993 : vector<64x512xi1>, vector<64x512xi32>
    %broadcast_in_dim3A_1090 = arith.constant 0x7F800000 : f32
    %broadcast_in_dim3A_1091 = vector.broadcast %broadcast_in_dim3A_1090 : f32 to vector<64x512xf32>
    %broadcast_in_dim3A_1092 = arith.constant 2048 : i32
    %broadcast_in_dim3A_1093 = vector.broadcast %broadcast_in_dim3A_1092 : i32 to vector<64x512xi32>
    %eq3A_1094 = arith.constant 1 : i32
    %eq3A_1095 = vector.broadcast %eq3A_1094 : i32 to vector<64x512xi32>
    %eq3A_1096 = arith.cmpi eq, %select_n3A_1089, %eq3A_1095 : vector<64x512xi32>
    %select_n3A_1097 = arith.select %eq3A_1096, %reduce_min3A_39, %broadcast_in_dim3A_1091 : vector<64x512xi1>, vector<64x512xf32>
    %select_n3A_1098 = arith.select %eq3A_1096, %add3A_51, %broadcast_in_dim3A_1093 : vector<64x512xi1>, vector<64x512xi32>
    %eq3A_1099 = arith.constant 2 : i32
    %eq3A_1100 = vector.broadcast %eq3A_1099 : i32 to vector<64x512xi32>
    %eq3A_1101 = arith.cmpi eq, %select_n3A_1089, %eq3A_1100 : vector<64x512xi32>
    %select_n3A_1102 = arith.select %eq3A_1101, %reduce_min3A_59, %select_n3A_1097 : vector<64x512xi1>, vector<64x512xf32>
    %select_n3A_1103 = arith.select %eq3A_1101, %add3A_71, %select_n3A_1098 : vector<64x512xi1>, vector<64x512xi32>
    %eq3A_1104 = arith.constant 3 : i32
    %eq3A_1105 = vector.broadcast %eq3A_1104 : i32 to vector<64x512xi32>
    %eq3A_1106 = arith.cmpi eq, %select_n3A_1089, %eq3A_1105 : vector<64x512xi32>
    %select_n3A_1107 = arith.select %eq3A_1106, %reduce_min3A_79, %select_n3A_1102 : vector<64x512xi1>, vector<64x512xf32>
    %select_n3A_1108 = arith.select %eq3A_1106, %add3A_91, %select_n3A_1103 : vector<64x512xi1>, vector<64x512xi32>
    %eq3A_1109 = arith.constant 4 : i32
    %eq3A_1110 = vector.broadcast %eq3A_1109 : i32 to vector<64x512xi32>
    %eq3A_1111 = arith.cmpi eq, %select_n3A_1089, %eq3A_1110 : vector<64x512xi32>
    %select_n3A_1112 = arith.select %eq3A_1111, %reduce_min3A_99, %select_n3A_1107 : vector<64x512xi1>, vector<64x512xf32>
    %select_n3A_1113 = arith.select %eq3A_1111, %add3A_111, %select_n3A_1108 : vector<64x512xi1>, vector<64x512xi32>
    %eq3A_1114 = arith.constant 5 : i32
    %eq3A_1115 = vector.broadcast %eq3A_1114 : i32 to vector<64x512xi32>
    %eq3A_1116 = arith.cmpi eq, %select_n3A_1089, %eq3A_1115 : vector<64x512xi32>
    %select_n3A_1117 = arith.select %eq3A_1116, %reduce_min3A_119, %select_n3A_1112 : vector<64x512xi1>, vector<64x512xf32>
    %select_n3A_1118 = arith.select %eq3A_1116, %add3A_131, %select_n3A_1113 : vector<64x512xi1>, vector<64x512xi32>
    %eq3A_1119 = arith.constant 6 : i32
    %eq3A_1120 = vector.broadcast %eq3A_1119 : i32 to vector<64x512xi32>
    %eq3A_1121 = arith.cmpi eq, %select_n3A_1089, %eq3A_1120 : vector<64x512xi32>
    %select_n3A_1122 = arith.select %eq3A_1121, %reduce_min3A_139, %select_n3A_1117 : vector<64x512xi1>, vector<64x512xf32>
    %select_n3A_1123 = arith.select %eq3A_1121, %add3A_151, %select_n3A_1118 : vector<64x512xi1>, vector<64x512xi32>
    %eq3A_1124 = arith.constant 7 : i32
    %eq3A_1125 = vector.broadcast %eq3A_1124 : i32 to vector<64x512xi32>
    %eq3A_1126 = arith.cmpi eq, %select_n3A_1089, %eq3A_1125 : vector<64x512xi32>
    %select_n3A_1127 = arith.select %eq3A_1126, %reduce_min3A_159, %select_n3A_1122 : vector<64x512xi1>, vector<64x512xf32>
    %select_n3A_1128 = arith.select %eq3A_1126, %add3A_171, %select_n3A_1123 : vector<64x512xi1>, vector<64x512xi32>
    %select_n3A_1129 = arith.select %eq3A_1085, %select_n3A_1127, %select_n3A_1033 : vector<64x512xi1>, vector<64x512xf32>
    %select_n3A_1130 = arith.select %eq3A_1085, %select_n3A_1128, %select_n3A_1034 : vector<64x512xi1>, vector<64x512xi32>
    %reduce_min3A_1131 = arith.constant dense<0x7F800000> : vector<512xf32>
    %reduce_min3A_1132 = vector.multi_reduction <minimumf>, %select_n3A_1129, %reduce_min3A_1131 [0] : vector<64x512xf32> to vector<512xf32>
    %broadcast_in_dim3A_1133 = vector.shape_cast %reduce_min3A_1132 : vector<512xf32> to vector<1x512xf32>
    %eq3A_1134 = vector.broadcast %broadcast_in_dim3A_1133 : vector<1x512xf32> to vector<64x512xf32>
    %eq3A_1135 = arith.cmpf oeq, %select_n3A_1129, %eq3A_1134 : vector<64x512xf32>
    %jit3A_1136 = arith.constant 2048 : i32
    %broadcast_in_dim3A_1137 = vector.broadcast %jit3A_1136 : i32 to vector<64x512xi32>
    %select_n3A_1138 = arith.select %eq3A_1135, %select_n3A_1130, %broadcast_in_dim3A_1137 : vector<64x512xi1>, vector<64x512xi32>
    %reduce_min3A_1139 = arith.constant dense<2147483647> : vector<512xi32>
    %reduce_min3A_1140 = vector.multi_reduction <minsi>, %select_n3A_1138, %reduce_min3A_1139 [0] : vector<64x512xi32> to vector<512xi32>
    %eq3A_1141 = arith.constant 10 : i32
    %eq3A_1142 = vector.broadcast %eq3A_1141 : i32 to vector<32x512xi32>
    %eq3A_1143 = arith.cmpi eq, %iota3A, %eq3A_1142 : vector<32x512xi32>
    %broadcast_in_dim3A_1144 = vector.shape_cast %reduce_min3A_1140 : vector<512xi32> to vector<1x512xi32>
    %broadcast_in_dim3A_1145 = vector.shape_cast %broadcast_in_dim3A_1144 : vector<1x512xi32> to vector<1x512xi32>
    %broadcast_in_dim3A_1146 = vector.broadcast %broadcast_in_dim3A_1145 : vector<1x512xi32> to vector<32x512xi32>
    %select_n3A_1147 = arith.select %eq3A_1143, %broadcast_in_dim3A_1146, %select_n3A_1051 : vector<32x512xi1>, vector<32x512xi32>
    %jit3A_1148 = arith.constant 32 : i32
    %div3A_1149 = vector.broadcast %jit3A_1148 : i32 to vector<512xi32>
    %div3A_1150 = arith.divsi %reduce_min3A_1140, %div3A_1149 : vector<512xi32>
    %sign3A_1151 = arith.constant 0 : i32
    %sign3A_1152 = vector.broadcast %sign3A_1151 : i32 to vector<512xi32>
    %sign3A_1153 = arith.cmpi sgt, %reduce_min3A_1140, %sign3A_1152 : vector<512xi32>
    %sign3A_1154 = arith.extui %sign3A_1153 : vector<512xi1> to vector<512xi32>
    %sign3A_1155 = arith.constant 0 : i32
    %sign3A_1156 = vector.broadcast %sign3A_1155 : i32 to vector<512xi32>
    %sign3A_1157 = arith.cmpi slt, %reduce_min3A_1140, %sign3A_1156 : vector<512xi32>
    %sign3A_1158 = arith.extui %sign3A_1157 : vector<512xi1> to vector<512xi32>
    %sign3A_1159 = arith.subi %sign3A_1154, %sign3A_1158 : vector<512xi32>
    %sign3A_1160 = arith.constant 0 : i32
    %sign3A_1161 = arith.cmpi sgt, %jit3A_1148, %sign3A_1160 : i32
    %sign3A_1162 = arith.extui %sign3A_1161 : i1 to i32
    %sign3A_1163 = arith.constant 0 : i32
    %sign3A_1164 = arith.cmpi slt, %jit3A_1148, %sign3A_1163 : i32
    %sign3A_1165 = arith.extui %sign3A_1164 : i1 to i32
    %sign3A_1166 = arith.subi %sign3A_1162, %sign3A_1165 : i32
    %ne3A_1167 = vector.broadcast %sign3A_1166 : i32 to vector<512xi32>
    %ne3A_1168 = arith.cmpi ne, %sign3A_1159, %ne3A_1167 : vector<512xi32>
    %rem3A_1169 = vector.broadcast %jit3A_1148 : i32 to vector<512xi32>
    %rem3A_1170 = arith.remsi %reduce_min3A_1140, %rem3A_1169 : vector<512xi32>
    %ne3A_1171 = arith.constant 0 : i32
    %ne3A_1172 = vector.broadcast %ne3A_1171 : i32 to vector<512xi32>
    %ne3A_1173 = arith.cmpi ne, %rem3A_1170, %ne3A_1172 : vector<512xi32>
    %and3A_1174 = arith.andi %ne3A_1168, %ne3A_1173 : vector<512xi1>
    %sub3A_1175 = arith.constant 1 : i32
    %sub3A_1176 = vector.broadcast %sub3A_1175 : i32 to vector<512xi32>
    %sub3A_1177 = arith.subi %div3A_1150, %sub3A_1176 : vector<512xi32>
    %select_n3A_1178 = arith.select %and3A_1174, %sub3A_1177, %div3A_1150 : vector<512xi1>, vector<512xi32>
    %broadcast_in_dim3A_1179 = vector.shape_cast %select_n3A_1178 : vector<512xi32> to vector<1x512xi32>
    %eq3A_1180 = vector.broadcast %broadcast_in_dim3A_1179 : vector<1x512xi32> to vector<64x512xi32>
    %eq3A_1181 = arith.cmpi eq, %iota3A_21, %eq3A_1180 : vector<64x512xi32>
    %add3A_1182 = arith.constant 1 : i32
    %add3A_1183 = vector.broadcast %add3A_1182 : i32 to vector<64x512xi32>
    %add3A_1184 = arith.addi %select_n3A_1089, %add3A_1183 : vector<64x512xi32>
    %select_n3A_1185 = arith.select %eq3A_1181, %add3A_1184, %select_n3A_1089 : vector<64x512xi1>, vector<64x512xi32>
    %broadcast_in_dim3A_1186 = arith.constant 0x7F800000 : f32
    %broadcast_in_dim3A_1187 = vector.broadcast %broadcast_in_dim3A_1186 : f32 to vector<64x512xf32>
    %broadcast_in_dim3A_1188 = arith.constant 2048 : i32
    %broadcast_in_dim3A_1189 = vector.broadcast %broadcast_in_dim3A_1188 : i32 to vector<64x512xi32>
    %eq3A_1190 = arith.constant 1 : i32
    %eq3A_1191 = vector.broadcast %eq3A_1190 : i32 to vector<64x512xi32>
    %eq3A_1192 = arith.cmpi eq, %select_n3A_1185, %eq3A_1191 : vector<64x512xi32>
    %select_n3A_1193 = arith.select %eq3A_1192, %reduce_min3A_39, %broadcast_in_dim3A_1187 : vector<64x512xi1>, vector<64x512xf32>
    %select_n3A_1194 = arith.select %eq3A_1192, %add3A_51, %broadcast_in_dim3A_1189 : vector<64x512xi1>, vector<64x512xi32>
    %eq3A_1195 = arith.constant 2 : i32
    %eq3A_1196 = vector.broadcast %eq3A_1195 : i32 to vector<64x512xi32>
    %eq3A_1197 = arith.cmpi eq, %select_n3A_1185, %eq3A_1196 : vector<64x512xi32>
    %select_n3A_1198 = arith.select %eq3A_1197, %reduce_min3A_59, %select_n3A_1193 : vector<64x512xi1>, vector<64x512xf32>
    %select_n3A_1199 = arith.select %eq3A_1197, %add3A_71, %select_n3A_1194 : vector<64x512xi1>, vector<64x512xi32>
    %eq3A_1200 = arith.constant 3 : i32
    %eq3A_1201 = vector.broadcast %eq3A_1200 : i32 to vector<64x512xi32>
    %eq3A_1202 = arith.cmpi eq, %select_n3A_1185, %eq3A_1201 : vector<64x512xi32>
    %select_n3A_1203 = arith.select %eq3A_1202, %reduce_min3A_79, %select_n3A_1198 : vector<64x512xi1>, vector<64x512xf32>
    %select_n3A_1204 = arith.select %eq3A_1202, %add3A_91, %select_n3A_1199 : vector<64x512xi1>, vector<64x512xi32>
    %eq3A_1205 = arith.constant 4 : i32
    %eq3A_1206 = vector.broadcast %eq3A_1205 : i32 to vector<64x512xi32>
    %eq3A_1207 = arith.cmpi eq, %select_n3A_1185, %eq3A_1206 : vector<64x512xi32>
    %select_n3A_1208 = arith.select %eq3A_1207, %reduce_min3A_99, %select_n3A_1203 : vector<64x512xi1>, vector<64x512xf32>
    %select_n3A_1209 = arith.select %eq3A_1207, %add3A_111, %select_n3A_1204 : vector<64x512xi1>, vector<64x512xi32>
    %eq3A_1210 = arith.constant 5 : i32
    %eq3A_1211 = vector.broadcast %eq3A_1210 : i32 to vector<64x512xi32>
    %eq3A_1212 = arith.cmpi eq, %select_n3A_1185, %eq3A_1211 : vector<64x512xi32>
    %select_n3A_1213 = arith.select %eq3A_1212, %reduce_min3A_119, %select_n3A_1208 : vector<64x512xi1>, vector<64x512xf32>
    %select_n3A_1214 = arith.select %eq3A_1212, %add3A_131, %select_n3A_1209 : vector<64x512xi1>, vector<64x512xi32>
    %eq3A_1215 = arith.constant 6 : i32
    %eq3A_1216 = vector.broadcast %eq3A_1215 : i32 to vector<64x512xi32>
    %eq3A_1217 = arith.cmpi eq, %select_n3A_1185, %eq3A_1216 : vector<64x512xi32>
    %select_n3A_1218 = arith.select %eq3A_1217, %reduce_min3A_139, %select_n3A_1213 : vector<64x512xi1>, vector<64x512xf32>
    %select_n3A_1219 = arith.select %eq3A_1217, %add3A_151, %select_n3A_1214 : vector<64x512xi1>, vector<64x512xi32>
    %eq3A_1220 = arith.constant 7 : i32
    %eq3A_1221 = vector.broadcast %eq3A_1220 : i32 to vector<64x512xi32>
    %eq3A_1222 = arith.cmpi eq, %select_n3A_1185, %eq3A_1221 : vector<64x512xi32>
    %select_n3A_1223 = arith.select %eq3A_1222, %reduce_min3A_159, %select_n3A_1218 : vector<64x512xi1>, vector<64x512xf32>
    %select_n3A_1224 = arith.select %eq3A_1222, %add3A_171, %select_n3A_1219 : vector<64x512xi1>, vector<64x512xi32>
    %select_n3A_1225 = arith.select %eq3A_1181, %select_n3A_1223, %select_n3A_1129 : vector<64x512xi1>, vector<64x512xf32>
    %select_n3A_1226 = arith.select %eq3A_1181, %select_n3A_1224, %select_n3A_1130 : vector<64x512xi1>, vector<64x512xi32>
    %reduce_min3A_1227 = arith.constant dense<0x7F800000> : vector<512xf32>
    %reduce_min3A_1228 = vector.multi_reduction <minimumf>, %select_n3A_1225, %reduce_min3A_1227 [0] : vector<64x512xf32> to vector<512xf32>
    %broadcast_in_dim3A_1229 = vector.shape_cast %reduce_min3A_1228 : vector<512xf32> to vector<1x512xf32>
    %eq3A_1230 = vector.broadcast %broadcast_in_dim3A_1229 : vector<1x512xf32> to vector<64x512xf32>
    %eq3A_1231 = arith.cmpf oeq, %select_n3A_1225, %eq3A_1230 : vector<64x512xf32>
    %jit3A_1232 = arith.constant 2048 : i32
    %broadcast_in_dim3A_1233 = vector.broadcast %jit3A_1232 : i32 to vector<64x512xi32>
    %select_n3A_1234 = arith.select %eq3A_1231, %select_n3A_1226, %broadcast_in_dim3A_1233 : vector<64x512xi1>, vector<64x512xi32>
    %reduce_min3A_1235 = arith.constant dense<2147483647> : vector<512xi32>
    %reduce_min3A_1236 = vector.multi_reduction <minsi>, %select_n3A_1234, %reduce_min3A_1235 [0] : vector<64x512xi32> to vector<512xi32>
    %eq3A_1237 = arith.constant 11 : i32
    %eq3A_1238 = vector.broadcast %eq3A_1237 : i32 to vector<32x512xi32>
    %eq3A_1239 = arith.cmpi eq, %iota3A, %eq3A_1238 : vector<32x512xi32>
    %broadcast_in_dim3A_1240 = vector.shape_cast %reduce_min3A_1236 : vector<512xi32> to vector<1x512xi32>
    %broadcast_in_dim3A_1241 = vector.shape_cast %broadcast_in_dim3A_1240 : vector<1x512xi32> to vector<1x512xi32>
    %broadcast_in_dim3A_1242 = vector.broadcast %broadcast_in_dim3A_1241 : vector<1x512xi32> to vector<32x512xi32>
    %select_n3A_1243 = arith.select %eq3A_1239, %broadcast_in_dim3A_1242, %select_n3A_1147 : vector<32x512xi1>, vector<32x512xi32>
    %jit3A_1244 = arith.constant 32 : i32
    %div3A_1245 = vector.broadcast %jit3A_1244 : i32 to vector<512xi32>
    %div3A_1246 = arith.divsi %reduce_min3A_1236, %div3A_1245 : vector<512xi32>
    %sign3A_1247 = arith.constant 0 : i32
    %sign3A_1248 = vector.broadcast %sign3A_1247 : i32 to vector<512xi32>
    %sign3A_1249 = arith.cmpi sgt, %reduce_min3A_1236, %sign3A_1248 : vector<512xi32>
    %sign3A_1250 = arith.extui %sign3A_1249 : vector<512xi1> to vector<512xi32>
    %sign3A_1251 = arith.constant 0 : i32
    %sign3A_1252 = vector.broadcast %sign3A_1251 : i32 to vector<512xi32>
    %sign3A_1253 = arith.cmpi slt, %reduce_min3A_1236, %sign3A_1252 : vector<512xi32>
    %sign3A_1254 = arith.extui %sign3A_1253 : vector<512xi1> to vector<512xi32>
    %sign3A_1255 = arith.subi %sign3A_1250, %sign3A_1254 : vector<512xi32>
    %sign3A_1256 = arith.constant 0 : i32
    %sign3A_1257 = arith.cmpi sgt, %jit3A_1244, %sign3A_1256 : i32
    %sign3A_1258 = arith.extui %sign3A_1257 : i1 to i32
    %sign3A_1259 = arith.constant 0 : i32
    %sign3A_1260 = arith.cmpi slt, %jit3A_1244, %sign3A_1259 : i32
    %sign3A_1261 = arith.extui %sign3A_1260 : i1 to i32
    %sign3A_1262 = arith.subi %sign3A_1258, %sign3A_1261 : i32
    %ne3A_1263 = vector.broadcast %sign3A_1262 : i32 to vector<512xi32>
    %ne3A_1264 = arith.cmpi ne, %sign3A_1255, %ne3A_1263 : vector<512xi32>
    %rem3A_1265 = vector.broadcast %jit3A_1244 : i32 to vector<512xi32>
    %rem3A_1266 = arith.remsi %reduce_min3A_1236, %rem3A_1265 : vector<512xi32>
    %ne3A_1267 = arith.constant 0 : i32
    %ne3A_1268 = vector.broadcast %ne3A_1267 : i32 to vector<512xi32>
    %ne3A_1269 = arith.cmpi ne, %rem3A_1266, %ne3A_1268 : vector<512xi32>
    %and3A_1270 = arith.andi %ne3A_1264, %ne3A_1269 : vector<512xi1>
    %sub3A_1271 = arith.constant 1 : i32
    %sub3A_1272 = vector.broadcast %sub3A_1271 : i32 to vector<512xi32>
    %sub3A_1273 = arith.subi %div3A_1246, %sub3A_1272 : vector<512xi32>
    %select_n3A_1274 = arith.select %and3A_1270, %sub3A_1273, %div3A_1246 : vector<512xi1>, vector<512xi32>
    %broadcast_in_dim3A_1275 = vector.shape_cast %select_n3A_1274 : vector<512xi32> to vector<1x512xi32>
    %eq3A_1276 = vector.broadcast %broadcast_in_dim3A_1275 : vector<1x512xi32> to vector<64x512xi32>
    %eq3A_1277 = arith.cmpi eq, %iota3A_21, %eq3A_1276 : vector<64x512xi32>
    %add3A_1278 = arith.constant 1 : i32
    %add3A_1279 = vector.broadcast %add3A_1278 : i32 to vector<64x512xi32>
    %add3A_1280 = arith.addi %select_n3A_1185, %add3A_1279 : vector<64x512xi32>
    %select_n3A_1281 = arith.select %eq3A_1277, %add3A_1280, %select_n3A_1185 : vector<64x512xi1>, vector<64x512xi32>
    %broadcast_in_dim3A_1282 = arith.constant 0x7F800000 : f32
    %broadcast_in_dim3A_1283 = vector.broadcast %broadcast_in_dim3A_1282 : f32 to vector<64x512xf32>
    %broadcast_in_dim3A_1284 = arith.constant 2048 : i32
    %broadcast_in_dim3A_1285 = vector.broadcast %broadcast_in_dim3A_1284 : i32 to vector<64x512xi32>
    %eq3A_1286 = arith.constant 1 : i32
    %eq3A_1287 = vector.broadcast %eq3A_1286 : i32 to vector<64x512xi32>
    %eq3A_1288 = arith.cmpi eq, %select_n3A_1281, %eq3A_1287 : vector<64x512xi32>
    %select_n3A_1289 = arith.select %eq3A_1288, %reduce_min3A_39, %broadcast_in_dim3A_1283 : vector<64x512xi1>, vector<64x512xf32>
    %select_n3A_1290 = arith.select %eq3A_1288, %add3A_51, %broadcast_in_dim3A_1285 : vector<64x512xi1>, vector<64x512xi32>
    %eq3A_1291 = arith.constant 2 : i32
    %eq3A_1292 = vector.broadcast %eq3A_1291 : i32 to vector<64x512xi32>
    %eq3A_1293 = arith.cmpi eq, %select_n3A_1281, %eq3A_1292 : vector<64x512xi32>
    %select_n3A_1294 = arith.select %eq3A_1293, %reduce_min3A_59, %select_n3A_1289 : vector<64x512xi1>, vector<64x512xf32>
    %select_n3A_1295 = arith.select %eq3A_1293, %add3A_71, %select_n3A_1290 : vector<64x512xi1>, vector<64x512xi32>
    %eq3A_1296 = arith.constant 3 : i32
    %eq3A_1297 = vector.broadcast %eq3A_1296 : i32 to vector<64x512xi32>
    %eq3A_1298 = arith.cmpi eq, %select_n3A_1281, %eq3A_1297 : vector<64x512xi32>
    %select_n3A_1299 = arith.select %eq3A_1298, %reduce_min3A_79, %select_n3A_1294 : vector<64x512xi1>, vector<64x512xf32>
    %select_n3A_1300 = arith.select %eq3A_1298, %add3A_91, %select_n3A_1295 : vector<64x512xi1>, vector<64x512xi32>
    %eq3A_1301 = arith.constant 4 : i32
    %eq3A_1302 = vector.broadcast %eq3A_1301 : i32 to vector<64x512xi32>
    %eq3A_1303 = arith.cmpi eq, %select_n3A_1281, %eq3A_1302 : vector<64x512xi32>
    %select_n3A_1304 = arith.select %eq3A_1303, %reduce_min3A_99, %select_n3A_1299 : vector<64x512xi1>, vector<64x512xf32>
    %select_n3A_1305 = arith.select %eq3A_1303, %add3A_111, %select_n3A_1300 : vector<64x512xi1>, vector<64x512xi32>
    %eq3A_1306 = arith.constant 5 : i32
    %eq3A_1307 = vector.broadcast %eq3A_1306 : i32 to vector<64x512xi32>
    %eq3A_1308 = arith.cmpi eq, %select_n3A_1281, %eq3A_1307 : vector<64x512xi32>
    %select_n3A_1309 = arith.select %eq3A_1308, %reduce_min3A_119, %select_n3A_1304 : vector<64x512xi1>, vector<64x512xf32>
    %select_n3A_1310 = arith.select %eq3A_1308, %add3A_131, %select_n3A_1305 : vector<64x512xi1>, vector<64x512xi32>
    %eq3A_1311 = arith.constant 6 : i32
    %eq3A_1312 = vector.broadcast %eq3A_1311 : i32 to vector<64x512xi32>
    %eq3A_1313 = arith.cmpi eq, %select_n3A_1281, %eq3A_1312 : vector<64x512xi32>
    %select_n3A_1314 = arith.select %eq3A_1313, %reduce_min3A_139, %select_n3A_1309 : vector<64x512xi1>, vector<64x512xf32>
    %select_n3A_1315 = arith.select %eq3A_1313, %add3A_151, %select_n3A_1310 : vector<64x512xi1>, vector<64x512xi32>
    %eq3A_1316 = arith.constant 7 : i32
    %eq3A_1317 = vector.broadcast %eq3A_1316 : i32 to vector<64x512xi32>
    %eq3A_1318 = arith.cmpi eq, %select_n3A_1281, %eq3A_1317 : vector<64x512xi32>
    %select_n3A_1319 = arith.select %eq3A_1318, %reduce_min3A_159, %select_n3A_1314 : vector<64x512xi1>, vector<64x512xf32>
    %select_n3A_1320 = arith.select %eq3A_1318, %add3A_171, %select_n3A_1315 : vector<64x512xi1>, vector<64x512xi32>
    %select_n3A_1321 = arith.select %eq3A_1277, %select_n3A_1319, %select_n3A_1225 : vector<64x512xi1>, vector<64x512xf32>
    %select_n3A_1322 = arith.select %eq3A_1277, %select_n3A_1320, %select_n3A_1226 : vector<64x512xi1>, vector<64x512xi32>
    %reduce_min3A_1323 = arith.constant dense<0x7F800000> : vector<512xf32>
    %reduce_min3A_1324 = vector.multi_reduction <minimumf>, %select_n3A_1321, %reduce_min3A_1323 [0] : vector<64x512xf32> to vector<512xf32>
    %broadcast_in_dim3A_1325 = vector.shape_cast %reduce_min3A_1324 : vector<512xf32> to vector<1x512xf32>
    %eq3A_1326 = vector.broadcast %broadcast_in_dim3A_1325 : vector<1x512xf32> to vector<64x512xf32>
    %eq3A_1327 = arith.cmpf oeq, %select_n3A_1321, %eq3A_1326 : vector<64x512xf32>
    %jit3A_1328 = arith.constant 2048 : i32
    %broadcast_in_dim3A_1329 = vector.broadcast %jit3A_1328 : i32 to vector<64x512xi32>
    %select_n3A_1330 = arith.select %eq3A_1327, %select_n3A_1322, %broadcast_in_dim3A_1329 : vector<64x512xi1>, vector<64x512xi32>
    %reduce_min3A_1331 = arith.constant dense<2147483647> : vector<512xi32>
    %reduce_min3A_1332 = vector.multi_reduction <minsi>, %select_n3A_1330, %reduce_min3A_1331 [0] : vector<64x512xi32> to vector<512xi32>
    %eq3A_1333 = arith.constant 12 : i32
    %eq3A_1334 = vector.broadcast %eq3A_1333 : i32 to vector<32x512xi32>
    %eq3A_1335 = arith.cmpi eq, %iota3A, %eq3A_1334 : vector<32x512xi32>
    %broadcast_in_dim3A_1336 = vector.shape_cast %reduce_min3A_1332 : vector<512xi32> to vector<1x512xi32>
    %broadcast_in_dim3A_1337 = vector.shape_cast %broadcast_in_dim3A_1336 : vector<1x512xi32> to vector<1x512xi32>
    %broadcast_in_dim3A_1338 = vector.broadcast %broadcast_in_dim3A_1337 : vector<1x512xi32> to vector<32x512xi32>
    %select_n3A_1339 = arith.select %eq3A_1335, %broadcast_in_dim3A_1338, %select_n3A_1243 : vector<32x512xi1>, vector<32x512xi32>
    %jit3A_1340 = arith.constant 32 : i32
    %div3A_1341 = vector.broadcast %jit3A_1340 : i32 to vector<512xi32>
    %div3A_1342 = arith.divsi %reduce_min3A_1332, %div3A_1341 : vector<512xi32>
    %sign3A_1343 = arith.constant 0 : i32
    %sign3A_1344 = vector.broadcast %sign3A_1343 : i32 to vector<512xi32>
    %sign3A_1345 = arith.cmpi sgt, %reduce_min3A_1332, %sign3A_1344 : vector<512xi32>
    %sign3A_1346 = arith.extui %sign3A_1345 : vector<512xi1> to vector<512xi32>
    %sign3A_1347 = arith.constant 0 : i32
    %sign3A_1348 = vector.broadcast %sign3A_1347 : i32 to vector<512xi32>
    %sign3A_1349 = arith.cmpi slt, %reduce_min3A_1332, %sign3A_1348 : vector<512xi32>
    %sign3A_1350 = arith.extui %sign3A_1349 : vector<512xi1> to vector<512xi32>
    %sign3A_1351 = arith.subi %sign3A_1346, %sign3A_1350 : vector<512xi32>
    %sign3A_1352 = arith.constant 0 : i32
    %sign3A_1353 = arith.cmpi sgt, %jit3A_1340, %sign3A_1352 : i32
    %sign3A_1354 = arith.extui %sign3A_1353 : i1 to i32
    %sign3A_1355 = arith.constant 0 : i32
    %sign3A_1356 = arith.cmpi slt, %jit3A_1340, %sign3A_1355 : i32
    %sign3A_1357 = arith.extui %sign3A_1356 : i1 to i32
    %sign3A_1358 = arith.subi %sign3A_1354, %sign3A_1357 : i32
    %ne3A_1359 = vector.broadcast %sign3A_1358 : i32 to vector<512xi32>
    %ne3A_1360 = arith.cmpi ne, %sign3A_1351, %ne3A_1359 : vector<512xi32>
    %rem3A_1361 = vector.broadcast %jit3A_1340 : i32 to vector<512xi32>
    %rem3A_1362 = arith.remsi %reduce_min3A_1332, %rem3A_1361 : vector<512xi32>
    %ne3A_1363 = arith.constant 0 : i32
    %ne3A_1364 = vector.broadcast %ne3A_1363 : i32 to vector<512xi32>
    %ne3A_1365 = arith.cmpi ne, %rem3A_1362, %ne3A_1364 : vector<512xi32>
    %and3A_1366 = arith.andi %ne3A_1360, %ne3A_1365 : vector<512xi1>
    %sub3A_1367 = arith.constant 1 : i32
    %sub3A_1368 = vector.broadcast %sub3A_1367 : i32 to vector<512xi32>
    %sub3A_1369 = arith.subi %div3A_1342, %sub3A_1368 : vector<512xi32>
    %select_n3A_1370 = arith.select %and3A_1366, %sub3A_1369, %div3A_1342 : vector<512xi1>, vector<512xi32>
    %broadcast_in_dim3A_1371 = vector.shape_cast %select_n3A_1370 : vector<512xi32> to vector<1x512xi32>
    %eq3A_1372 = vector.broadcast %broadcast_in_dim3A_1371 : vector<1x512xi32> to vector<64x512xi32>
    %eq3A_1373 = arith.cmpi eq, %iota3A_21, %eq3A_1372 : vector<64x512xi32>
    %add3A_1374 = arith.constant 1 : i32
    %add3A_1375 = vector.broadcast %add3A_1374 : i32 to vector<64x512xi32>
    %add3A_1376 = arith.addi %select_n3A_1281, %add3A_1375 : vector<64x512xi32>
    %select_n3A_1377 = arith.select %eq3A_1373, %add3A_1376, %select_n3A_1281 : vector<64x512xi1>, vector<64x512xi32>
    %broadcast_in_dim3A_1378 = arith.constant 0x7F800000 : f32
    %broadcast_in_dim3A_1379 = vector.broadcast %broadcast_in_dim3A_1378 : f32 to vector<64x512xf32>
    %broadcast_in_dim3A_1380 = arith.constant 2048 : i32
    %broadcast_in_dim3A_1381 = vector.broadcast %broadcast_in_dim3A_1380 : i32 to vector<64x512xi32>
    %eq3A_1382 = arith.constant 1 : i32
    %eq3A_1383 = vector.broadcast %eq3A_1382 : i32 to vector<64x512xi32>
    %eq3A_1384 = arith.cmpi eq, %select_n3A_1377, %eq3A_1383 : vector<64x512xi32>
    %select_n3A_1385 = arith.select %eq3A_1384, %reduce_min3A_39, %broadcast_in_dim3A_1379 : vector<64x512xi1>, vector<64x512xf32>
    %select_n3A_1386 = arith.select %eq3A_1384, %add3A_51, %broadcast_in_dim3A_1381 : vector<64x512xi1>, vector<64x512xi32>
    %eq3A_1387 = arith.constant 2 : i32
    %eq3A_1388 = vector.broadcast %eq3A_1387 : i32 to vector<64x512xi32>
    %eq3A_1389 = arith.cmpi eq, %select_n3A_1377, %eq3A_1388 : vector<64x512xi32>
    %select_n3A_1390 = arith.select %eq3A_1389, %reduce_min3A_59, %select_n3A_1385 : vector<64x512xi1>, vector<64x512xf32>
    %select_n3A_1391 = arith.select %eq3A_1389, %add3A_71, %select_n3A_1386 : vector<64x512xi1>, vector<64x512xi32>
    %eq3A_1392 = arith.constant 3 : i32
    %eq3A_1393 = vector.broadcast %eq3A_1392 : i32 to vector<64x512xi32>
    %eq3A_1394 = arith.cmpi eq, %select_n3A_1377, %eq3A_1393 : vector<64x512xi32>
    %select_n3A_1395 = arith.select %eq3A_1394, %reduce_min3A_79, %select_n3A_1390 : vector<64x512xi1>, vector<64x512xf32>
    %select_n3A_1396 = arith.select %eq3A_1394, %add3A_91, %select_n3A_1391 : vector<64x512xi1>, vector<64x512xi32>
    %eq3A_1397 = arith.constant 4 : i32
    %eq3A_1398 = vector.broadcast %eq3A_1397 : i32 to vector<64x512xi32>
    %eq3A_1399 = arith.cmpi eq, %select_n3A_1377, %eq3A_1398 : vector<64x512xi32>
    %select_n3A_1400 = arith.select %eq3A_1399, %reduce_min3A_99, %select_n3A_1395 : vector<64x512xi1>, vector<64x512xf32>
    %select_n3A_1401 = arith.select %eq3A_1399, %add3A_111, %select_n3A_1396 : vector<64x512xi1>, vector<64x512xi32>
    %eq3A_1402 = arith.constant 5 : i32
    %eq3A_1403 = vector.broadcast %eq3A_1402 : i32 to vector<64x512xi32>
    %eq3A_1404 = arith.cmpi eq, %select_n3A_1377, %eq3A_1403 : vector<64x512xi32>
    %select_n3A_1405 = arith.select %eq3A_1404, %reduce_min3A_119, %select_n3A_1400 : vector<64x512xi1>, vector<64x512xf32>
    %select_n3A_1406 = arith.select %eq3A_1404, %add3A_131, %select_n3A_1401 : vector<64x512xi1>, vector<64x512xi32>
    %eq3A_1407 = arith.constant 6 : i32
    %eq3A_1408 = vector.broadcast %eq3A_1407 : i32 to vector<64x512xi32>
    %eq3A_1409 = arith.cmpi eq, %select_n3A_1377, %eq3A_1408 : vector<64x512xi32>
    %select_n3A_1410 = arith.select %eq3A_1409, %reduce_min3A_139, %select_n3A_1405 : vector<64x512xi1>, vector<64x512xf32>
    %select_n3A_1411 = arith.select %eq3A_1409, %add3A_151, %select_n3A_1406 : vector<64x512xi1>, vector<64x512xi32>
    %eq3A_1412 = arith.constant 7 : i32
    %eq3A_1413 = vector.broadcast %eq3A_1412 : i32 to vector<64x512xi32>
    %eq3A_1414 = arith.cmpi eq, %select_n3A_1377, %eq3A_1413 : vector<64x512xi32>
    %select_n3A_1415 = arith.select %eq3A_1414, %reduce_min3A_159, %select_n3A_1410 : vector<64x512xi1>, vector<64x512xf32>
    %select_n3A_1416 = arith.select %eq3A_1414, %add3A_171, %select_n3A_1411 : vector<64x512xi1>, vector<64x512xi32>
    %select_n3A_1417 = arith.select %eq3A_1373, %select_n3A_1415, %select_n3A_1321 : vector<64x512xi1>, vector<64x512xf32>
    %select_n3A_1418 = arith.select %eq3A_1373, %select_n3A_1416, %select_n3A_1322 : vector<64x512xi1>, vector<64x512xi32>
    %reduce_min3A_1419 = arith.constant dense<0x7F800000> : vector<512xf32>
    %reduce_min3A_1420 = vector.multi_reduction <minimumf>, %select_n3A_1417, %reduce_min3A_1419 [0] : vector<64x512xf32> to vector<512xf32>
    %broadcast_in_dim3A_1421 = vector.shape_cast %reduce_min3A_1420 : vector<512xf32> to vector<1x512xf32>
    %eq3A_1422 = vector.broadcast %broadcast_in_dim3A_1421 : vector<1x512xf32> to vector<64x512xf32>
    %eq3A_1423 = arith.cmpf oeq, %select_n3A_1417, %eq3A_1422 : vector<64x512xf32>
    %jit3A_1424 = arith.constant 2048 : i32
    %broadcast_in_dim3A_1425 = vector.broadcast %jit3A_1424 : i32 to vector<64x512xi32>
    %select_n3A_1426 = arith.select %eq3A_1423, %select_n3A_1418, %broadcast_in_dim3A_1425 : vector<64x512xi1>, vector<64x512xi32>
    %reduce_min3A_1427 = arith.constant dense<2147483647> : vector<512xi32>
    %reduce_min3A_1428 = vector.multi_reduction <minsi>, %select_n3A_1426, %reduce_min3A_1427 [0] : vector<64x512xi32> to vector<512xi32>
    %eq3A_1429 = arith.constant 13 : i32
    %eq3A_1430 = vector.broadcast %eq3A_1429 : i32 to vector<32x512xi32>
    %eq3A_1431 = arith.cmpi eq, %iota3A, %eq3A_1430 : vector<32x512xi32>
    %broadcast_in_dim3A_1432 = vector.shape_cast %reduce_min3A_1428 : vector<512xi32> to vector<1x512xi32>
    %broadcast_in_dim3A_1433 = vector.shape_cast %broadcast_in_dim3A_1432 : vector<1x512xi32> to vector<1x512xi32>
    %broadcast_in_dim3A_1434 = vector.broadcast %broadcast_in_dim3A_1433 : vector<1x512xi32> to vector<32x512xi32>
    %select_n3A_1435 = arith.select %eq3A_1431, %broadcast_in_dim3A_1434, %select_n3A_1339 : vector<32x512xi1>, vector<32x512xi32>
    %jit3A_1436 = arith.constant 32 : i32
    %div3A_1437 = vector.broadcast %jit3A_1436 : i32 to vector<512xi32>
    %div3A_1438 = arith.divsi %reduce_min3A_1428, %div3A_1437 : vector<512xi32>
    %sign3A_1439 = arith.constant 0 : i32
    %sign3A_1440 = vector.broadcast %sign3A_1439 : i32 to vector<512xi32>
    %sign3A_1441 = arith.cmpi sgt, %reduce_min3A_1428, %sign3A_1440 : vector<512xi32>
    %sign3A_1442 = arith.extui %sign3A_1441 : vector<512xi1> to vector<512xi32>
    %sign3A_1443 = arith.constant 0 : i32
    %sign3A_1444 = vector.broadcast %sign3A_1443 : i32 to vector<512xi32>
    %sign3A_1445 = arith.cmpi slt, %reduce_min3A_1428, %sign3A_1444 : vector<512xi32>
    %sign3A_1446 = arith.extui %sign3A_1445 : vector<512xi1> to vector<512xi32>
    %sign3A_1447 = arith.subi %sign3A_1442, %sign3A_1446 : vector<512xi32>
    %sign3A_1448 = arith.constant 0 : i32
    %sign3A_1449 = arith.cmpi sgt, %jit3A_1436, %sign3A_1448 : i32
    %sign3A_1450 = arith.extui %sign3A_1449 : i1 to i32
    %sign3A_1451 = arith.constant 0 : i32
    %sign3A_1452 = arith.cmpi slt, %jit3A_1436, %sign3A_1451 : i32
    %sign3A_1453 = arith.extui %sign3A_1452 : i1 to i32
    %sign3A_1454 = arith.subi %sign3A_1450, %sign3A_1453 : i32
    %ne3A_1455 = vector.broadcast %sign3A_1454 : i32 to vector<512xi32>
    %ne3A_1456 = arith.cmpi ne, %sign3A_1447, %ne3A_1455 : vector<512xi32>
    %rem3A_1457 = vector.broadcast %jit3A_1436 : i32 to vector<512xi32>
    %rem3A_1458 = arith.remsi %reduce_min3A_1428, %rem3A_1457 : vector<512xi32>
    %ne3A_1459 = arith.constant 0 : i32
    %ne3A_1460 = vector.broadcast %ne3A_1459 : i32 to vector<512xi32>
    %ne3A_1461 = arith.cmpi ne, %rem3A_1458, %ne3A_1460 : vector<512xi32>
    %and3A_1462 = arith.andi %ne3A_1456, %ne3A_1461 : vector<512xi1>
    %sub3A_1463 = arith.constant 1 : i32
    %sub3A_1464 = vector.broadcast %sub3A_1463 : i32 to vector<512xi32>
    %sub3A_1465 = arith.subi %div3A_1438, %sub3A_1464 : vector<512xi32>
    %select_n3A_1466 = arith.select %and3A_1462, %sub3A_1465, %div3A_1438 : vector<512xi1>, vector<512xi32>
    %broadcast_in_dim3A_1467 = vector.shape_cast %select_n3A_1466 : vector<512xi32> to vector<1x512xi32>
    %eq3A_1468 = vector.broadcast %broadcast_in_dim3A_1467 : vector<1x512xi32> to vector<64x512xi32>
    %eq3A_1469 = arith.cmpi eq, %iota3A_21, %eq3A_1468 : vector<64x512xi32>
    %add3A_1470 = arith.constant 1 : i32
    %add3A_1471 = vector.broadcast %add3A_1470 : i32 to vector<64x512xi32>
    %add3A_1472 = arith.addi %select_n3A_1377, %add3A_1471 : vector<64x512xi32>
    %select_n3A_1473 = arith.select %eq3A_1469, %add3A_1472, %select_n3A_1377 : vector<64x512xi1>, vector<64x512xi32>
    %broadcast_in_dim3A_1474 = arith.constant 0x7F800000 : f32
    %broadcast_in_dim3A_1475 = vector.broadcast %broadcast_in_dim3A_1474 : f32 to vector<64x512xf32>
    %broadcast_in_dim3A_1476 = arith.constant 2048 : i32
    %broadcast_in_dim3A_1477 = vector.broadcast %broadcast_in_dim3A_1476 : i32 to vector<64x512xi32>
    %eq3A_1478 = arith.constant 1 : i32
    %eq3A_1479 = vector.broadcast %eq3A_1478 : i32 to vector<64x512xi32>
    %eq3A_1480 = arith.cmpi eq, %select_n3A_1473, %eq3A_1479 : vector<64x512xi32>
    %select_n3A_1481 = arith.select %eq3A_1480, %reduce_min3A_39, %broadcast_in_dim3A_1475 : vector<64x512xi1>, vector<64x512xf32>
    %select_n3A_1482 = arith.select %eq3A_1480, %add3A_51, %broadcast_in_dim3A_1477 : vector<64x512xi1>, vector<64x512xi32>
    %eq3A_1483 = arith.constant 2 : i32
    %eq3A_1484 = vector.broadcast %eq3A_1483 : i32 to vector<64x512xi32>
    %eq3A_1485 = arith.cmpi eq, %select_n3A_1473, %eq3A_1484 : vector<64x512xi32>
    %select_n3A_1486 = arith.select %eq3A_1485, %reduce_min3A_59, %select_n3A_1481 : vector<64x512xi1>, vector<64x512xf32>
    %select_n3A_1487 = arith.select %eq3A_1485, %add3A_71, %select_n3A_1482 : vector<64x512xi1>, vector<64x512xi32>
    %eq3A_1488 = arith.constant 3 : i32
    %eq3A_1489 = vector.broadcast %eq3A_1488 : i32 to vector<64x512xi32>
    %eq3A_1490 = arith.cmpi eq, %select_n3A_1473, %eq3A_1489 : vector<64x512xi32>
    %select_n3A_1491 = arith.select %eq3A_1490, %reduce_min3A_79, %select_n3A_1486 : vector<64x512xi1>, vector<64x512xf32>
    %select_n3A_1492 = arith.select %eq3A_1490, %add3A_91, %select_n3A_1487 : vector<64x512xi1>, vector<64x512xi32>
    %eq3A_1493 = arith.constant 4 : i32
    %eq3A_1494 = vector.broadcast %eq3A_1493 : i32 to vector<64x512xi32>
    %eq3A_1495 = arith.cmpi eq, %select_n3A_1473, %eq3A_1494 : vector<64x512xi32>
    %select_n3A_1496 = arith.select %eq3A_1495, %reduce_min3A_99, %select_n3A_1491 : vector<64x512xi1>, vector<64x512xf32>
    %select_n3A_1497 = arith.select %eq3A_1495, %add3A_111, %select_n3A_1492 : vector<64x512xi1>, vector<64x512xi32>
    %eq3A_1498 = arith.constant 5 : i32
    %eq3A_1499 = vector.broadcast %eq3A_1498 : i32 to vector<64x512xi32>
    %eq3A_1500 = arith.cmpi eq, %select_n3A_1473, %eq3A_1499 : vector<64x512xi32>
    %select_n3A_1501 = arith.select %eq3A_1500, %reduce_min3A_119, %select_n3A_1496 : vector<64x512xi1>, vector<64x512xf32>
    %select_n3A_1502 = arith.select %eq3A_1500, %add3A_131, %select_n3A_1497 : vector<64x512xi1>, vector<64x512xi32>
    %eq3A_1503 = arith.constant 6 : i32
    %eq3A_1504 = vector.broadcast %eq3A_1503 : i32 to vector<64x512xi32>
    %eq3A_1505 = arith.cmpi eq, %select_n3A_1473, %eq3A_1504 : vector<64x512xi32>
    %select_n3A_1506 = arith.select %eq3A_1505, %reduce_min3A_139, %select_n3A_1501 : vector<64x512xi1>, vector<64x512xf32>
    %select_n3A_1507 = arith.select %eq3A_1505, %add3A_151, %select_n3A_1502 : vector<64x512xi1>, vector<64x512xi32>
    %eq3A_1508 = arith.constant 7 : i32
    %eq3A_1509 = vector.broadcast %eq3A_1508 : i32 to vector<64x512xi32>
    %eq3A_1510 = arith.cmpi eq, %select_n3A_1473, %eq3A_1509 : vector<64x512xi32>
    %select_n3A_1511 = arith.select %eq3A_1510, %reduce_min3A_159, %select_n3A_1506 : vector<64x512xi1>, vector<64x512xf32>
    %select_n3A_1512 = arith.select %eq3A_1510, %add3A_171, %select_n3A_1507 : vector<64x512xi1>, vector<64x512xi32>
    %select_n3A_1513 = arith.select %eq3A_1469, %select_n3A_1511, %select_n3A_1417 : vector<64x512xi1>, vector<64x512xf32>
    %select_n3A_1514 = arith.select %eq3A_1469, %select_n3A_1512, %select_n3A_1418 : vector<64x512xi1>, vector<64x512xi32>
    %reduce_min3A_1515 = arith.constant dense<0x7F800000> : vector<512xf32>
    %reduce_min3A_1516 = vector.multi_reduction <minimumf>, %select_n3A_1513, %reduce_min3A_1515 [0] : vector<64x512xf32> to vector<512xf32>
    %broadcast_in_dim3A_1517 = vector.shape_cast %reduce_min3A_1516 : vector<512xf32> to vector<1x512xf32>
    %eq3A_1518 = vector.broadcast %broadcast_in_dim3A_1517 : vector<1x512xf32> to vector<64x512xf32>
    %eq3A_1519 = arith.cmpf oeq, %select_n3A_1513, %eq3A_1518 : vector<64x512xf32>
    %jit3A_1520 = arith.constant 2048 : i32
    %broadcast_in_dim3A_1521 = vector.broadcast %jit3A_1520 : i32 to vector<64x512xi32>
    %select_n3A_1522 = arith.select %eq3A_1519, %select_n3A_1514, %broadcast_in_dim3A_1521 : vector<64x512xi1>, vector<64x512xi32>
    %reduce_min3A_1523 = arith.constant dense<2147483647> : vector<512xi32>
    %reduce_min3A_1524 = vector.multi_reduction <minsi>, %select_n3A_1522, %reduce_min3A_1523 [0] : vector<64x512xi32> to vector<512xi32>
    %eq3A_1525 = arith.constant 14 : i32
    %eq3A_1526 = vector.broadcast %eq3A_1525 : i32 to vector<32x512xi32>
    %eq3A_1527 = arith.cmpi eq, %iota3A, %eq3A_1526 : vector<32x512xi32>
    %broadcast_in_dim3A_1528 = vector.shape_cast %reduce_min3A_1524 : vector<512xi32> to vector<1x512xi32>
    %broadcast_in_dim3A_1529 = vector.shape_cast %broadcast_in_dim3A_1528 : vector<1x512xi32> to vector<1x512xi32>
    %broadcast_in_dim3A_1530 = vector.broadcast %broadcast_in_dim3A_1529 : vector<1x512xi32> to vector<32x512xi32>
    %select_n3A_1531 = arith.select %eq3A_1527, %broadcast_in_dim3A_1530, %select_n3A_1435 : vector<32x512xi1>, vector<32x512xi32>
    %jit3A_1532 = arith.constant 32 : i32
    %div3A_1533 = vector.broadcast %jit3A_1532 : i32 to vector<512xi32>
    %div3A_1534 = arith.divsi %reduce_min3A_1524, %div3A_1533 : vector<512xi32>
    %sign3A_1535 = arith.constant 0 : i32
    %sign3A_1536 = vector.broadcast %sign3A_1535 : i32 to vector<512xi32>
    %sign3A_1537 = arith.cmpi sgt, %reduce_min3A_1524, %sign3A_1536 : vector<512xi32>
    %sign3A_1538 = arith.extui %sign3A_1537 : vector<512xi1> to vector<512xi32>
    %sign3A_1539 = arith.constant 0 : i32
    %sign3A_1540 = vector.broadcast %sign3A_1539 : i32 to vector<512xi32>
    %sign3A_1541 = arith.cmpi slt, %reduce_min3A_1524, %sign3A_1540 : vector<512xi32>
    %sign3A_1542 = arith.extui %sign3A_1541 : vector<512xi1> to vector<512xi32>
    %sign3A_1543 = arith.subi %sign3A_1538, %sign3A_1542 : vector<512xi32>
    %sign3A_1544 = arith.constant 0 : i32
    %sign3A_1545 = arith.cmpi sgt, %jit3A_1532, %sign3A_1544 : i32
    %sign3A_1546 = arith.extui %sign3A_1545 : i1 to i32
    %sign3A_1547 = arith.constant 0 : i32
    %sign3A_1548 = arith.cmpi slt, %jit3A_1532, %sign3A_1547 : i32
    %sign3A_1549 = arith.extui %sign3A_1548 : i1 to i32
    %sign3A_1550 = arith.subi %sign3A_1546, %sign3A_1549 : i32
    %ne3A_1551 = vector.broadcast %sign3A_1550 : i32 to vector<512xi32>
    %ne3A_1552 = arith.cmpi ne, %sign3A_1543, %ne3A_1551 : vector<512xi32>
    %rem3A_1553 = vector.broadcast %jit3A_1532 : i32 to vector<512xi32>
    %rem3A_1554 = arith.remsi %reduce_min3A_1524, %rem3A_1553 : vector<512xi32>
    %ne3A_1555 = arith.constant 0 : i32
    %ne3A_1556 = vector.broadcast %ne3A_1555 : i32 to vector<512xi32>
    %ne3A_1557 = arith.cmpi ne, %rem3A_1554, %ne3A_1556 : vector<512xi32>
    %and3A_1558 = arith.andi %ne3A_1552, %ne3A_1557 : vector<512xi1>
    %sub3A_1559 = arith.constant 1 : i32
    %sub3A_1560 = vector.broadcast %sub3A_1559 : i32 to vector<512xi32>
    %sub3A_1561 = arith.subi %div3A_1534, %sub3A_1560 : vector<512xi32>
    %select_n3A_1562 = arith.select %and3A_1558, %sub3A_1561, %div3A_1534 : vector<512xi1>, vector<512xi32>
    %broadcast_in_dim3A_1563 = vector.shape_cast %select_n3A_1562 : vector<512xi32> to vector<1x512xi32>
    %eq3A_1564 = vector.broadcast %broadcast_in_dim3A_1563 : vector<1x512xi32> to vector<64x512xi32>
    %eq3A_1565 = arith.cmpi eq, %iota3A_21, %eq3A_1564 : vector<64x512xi32>
    %add3A_1566 = arith.constant 1 : i32
    %add3A_1567 = vector.broadcast %add3A_1566 : i32 to vector<64x512xi32>
    %add3A_1568 = arith.addi %select_n3A_1473, %add3A_1567 : vector<64x512xi32>
    %select_n3A_1569 = arith.select %eq3A_1565, %add3A_1568, %select_n3A_1473 : vector<64x512xi1>, vector<64x512xi32>
    %broadcast_in_dim3A_1570 = arith.constant 0x7F800000 : f32
    %broadcast_in_dim3A_1571 = vector.broadcast %broadcast_in_dim3A_1570 : f32 to vector<64x512xf32>
    %broadcast_in_dim3A_1572 = arith.constant 2048 : i32
    %broadcast_in_dim3A_1573 = vector.broadcast %broadcast_in_dim3A_1572 : i32 to vector<64x512xi32>
    %eq3A_1574 = arith.constant 1 : i32
    %eq3A_1575 = vector.broadcast %eq3A_1574 : i32 to vector<64x512xi32>
    %eq3A_1576 = arith.cmpi eq, %select_n3A_1569, %eq3A_1575 : vector<64x512xi32>
    %select_n3A_1577 = arith.select %eq3A_1576, %reduce_min3A_39, %broadcast_in_dim3A_1571 : vector<64x512xi1>, vector<64x512xf32>
    %select_n3A_1578 = arith.select %eq3A_1576, %add3A_51, %broadcast_in_dim3A_1573 : vector<64x512xi1>, vector<64x512xi32>
    %eq3A_1579 = arith.constant 2 : i32
    %eq3A_1580 = vector.broadcast %eq3A_1579 : i32 to vector<64x512xi32>
    %eq3A_1581 = arith.cmpi eq, %select_n3A_1569, %eq3A_1580 : vector<64x512xi32>
    %select_n3A_1582 = arith.select %eq3A_1581, %reduce_min3A_59, %select_n3A_1577 : vector<64x512xi1>, vector<64x512xf32>
    %select_n3A_1583 = arith.select %eq3A_1581, %add3A_71, %select_n3A_1578 : vector<64x512xi1>, vector<64x512xi32>
    %eq3A_1584 = arith.constant 3 : i32
    %eq3A_1585 = vector.broadcast %eq3A_1584 : i32 to vector<64x512xi32>
    %eq3A_1586 = arith.cmpi eq, %select_n3A_1569, %eq3A_1585 : vector<64x512xi32>
    %select_n3A_1587 = arith.select %eq3A_1586, %reduce_min3A_79, %select_n3A_1582 : vector<64x512xi1>, vector<64x512xf32>
    %select_n3A_1588 = arith.select %eq3A_1586, %add3A_91, %select_n3A_1583 : vector<64x512xi1>, vector<64x512xi32>
    %eq3A_1589 = arith.constant 4 : i32
    %eq3A_1590 = vector.broadcast %eq3A_1589 : i32 to vector<64x512xi32>
    %eq3A_1591 = arith.cmpi eq, %select_n3A_1569, %eq3A_1590 : vector<64x512xi32>
    %select_n3A_1592 = arith.select %eq3A_1591, %reduce_min3A_99, %select_n3A_1587 : vector<64x512xi1>, vector<64x512xf32>
    %select_n3A_1593 = arith.select %eq3A_1591, %add3A_111, %select_n3A_1588 : vector<64x512xi1>, vector<64x512xi32>
    %eq3A_1594 = arith.constant 5 : i32
    %eq3A_1595 = vector.broadcast %eq3A_1594 : i32 to vector<64x512xi32>
    %eq3A_1596 = arith.cmpi eq, %select_n3A_1569, %eq3A_1595 : vector<64x512xi32>
    %select_n3A_1597 = arith.select %eq3A_1596, %reduce_min3A_119, %select_n3A_1592 : vector<64x512xi1>, vector<64x512xf32>
    %select_n3A_1598 = arith.select %eq3A_1596, %add3A_131, %select_n3A_1593 : vector<64x512xi1>, vector<64x512xi32>
    %eq3A_1599 = arith.constant 6 : i32
    %eq3A_1600 = vector.broadcast %eq3A_1599 : i32 to vector<64x512xi32>
    %eq3A_1601 = arith.cmpi eq, %select_n3A_1569, %eq3A_1600 : vector<64x512xi32>
    %select_n3A_1602 = arith.select %eq3A_1601, %reduce_min3A_139, %select_n3A_1597 : vector<64x512xi1>, vector<64x512xf32>
    %select_n3A_1603 = arith.select %eq3A_1601, %add3A_151, %select_n3A_1598 : vector<64x512xi1>, vector<64x512xi32>
    %eq3A_1604 = arith.constant 7 : i32
    %eq3A_1605 = vector.broadcast %eq3A_1604 : i32 to vector<64x512xi32>
    %eq3A_1606 = arith.cmpi eq, %select_n3A_1569, %eq3A_1605 : vector<64x512xi32>
    %select_n3A_1607 = arith.select %eq3A_1606, %reduce_min3A_159, %select_n3A_1602 : vector<64x512xi1>, vector<64x512xf32>
    %select_n3A_1608 = arith.select %eq3A_1606, %add3A_171, %select_n3A_1603 : vector<64x512xi1>, vector<64x512xi32>
    %select_n3A_1609 = arith.select %eq3A_1565, %select_n3A_1607, %select_n3A_1513 : vector<64x512xi1>, vector<64x512xf32>
    %select_n3A_1610 = arith.select %eq3A_1565, %select_n3A_1608, %select_n3A_1514 : vector<64x512xi1>, vector<64x512xi32>
    %reduce_min3A_1611 = arith.constant dense<0x7F800000> : vector<512xf32>
    %reduce_min3A_1612 = vector.multi_reduction <minimumf>, %select_n3A_1609, %reduce_min3A_1611 [0] : vector<64x512xf32> to vector<512xf32>
    %broadcast_in_dim3A_1613 = vector.shape_cast %reduce_min3A_1612 : vector<512xf32> to vector<1x512xf32>
    %eq3A_1614 = vector.broadcast %broadcast_in_dim3A_1613 : vector<1x512xf32> to vector<64x512xf32>
    %eq3A_1615 = arith.cmpf oeq, %select_n3A_1609, %eq3A_1614 : vector<64x512xf32>
    %jit3A_1616 = arith.constant 2048 : i32
    %broadcast_in_dim3A_1617 = vector.broadcast %jit3A_1616 : i32 to vector<64x512xi32>
    %select_n3A_1618 = arith.select %eq3A_1615, %select_n3A_1610, %broadcast_in_dim3A_1617 : vector<64x512xi1>, vector<64x512xi32>
    %reduce_min3A_1619 = arith.constant dense<2147483647> : vector<512xi32>
    %reduce_min3A_1620 = vector.multi_reduction <minsi>, %select_n3A_1618, %reduce_min3A_1619 [0] : vector<64x512xi32> to vector<512xi32>
    %eq3A_1621 = arith.constant 15 : i32
    %eq3A_1622 = vector.broadcast %eq3A_1621 : i32 to vector<32x512xi32>
    %eq3A_1623 = arith.cmpi eq, %iota3A, %eq3A_1622 : vector<32x512xi32>
    %broadcast_in_dim3A_1624 = vector.shape_cast %reduce_min3A_1620 : vector<512xi32> to vector<1x512xi32>
    %broadcast_in_dim3A_1625 = vector.shape_cast %broadcast_in_dim3A_1624 : vector<1x512xi32> to vector<1x512xi32>
    %broadcast_in_dim3A_1626 = vector.broadcast %broadcast_in_dim3A_1625 : vector<1x512xi32> to vector<32x512xi32>
    %select_n3A_1627 = arith.select %eq3A_1623, %broadcast_in_dim3A_1626, %select_n3A_1531 : vector<32x512xi1>, vector<32x512xi32>
    %jit3A_1628 = arith.constant 32 : i32
    %div3A_1629 = vector.broadcast %jit3A_1628 : i32 to vector<512xi32>
    %div3A_1630 = arith.divsi %reduce_min3A_1620, %div3A_1629 : vector<512xi32>
    %sign3A_1631 = arith.constant 0 : i32
    %sign3A_1632 = vector.broadcast %sign3A_1631 : i32 to vector<512xi32>
    %sign3A_1633 = arith.cmpi sgt, %reduce_min3A_1620, %sign3A_1632 : vector<512xi32>
    %sign3A_1634 = arith.extui %sign3A_1633 : vector<512xi1> to vector<512xi32>
    %sign3A_1635 = arith.constant 0 : i32
    %sign3A_1636 = vector.broadcast %sign3A_1635 : i32 to vector<512xi32>
    %sign3A_1637 = arith.cmpi slt, %reduce_min3A_1620, %sign3A_1636 : vector<512xi32>
    %sign3A_1638 = arith.extui %sign3A_1637 : vector<512xi1> to vector<512xi32>
    %sign3A_1639 = arith.subi %sign3A_1634, %sign3A_1638 : vector<512xi32>
    %sign3A_1640 = arith.constant 0 : i32
    %sign3A_1641 = arith.cmpi sgt, %jit3A_1628, %sign3A_1640 : i32
    %sign3A_1642 = arith.extui %sign3A_1641 : i1 to i32
    %sign3A_1643 = arith.constant 0 : i32
    %sign3A_1644 = arith.cmpi slt, %jit3A_1628, %sign3A_1643 : i32
    %sign3A_1645 = arith.extui %sign3A_1644 : i1 to i32
    %sign3A_1646 = arith.subi %sign3A_1642, %sign3A_1645 : i32
    %ne3A_1647 = vector.broadcast %sign3A_1646 : i32 to vector<512xi32>
    %ne3A_1648 = arith.cmpi ne, %sign3A_1639, %ne3A_1647 : vector<512xi32>
    %rem3A_1649 = vector.broadcast %jit3A_1628 : i32 to vector<512xi32>
    %rem3A_1650 = arith.remsi %reduce_min3A_1620, %rem3A_1649 : vector<512xi32>
    %ne3A_1651 = arith.constant 0 : i32
    %ne3A_1652 = vector.broadcast %ne3A_1651 : i32 to vector<512xi32>
    %ne3A_1653 = arith.cmpi ne, %rem3A_1650, %ne3A_1652 : vector<512xi32>
    %and3A_1654 = arith.andi %ne3A_1648, %ne3A_1653 : vector<512xi1>
    %sub3A_1655 = arith.constant 1 : i32
    %sub3A_1656 = vector.broadcast %sub3A_1655 : i32 to vector<512xi32>
    %sub3A_1657 = arith.subi %div3A_1630, %sub3A_1656 : vector<512xi32>
    %select_n3A_1658 = arith.select %and3A_1654, %sub3A_1657, %div3A_1630 : vector<512xi1>, vector<512xi32>
    %broadcast_in_dim3A_1659 = vector.shape_cast %select_n3A_1658 : vector<512xi32> to vector<1x512xi32>
    %eq3A_1660 = vector.broadcast %broadcast_in_dim3A_1659 : vector<1x512xi32> to vector<64x512xi32>
    %eq3A_1661 = arith.cmpi eq, %iota3A_21, %eq3A_1660 : vector<64x512xi32>
    %add3A_1662 = arith.constant 1 : i32
    %add3A_1663 = vector.broadcast %add3A_1662 : i32 to vector<64x512xi32>
    %add3A_1664 = arith.addi %select_n3A_1569, %add3A_1663 : vector<64x512xi32>
    %select_n3A_1665 = arith.select %eq3A_1661, %add3A_1664, %select_n3A_1569 : vector<64x512xi1>, vector<64x512xi32>
    %broadcast_in_dim3A_1666 = arith.constant 0x7F800000 : f32
    %broadcast_in_dim3A_1667 = vector.broadcast %broadcast_in_dim3A_1666 : f32 to vector<64x512xf32>
    %broadcast_in_dim3A_1668 = arith.constant 2048 : i32
    %broadcast_in_dim3A_1669 = vector.broadcast %broadcast_in_dim3A_1668 : i32 to vector<64x512xi32>
    %eq3A_1670 = arith.constant 1 : i32
    %eq3A_1671 = vector.broadcast %eq3A_1670 : i32 to vector<64x512xi32>
    %eq3A_1672 = arith.cmpi eq, %select_n3A_1665, %eq3A_1671 : vector<64x512xi32>
    %select_n3A_1673 = arith.select %eq3A_1672, %reduce_min3A_39, %broadcast_in_dim3A_1667 : vector<64x512xi1>, vector<64x512xf32>
    %select_n3A_1674 = arith.select %eq3A_1672, %add3A_51, %broadcast_in_dim3A_1669 : vector<64x512xi1>, vector<64x512xi32>
    %eq3A_1675 = arith.constant 2 : i32
    %eq3A_1676 = vector.broadcast %eq3A_1675 : i32 to vector<64x512xi32>
    %eq3A_1677 = arith.cmpi eq, %select_n3A_1665, %eq3A_1676 : vector<64x512xi32>
    %select_n3A_1678 = arith.select %eq3A_1677, %reduce_min3A_59, %select_n3A_1673 : vector<64x512xi1>, vector<64x512xf32>
    %select_n3A_1679 = arith.select %eq3A_1677, %add3A_71, %select_n3A_1674 : vector<64x512xi1>, vector<64x512xi32>
    %eq3A_1680 = arith.constant 3 : i32
    %eq3A_1681 = vector.broadcast %eq3A_1680 : i32 to vector<64x512xi32>
    %eq3A_1682 = arith.cmpi eq, %select_n3A_1665, %eq3A_1681 : vector<64x512xi32>
    %select_n3A_1683 = arith.select %eq3A_1682, %reduce_min3A_79, %select_n3A_1678 : vector<64x512xi1>, vector<64x512xf32>
    %select_n3A_1684 = arith.select %eq3A_1682, %add3A_91, %select_n3A_1679 : vector<64x512xi1>, vector<64x512xi32>
    %eq3A_1685 = arith.constant 4 : i32
    %eq3A_1686 = vector.broadcast %eq3A_1685 : i32 to vector<64x512xi32>
    %eq3A_1687 = arith.cmpi eq, %select_n3A_1665, %eq3A_1686 : vector<64x512xi32>
    %select_n3A_1688 = arith.select %eq3A_1687, %reduce_min3A_99, %select_n3A_1683 : vector<64x512xi1>, vector<64x512xf32>
    %select_n3A_1689 = arith.select %eq3A_1687, %add3A_111, %select_n3A_1684 : vector<64x512xi1>, vector<64x512xi32>
    %eq3A_1690 = arith.constant 5 : i32
    %eq3A_1691 = vector.broadcast %eq3A_1690 : i32 to vector<64x512xi32>
    %eq3A_1692 = arith.cmpi eq, %select_n3A_1665, %eq3A_1691 : vector<64x512xi32>
    %select_n3A_1693 = arith.select %eq3A_1692, %reduce_min3A_119, %select_n3A_1688 : vector<64x512xi1>, vector<64x512xf32>
    %select_n3A_1694 = arith.select %eq3A_1692, %add3A_131, %select_n3A_1689 : vector<64x512xi1>, vector<64x512xi32>
    %eq3A_1695 = arith.constant 6 : i32
    %eq3A_1696 = vector.broadcast %eq3A_1695 : i32 to vector<64x512xi32>
    %eq3A_1697 = arith.cmpi eq, %select_n3A_1665, %eq3A_1696 : vector<64x512xi32>
    %select_n3A_1698 = arith.select %eq3A_1697, %reduce_min3A_139, %select_n3A_1693 : vector<64x512xi1>, vector<64x512xf32>
    %select_n3A_1699 = arith.select %eq3A_1697, %add3A_151, %select_n3A_1694 : vector<64x512xi1>, vector<64x512xi32>
    %eq3A_1700 = arith.constant 7 : i32
    %eq3A_1701 = vector.broadcast %eq3A_1700 : i32 to vector<64x512xi32>
    %eq3A_1702 = arith.cmpi eq, %select_n3A_1665, %eq3A_1701 : vector<64x512xi32>
    %select_n3A_1703 = arith.select %eq3A_1702, %reduce_min3A_159, %select_n3A_1698 : vector<64x512xi1>, vector<64x512xf32>
    %select_n3A_1704 = arith.select %eq3A_1702, %add3A_171, %select_n3A_1699 : vector<64x512xi1>, vector<64x512xi32>
    %select_n3A_1705 = arith.select %eq3A_1661, %select_n3A_1703, %select_n3A_1609 : vector<64x512xi1>, vector<64x512xf32>
    %select_n3A_1706 = arith.select %eq3A_1661, %select_n3A_1704, %select_n3A_1610 : vector<64x512xi1>, vector<64x512xi32>
    %reduce_min3A_1707 = arith.constant dense<0x7F800000> : vector<512xf32>
    %reduce_min3A_1708 = vector.multi_reduction <minimumf>, %select_n3A_1705, %reduce_min3A_1707 [0] : vector<64x512xf32> to vector<512xf32>
    %broadcast_in_dim3A_1709 = vector.shape_cast %reduce_min3A_1708 : vector<512xf32> to vector<1x512xf32>
    %eq3A_1710 = vector.broadcast %broadcast_in_dim3A_1709 : vector<1x512xf32> to vector<64x512xf32>
    %eq3A_1711 = arith.cmpf oeq, %select_n3A_1705, %eq3A_1710 : vector<64x512xf32>
    %jit3A_1712 = arith.constant 2048 : i32
    %broadcast_in_dim3A_1713 = vector.broadcast %jit3A_1712 : i32 to vector<64x512xi32>
    %select_n3A_1714 = arith.select %eq3A_1711, %select_n3A_1706, %broadcast_in_dim3A_1713 : vector<64x512xi1>, vector<64x512xi32>
    %reduce_min3A_1715 = arith.constant dense<2147483647> : vector<512xi32>
    %reduce_min3A_1716 = vector.multi_reduction <minsi>, %select_n3A_1714, %reduce_min3A_1715 [0] : vector<64x512xi32> to vector<512xi32>
    %eq3A_1717 = arith.constant 16 : i32
    %eq3A_1718 = vector.broadcast %eq3A_1717 : i32 to vector<32x512xi32>
    %eq3A_1719 = arith.cmpi eq, %iota3A, %eq3A_1718 : vector<32x512xi32>
    %broadcast_in_dim3A_1720 = vector.shape_cast %reduce_min3A_1716 : vector<512xi32> to vector<1x512xi32>
    %broadcast_in_dim3A_1721 = vector.shape_cast %broadcast_in_dim3A_1720 : vector<1x512xi32> to vector<1x512xi32>
    %broadcast_in_dim3A_1722 = vector.broadcast %broadcast_in_dim3A_1721 : vector<1x512xi32> to vector<32x512xi32>
    %select_n3A_1723 = arith.select %eq3A_1719, %broadcast_in_dim3A_1722, %select_n3A_1627 : vector<32x512xi1>, vector<32x512xi32>
    %jit3A_1724 = arith.constant 32 : i32
    %div3A_1725 = vector.broadcast %jit3A_1724 : i32 to vector<512xi32>
    %div3A_1726 = arith.divsi %reduce_min3A_1716, %div3A_1725 : vector<512xi32>
    %sign3A_1727 = arith.constant 0 : i32
    %sign3A_1728 = vector.broadcast %sign3A_1727 : i32 to vector<512xi32>
    %sign3A_1729 = arith.cmpi sgt, %reduce_min3A_1716, %sign3A_1728 : vector<512xi32>
    %sign3A_1730 = arith.extui %sign3A_1729 : vector<512xi1> to vector<512xi32>
    %sign3A_1731 = arith.constant 0 : i32
    %sign3A_1732 = vector.broadcast %sign3A_1731 : i32 to vector<512xi32>
    %sign3A_1733 = arith.cmpi slt, %reduce_min3A_1716, %sign3A_1732 : vector<512xi32>
    %sign3A_1734 = arith.extui %sign3A_1733 : vector<512xi1> to vector<512xi32>
    %sign3A_1735 = arith.subi %sign3A_1730, %sign3A_1734 : vector<512xi32>
    %sign3A_1736 = arith.constant 0 : i32
    %sign3A_1737 = arith.cmpi sgt, %jit3A_1724, %sign3A_1736 : i32
    %sign3A_1738 = arith.extui %sign3A_1737 : i1 to i32
    %sign3A_1739 = arith.constant 0 : i32
    %sign3A_1740 = arith.cmpi slt, %jit3A_1724, %sign3A_1739 : i32
    %sign3A_1741 = arith.extui %sign3A_1740 : i1 to i32
    %sign3A_1742 = arith.subi %sign3A_1738, %sign3A_1741 : i32
    %ne3A_1743 = vector.broadcast %sign3A_1742 : i32 to vector<512xi32>
    %ne3A_1744 = arith.cmpi ne, %sign3A_1735, %ne3A_1743 : vector<512xi32>
    %rem3A_1745 = vector.broadcast %jit3A_1724 : i32 to vector<512xi32>
    %rem3A_1746 = arith.remsi %reduce_min3A_1716, %rem3A_1745 : vector<512xi32>
    %ne3A_1747 = arith.constant 0 : i32
    %ne3A_1748 = vector.broadcast %ne3A_1747 : i32 to vector<512xi32>
    %ne3A_1749 = arith.cmpi ne, %rem3A_1746, %ne3A_1748 : vector<512xi32>
    %and3A_1750 = arith.andi %ne3A_1744, %ne3A_1749 : vector<512xi1>
    %sub3A_1751 = arith.constant 1 : i32
    %sub3A_1752 = vector.broadcast %sub3A_1751 : i32 to vector<512xi32>
    %sub3A_1753 = arith.subi %div3A_1726, %sub3A_1752 : vector<512xi32>
    %select_n3A_1754 = arith.select %and3A_1750, %sub3A_1753, %div3A_1726 : vector<512xi1>, vector<512xi32>
    %broadcast_in_dim3A_1755 = vector.shape_cast %select_n3A_1754 : vector<512xi32> to vector<1x512xi32>
    %eq3A_1756 = vector.broadcast %broadcast_in_dim3A_1755 : vector<1x512xi32> to vector<64x512xi32>
    %eq3A_1757 = arith.cmpi eq, %iota3A_21, %eq3A_1756 : vector<64x512xi32>
    %add3A_1758 = arith.constant 1 : i32
    %add3A_1759 = vector.broadcast %add3A_1758 : i32 to vector<64x512xi32>
    %add3A_1760 = arith.addi %select_n3A_1665, %add3A_1759 : vector<64x512xi32>
    %select_n3A_1761 = arith.select %eq3A_1757, %add3A_1760, %select_n3A_1665 : vector<64x512xi1>, vector<64x512xi32>
    %broadcast_in_dim3A_1762 = arith.constant 0x7F800000 : f32
    %broadcast_in_dim3A_1763 = vector.broadcast %broadcast_in_dim3A_1762 : f32 to vector<64x512xf32>
    %broadcast_in_dim3A_1764 = arith.constant 2048 : i32
    %broadcast_in_dim3A_1765 = vector.broadcast %broadcast_in_dim3A_1764 : i32 to vector<64x512xi32>
    %eq3A_1766 = arith.constant 1 : i32
    %eq3A_1767 = vector.broadcast %eq3A_1766 : i32 to vector<64x512xi32>
    %eq3A_1768 = arith.cmpi eq, %select_n3A_1761, %eq3A_1767 : vector<64x512xi32>
    %select_n3A_1769 = arith.select %eq3A_1768, %reduce_min3A_39, %broadcast_in_dim3A_1763 : vector<64x512xi1>, vector<64x512xf32>
    %select_n3A_1770 = arith.select %eq3A_1768, %add3A_51, %broadcast_in_dim3A_1765 : vector<64x512xi1>, vector<64x512xi32>
    %eq3A_1771 = arith.constant 2 : i32
    %eq3A_1772 = vector.broadcast %eq3A_1771 : i32 to vector<64x512xi32>
    %eq3A_1773 = arith.cmpi eq, %select_n3A_1761, %eq3A_1772 : vector<64x512xi32>
    %select_n3A_1774 = arith.select %eq3A_1773, %reduce_min3A_59, %select_n3A_1769 : vector<64x512xi1>, vector<64x512xf32>
    %select_n3A_1775 = arith.select %eq3A_1773, %add3A_71, %select_n3A_1770 : vector<64x512xi1>, vector<64x512xi32>
    %eq3A_1776 = arith.constant 3 : i32
    %eq3A_1777 = vector.broadcast %eq3A_1776 : i32 to vector<64x512xi32>
    %eq3A_1778 = arith.cmpi eq, %select_n3A_1761, %eq3A_1777 : vector<64x512xi32>
    %select_n3A_1779 = arith.select %eq3A_1778, %reduce_min3A_79, %select_n3A_1774 : vector<64x512xi1>, vector<64x512xf32>
    %select_n3A_1780 = arith.select %eq3A_1778, %add3A_91, %select_n3A_1775 : vector<64x512xi1>, vector<64x512xi32>
    %eq3A_1781 = arith.constant 4 : i32
    %eq3A_1782 = vector.broadcast %eq3A_1781 : i32 to vector<64x512xi32>
    %eq3A_1783 = arith.cmpi eq, %select_n3A_1761, %eq3A_1782 : vector<64x512xi32>
    %select_n3A_1784 = arith.select %eq3A_1783, %reduce_min3A_99, %select_n3A_1779 : vector<64x512xi1>, vector<64x512xf32>
    %select_n3A_1785 = arith.select %eq3A_1783, %add3A_111, %select_n3A_1780 : vector<64x512xi1>, vector<64x512xi32>
    %eq3A_1786 = arith.constant 5 : i32
    %eq3A_1787 = vector.broadcast %eq3A_1786 : i32 to vector<64x512xi32>
    %eq3A_1788 = arith.cmpi eq, %select_n3A_1761, %eq3A_1787 : vector<64x512xi32>
    %select_n3A_1789 = arith.select %eq3A_1788, %reduce_min3A_119, %select_n3A_1784 : vector<64x512xi1>, vector<64x512xf32>
    %select_n3A_1790 = arith.select %eq3A_1788, %add3A_131, %select_n3A_1785 : vector<64x512xi1>, vector<64x512xi32>
    %eq3A_1791 = arith.constant 6 : i32
    %eq3A_1792 = vector.broadcast %eq3A_1791 : i32 to vector<64x512xi32>
    %eq3A_1793 = arith.cmpi eq, %select_n3A_1761, %eq3A_1792 : vector<64x512xi32>
    %select_n3A_1794 = arith.select %eq3A_1793, %reduce_min3A_139, %select_n3A_1789 : vector<64x512xi1>, vector<64x512xf32>
    %select_n3A_1795 = arith.select %eq3A_1793, %add3A_151, %select_n3A_1790 : vector<64x512xi1>, vector<64x512xi32>
    %eq3A_1796 = arith.constant 7 : i32
    %eq3A_1797 = vector.broadcast %eq3A_1796 : i32 to vector<64x512xi32>
    %eq3A_1798 = arith.cmpi eq, %select_n3A_1761, %eq3A_1797 : vector<64x512xi32>
    %select_n3A_1799 = arith.select %eq3A_1798, %reduce_min3A_159, %select_n3A_1794 : vector<64x512xi1>, vector<64x512xf32>
    %select_n3A_1800 = arith.select %eq3A_1798, %add3A_171, %select_n3A_1795 : vector<64x512xi1>, vector<64x512xi32>
    %select_n3A_1801 = arith.select %eq3A_1757, %select_n3A_1799, %select_n3A_1705 : vector<64x512xi1>, vector<64x512xf32>
    %select_n3A_1802 = arith.select %eq3A_1757, %select_n3A_1800, %select_n3A_1706 : vector<64x512xi1>, vector<64x512xi32>
    %reduce_min3A_1803 = arith.constant dense<0x7F800000> : vector<512xf32>
    %reduce_min3A_1804 = vector.multi_reduction <minimumf>, %select_n3A_1801, %reduce_min3A_1803 [0] : vector<64x512xf32> to vector<512xf32>
    %broadcast_in_dim3A_1805 = vector.shape_cast %reduce_min3A_1804 : vector<512xf32> to vector<1x512xf32>
    %eq3A_1806 = vector.broadcast %broadcast_in_dim3A_1805 : vector<1x512xf32> to vector<64x512xf32>
    %eq3A_1807 = arith.cmpf oeq, %select_n3A_1801, %eq3A_1806 : vector<64x512xf32>
    %jit3A_1808 = arith.constant 2048 : i32
    %broadcast_in_dim3A_1809 = vector.broadcast %jit3A_1808 : i32 to vector<64x512xi32>
    %select_n3A_1810 = arith.select %eq3A_1807, %select_n3A_1802, %broadcast_in_dim3A_1809 : vector<64x512xi1>, vector<64x512xi32>
    %reduce_min3A_1811 = arith.constant dense<2147483647> : vector<512xi32>
    %reduce_min3A_1812 = vector.multi_reduction <minsi>, %select_n3A_1810, %reduce_min3A_1811 [0] : vector<64x512xi32> to vector<512xi32>
    %eq3A_1813 = arith.constant 17 : i32
    %eq3A_1814 = vector.broadcast %eq3A_1813 : i32 to vector<32x512xi32>
    %eq3A_1815 = arith.cmpi eq, %iota3A, %eq3A_1814 : vector<32x512xi32>
    %broadcast_in_dim3A_1816 = vector.shape_cast %reduce_min3A_1812 : vector<512xi32> to vector<1x512xi32>
    %broadcast_in_dim3A_1817 = vector.shape_cast %broadcast_in_dim3A_1816 : vector<1x512xi32> to vector<1x512xi32>
    %broadcast_in_dim3A_1818 = vector.broadcast %broadcast_in_dim3A_1817 : vector<1x512xi32> to vector<32x512xi32>
    %select_n3A_1819 = arith.select %eq3A_1815, %broadcast_in_dim3A_1818, %select_n3A_1723 : vector<32x512xi1>, vector<32x512xi32>
    %jit3A_1820 = arith.constant 32 : i32
    %div3A_1821 = vector.broadcast %jit3A_1820 : i32 to vector<512xi32>
    %div3A_1822 = arith.divsi %reduce_min3A_1812, %div3A_1821 : vector<512xi32>
    %sign3A_1823 = arith.constant 0 : i32
    %sign3A_1824 = vector.broadcast %sign3A_1823 : i32 to vector<512xi32>
    %sign3A_1825 = arith.cmpi sgt, %reduce_min3A_1812, %sign3A_1824 : vector<512xi32>
    %sign3A_1826 = arith.extui %sign3A_1825 : vector<512xi1> to vector<512xi32>
    %sign3A_1827 = arith.constant 0 : i32
    %sign3A_1828 = vector.broadcast %sign3A_1827 : i32 to vector<512xi32>
    %sign3A_1829 = arith.cmpi slt, %reduce_min3A_1812, %sign3A_1828 : vector<512xi32>
    %sign3A_1830 = arith.extui %sign3A_1829 : vector<512xi1> to vector<512xi32>
    %sign3A_1831 = arith.subi %sign3A_1826, %sign3A_1830 : vector<512xi32>
    %sign3A_1832 = arith.constant 0 : i32
    %sign3A_1833 = arith.cmpi sgt, %jit3A_1820, %sign3A_1832 : i32
    %sign3A_1834 = arith.extui %sign3A_1833 : i1 to i32
    %sign3A_1835 = arith.constant 0 : i32
    %sign3A_1836 = arith.cmpi slt, %jit3A_1820, %sign3A_1835 : i32
    %sign3A_1837 = arith.extui %sign3A_1836 : i1 to i32
    %sign3A_1838 = arith.subi %sign3A_1834, %sign3A_1837 : i32
    %ne3A_1839 = vector.broadcast %sign3A_1838 : i32 to vector<512xi32>
    %ne3A_1840 = arith.cmpi ne, %sign3A_1831, %ne3A_1839 : vector<512xi32>
    %rem3A_1841 = vector.broadcast %jit3A_1820 : i32 to vector<512xi32>
    %rem3A_1842 = arith.remsi %reduce_min3A_1812, %rem3A_1841 : vector<512xi32>
    %ne3A_1843 = arith.constant 0 : i32
    %ne3A_1844 = vector.broadcast %ne3A_1843 : i32 to vector<512xi32>
    %ne3A_1845 = arith.cmpi ne, %rem3A_1842, %ne3A_1844 : vector<512xi32>
    %and3A_1846 = arith.andi %ne3A_1840, %ne3A_1845 : vector<512xi1>
    %sub3A_1847 = arith.constant 1 : i32
    %sub3A_1848 = vector.broadcast %sub3A_1847 : i32 to vector<512xi32>
    %sub3A_1849 = arith.subi %div3A_1822, %sub3A_1848 : vector<512xi32>
    %select_n3A_1850 = arith.select %and3A_1846, %sub3A_1849, %div3A_1822 : vector<512xi1>, vector<512xi32>
    %broadcast_in_dim3A_1851 = vector.shape_cast %select_n3A_1850 : vector<512xi32> to vector<1x512xi32>
    %eq3A_1852 = vector.broadcast %broadcast_in_dim3A_1851 : vector<1x512xi32> to vector<64x512xi32>
    %eq3A_1853 = arith.cmpi eq, %iota3A_21, %eq3A_1852 : vector<64x512xi32>
    %add3A_1854 = arith.constant 1 : i32
    %add3A_1855 = vector.broadcast %add3A_1854 : i32 to vector<64x512xi32>
    %add3A_1856 = arith.addi %select_n3A_1761, %add3A_1855 : vector<64x512xi32>
    %select_n3A_1857 = arith.select %eq3A_1853, %add3A_1856, %select_n3A_1761 : vector<64x512xi1>, vector<64x512xi32>
    %broadcast_in_dim3A_1858 = arith.constant 0x7F800000 : f32
    %broadcast_in_dim3A_1859 = vector.broadcast %broadcast_in_dim3A_1858 : f32 to vector<64x512xf32>
    %broadcast_in_dim3A_1860 = arith.constant 2048 : i32
    %broadcast_in_dim3A_1861 = vector.broadcast %broadcast_in_dim3A_1860 : i32 to vector<64x512xi32>
    %eq3A_1862 = arith.constant 1 : i32
    %eq3A_1863 = vector.broadcast %eq3A_1862 : i32 to vector<64x512xi32>
    %eq3A_1864 = arith.cmpi eq, %select_n3A_1857, %eq3A_1863 : vector<64x512xi32>
    %select_n3A_1865 = arith.select %eq3A_1864, %reduce_min3A_39, %broadcast_in_dim3A_1859 : vector<64x512xi1>, vector<64x512xf32>
    %select_n3A_1866 = arith.select %eq3A_1864, %add3A_51, %broadcast_in_dim3A_1861 : vector<64x512xi1>, vector<64x512xi32>
    %eq3A_1867 = arith.constant 2 : i32
    %eq3A_1868 = vector.broadcast %eq3A_1867 : i32 to vector<64x512xi32>
    %eq3A_1869 = arith.cmpi eq, %select_n3A_1857, %eq3A_1868 : vector<64x512xi32>
    %select_n3A_1870 = arith.select %eq3A_1869, %reduce_min3A_59, %select_n3A_1865 : vector<64x512xi1>, vector<64x512xf32>
    %select_n3A_1871 = arith.select %eq3A_1869, %add3A_71, %select_n3A_1866 : vector<64x512xi1>, vector<64x512xi32>
    %eq3A_1872 = arith.constant 3 : i32
    %eq3A_1873 = vector.broadcast %eq3A_1872 : i32 to vector<64x512xi32>
    %eq3A_1874 = arith.cmpi eq, %select_n3A_1857, %eq3A_1873 : vector<64x512xi32>
    %select_n3A_1875 = arith.select %eq3A_1874, %reduce_min3A_79, %select_n3A_1870 : vector<64x512xi1>, vector<64x512xf32>
    %select_n3A_1876 = arith.select %eq3A_1874, %add3A_91, %select_n3A_1871 : vector<64x512xi1>, vector<64x512xi32>
    %eq3A_1877 = arith.constant 4 : i32
    %eq3A_1878 = vector.broadcast %eq3A_1877 : i32 to vector<64x512xi32>
    %eq3A_1879 = arith.cmpi eq, %select_n3A_1857, %eq3A_1878 : vector<64x512xi32>
    %select_n3A_1880 = arith.select %eq3A_1879, %reduce_min3A_99, %select_n3A_1875 : vector<64x512xi1>, vector<64x512xf32>
    %select_n3A_1881 = arith.select %eq3A_1879, %add3A_111, %select_n3A_1876 : vector<64x512xi1>, vector<64x512xi32>
    %eq3A_1882 = arith.constant 5 : i32
    %eq3A_1883 = vector.broadcast %eq3A_1882 : i32 to vector<64x512xi32>
    %eq3A_1884 = arith.cmpi eq, %select_n3A_1857, %eq3A_1883 : vector<64x512xi32>
    %select_n3A_1885 = arith.select %eq3A_1884, %reduce_min3A_119, %select_n3A_1880 : vector<64x512xi1>, vector<64x512xf32>
    %select_n3A_1886 = arith.select %eq3A_1884, %add3A_131, %select_n3A_1881 : vector<64x512xi1>, vector<64x512xi32>
    %eq3A_1887 = arith.constant 6 : i32
    %eq3A_1888 = vector.broadcast %eq3A_1887 : i32 to vector<64x512xi32>
    %eq3A_1889 = arith.cmpi eq, %select_n3A_1857, %eq3A_1888 : vector<64x512xi32>
    %select_n3A_1890 = arith.select %eq3A_1889, %reduce_min3A_139, %select_n3A_1885 : vector<64x512xi1>, vector<64x512xf32>
    %select_n3A_1891 = arith.select %eq3A_1889, %add3A_151, %select_n3A_1886 : vector<64x512xi1>, vector<64x512xi32>
    %eq3A_1892 = arith.constant 7 : i32
    %eq3A_1893 = vector.broadcast %eq3A_1892 : i32 to vector<64x512xi32>
    %eq3A_1894 = arith.cmpi eq, %select_n3A_1857, %eq3A_1893 : vector<64x512xi32>
    %select_n3A_1895 = arith.select %eq3A_1894, %reduce_min3A_159, %select_n3A_1890 : vector<64x512xi1>, vector<64x512xf32>
    %select_n3A_1896 = arith.select %eq3A_1894, %add3A_171, %select_n3A_1891 : vector<64x512xi1>, vector<64x512xi32>
    %select_n3A_1897 = arith.select %eq3A_1853, %select_n3A_1895, %select_n3A_1801 : vector<64x512xi1>, vector<64x512xf32>
    %select_n3A_1898 = arith.select %eq3A_1853, %select_n3A_1896, %select_n3A_1802 : vector<64x512xi1>, vector<64x512xi32>
    %reduce_min3A_1899 = arith.constant dense<0x7F800000> : vector<512xf32>
    %reduce_min3A_1900 = vector.multi_reduction <minimumf>, %select_n3A_1897, %reduce_min3A_1899 [0] : vector<64x512xf32> to vector<512xf32>
    %broadcast_in_dim3A_1901 = vector.shape_cast %reduce_min3A_1900 : vector<512xf32> to vector<1x512xf32>
    %eq3A_1902 = vector.broadcast %broadcast_in_dim3A_1901 : vector<1x512xf32> to vector<64x512xf32>
    %eq3A_1903 = arith.cmpf oeq, %select_n3A_1897, %eq3A_1902 : vector<64x512xf32>
    %jit3A_1904 = arith.constant 2048 : i32
    %broadcast_in_dim3A_1905 = vector.broadcast %jit3A_1904 : i32 to vector<64x512xi32>
    %select_n3A_1906 = arith.select %eq3A_1903, %select_n3A_1898, %broadcast_in_dim3A_1905 : vector<64x512xi1>, vector<64x512xi32>
    %reduce_min3A_1907 = arith.constant dense<2147483647> : vector<512xi32>
    %reduce_min3A_1908 = vector.multi_reduction <minsi>, %select_n3A_1906, %reduce_min3A_1907 [0] : vector<64x512xi32> to vector<512xi32>
    %eq3A_1909 = arith.constant 18 : i32
    %eq3A_1910 = vector.broadcast %eq3A_1909 : i32 to vector<32x512xi32>
    %eq3A_1911 = arith.cmpi eq, %iota3A, %eq3A_1910 : vector<32x512xi32>
    %broadcast_in_dim3A_1912 = vector.shape_cast %reduce_min3A_1908 : vector<512xi32> to vector<1x512xi32>
    %broadcast_in_dim3A_1913 = vector.shape_cast %broadcast_in_dim3A_1912 : vector<1x512xi32> to vector<1x512xi32>
    %broadcast_in_dim3A_1914 = vector.broadcast %broadcast_in_dim3A_1913 : vector<1x512xi32> to vector<32x512xi32>
    %select_n3A_1915 = arith.select %eq3A_1911, %broadcast_in_dim3A_1914, %select_n3A_1819 : vector<32x512xi1>, vector<32x512xi32>
    %jit3A_1916 = arith.constant 32 : i32
    %div3A_1917 = vector.broadcast %jit3A_1916 : i32 to vector<512xi32>
    %div3A_1918 = arith.divsi %reduce_min3A_1908, %div3A_1917 : vector<512xi32>
    %sign3A_1919 = arith.constant 0 : i32
    %sign3A_1920 = vector.broadcast %sign3A_1919 : i32 to vector<512xi32>
    %sign3A_1921 = arith.cmpi sgt, %reduce_min3A_1908, %sign3A_1920 : vector<512xi32>
    %sign3A_1922 = arith.extui %sign3A_1921 : vector<512xi1> to vector<512xi32>
    %sign3A_1923 = arith.constant 0 : i32
    %sign3A_1924 = vector.broadcast %sign3A_1923 : i32 to vector<512xi32>
    %sign3A_1925 = arith.cmpi slt, %reduce_min3A_1908, %sign3A_1924 : vector<512xi32>
    %sign3A_1926 = arith.extui %sign3A_1925 : vector<512xi1> to vector<512xi32>
    %sign3A_1927 = arith.subi %sign3A_1922, %sign3A_1926 : vector<512xi32>
    %sign3A_1928 = arith.constant 0 : i32
    %sign3A_1929 = arith.cmpi sgt, %jit3A_1916, %sign3A_1928 : i32
    %sign3A_1930 = arith.extui %sign3A_1929 : i1 to i32
    %sign3A_1931 = arith.constant 0 : i32
    %sign3A_1932 = arith.cmpi slt, %jit3A_1916, %sign3A_1931 : i32
    %sign3A_1933 = arith.extui %sign3A_1932 : i1 to i32
    %sign3A_1934 = arith.subi %sign3A_1930, %sign3A_1933 : i32
    %ne3A_1935 = vector.broadcast %sign3A_1934 : i32 to vector<512xi32>
    %ne3A_1936 = arith.cmpi ne, %sign3A_1927, %ne3A_1935 : vector<512xi32>
    %rem3A_1937 = vector.broadcast %jit3A_1916 : i32 to vector<512xi32>
    %rem3A_1938 = arith.remsi %reduce_min3A_1908, %rem3A_1937 : vector<512xi32>
    %ne3A_1939 = arith.constant 0 : i32
    %ne3A_1940 = vector.broadcast %ne3A_1939 : i32 to vector<512xi32>
    %ne3A_1941 = arith.cmpi ne, %rem3A_1938, %ne3A_1940 : vector<512xi32>
    %and3A_1942 = arith.andi %ne3A_1936, %ne3A_1941 : vector<512xi1>
    %sub3A_1943 = arith.constant 1 : i32
    %sub3A_1944 = vector.broadcast %sub3A_1943 : i32 to vector<512xi32>
    %sub3A_1945 = arith.subi %div3A_1918, %sub3A_1944 : vector<512xi32>
    %select_n3A_1946 = arith.select %and3A_1942, %sub3A_1945, %div3A_1918 : vector<512xi1>, vector<512xi32>
    %broadcast_in_dim3A_1947 = vector.shape_cast %select_n3A_1946 : vector<512xi32> to vector<1x512xi32>
    %eq3A_1948 = vector.broadcast %broadcast_in_dim3A_1947 : vector<1x512xi32> to vector<64x512xi32>
    %eq3A_1949 = arith.cmpi eq, %iota3A_21, %eq3A_1948 : vector<64x512xi32>
    %add3A_1950 = arith.constant 1 : i32
    %add3A_1951 = vector.broadcast %add3A_1950 : i32 to vector<64x512xi32>
    %add3A_1952 = arith.addi %select_n3A_1857, %add3A_1951 : vector<64x512xi32>
    %select_n3A_1953 = arith.select %eq3A_1949, %add3A_1952, %select_n3A_1857 : vector<64x512xi1>, vector<64x512xi32>
    %broadcast_in_dim3A_1954 = arith.constant 0x7F800000 : f32
    %broadcast_in_dim3A_1955 = vector.broadcast %broadcast_in_dim3A_1954 : f32 to vector<64x512xf32>
    %broadcast_in_dim3A_1956 = arith.constant 2048 : i32
    %broadcast_in_dim3A_1957 = vector.broadcast %broadcast_in_dim3A_1956 : i32 to vector<64x512xi32>
    %eq3A_1958 = arith.constant 1 : i32
    %eq3A_1959 = vector.broadcast %eq3A_1958 : i32 to vector<64x512xi32>
    %eq3A_1960 = arith.cmpi eq, %select_n3A_1953, %eq3A_1959 : vector<64x512xi32>
    %select_n3A_1961 = arith.select %eq3A_1960, %reduce_min3A_39, %broadcast_in_dim3A_1955 : vector<64x512xi1>, vector<64x512xf32>
    %select_n3A_1962 = arith.select %eq3A_1960, %add3A_51, %broadcast_in_dim3A_1957 : vector<64x512xi1>, vector<64x512xi32>
    %eq3A_1963 = arith.constant 2 : i32
    %eq3A_1964 = vector.broadcast %eq3A_1963 : i32 to vector<64x512xi32>
    %eq3A_1965 = arith.cmpi eq, %select_n3A_1953, %eq3A_1964 : vector<64x512xi32>
    %select_n3A_1966 = arith.select %eq3A_1965, %reduce_min3A_59, %select_n3A_1961 : vector<64x512xi1>, vector<64x512xf32>
    %select_n3A_1967 = arith.select %eq3A_1965, %add3A_71, %select_n3A_1962 : vector<64x512xi1>, vector<64x512xi32>
    %eq3A_1968 = arith.constant 3 : i32
    %eq3A_1969 = vector.broadcast %eq3A_1968 : i32 to vector<64x512xi32>
    %eq3A_1970 = arith.cmpi eq, %select_n3A_1953, %eq3A_1969 : vector<64x512xi32>
    %select_n3A_1971 = arith.select %eq3A_1970, %reduce_min3A_79, %select_n3A_1966 : vector<64x512xi1>, vector<64x512xf32>
    %select_n3A_1972 = arith.select %eq3A_1970, %add3A_91, %select_n3A_1967 : vector<64x512xi1>, vector<64x512xi32>
    %eq3A_1973 = arith.constant 4 : i32
    %eq3A_1974 = vector.broadcast %eq3A_1973 : i32 to vector<64x512xi32>
    %eq3A_1975 = arith.cmpi eq, %select_n3A_1953, %eq3A_1974 : vector<64x512xi32>
    %select_n3A_1976 = arith.select %eq3A_1975, %reduce_min3A_99, %select_n3A_1971 : vector<64x512xi1>, vector<64x512xf32>
    %select_n3A_1977 = arith.select %eq3A_1975, %add3A_111, %select_n3A_1972 : vector<64x512xi1>, vector<64x512xi32>
    %eq3A_1978 = arith.constant 5 : i32
    %eq3A_1979 = vector.broadcast %eq3A_1978 : i32 to vector<64x512xi32>
    %eq3A_1980 = arith.cmpi eq, %select_n3A_1953, %eq3A_1979 : vector<64x512xi32>
    %select_n3A_1981 = arith.select %eq3A_1980, %reduce_min3A_119, %select_n3A_1976 : vector<64x512xi1>, vector<64x512xf32>
    %select_n3A_1982 = arith.select %eq3A_1980, %add3A_131, %select_n3A_1977 : vector<64x512xi1>, vector<64x512xi32>
    %eq3A_1983 = arith.constant 6 : i32
    %eq3A_1984 = vector.broadcast %eq3A_1983 : i32 to vector<64x512xi32>
    %eq3A_1985 = arith.cmpi eq, %select_n3A_1953, %eq3A_1984 : vector<64x512xi32>
    %select_n3A_1986 = arith.select %eq3A_1985, %reduce_min3A_139, %select_n3A_1981 : vector<64x512xi1>, vector<64x512xf32>
    %select_n3A_1987 = arith.select %eq3A_1985, %add3A_151, %select_n3A_1982 : vector<64x512xi1>, vector<64x512xi32>
    %eq3A_1988 = arith.constant 7 : i32
    %eq3A_1989 = vector.broadcast %eq3A_1988 : i32 to vector<64x512xi32>
    %eq3A_1990 = arith.cmpi eq, %select_n3A_1953, %eq3A_1989 : vector<64x512xi32>
    %select_n3A_1991 = arith.select %eq3A_1990, %reduce_min3A_159, %select_n3A_1986 : vector<64x512xi1>, vector<64x512xf32>
    %select_n3A_1992 = arith.select %eq3A_1990, %add3A_171, %select_n3A_1987 : vector<64x512xi1>, vector<64x512xi32>
    %select_n3A_1993 = arith.select %eq3A_1949, %select_n3A_1991, %select_n3A_1897 : vector<64x512xi1>, vector<64x512xf32>
    %select_n3A_1994 = arith.select %eq3A_1949, %select_n3A_1992, %select_n3A_1898 : vector<64x512xi1>, vector<64x512xi32>
    %reduce_min3A_1995 = arith.constant dense<0x7F800000> : vector<512xf32>
    %reduce_min3A_1996 = vector.multi_reduction <minimumf>, %select_n3A_1993, %reduce_min3A_1995 [0] : vector<64x512xf32> to vector<512xf32>
    %broadcast_in_dim3A_1997 = vector.shape_cast %reduce_min3A_1996 : vector<512xf32> to vector<1x512xf32>
    %eq3A_1998 = vector.broadcast %broadcast_in_dim3A_1997 : vector<1x512xf32> to vector<64x512xf32>
    %eq3A_1999 = arith.cmpf oeq, %select_n3A_1993, %eq3A_1998 : vector<64x512xf32>
    %jit3A_2000 = arith.constant 2048 : i32
    %broadcast_in_dim3A_2001 = vector.broadcast %jit3A_2000 : i32 to vector<64x512xi32>
    %select_n3A_2002 = arith.select %eq3A_1999, %select_n3A_1994, %broadcast_in_dim3A_2001 : vector<64x512xi1>, vector<64x512xi32>
    %reduce_min3A_2003 = arith.constant dense<2147483647> : vector<512xi32>
    %reduce_min3A_2004 = vector.multi_reduction <minsi>, %select_n3A_2002, %reduce_min3A_2003 [0] : vector<64x512xi32> to vector<512xi32>
    %eq3A_2005 = arith.constant 19 : i32
    %eq3A_2006 = vector.broadcast %eq3A_2005 : i32 to vector<32x512xi32>
    %eq3A_2007 = arith.cmpi eq, %iota3A, %eq3A_2006 : vector<32x512xi32>
    %broadcast_in_dim3A_2008 = vector.shape_cast %reduce_min3A_2004 : vector<512xi32> to vector<1x512xi32>
    %broadcast_in_dim3A_2009 = vector.shape_cast %broadcast_in_dim3A_2008 : vector<1x512xi32> to vector<1x512xi32>
    %broadcast_in_dim3A_2010 = vector.broadcast %broadcast_in_dim3A_2009 : vector<1x512xi32> to vector<32x512xi32>
    %select_n3A_2011 = arith.select %eq3A_2007, %broadcast_in_dim3A_2010, %select_n3A_1915 : vector<32x512xi1>, vector<32x512xi32>
    %jit3A_2012 = arith.constant 32 : i32
    %div3A_2013 = vector.broadcast %jit3A_2012 : i32 to vector<512xi32>
    %div3A_2014 = arith.divsi %reduce_min3A_2004, %div3A_2013 : vector<512xi32>
    %sign3A_2015 = arith.constant 0 : i32
    %sign3A_2016 = vector.broadcast %sign3A_2015 : i32 to vector<512xi32>
    %sign3A_2017 = arith.cmpi sgt, %reduce_min3A_2004, %sign3A_2016 : vector<512xi32>
    %sign3A_2018 = arith.extui %sign3A_2017 : vector<512xi1> to vector<512xi32>
    %sign3A_2019 = arith.constant 0 : i32
    %sign3A_2020 = vector.broadcast %sign3A_2019 : i32 to vector<512xi32>
    %sign3A_2021 = arith.cmpi slt, %reduce_min3A_2004, %sign3A_2020 : vector<512xi32>
    %sign3A_2022 = arith.extui %sign3A_2021 : vector<512xi1> to vector<512xi32>
    %sign3A_2023 = arith.subi %sign3A_2018, %sign3A_2022 : vector<512xi32>
    %sign3A_2024 = arith.constant 0 : i32
    %sign3A_2025 = arith.cmpi sgt, %jit3A_2012, %sign3A_2024 : i32
    %sign3A_2026 = arith.extui %sign3A_2025 : i1 to i32
    %sign3A_2027 = arith.constant 0 : i32
    %sign3A_2028 = arith.cmpi slt, %jit3A_2012, %sign3A_2027 : i32
    %sign3A_2029 = arith.extui %sign3A_2028 : i1 to i32
    %sign3A_2030 = arith.subi %sign3A_2026, %sign3A_2029 : i32
    %ne3A_2031 = vector.broadcast %sign3A_2030 : i32 to vector<512xi32>
    %ne3A_2032 = arith.cmpi ne, %sign3A_2023, %ne3A_2031 : vector<512xi32>
    %rem3A_2033 = vector.broadcast %jit3A_2012 : i32 to vector<512xi32>
    %rem3A_2034 = arith.remsi %reduce_min3A_2004, %rem3A_2033 : vector<512xi32>
    %ne3A_2035 = arith.constant 0 : i32
    %ne3A_2036 = vector.broadcast %ne3A_2035 : i32 to vector<512xi32>
    %ne3A_2037 = arith.cmpi ne, %rem3A_2034, %ne3A_2036 : vector<512xi32>
    %and3A_2038 = arith.andi %ne3A_2032, %ne3A_2037 : vector<512xi1>
    %sub3A_2039 = arith.constant 1 : i32
    %sub3A_2040 = vector.broadcast %sub3A_2039 : i32 to vector<512xi32>
    %sub3A_2041 = arith.subi %div3A_2014, %sub3A_2040 : vector<512xi32>
    %select_n3A_2042 = arith.select %and3A_2038, %sub3A_2041, %div3A_2014 : vector<512xi1>, vector<512xi32>
    %broadcast_in_dim3A_2043 = vector.shape_cast %select_n3A_2042 : vector<512xi32> to vector<1x512xi32>
    %eq3A_2044 = vector.broadcast %broadcast_in_dim3A_2043 : vector<1x512xi32> to vector<64x512xi32>
    %eq3A_2045 = arith.cmpi eq, %iota3A_21, %eq3A_2044 : vector<64x512xi32>
    %add3A_2046 = arith.constant 1 : i32
    %add3A_2047 = vector.broadcast %add3A_2046 : i32 to vector<64x512xi32>
    %add3A_2048 = arith.addi %select_n3A_1953, %add3A_2047 : vector<64x512xi32>
    %select_n3A_2049 = arith.select %eq3A_2045, %add3A_2048, %select_n3A_1953 : vector<64x512xi1>, vector<64x512xi32>
    %broadcast_in_dim3A_2050 = arith.constant 0x7F800000 : f32
    %broadcast_in_dim3A_2051 = vector.broadcast %broadcast_in_dim3A_2050 : f32 to vector<64x512xf32>
    %broadcast_in_dim3A_2052 = arith.constant 2048 : i32
    %broadcast_in_dim3A_2053 = vector.broadcast %broadcast_in_dim3A_2052 : i32 to vector<64x512xi32>
    %eq3A_2054 = arith.constant 1 : i32
    %eq3A_2055 = vector.broadcast %eq3A_2054 : i32 to vector<64x512xi32>
    %eq3A_2056 = arith.cmpi eq, %select_n3A_2049, %eq3A_2055 : vector<64x512xi32>
    %select_n3A_2057 = arith.select %eq3A_2056, %reduce_min3A_39, %broadcast_in_dim3A_2051 : vector<64x512xi1>, vector<64x512xf32>
    %select_n3A_2058 = arith.select %eq3A_2056, %add3A_51, %broadcast_in_dim3A_2053 : vector<64x512xi1>, vector<64x512xi32>
    %eq3A_2059 = arith.constant 2 : i32
    %eq3A_2060 = vector.broadcast %eq3A_2059 : i32 to vector<64x512xi32>
    %eq3A_2061 = arith.cmpi eq, %select_n3A_2049, %eq3A_2060 : vector<64x512xi32>
    %select_n3A_2062 = arith.select %eq3A_2061, %reduce_min3A_59, %select_n3A_2057 : vector<64x512xi1>, vector<64x512xf32>
    %select_n3A_2063 = arith.select %eq3A_2061, %add3A_71, %select_n3A_2058 : vector<64x512xi1>, vector<64x512xi32>
    %eq3A_2064 = arith.constant 3 : i32
    %eq3A_2065 = vector.broadcast %eq3A_2064 : i32 to vector<64x512xi32>
    %eq3A_2066 = arith.cmpi eq, %select_n3A_2049, %eq3A_2065 : vector<64x512xi32>
    %select_n3A_2067 = arith.select %eq3A_2066, %reduce_min3A_79, %select_n3A_2062 : vector<64x512xi1>, vector<64x512xf32>
    %select_n3A_2068 = arith.select %eq3A_2066, %add3A_91, %select_n3A_2063 : vector<64x512xi1>, vector<64x512xi32>
    %eq3A_2069 = arith.constant 4 : i32
    %eq3A_2070 = vector.broadcast %eq3A_2069 : i32 to vector<64x512xi32>
    %eq3A_2071 = arith.cmpi eq, %select_n3A_2049, %eq3A_2070 : vector<64x512xi32>
    %select_n3A_2072 = arith.select %eq3A_2071, %reduce_min3A_99, %select_n3A_2067 : vector<64x512xi1>, vector<64x512xf32>
    %select_n3A_2073 = arith.select %eq3A_2071, %add3A_111, %select_n3A_2068 : vector<64x512xi1>, vector<64x512xi32>
    %eq3A_2074 = arith.constant 5 : i32
    %eq3A_2075 = vector.broadcast %eq3A_2074 : i32 to vector<64x512xi32>
    %eq3A_2076 = arith.cmpi eq, %select_n3A_2049, %eq3A_2075 : vector<64x512xi32>
    %select_n3A_2077 = arith.select %eq3A_2076, %reduce_min3A_119, %select_n3A_2072 : vector<64x512xi1>, vector<64x512xf32>
    %select_n3A_2078 = arith.select %eq3A_2076, %add3A_131, %select_n3A_2073 : vector<64x512xi1>, vector<64x512xi32>
    %eq3A_2079 = arith.constant 6 : i32
    %eq3A_2080 = vector.broadcast %eq3A_2079 : i32 to vector<64x512xi32>
    %eq3A_2081 = arith.cmpi eq, %select_n3A_2049, %eq3A_2080 : vector<64x512xi32>
    %select_n3A_2082 = arith.select %eq3A_2081, %reduce_min3A_139, %select_n3A_2077 : vector<64x512xi1>, vector<64x512xf32>
    %select_n3A_2083 = arith.select %eq3A_2081, %add3A_151, %select_n3A_2078 : vector<64x512xi1>, vector<64x512xi32>
    %eq3A_2084 = arith.constant 7 : i32
    %eq3A_2085 = vector.broadcast %eq3A_2084 : i32 to vector<64x512xi32>
    %eq3A_2086 = arith.cmpi eq, %select_n3A_2049, %eq3A_2085 : vector<64x512xi32>
    %select_n3A_2087 = arith.select %eq3A_2086, %reduce_min3A_159, %select_n3A_2082 : vector<64x512xi1>, vector<64x512xf32>
    %select_n3A_2088 = arith.select %eq3A_2086, %add3A_171, %select_n3A_2083 : vector<64x512xi1>, vector<64x512xi32>
    %select_n3A_2089 = arith.select %eq3A_2045, %select_n3A_2087, %select_n3A_1993 : vector<64x512xi1>, vector<64x512xf32>
    %select_n3A_2090 = arith.select %eq3A_2045, %select_n3A_2088, %select_n3A_1994 : vector<64x512xi1>, vector<64x512xi32>
    %reduce_min3A_2091 = arith.constant dense<0x7F800000> : vector<512xf32>
    %reduce_min3A_2092 = vector.multi_reduction <minimumf>, %select_n3A_2089, %reduce_min3A_2091 [0] : vector<64x512xf32> to vector<512xf32>
    %broadcast_in_dim3A_2093 = vector.shape_cast %reduce_min3A_2092 : vector<512xf32> to vector<1x512xf32>
    %eq3A_2094 = vector.broadcast %broadcast_in_dim3A_2093 : vector<1x512xf32> to vector<64x512xf32>
    %eq3A_2095 = arith.cmpf oeq, %select_n3A_2089, %eq3A_2094 : vector<64x512xf32>
    %jit3A_2096 = arith.constant 2048 : i32
    %broadcast_in_dim3A_2097 = vector.broadcast %jit3A_2096 : i32 to vector<64x512xi32>
    %select_n3A_2098 = arith.select %eq3A_2095, %select_n3A_2090, %broadcast_in_dim3A_2097 : vector<64x512xi1>, vector<64x512xi32>
    %reduce_min3A_2099 = arith.constant dense<2147483647> : vector<512xi32>
    %reduce_min3A_2100 = vector.multi_reduction <minsi>, %select_n3A_2098, %reduce_min3A_2099 [0] : vector<64x512xi32> to vector<512xi32>
    %eq3A_2101 = arith.constant 20 : i32
    %eq3A_2102 = vector.broadcast %eq3A_2101 : i32 to vector<32x512xi32>
    %eq3A_2103 = arith.cmpi eq, %iota3A, %eq3A_2102 : vector<32x512xi32>
    %broadcast_in_dim3A_2104 = vector.shape_cast %reduce_min3A_2100 : vector<512xi32> to vector<1x512xi32>
    %broadcast_in_dim3A_2105 = vector.shape_cast %broadcast_in_dim3A_2104 : vector<1x512xi32> to vector<1x512xi32>
    %broadcast_in_dim3A_2106 = vector.broadcast %broadcast_in_dim3A_2105 : vector<1x512xi32> to vector<32x512xi32>
    %select_n3A_2107 = arith.select %eq3A_2103, %broadcast_in_dim3A_2106, %select_n3A_2011 : vector<32x512xi1>, vector<32x512xi32>
    %jit3A_2108 = arith.constant 32 : i32
    %div3A_2109 = vector.broadcast %jit3A_2108 : i32 to vector<512xi32>
    %div3A_2110 = arith.divsi %reduce_min3A_2100, %div3A_2109 : vector<512xi32>
    %sign3A_2111 = arith.constant 0 : i32
    %sign3A_2112 = vector.broadcast %sign3A_2111 : i32 to vector<512xi32>
    %sign3A_2113 = arith.cmpi sgt, %reduce_min3A_2100, %sign3A_2112 : vector<512xi32>
    %sign3A_2114 = arith.extui %sign3A_2113 : vector<512xi1> to vector<512xi32>
    %sign3A_2115 = arith.constant 0 : i32
    %sign3A_2116 = vector.broadcast %sign3A_2115 : i32 to vector<512xi32>
    %sign3A_2117 = arith.cmpi slt, %reduce_min3A_2100, %sign3A_2116 : vector<512xi32>
    %sign3A_2118 = arith.extui %sign3A_2117 : vector<512xi1> to vector<512xi32>
    %sign3A_2119 = arith.subi %sign3A_2114, %sign3A_2118 : vector<512xi32>
    %sign3A_2120 = arith.constant 0 : i32
    %sign3A_2121 = arith.cmpi sgt, %jit3A_2108, %sign3A_2120 : i32
    %sign3A_2122 = arith.extui %sign3A_2121 : i1 to i32
    %sign3A_2123 = arith.constant 0 : i32
    %sign3A_2124 = arith.cmpi slt, %jit3A_2108, %sign3A_2123 : i32
    %sign3A_2125 = arith.extui %sign3A_2124 : i1 to i32
    %sign3A_2126 = arith.subi %sign3A_2122, %sign3A_2125 : i32
    %ne3A_2127 = vector.broadcast %sign3A_2126 : i32 to vector<512xi32>
    %ne3A_2128 = arith.cmpi ne, %sign3A_2119, %ne3A_2127 : vector<512xi32>
    %rem3A_2129 = vector.broadcast %jit3A_2108 : i32 to vector<512xi32>
    %rem3A_2130 = arith.remsi %reduce_min3A_2100, %rem3A_2129 : vector<512xi32>
    %ne3A_2131 = arith.constant 0 : i32
    %ne3A_2132 = vector.broadcast %ne3A_2131 : i32 to vector<512xi32>
    %ne3A_2133 = arith.cmpi ne, %rem3A_2130, %ne3A_2132 : vector<512xi32>
    %and3A_2134 = arith.andi %ne3A_2128, %ne3A_2133 : vector<512xi1>
    %sub3A_2135 = arith.constant 1 : i32
    %sub3A_2136 = vector.broadcast %sub3A_2135 : i32 to vector<512xi32>
    %sub3A_2137 = arith.subi %div3A_2110, %sub3A_2136 : vector<512xi32>
    %select_n3A_2138 = arith.select %and3A_2134, %sub3A_2137, %div3A_2110 : vector<512xi1>, vector<512xi32>
    %broadcast_in_dim3A_2139 = vector.shape_cast %select_n3A_2138 : vector<512xi32> to vector<1x512xi32>
    %eq3A_2140 = vector.broadcast %broadcast_in_dim3A_2139 : vector<1x512xi32> to vector<64x512xi32>
    %eq3A_2141 = arith.cmpi eq, %iota3A_21, %eq3A_2140 : vector<64x512xi32>
    %add3A_2142 = arith.constant 1 : i32
    %add3A_2143 = vector.broadcast %add3A_2142 : i32 to vector<64x512xi32>
    %add3A_2144 = arith.addi %select_n3A_2049, %add3A_2143 : vector<64x512xi32>
    %select_n3A_2145 = arith.select %eq3A_2141, %add3A_2144, %select_n3A_2049 : vector<64x512xi1>, vector<64x512xi32>
    %broadcast_in_dim3A_2146 = arith.constant 0x7F800000 : f32
    %broadcast_in_dim3A_2147 = vector.broadcast %broadcast_in_dim3A_2146 : f32 to vector<64x512xf32>
    %broadcast_in_dim3A_2148 = arith.constant 2048 : i32
    %broadcast_in_dim3A_2149 = vector.broadcast %broadcast_in_dim3A_2148 : i32 to vector<64x512xi32>
    %eq3A_2150 = arith.constant 1 : i32
    %eq3A_2151 = vector.broadcast %eq3A_2150 : i32 to vector<64x512xi32>
    %eq3A_2152 = arith.cmpi eq, %select_n3A_2145, %eq3A_2151 : vector<64x512xi32>
    %select_n3A_2153 = arith.select %eq3A_2152, %reduce_min3A_39, %broadcast_in_dim3A_2147 : vector<64x512xi1>, vector<64x512xf32>
    %select_n3A_2154 = arith.select %eq3A_2152, %add3A_51, %broadcast_in_dim3A_2149 : vector<64x512xi1>, vector<64x512xi32>
    %eq3A_2155 = arith.constant 2 : i32
    %eq3A_2156 = vector.broadcast %eq3A_2155 : i32 to vector<64x512xi32>
    %eq3A_2157 = arith.cmpi eq, %select_n3A_2145, %eq3A_2156 : vector<64x512xi32>
    %select_n3A_2158 = arith.select %eq3A_2157, %reduce_min3A_59, %select_n3A_2153 : vector<64x512xi1>, vector<64x512xf32>
    %select_n3A_2159 = arith.select %eq3A_2157, %add3A_71, %select_n3A_2154 : vector<64x512xi1>, vector<64x512xi32>
    %eq3A_2160 = arith.constant 3 : i32
    %eq3A_2161 = vector.broadcast %eq3A_2160 : i32 to vector<64x512xi32>
    %eq3A_2162 = arith.cmpi eq, %select_n3A_2145, %eq3A_2161 : vector<64x512xi32>
    %select_n3A_2163 = arith.select %eq3A_2162, %reduce_min3A_79, %select_n3A_2158 : vector<64x512xi1>, vector<64x512xf32>
    %select_n3A_2164 = arith.select %eq3A_2162, %add3A_91, %select_n3A_2159 : vector<64x512xi1>, vector<64x512xi32>
    %eq3A_2165 = arith.constant 4 : i32
    %eq3A_2166 = vector.broadcast %eq3A_2165 : i32 to vector<64x512xi32>
    %eq3A_2167 = arith.cmpi eq, %select_n3A_2145, %eq3A_2166 : vector<64x512xi32>
    %select_n3A_2168 = arith.select %eq3A_2167, %reduce_min3A_99, %select_n3A_2163 : vector<64x512xi1>, vector<64x512xf32>
    %select_n3A_2169 = arith.select %eq3A_2167, %add3A_111, %select_n3A_2164 : vector<64x512xi1>, vector<64x512xi32>
    %eq3A_2170 = arith.constant 5 : i32
    %eq3A_2171 = vector.broadcast %eq3A_2170 : i32 to vector<64x512xi32>
    %eq3A_2172 = arith.cmpi eq, %select_n3A_2145, %eq3A_2171 : vector<64x512xi32>
    %select_n3A_2173 = arith.select %eq3A_2172, %reduce_min3A_119, %select_n3A_2168 : vector<64x512xi1>, vector<64x512xf32>
    %select_n3A_2174 = arith.select %eq3A_2172, %add3A_131, %select_n3A_2169 : vector<64x512xi1>, vector<64x512xi32>
    %eq3A_2175 = arith.constant 6 : i32
    %eq3A_2176 = vector.broadcast %eq3A_2175 : i32 to vector<64x512xi32>
    %eq3A_2177 = arith.cmpi eq, %select_n3A_2145, %eq3A_2176 : vector<64x512xi32>
    %select_n3A_2178 = arith.select %eq3A_2177, %reduce_min3A_139, %select_n3A_2173 : vector<64x512xi1>, vector<64x512xf32>
    %select_n3A_2179 = arith.select %eq3A_2177, %add3A_151, %select_n3A_2174 : vector<64x512xi1>, vector<64x512xi32>
    %eq3A_2180 = arith.constant 7 : i32
    %eq3A_2181 = vector.broadcast %eq3A_2180 : i32 to vector<64x512xi32>
    %eq3A_2182 = arith.cmpi eq, %select_n3A_2145, %eq3A_2181 : vector<64x512xi32>
    %select_n3A_2183 = arith.select %eq3A_2182, %reduce_min3A_159, %select_n3A_2178 : vector<64x512xi1>, vector<64x512xf32>
    %select_n3A_2184 = arith.select %eq3A_2182, %add3A_171, %select_n3A_2179 : vector<64x512xi1>, vector<64x512xi32>
    %select_n3A_2185 = arith.select %eq3A_2141, %select_n3A_2183, %select_n3A_2089 : vector<64x512xi1>, vector<64x512xf32>
    %select_n3A_2186 = arith.select %eq3A_2141, %select_n3A_2184, %select_n3A_2090 : vector<64x512xi1>, vector<64x512xi32>
    %reduce_min3A_2187 = arith.constant dense<0x7F800000> : vector<512xf32>
    %reduce_min3A_2188 = vector.multi_reduction <minimumf>, %select_n3A_2185, %reduce_min3A_2187 [0] : vector<64x512xf32> to vector<512xf32>
    %broadcast_in_dim3A_2189 = vector.shape_cast %reduce_min3A_2188 : vector<512xf32> to vector<1x512xf32>
    %eq3A_2190 = vector.broadcast %broadcast_in_dim3A_2189 : vector<1x512xf32> to vector<64x512xf32>
    %eq3A_2191 = arith.cmpf oeq, %select_n3A_2185, %eq3A_2190 : vector<64x512xf32>
    %jit3A_2192 = arith.constant 2048 : i32
    %broadcast_in_dim3A_2193 = vector.broadcast %jit3A_2192 : i32 to vector<64x512xi32>
    %select_n3A_2194 = arith.select %eq3A_2191, %select_n3A_2186, %broadcast_in_dim3A_2193 : vector<64x512xi1>, vector<64x512xi32>
    %reduce_min3A_2195 = arith.constant dense<2147483647> : vector<512xi32>
    %reduce_min3A_2196 = vector.multi_reduction <minsi>, %select_n3A_2194, %reduce_min3A_2195 [0] : vector<64x512xi32> to vector<512xi32>
    %eq3A_2197 = arith.constant 21 : i32
    %eq3A_2198 = vector.broadcast %eq3A_2197 : i32 to vector<32x512xi32>
    %eq3A_2199 = arith.cmpi eq, %iota3A, %eq3A_2198 : vector<32x512xi32>
    %broadcast_in_dim3A_2200 = vector.shape_cast %reduce_min3A_2196 : vector<512xi32> to vector<1x512xi32>
    %broadcast_in_dim3A_2201 = vector.shape_cast %broadcast_in_dim3A_2200 : vector<1x512xi32> to vector<1x512xi32>
    %broadcast_in_dim3A_2202 = vector.broadcast %broadcast_in_dim3A_2201 : vector<1x512xi32> to vector<32x512xi32>
    %select_n3A_2203 = arith.select %eq3A_2199, %broadcast_in_dim3A_2202, %select_n3A_2107 : vector<32x512xi1>, vector<32x512xi32>
    %jit3A_2204 = arith.constant 32 : i32
    %div3A_2205 = vector.broadcast %jit3A_2204 : i32 to vector<512xi32>
    %div3A_2206 = arith.divsi %reduce_min3A_2196, %div3A_2205 : vector<512xi32>
    %sign3A_2207 = arith.constant 0 : i32
    %sign3A_2208 = vector.broadcast %sign3A_2207 : i32 to vector<512xi32>
    %sign3A_2209 = arith.cmpi sgt, %reduce_min3A_2196, %sign3A_2208 : vector<512xi32>
    %sign3A_2210 = arith.extui %sign3A_2209 : vector<512xi1> to vector<512xi32>
    %sign3A_2211 = arith.constant 0 : i32
    %sign3A_2212 = vector.broadcast %sign3A_2211 : i32 to vector<512xi32>
    %sign3A_2213 = arith.cmpi slt, %reduce_min3A_2196, %sign3A_2212 : vector<512xi32>
    %sign3A_2214 = arith.extui %sign3A_2213 : vector<512xi1> to vector<512xi32>
    %sign3A_2215 = arith.subi %sign3A_2210, %sign3A_2214 : vector<512xi32>
    %sign3A_2216 = arith.constant 0 : i32
    %sign3A_2217 = arith.cmpi sgt, %jit3A_2204, %sign3A_2216 : i32
    %sign3A_2218 = arith.extui %sign3A_2217 : i1 to i32
    %sign3A_2219 = arith.constant 0 : i32
    %sign3A_2220 = arith.cmpi slt, %jit3A_2204, %sign3A_2219 : i32
    %sign3A_2221 = arith.extui %sign3A_2220 : i1 to i32
    %sign3A_2222 = arith.subi %sign3A_2218, %sign3A_2221 : i32
    %ne3A_2223 = vector.broadcast %sign3A_2222 : i32 to vector<512xi32>
    %ne3A_2224 = arith.cmpi ne, %sign3A_2215, %ne3A_2223 : vector<512xi32>
    %rem3A_2225 = vector.broadcast %jit3A_2204 : i32 to vector<512xi32>
    %rem3A_2226 = arith.remsi %reduce_min3A_2196, %rem3A_2225 : vector<512xi32>
    %ne3A_2227 = arith.constant 0 : i32
    %ne3A_2228 = vector.broadcast %ne3A_2227 : i32 to vector<512xi32>
    %ne3A_2229 = arith.cmpi ne, %rem3A_2226, %ne3A_2228 : vector<512xi32>
    %and3A_2230 = arith.andi %ne3A_2224, %ne3A_2229 : vector<512xi1>
    %sub3A_2231 = arith.constant 1 : i32
    %sub3A_2232 = vector.broadcast %sub3A_2231 : i32 to vector<512xi32>
    %sub3A_2233 = arith.subi %div3A_2206, %sub3A_2232 : vector<512xi32>
    %select_n3A_2234 = arith.select %and3A_2230, %sub3A_2233, %div3A_2206 : vector<512xi1>, vector<512xi32>
    %broadcast_in_dim3A_2235 = vector.shape_cast %select_n3A_2234 : vector<512xi32> to vector<1x512xi32>
    %eq3A_2236 = vector.broadcast %broadcast_in_dim3A_2235 : vector<1x512xi32> to vector<64x512xi32>
    %eq3A_2237 = arith.cmpi eq, %iota3A_21, %eq3A_2236 : vector<64x512xi32>
    %add3A_2238 = arith.constant 1 : i32
    %add3A_2239 = vector.broadcast %add3A_2238 : i32 to vector<64x512xi32>
    %add3A_2240 = arith.addi %select_n3A_2145, %add3A_2239 : vector<64x512xi32>
    %select_n3A_2241 = arith.select %eq3A_2237, %add3A_2240, %select_n3A_2145 : vector<64x512xi1>, vector<64x512xi32>
    %broadcast_in_dim3A_2242 = arith.constant 0x7F800000 : f32
    %broadcast_in_dim3A_2243 = vector.broadcast %broadcast_in_dim3A_2242 : f32 to vector<64x512xf32>
    %broadcast_in_dim3A_2244 = arith.constant 2048 : i32
    %broadcast_in_dim3A_2245 = vector.broadcast %broadcast_in_dim3A_2244 : i32 to vector<64x512xi32>
    %eq3A_2246 = arith.constant 1 : i32
    %eq3A_2247 = vector.broadcast %eq3A_2246 : i32 to vector<64x512xi32>
    %eq3A_2248 = arith.cmpi eq, %select_n3A_2241, %eq3A_2247 : vector<64x512xi32>
    %select_n3A_2249 = arith.select %eq3A_2248, %reduce_min3A_39, %broadcast_in_dim3A_2243 : vector<64x512xi1>, vector<64x512xf32>
    %select_n3A_2250 = arith.select %eq3A_2248, %add3A_51, %broadcast_in_dim3A_2245 : vector<64x512xi1>, vector<64x512xi32>
    %eq3A_2251 = arith.constant 2 : i32
    %eq3A_2252 = vector.broadcast %eq3A_2251 : i32 to vector<64x512xi32>
    %eq3A_2253 = arith.cmpi eq, %select_n3A_2241, %eq3A_2252 : vector<64x512xi32>
    %select_n3A_2254 = arith.select %eq3A_2253, %reduce_min3A_59, %select_n3A_2249 : vector<64x512xi1>, vector<64x512xf32>
    %select_n3A_2255 = arith.select %eq3A_2253, %add3A_71, %select_n3A_2250 : vector<64x512xi1>, vector<64x512xi32>
    %eq3A_2256 = arith.constant 3 : i32
    %eq3A_2257 = vector.broadcast %eq3A_2256 : i32 to vector<64x512xi32>
    %eq3A_2258 = arith.cmpi eq, %select_n3A_2241, %eq3A_2257 : vector<64x512xi32>
    %select_n3A_2259 = arith.select %eq3A_2258, %reduce_min3A_79, %select_n3A_2254 : vector<64x512xi1>, vector<64x512xf32>
    %select_n3A_2260 = arith.select %eq3A_2258, %add3A_91, %select_n3A_2255 : vector<64x512xi1>, vector<64x512xi32>
    %eq3A_2261 = arith.constant 4 : i32
    %eq3A_2262 = vector.broadcast %eq3A_2261 : i32 to vector<64x512xi32>
    %eq3A_2263 = arith.cmpi eq, %select_n3A_2241, %eq3A_2262 : vector<64x512xi32>
    %select_n3A_2264 = arith.select %eq3A_2263, %reduce_min3A_99, %select_n3A_2259 : vector<64x512xi1>, vector<64x512xf32>
    %select_n3A_2265 = arith.select %eq3A_2263, %add3A_111, %select_n3A_2260 : vector<64x512xi1>, vector<64x512xi32>
    %eq3A_2266 = arith.constant 5 : i32
    %eq3A_2267 = vector.broadcast %eq3A_2266 : i32 to vector<64x512xi32>
    %eq3A_2268 = arith.cmpi eq, %select_n3A_2241, %eq3A_2267 : vector<64x512xi32>
    %select_n3A_2269 = arith.select %eq3A_2268, %reduce_min3A_119, %select_n3A_2264 : vector<64x512xi1>, vector<64x512xf32>
    %select_n3A_2270 = arith.select %eq3A_2268, %add3A_131, %select_n3A_2265 : vector<64x512xi1>, vector<64x512xi32>
    %eq3A_2271 = arith.constant 6 : i32
    %eq3A_2272 = vector.broadcast %eq3A_2271 : i32 to vector<64x512xi32>
    %eq3A_2273 = arith.cmpi eq, %select_n3A_2241, %eq3A_2272 : vector<64x512xi32>
    %select_n3A_2274 = arith.select %eq3A_2273, %reduce_min3A_139, %select_n3A_2269 : vector<64x512xi1>, vector<64x512xf32>
    %select_n3A_2275 = arith.select %eq3A_2273, %add3A_151, %select_n3A_2270 : vector<64x512xi1>, vector<64x512xi32>
    %eq3A_2276 = arith.constant 7 : i32
    %eq3A_2277 = vector.broadcast %eq3A_2276 : i32 to vector<64x512xi32>
    %eq3A_2278 = arith.cmpi eq, %select_n3A_2241, %eq3A_2277 : vector<64x512xi32>
    %select_n3A_2279 = arith.select %eq3A_2278, %reduce_min3A_159, %select_n3A_2274 : vector<64x512xi1>, vector<64x512xf32>
    %select_n3A_2280 = arith.select %eq3A_2278, %add3A_171, %select_n3A_2275 : vector<64x512xi1>, vector<64x512xi32>
    %select_n3A_2281 = arith.select %eq3A_2237, %select_n3A_2279, %select_n3A_2185 : vector<64x512xi1>, vector<64x512xf32>
    %select_n3A_2282 = arith.select %eq3A_2237, %select_n3A_2280, %select_n3A_2186 : vector<64x512xi1>, vector<64x512xi32>
    %reduce_min3A_2283 = arith.constant dense<0x7F800000> : vector<512xf32>
    %reduce_min3A_2284 = vector.multi_reduction <minimumf>, %select_n3A_2281, %reduce_min3A_2283 [0] : vector<64x512xf32> to vector<512xf32>
    %broadcast_in_dim3A_2285 = vector.shape_cast %reduce_min3A_2284 : vector<512xf32> to vector<1x512xf32>
    %eq3A_2286 = vector.broadcast %broadcast_in_dim3A_2285 : vector<1x512xf32> to vector<64x512xf32>
    %eq3A_2287 = arith.cmpf oeq, %select_n3A_2281, %eq3A_2286 : vector<64x512xf32>
    %jit3A_2288 = arith.constant 2048 : i32
    %broadcast_in_dim3A_2289 = vector.broadcast %jit3A_2288 : i32 to vector<64x512xi32>
    %select_n3A_2290 = arith.select %eq3A_2287, %select_n3A_2282, %broadcast_in_dim3A_2289 : vector<64x512xi1>, vector<64x512xi32>
    %reduce_min3A_2291 = arith.constant dense<2147483647> : vector<512xi32>
    %reduce_min3A_2292 = vector.multi_reduction <minsi>, %select_n3A_2290, %reduce_min3A_2291 [0] : vector<64x512xi32> to vector<512xi32>
    %eq3A_2293 = arith.constant 22 : i32
    %eq3A_2294 = vector.broadcast %eq3A_2293 : i32 to vector<32x512xi32>
    %eq3A_2295 = arith.cmpi eq, %iota3A, %eq3A_2294 : vector<32x512xi32>
    %broadcast_in_dim3A_2296 = vector.shape_cast %reduce_min3A_2292 : vector<512xi32> to vector<1x512xi32>
    %broadcast_in_dim3A_2297 = vector.shape_cast %broadcast_in_dim3A_2296 : vector<1x512xi32> to vector<1x512xi32>
    %broadcast_in_dim3A_2298 = vector.broadcast %broadcast_in_dim3A_2297 : vector<1x512xi32> to vector<32x512xi32>
    %select_n3A_2299 = arith.select %eq3A_2295, %broadcast_in_dim3A_2298, %select_n3A_2203 : vector<32x512xi1>, vector<32x512xi32>
    %jit3A_2300 = arith.constant 32 : i32
    %div3A_2301 = vector.broadcast %jit3A_2300 : i32 to vector<512xi32>
    %div3A_2302 = arith.divsi %reduce_min3A_2292, %div3A_2301 : vector<512xi32>
    %sign3A_2303 = arith.constant 0 : i32
    %sign3A_2304 = vector.broadcast %sign3A_2303 : i32 to vector<512xi32>
    %sign3A_2305 = arith.cmpi sgt, %reduce_min3A_2292, %sign3A_2304 : vector<512xi32>
    %sign3A_2306 = arith.extui %sign3A_2305 : vector<512xi1> to vector<512xi32>
    %sign3A_2307 = arith.constant 0 : i32
    %sign3A_2308 = vector.broadcast %sign3A_2307 : i32 to vector<512xi32>
    %sign3A_2309 = arith.cmpi slt, %reduce_min3A_2292, %sign3A_2308 : vector<512xi32>
    %sign3A_2310 = arith.extui %sign3A_2309 : vector<512xi1> to vector<512xi32>
    %sign3A_2311 = arith.subi %sign3A_2306, %sign3A_2310 : vector<512xi32>
    %sign3A_2312 = arith.constant 0 : i32
    %sign3A_2313 = arith.cmpi sgt, %jit3A_2300, %sign3A_2312 : i32
    %sign3A_2314 = arith.extui %sign3A_2313 : i1 to i32
    %sign3A_2315 = arith.constant 0 : i32
    %sign3A_2316 = arith.cmpi slt, %jit3A_2300, %sign3A_2315 : i32
    %sign3A_2317 = arith.extui %sign3A_2316 : i1 to i32
    %sign3A_2318 = arith.subi %sign3A_2314, %sign3A_2317 : i32
    %ne3A_2319 = vector.broadcast %sign3A_2318 : i32 to vector<512xi32>
    %ne3A_2320 = arith.cmpi ne, %sign3A_2311, %ne3A_2319 : vector<512xi32>
    %rem3A_2321 = vector.broadcast %jit3A_2300 : i32 to vector<512xi32>
    %rem3A_2322 = arith.remsi %reduce_min3A_2292, %rem3A_2321 : vector<512xi32>
    %ne3A_2323 = arith.constant 0 : i32
    %ne3A_2324 = vector.broadcast %ne3A_2323 : i32 to vector<512xi32>
    %ne3A_2325 = arith.cmpi ne, %rem3A_2322, %ne3A_2324 : vector<512xi32>
    %and3A_2326 = arith.andi %ne3A_2320, %ne3A_2325 : vector<512xi1>
    %sub3A_2327 = arith.constant 1 : i32
    %sub3A_2328 = vector.broadcast %sub3A_2327 : i32 to vector<512xi32>
    %sub3A_2329 = arith.subi %div3A_2302, %sub3A_2328 : vector<512xi32>
    %select_n3A_2330 = arith.select %and3A_2326, %sub3A_2329, %div3A_2302 : vector<512xi1>, vector<512xi32>
    %broadcast_in_dim3A_2331 = vector.shape_cast %select_n3A_2330 : vector<512xi32> to vector<1x512xi32>
    %eq3A_2332 = vector.broadcast %broadcast_in_dim3A_2331 : vector<1x512xi32> to vector<64x512xi32>
    %eq3A_2333 = arith.cmpi eq, %iota3A_21, %eq3A_2332 : vector<64x512xi32>
    %add3A_2334 = arith.constant 1 : i32
    %add3A_2335 = vector.broadcast %add3A_2334 : i32 to vector<64x512xi32>
    %add3A_2336 = arith.addi %select_n3A_2241, %add3A_2335 : vector<64x512xi32>
    %select_n3A_2337 = arith.select %eq3A_2333, %add3A_2336, %select_n3A_2241 : vector<64x512xi1>, vector<64x512xi32>
    %broadcast_in_dim3A_2338 = arith.constant 0x7F800000 : f32
    %broadcast_in_dim3A_2339 = vector.broadcast %broadcast_in_dim3A_2338 : f32 to vector<64x512xf32>
    %broadcast_in_dim3A_2340 = arith.constant 2048 : i32
    %broadcast_in_dim3A_2341 = vector.broadcast %broadcast_in_dim3A_2340 : i32 to vector<64x512xi32>
    %eq3A_2342 = arith.constant 1 : i32
    %eq3A_2343 = vector.broadcast %eq3A_2342 : i32 to vector<64x512xi32>
    %eq3A_2344 = arith.cmpi eq, %select_n3A_2337, %eq3A_2343 : vector<64x512xi32>
    %select_n3A_2345 = arith.select %eq3A_2344, %reduce_min3A_39, %broadcast_in_dim3A_2339 : vector<64x512xi1>, vector<64x512xf32>
    %select_n3A_2346 = arith.select %eq3A_2344, %add3A_51, %broadcast_in_dim3A_2341 : vector<64x512xi1>, vector<64x512xi32>
    %eq3A_2347 = arith.constant 2 : i32
    %eq3A_2348 = vector.broadcast %eq3A_2347 : i32 to vector<64x512xi32>
    %eq3A_2349 = arith.cmpi eq, %select_n3A_2337, %eq3A_2348 : vector<64x512xi32>
    %select_n3A_2350 = arith.select %eq3A_2349, %reduce_min3A_59, %select_n3A_2345 : vector<64x512xi1>, vector<64x512xf32>
    %select_n3A_2351 = arith.select %eq3A_2349, %add3A_71, %select_n3A_2346 : vector<64x512xi1>, vector<64x512xi32>
    %eq3A_2352 = arith.constant 3 : i32
    %eq3A_2353 = vector.broadcast %eq3A_2352 : i32 to vector<64x512xi32>
    %eq3A_2354 = arith.cmpi eq, %select_n3A_2337, %eq3A_2353 : vector<64x512xi32>
    %select_n3A_2355 = arith.select %eq3A_2354, %reduce_min3A_79, %select_n3A_2350 : vector<64x512xi1>, vector<64x512xf32>
    %select_n3A_2356 = arith.select %eq3A_2354, %add3A_91, %select_n3A_2351 : vector<64x512xi1>, vector<64x512xi32>
    %eq3A_2357 = arith.constant 4 : i32
    %eq3A_2358 = vector.broadcast %eq3A_2357 : i32 to vector<64x512xi32>
    %eq3A_2359 = arith.cmpi eq, %select_n3A_2337, %eq3A_2358 : vector<64x512xi32>
    %select_n3A_2360 = arith.select %eq3A_2359, %reduce_min3A_99, %select_n3A_2355 : vector<64x512xi1>, vector<64x512xf32>
    %select_n3A_2361 = arith.select %eq3A_2359, %add3A_111, %select_n3A_2356 : vector<64x512xi1>, vector<64x512xi32>
    %eq3A_2362 = arith.constant 5 : i32
    %eq3A_2363 = vector.broadcast %eq3A_2362 : i32 to vector<64x512xi32>
    %eq3A_2364 = arith.cmpi eq, %select_n3A_2337, %eq3A_2363 : vector<64x512xi32>
    %select_n3A_2365 = arith.select %eq3A_2364, %reduce_min3A_119, %select_n3A_2360 : vector<64x512xi1>, vector<64x512xf32>
    %select_n3A_2366 = arith.select %eq3A_2364, %add3A_131, %select_n3A_2361 : vector<64x512xi1>, vector<64x512xi32>
    %eq3A_2367 = arith.constant 6 : i32
    %eq3A_2368 = vector.broadcast %eq3A_2367 : i32 to vector<64x512xi32>
    %eq3A_2369 = arith.cmpi eq, %select_n3A_2337, %eq3A_2368 : vector<64x512xi32>
    %select_n3A_2370 = arith.select %eq3A_2369, %reduce_min3A_139, %select_n3A_2365 : vector<64x512xi1>, vector<64x512xf32>
    %select_n3A_2371 = arith.select %eq3A_2369, %add3A_151, %select_n3A_2366 : vector<64x512xi1>, vector<64x512xi32>
    %eq3A_2372 = arith.constant 7 : i32
    %eq3A_2373 = vector.broadcast %eq3A_2372 : i32 to vector<64x512xi32>
    %eq3A_2374 = arith.cmpi eq, %select_n3A_2337, %eq3A_2373 : vector<64x512xi32>
    %select_n3A_2375 = arith.select %eq3A_2374, %reduce_min3A_159, %select_n3A_2370 : vector<64x512xi1>, vector<64x512xf32>
    %select_n3A_2376 = arith.select %eq3A_2374, %add3A_171, %select_n3A_2371 : vector<64x512xi1>, vector<64x512xi32>
    %select_n3A_2377 = arith.select %eq3A_2333, %select_n3A_2375, %select_n3A_2281 : vector<64x512xi1>, vector<64x512xf32>
    %select_n3A_2378 = arith.select %eq3A_2333, %select_n3A_2376, %select_n3A_2282 : vector<64x512xi1>, vector<64x512xi32>
    %reduce_min3A_2379 = arith.constant dense<0x7F800000> : vector<512xf32>
    %reduce_min3A_2380 = vector.multi_reduction <minimumf>, %select_n3A_2377, %reduce_min3A_2379 [0] : vector<64x512xf32> to vector<512xf32>
    %broadcast_in_dim3A_2381 = vector.shape_cast %reduce_min3A_2380 : vector<512xf32> to vector<1x512xf32>
    %eq3A_2382 = vector.broadcast %broadcast_in_dim3A_2381 : vector<1x512xf32> to vector<64x512xf32>
    %eq3A_2383 = arith.cmpf oeq, %select_n3A_2377, %eq3A_2382 : vector<64x512xf32>
    %jit3A_2384 = arith.constant 2048 : i32
    %broadcast_in_dim3A_2385 = vector.broadcast %jit3A_2384 : i32 to vector<64x512xi32>
    %select_n3A_2386 = arith.select %eq3A_2383, %select_n3A_2378, %broadcast_in_dim3A_2385 : vector<64x512xi1>, vector<64x512xi32>
    %reduce_min3A_2387 = arith.constant dense<2147483647> : vector<512xi32>
    %reduce_min3A_2388 = vector.multi_reduction <minsi>, %select_n3A_2386, %reduce_min3A_2387 [0] : vector<64x512xi32> to vector<512xi32>
    %eq3A_2389 = arith.constant 23 : i32
    %eq3A_2390 = vector.broadcast %eq3A_2389 : i32 to vector<32x512xi32>
    %eq3A_2391 = arith.cmpi eq, %iota3A, %eq3A_2390 : vector<32x512xi32>
    %broadcast_in_dim3A_2392 = vector.shape_cast %reduce_min3A_2388 : vector<512xi32> to vector<1x512xi32>
    %broadcast_in_dim3A_2393 = vector.shape_cast %broadcast_in_dim3A_2392 : vector<1x512xi32> to vector<1x512xi32>
    %broadcast_in_dim3A_2394 = vector.broadcast %broadcast_in_dim3A_2393 : vector<1x512xi32> to vector<32x512xi32>
    %select_n3A_2395 = arith.select %eq3A_2391, %broadcast_in_dim3A_2394, %select_n3A_2299 : vector<32x512xi1>, vector<32x512xi32>
    %jit3A_2396 = arith.constant 32 : i32
    %div3A_2397 = vector.broadcast %jit3A_2396 : i32 to vector<512xi32>
    %div3A_2398 = arith.divsi %reduce_min3A_2388, %div3A_2397 : vector<512xi32>
    %sign3A_2399 = arith.constant 0 : i32
    %sign3A_2400 = vector.broadcast %sign3A_2399 : i32 to vector<512xi32>
    %sign3A_2401 = arith.cmpi sgt, %reduce_min3A_2388, %sign3A_2400 : vector<512xi32>
    %sign3A_2402 = arith.extui %sign3A_2401 : vector<512xi1> to vector<512xi32>
    %sign3A_2403 = arith.constant 0 : i32
    %sign3A_2404 = vector.broadcast %sign3A_2403 : i32 to vector<512xi32>
    %sign3A_2405 = arith.cmpi slt, %reduce_min3A_2388, %sign3A_2404 : vector<512xi32>
    %sign3A_2406 = arith.extui %sign3A_2405 : vector<512xi1> to vector<512xi32>
    %sign3A_2407 = arith.subi %sign3A_2402, %sign3A_2406 : vector<512xi32>
    %sign3A_2408 = arith.constant 0 : i32
    %sign3A_2409 = arith.cmpi sgt, %jit3A_2396, %sign3A_2408 : i32
    %sign3A_2410 = arith.extui %sign3A_2409 : i1 to i32
    %sign3A_2411 = arith.constant 0 : i32
    %sign3A_2412 = arith.cmpi slt, %jit3A_2396, %sign3A_2411 : i32
    %sign3A_2413 = arith.extui %sign3A_2412 : i1 to i32
    %sign3A_2414 = arith.subi %sign3A_2410, %sign3A_2413 : i32
    %ne3A_2415 = vector.broadcast %sign3A_2414 : i32 to vector<512xi32>
    %ne3A_2416 = arith.cmpi ne, %sign3A_2407, %ne3A_2415 : vector<512xi32>
    %rem3A_2417 = vector.broadcast %jit3A_2396 : i32 to vector<512xi32>
    %rem3A_2418 = arith.remsi %reduce_min3A_2388, %rem3A_2417 : vector<512xi32>
    %ne3A_2419 = arith.constant 0 : i32
    %ne3A_2420 = vector.broadcast %ne3A_2419 : i32 to vector<512xi32>
    %ne3A_2421 = arith.cmpi ne, %rem3A_2418, %ne3A_2420 : vector<512xi32>
    %and3A_2422 = arith.andi %ne3A_2416, %ne3A_2421 : vector<512xi1>
    %sub3A_2423 = arith.constant 1 : i32
    %sub3A_2424 = vector.broadcast %sub3A_2423 : i32 to vector<512xi32>
    %sub3A_2425 = arith.subi %div3A_2398, %sub3A_2424 : vector<512xi32>
    %select_n3A_2426 = arith.select %and3A_2422, %sub3A_2425, %div3A_2398 : vector<512xi1>, vector<512xi32>
    %broadcast_in_dim3A_2427 = vector.shape_cast %select_n3A_2426 : vector<512xi32> to vector<1x512xi32>
    %eq3A_2428 = vector.broadcast %broadcast_in_dim3A_2427 : vector<1x512xi32> to vector<64x512xi32>
    %eq3A_2429 = arith.cmpi eq, %iota3A_21, %eq3A_2428 : vector<64x512xi32>
    %add3A_2430 = arith.constant 1 : i32
    %add3A_2431 = vector.broadcast %add3A_2430 : i32 to vector<64x512xi32>
    %add3A_2432 = arith.addi %select_n3A_2337, %add3A_2431 : vector<64x512xi32>
    %select_n3A_2433 = arith.select %eq3A_2429, %add3A_2432, %select_n3A_2337 : vector<64x512xi1>, vector<64x512xi32>
    %broadcast_in_dim3A_2434 = arith.constant 0x7F800000 : f32
    %broadcast_in_dim3A_2435 = vector.broadcast %broadcast_in_dim3A_2434 : f32 to vector<64x512xf32>
    %broadcast_in_dim3A_2436 = arith.constant 2048 : i32
    %broadcast_in_dim3A_2437 = vector.broadcast %broadcast_in_dim3A_2436 : i32 to vector<64x512xi32>
    %eq3A_2438 = arith.constant 1 : i32
    %eq3A_2439 = vector.broadcast %eq3A_2438 : i32 to vector<64x512xi32>
    %eq3A_2440 = arith.cmpi eq, %select_n3A_2433, %eq3A_2439 : vector<64x512xi32>
    %select_n3A_2441 = arith.select %eq3A_2440, %reduce_min3A_39, %broadcast_in_dim3A_2435 : vector<64x512xi1>, vector<64x512xf32>
    %select_n3A_2442 = arith.select %eq3A_2440, %add3A_51, %broadcast_in_dim3A_2437 : vector<64x512xi1>, vector<64x512xi32>
    %eq3A_2443 = arith.constant 2 : i32
    %eq3A_2444 = vector.broadcast %eq3A_2443 : i32 to vector<64x512xi32>
    %eq3A_2445 = arith.cmpi eq, %select_n3A_2433, %eq3A_2444 : vector<64x512xi32>
    %select_n3A_2446 = arith.select %eq3A_2445, %reduce_min3A_59, %select_n3A_2441 : vector<64x512xi1>, vector<64x512xf32>
    %select_n3A_2447 = arith.select %eq3A_2445, %add3A_71, %select_n3A_2442 : vector<64x512xi1>, vector<64x512xi32>
    %eq3A_2448 = arith.constant 3 : i32
    %eq3A_2449 = vector.broadcast %eq3A_2448 : i32 to vector<64x512xi32>
    %eq3A_2450 = arith.cmpi eq, %select_n3A_2433, %eq3A_2449 : vector<64x512xi32>
    %select_n3A_2451 = arith.select %eq3A_2450, %reduce_min3A_79, %select_n3A_2446 : vector<64x512xi1>, vector<64x512xf32>
    %select_n3A_2452 = arith.select %eq3A_2450, %add3A_91, %select_n3A_2447 : vector<64x512xi1>, vector<64x512xi32>
    %eq3A_2453 = arith.constant 4 : i32
    %eq3A_2454 = vector.broadcast %eq3A_2453 : i32 to vector<64x512xi32>
    %eq3A_2455 = arith.cmpi eq, %select_n3A_2433, %eq3A_2454 : vector<64x512xi32>
    %select_n3A_2456 = arith.select %eq3A_2455, %reduce_min3A_99, %select_n3A_2451 : vector<64x512xi1>, vector<64x512xf32>
    %select_n3A_2457 = arith.select %eq3A_2455, %add3A_111, %select_n3A_2452 : vector<64x512xi1>, vector<64x512xi32>
    %eq3A_2458 = arith.constant 5 : i32
    %eq3A_2459 = vector.broadcast %eq3A_2458 : i32 to vector<64x512xi32>
    %eq3A_2460 = arith.cmpi eq, %select_n3A_2433, %eq3A_2459 : vector<64x512xi32>
    %select_n3A_2461 = arith.select %eq3A_2460, %reduce_min3A_119, %select_n3A_2456 : vector<64x512xi1>, vector<64x512xf32>
    %select_n3A_2462 = arith.select %eq3A_2460, %add3A_131, %select_n3A_2457 : vector<64x512xi1>, vector<64x512xi32>
    %eq3A_2463 = arith.constant 6 : i32
    %eq3A_2464 = vector.broadcast %eq3A_2463 : i32 to vector<64x512xi32>
    %eq3A_2465 = arith.cmpi eq, %select_n3A_2433, %eq3A_2464 : vector<64x512xi32>
    %select_n3A_2466 = arith.select %eq3A_2465, %reduce_min3A_139, %select_n3A_2461 : vector<64x512xi1>, vector<64x512xf32>
    %select_n3A_2467 = arith.select %eq3A_2465, %add3A_151, %select_n3A_2462 : vector<64x512xi1>, vector<64x512xi32>
    %eq3A_2468 = arith.constant 7 : i32
    %eq3A_2469 = vector.broadcast %eq3A_2468 : i32 to vector<64x512xi32>
    %eq3A_2470 = arith.cmpi eq, %select_n3A_2433, %eq3A_2469 : vector<64x512xi32>
    %select_n3A_2471 = arith.select %eq3A_2470, %reduce_min3A_159, %select_n3A_2466 : vector<64x512xi1>, vector<64x512xf32>
    %select_n3A_2472 = arith.select %eq3A_2470, %add3A_171, %select_n3A_2467 : vector<64x512xi1>, vector<64x512xi32>
    %select_n3A_2473 = arith.select %eq3A_2429, %select_n3A_2471, %select_n3A_2377 : vector<64x512xi1>, vector<64x512xf32>
    %select_n3A_2474 = arith.select %eq3A_2429, %select_n3A_2472, %select_n3A_2378 : vector<64x512xi1>, vector<64x512xi32>
    %reduce_min3A_2475 = arith.constant dense<0x7F800000> : vector<512xf32>
    %reduce_min3A_2476 = vector.multi_reduction <minimumf>, %select_n3A_2473, %reduce_min3A_2475 [0] : vector<64x512xf32> to vector<512xf32>
    %broadcast_in_dim3A_2477 = vector.shape_cast %reduce_min3A_2476 : vector<512xf32> to vector<1x512xf32>
    %eq3A_2478 = vector.broadcast %broadcast_in_dim3A_2477 : vector<1x512xf32> to vector<64x512xf32>
    %eq3A_2479 = arith.cmpf oeq, %select_n3A_2473, %eq3A_2478 : vector<64x512xf32>
    %jit3A_2480 = arith.constant 2048 : i32
    %broadcast_in_dim3A_2481 = vector.broadcast %jit3A_2480 : i32 to vector<64x512xi32>
    %select_n3A_2482 = arith.select %eq3A_2479, %select_n3A_2474, %broadcast_in_dim3A_2481 : vector<64x512xi1>, vector<64x512xi32>
    %reduce_min3A_2483 = arith.constant dense<2147483647> : vector<512xi32>
    %reduce_min3A_2484 = vector.multi_reduction <minsi>, %select_n3A_2482, %reduce_min3A_2483 [0] : vector<64x512xi32> to vector<512xi32>
    %eq3A_2485 = arith.constant 24 : i32
    %eq3A_2486 = vector.broadcast %eq3A_2485 : i32 to vector<32x512xi32>
    %eq3A_2487 = arith.cmpi eq, %iota3A, %eq3A_2486 : vector<32x512xi32>
    %broadcast_in_dim3A_2488 = vector.shape_cast %reduce_min3A_2484 : vector<512xi32> to vector<1x512xi32>
    %broadcast_in_dim3A_2489 = vector.shape_cast %broadcast_in_dim3A_2488 : vector<1x512xi32> to vector<1x512xi32>
    %broadcast_in_dim3A_2490 = vector.broadcast %broadcast_in_dim3A_2489 : vector<1x512xi32> to vector<32x512xi32>
    %select_n3A_2491 = arith.select %eq3A_2487, %broadcast_in_dim3A_2490, %select_n3A_2395 : vector<32x512xi1>, vector<32x512xi32>
    %jit3A_2492 = arith.constant 32 : i32
    %div3A_2493 = vector.broadcast %jit3A_2492 : i32 to vector<512xi32>
    %div3A_2494 = arith.divsi %reduce_min3A_2484, %div3A_2493 : vector<512xi32>
    %sign3A_2495 = arith.constant 0 : i32
    %sign3A_2496 = vector.broadcast %sign3A_2495 : i32 to vector<512xi32>
    %sign3A_2497 = arith.cmpi sgt, %reduce_min3A_2484, %sign3A_2496 : vector<512xi32>
    %sign3A_2498 = arith.extui %sign3A_2497 : vector<512xi1> to vector<512xi32>
    %sign3A_2499 = arith.constant 0 : i32
    %sign3A_2500 = vector.broadcast %sign3A_2499 : i32 to vector<512xi32>
    %sign3A_2501 = arith.cmpi slt, %reduce_min3A_2484, %sign3A_2500 : vector<512xi32>
    %sign3A_2502 = arith.extui %sign3A_2501 : vector<512xi1> to vector<512xi32>
    %sign3A_2503 = arith.subi %sign3A_2498, %sign3A_2502 : vector<512xi32>
    %sign3A_2504 = arith.constant 0 : i32
    %sign3A_2505 = arith.cmpi sgt, %jit3A_2492, %sign3A_2504 : i32
    %sign3A_2506 = arith.extui %sign3A_2505 : i1 to i32
    %sign3A_2507 = arith.constant 0 : i32
    %sign3A_2508 = arith.cmpi slt, %jit3A_2492, %sign3A_2507 : i32
    %sign3A_2509 = arith.extui %sign3A_2508 : i1 to i32
    %sign3A_2510 = arith.subi %sign3A_2506, %sign3A_2509 : i32
    %ne3A_2511 = vector.broadcast %sign3A_2510 : i32 to vector<512xi32>
    %ne3A_2512 = arith.cmpi ne, %sign3A_2503, %ne3A_2511 : vector<512xi32>
    %rem3A_2513 = vector.broadcast %jit3A_2492 : i32 to vector<512xi32>
    %rem3A_2514 = arith.remsi %reduce_min3A_2484, %rem3A_2513 : vector<512xi32>
    %ne3A_2515 = arith.constant 0 : i32
    %ne3A_2516 = vector.broadcast %ne3A_2515 : i32 to vector<512xi32>
    %ne3A_2517 = arith.cmpi ne, %rem3A_2514, %ne3A_2516 : vector<512xi32>
    %and3A_2518 = arith.andi %ne3A_2512, %ne3A_2517 : vector<512xi1>
    %sub3A_2519 = arith.constant 1 : i32
    %sub3A_2520 = vector.broadcast %sub3A_2519 : i32 to vector<512xi32>
    %sub3A_2521 = arith.subi %div3A_2494, %sub3A_2520 : vector<512xi32>
    %select_n3A_2522 = arith.select %and3A_2518, %sub3A_2521, %div3A_2494 : vector<512xi1>, vector<512xi32>
    %broadcast_in_dim3A_2523 = vector.shape_cast %select_n3A_2522 : vector<512xi32> to vector<1x512xi32>
    %eq3A_2524 = vector.broadcast %broadcast_in_dim3A_2523 : vector<1x512xi32> to vector<64x512xi32>
    %eq3A_2525 = arith.cmpi eq, %iota3A_21, %eq3A_2524 : vector<64x512xi32>
    %add3A_2526 = arith.constant 1 : i32
    %add3A_2527 = vector.broadcast %add3A_2526 : i32 to vector<64x512xi32>
    %add3A_2528 = arith.addi %select_n3A_2433, %add3A_2527 : vector<64x512xi32>
    %select_n3A_2529 = arith.select %eq3A_2525, %add3A_2528, %select_n3A_2433 : vector<64x512xi1>, vector<64x512xi32>
    %broadcast_in_dim3A_2530 = arith.constant 0x7F800000 : f32
    %broadcast_in_dim3A_2531 = vector.broadcast %broadcast_in_dim3A_2530 : f32 to vector<64x512xf32>
    %broadcast_in_dim3A_2532 = arith.constant 2048 : i32
    %broadcast_in_dim3A_2533 = vector.broadcast %broadcast_in_dim3A_2532 : i32 to vector<64x512xi32>
    %eq3A_2534 = arith.constant 1 : i32
    %eq3A_2535 = vector.broadcast %eq3A_2534 : i32 to vector<64x512xi32>
    %eq3A_2536 = arith.cmpi eq, %select_n3A_2529, %eq3A_2535 : vector<64x512xi32>
    %select_n3A_2537 = arith.select %eq3A_2536, %reduce_min3A_39, %broadcast_in_dim3A_2531 : vector<64x512xi1>, vector<64x512xf32>
    %select_n3A_2538 = arith.select %eq3A_2536, %add3A_51, %broadcast_in_dim3A_2533 : vector<64x512xi1>, vector<64x512xi32>
    %eq3A_2539 = arith.constant 2 : i32
    %eq3A_2540 = vector.broadcast %eq3A_2539 : i32 to vector<64x512xi32>
    %eq3A_2541 = arith.cmpi eq, %select_n3A_2529, %eq3A_2540 : vector<64x512xi32>
    %select_n3A_2542 = arith.select %eq3A_2541, %reduce_min3A_59, %select_n3A_2537 : vector<64x512xi1>, vector<64x512xf32>
    %select_n3A_2543 = arith.select %eq3A_2541, %add3A_71, %select_n3A_2538 : vector<64x512xi1>, vector<64x512xi32>
    %eq3A_2544 = arith.constant 3 : i32
    %eq3A_2545 = vector.broadcast %eq3A_2544 : i32 to vector<64x512xi32>
    %eq3A_2546 = arith.cmpi eq, %select_n3A_2529, %eq3A_2545 : vector<64x512xi32>
    %select_n3A_2547 = arith.select %eq3A_2546, %reduce_min3A_79, %select_n3A_2542 : vector<64x512xi1>, vector<64x512xf32>
    %select_n3A_2548 = arith.select %eq3A_2546, %add3A_91, %select_n3A_2543 : vector<64x512xi1>, vector<64x512xi32>
    %eq3A_2549 = arith.constant 4 : i32
    %eq3A_2550 = vector.broadcast %eq3A_2549 : i32 to vector<64x512xi32>
    %eq3A_2551 = arith.cmpi eq, %select_n3A_2529, %eq3A_2550 : vector<64x512xi32>
    %select_n3A_2552 = arith.select %eq3A_2551, %reduce_min3A_99, %select_n3A_2547 : vector<64x512xi1>, vector<64x512xf32>
    %select_n3A_2553 = arith.select %eq3A_2551, %add3A_111, %select_n3A_2548 : vector<64x512xi1>, vector<64x512xi32>
    %eq3A_2554 = arith.constant 5 : i32
    %eq3A_2555 = vector.broadcast %eq3A_2554 : i32 to vector<64x512xi32>
    %eq3A_2556 = arith.cmpi eq, %select_n3A_2529, %eq3A_2555 : vector<64x512xi32>
    %select_n3A_2557 = arith.select %eq3A_2556, %reduce_min3A_119, %select_n3A_2552 : vector<64x512xi1>, vector<64x512xf32>
    %select_n3A_2558 = arith.select %eq3A_2556, %add3A_131, %select_n3A_2553 : vector<64x512xi1>, vector<64x512xi32>
    %eq3A_2559 = arith.constant 6 : i32
    %eq3A_2560 = vector.broadcast %eq3A_2559 : i32 to vector<64x512xi32>
    %eq3A_2561 = arith.cmpi eq, %select_n3A_2529, %eq3A_2560 : vector<64x512xi32>
    %select_n3A_2562 = arith.select %eq3A_2561, %reduce_min3A_139, %select_n3A_2557 : vector<64x512xi1>, vector<64x512xf32>
    %select_n3A_2563 = arith.select %eq3A_2561, %add3A_151, %select_n3A_2558 : vector<64x512xi1>, vector<64x512xi32>
    %eq3A_2564 = arith.constant 7 : i32
    %eq3A_2565 = vector.broadcast %eq3A_2564 : i32 to vector<64x512xi32>
    %eq3A_2566 = arith.cmpi eq, %select_n3A_2529, %eq3A_2565 : vector<64x512xi32>
    %select_n3A_2567 = arith.select %eq3A_2566, %reduce_min3A_159, %select_n3A_2562 : vector<64x512xi1>, vector<64x512xf32>
    %select_n3A_2568 = arith.select %eq3A_2566, %add3A_171, %select_n3A_2563 : vector<64x512xi1>, vector<64x512xi32>
    %select_n3A_2569 = arith.select %eq3A_2525, %select_n3A_2567, %select_n3A_2473 : vector<64x512xi1>, vector<64x512xf32>
    %select_n3A_2570 = arith.select %eq3A_2525, %select_n3A_2568, %select_n3A_2474 : vector<64x512xi1>, vector<64x512xi32>
    %reduce_min3A_2571 = arith.constant dense<0x7F800000> : vector<512xf32>
    %reduce_min3A_2572 = vector.multi_reduction <minimumf>, %select_n3A_2569, %reduce_min3A_2571 [0] : vector<64x512xf32> to vector<512xf32>
    %broadcast_in_dim3A_2573 = vector.shape_cast %reduce_min3A_2572 : vector<512xf32> to vector<1x512xf32>
    %eq3A_2574 = vector.broadcast %broadcast_in_dim3A_2573 : vector<1x512xf32> to vector<64x512xf32>
    %eq3A_2575 = arith.cmpf oeq, %select_n3A_2569, %eq3A_2574 : vector<64x512xf32>
    %jit3A_2576 = arith.constant 2048 : i32
    %broadcast_in_dim3A_2577 = vector.broadcast %jit3A_2576 : i32 to vector<64x512xi32>
    %select_n3A_2578 = arith.select %eq3A_2575, %select_n3A_2570, %broadcast_in_dim3A_2577 : vector<64x512xi1>, vector<64x512xi32>
    %reduce_min3A_2579 = arith.constant dense<2147483647> : vector<512xi32>
    %reduce_min3A_2580 = vector.multi_reduction <minsi>, %select_n3A_2578, %reduce_min3A_2579 [0] : vector<64x512xi32> to vector<512xi32>
    %eq3A_2581 = arith.constant 25 : i32
    %eq3A_2582 = vector.broadcast %eq3A_2581 : i32 to vector<32x512xi32>
    %eq3A_2583 = arith.cmpi eq, %iota3A, %eq3A_2582 : vector<32x512xi32>
    %broadcast_in_dim3A_2584 = vector.shape_cast %reduce_min3A_2580 : vector<512xi32> to vector<1x512xi32>
    %broadcast_in_dim3A_2585 = vector.shape_cast %broadcast_in_dim3A_2584 : vector<1x512xi32> to vector<1x512xi32>
    %broadcast_in_dim3A_2586 = vector.broadcast %broadcast_in_dim3A_2585 : vector<1x512xi32> to vector<32x512xi32>
    %select_n3A_2587 = arith.select %eq3A_2583, %broadcast_in_dim3A_2586, %select_n3A_2491 : vector<32x512xi1>, vector<32x512xi32>
    %jit3A_2588 = arith.constant 32 : i32
    %div3A_2589 = vector.broadcast %jit3A_2588 : i32 to vector<512xi32>
    %div3A_2590 = arith.divsi %reduce_min3A_2580, %div3A_2589 : vector<512xi32>
    %sign3A_2591 = arith.constant 0 : i32
    %sign3A_2592 = vector.broadcast %sign3A_2591 : i32 to vector<512xi32>
    %sign3A_2593 = arith.cmpi sgt, %reduce_min3A_2580, %sign3A_2592 : vector<512xi32>
    %sign3A_2594 = arith.extui %sign3A_2593 : vector<512xi1> to vector<512xi32>
    %sign3A_2595 = arith.constant 0 : i32
    %sign3A_2596 = vector.broadcast %sign3A_2595 : i32 to vector<512xi32>
    %sign3A_2597 = arith.cmpi slt, %reduce_min3A_2580, %sign3A_2596 : vector<512xi32>
    %sign3A_2598 = arith.extui %sign3A_2597 : vector<512xi1> to vector<512xi32>
    %sign3A_2599 = arith.subi %sign3A_2594, %sign3A_2598 : vector<512xi32>
    %sign3A_2600 = arith.constant 0 : i32
    %sign3A_2601 = arith.cmpi sgt, %jit3A_2588, %sign3A_2600 : i32
    %sign3A_2602 = arith.extui %sign3A_2601 : i1 to i32
    %sign3A_2603 = arith.constant 0 : i32
    %sign3A_2604 = arith.cmpi slt, %jit3A_2588, %sign3A_2603 : i32
    %sign3A_2605 = arith.extui %sign3A_2604 : i1 to i32
    %sign3A_2606 = arith.subi %sign3A_2602, %sign3A_2605 : i32
    %ne3A_2607 = vector.broadcast %sign3A_2606 : i32 to vector<512xi32>
    %ne3A_2608 = arith.cmpi ne, %sign3A_2599, %ne3A_2607 : vector<512xi32>
    %rem3A_2609 = vector.broadcast %jit3A_2588 : i32 to vector<512xi32>
    %rem3A_2610 = arith.remsi %reduce_min3A_2580, %rem3A_2609 : vector<512xi32>
    %ne3A_2611 = arith.constant 0 : i32
    %ne3A_2612 = vector.broadcast %ne3A_2611 : i32 to vector<512xi32>
    %ne3A_2613 = arith.cmpi ne, %rem3A_2610, %ne3A_2612 : vector<512xi32>
    %and3A_2614 = arith.andi %ne3A_2608, %ne3A_2613 : vector<512xi1>
    %sub3A_2615 = arith.constant 1 : i32
    %sub3A_2616 = vector.broadcast %sub3A_2615 : i32 to vector<512xi32>
    %sub3A_2617 = arith.subi %div3A_2590, %sub3A_2616 : vector<512xi32>
    %select_n3A_2618 = arith.select %and3A_2614, %sub3A_2617, %div3A_2590 : vector<512xi1>, vector<512xi32>
    %broadcast_in_dim3A_2619 = vector.shape_cast %select_n3A_2618 : vector<512xi32> to vector<1x512xi32>
    %eq3A_2620 = vector.broadcast %broadcast_in_dim3A_2619 : vector<1x512xi32> to vector<64x512xi32>
    %eq3A_2621 = arith.cmpi eq, %iota3A_21, %eq3A_2620 : vector<64x512xi32>
    %add3A_2622 = arith.constant 1 : i32
    %add3A_2623 = vector.broadcast %add3A_2622 : i32 to vector<64x512xi32>
    %add3A_2624 = arith.addi %select_n3A_2529, %add3A_2623 : vector<64x512xi32>
    %select_n3A_2625 = arith.select %eq3A_2621, %add3A_2624, %select_n3A_2529 : vector<64x512xi1>, vector<64x512xi32>
    %broadcast_in_dim3A_2626 = arith.constant 0x7F800000 : f32
    %broadcast_in_dim3A_2627 = vector.broadcast %broadcast_in_dim3A_2626 : f32 to vector<64x512xf32>
    %broadcast_in_dim3A_2628 = arith.constant 2048 : i32
    %broadcast_in_dim3A_2629 = vector.broadcast %broadcast_in_dim3A_2628 : i32 to vector<64x512xi32>
    %eq3A_2630 = arith.constant 1 : i32
    %eq3A_2631 = vector.broadcast %eq3A_2630 : i32 to vector<64x512xi32>
    %eq3A_2632 = arith.cmpi eq, %select_n3A_2625, %eq3A_2631 : vector<64x512xi32>
    %select_n3A_2633 = arith.select %eq3A_2632, %reduce_min3A_39, %broadcast_in_dim3A_2627 : vector<64x512xi1>, vector<64x512xf32>
    %select_n3A_2634 = arith.select %eq3A_2632, %add3A_51, %broadcast_in_dim3A_2629 : vector<64x512xi1>, vector<64x512xi32>
    %eq3A_2635 = arith.constant 2 : i32
    %eq3A_2636 = vector.broadcast %eq3A_2635 : i32 to vector<64x512xi32>
    %eq3A_2637 = arith.cmpi eq, %select_n3A_2625, %eq3A_2636 : vector<64x512xi32>
    %select_n3A_2638 = arith.select %eq3A_2637, %reduce_min3A_59, %select_n3A_2633 : vector<64x512xi1>, vector<64x512xf32>
    %select_n3A_2639 = arith.select %eq3A_2637, %add3A_71, %select_n3A_2634 : vector<64x512xi1>, vector<64x512xi32>
    %eq3A_2640 = arith.constant 3 : i32
    %eq3A_2641 = vector.broadcast %eq3A_2640 : i32 to vector<64x512xi32>
    %eq3A_2642 = arith.cmpi eq, %select_n3A_2625, %eq3A_2641 : vector<64x512xi32>
    %select_n3A_2643 = arith.select %eq3A_2642, %reduce_min3A_79, %select_n3A_2638 : vector<64x512xi1>, vector<64x512xf32>
    %select_n3A_2644 = arith.select %eq3A_2642, %add3A_91, %select_n3A_2639 : vector<64x512xi1>, vector<64x512xi32>
    %eq3A_2645 = arith.constant 4 : i32
    %eq3A_2646 = vector.broadcast %eq3A_2645 : i32 to vector<64x512xi32>
    %eq3A_2647 = arith.cmpi eq, %select_n3A_2625, %eq3A_2646 : vector<64x512xi32>
    %select_n3A_2648 = arith.select %eq3A_2647, %reduce_min3A_99, %select_n3A_2643 : vector<64x512xi1>, vector<64x512xf32>
    %select_n3A_2649 = arith.select %eq3A_2647, %add3A_111, %select_n3A_2644 : vector<64x512xi1>, vector<64x512xi32>
    %eq3A_2650 = arith.constant 5 : i32
    %eq3A_2651 = vector.broadcast %eq3A_2650 : i32 to vector<64x512xi32>
    %eq3A_2652 = arith.cmpi eq, %select_n3A_2625, %eq3A_2651 : vector<64x512xi32>
    %select_n3A_2653 = arith.select %eq3A_2652, %reduce_min3A_119, %select_n3A_2648 : vector<64x512xi1>, vector<64x512xf32>
    %select_n3A_2654 = arith.select %eq3A_2652, %add3A_131, %select_n3A_2649 : vector<64x512xi1>, vector<64x512xi32>
    %eq3A_2655 = arith.constant 6 : i32
    %eq3A_2656 = vector.broadcast %eq3A_2655 : i32 to vector<64x512xi32>
    %eq3A_2657 = arith.cmpi eq, %select_n3A_2625, %eq3A_2656 : vector<64x512xi32>
    %select_n3A_2658 = arith.select %eq3A_2657, %reduce_min3A_139, %select_n3A_2653 : vector<64x512xi1>, vector<64x512xf32>
    %select_n3A_2659 = arith.select %eq3A_2657, %add3A_151, %select_n3A_2654 : vector<64x512xi1>, vector<64x512xi32>
    %eq3A_2660 = arith.constant 7 : i32
    %eq3A_2661 = vector.broadcast %eq3A_2660 : i32 to vector<64x512xi32>
    %eq3A_2662 = arith.cmpi eq, %select_n3A_2625, %eq3A_2661 : vector<64x512xi32>
    %select_n3A_2663 = arith.select %eq3A_2662, %reduce_min3A_159, %select_n3A_2658 : vector<64x512xi1>, vector<64x512xf32>
    %select_n3A_2664 = arith.select %eq3A_2662, %add3A_171, %select_n3A_2659 : vector<64x512xi1>, vector<64x512xi32>
    %select_n3A_2665 = arith.select %eq3A_2621, %select_n3A_2663, %select_n3A_2569 : vector<64x512xi1>, vector<64x512xf32>
    %select_n3A_2666 = arith.select %eq3A_2621, %select_n3A_2664, %select_n3A_2570 : vector<64x512xi1>, vector<64x512xi32>
    %reduce_min3A_2667 = arith.constant dense<0x7F800000> : vector<512xf32>
    %reduce_min3A_2668 = vector.multi_reduction <minimumf>, %select_n3A_2665, %reduce_min3A_2667 [0] : vector<64x512xf32> to vector<512xf32>
    %broadcast_in_dim3A_2669 = vector.shape_cast %reduce_min3A_2668 : vector<512xf32> to vector<1x512xf32>
    %eq3A_2670 = vector.broadcast %broadcast_in_dim3A_2669 : vector<1x512xf32> to vector<64x512xf32>
    %eq3A_2671 = arith.cmpf oeq, %select_n3A_2665, %eq3A_2670 : vector<64x512xf32>
    %jit3A_2672 = arith.constant 2048 : i32
    %broadcast_in_dim3A_2673 = vector.broadcast %jit3A_2672 : i32 to vector<64x512xi32>
    %select_n3A_2674 = arith.select %eq3A_2671, %select_n3A_2666, %broadcast_in_dim3A_2673 : vector<64x512xi1>, vector<64x512xi32>
    %reduce_min3A_2675 = arith.constant dense<2147483647> : vector<512xi32>
    %reduce_min3A_2676 = vector.multi_reduction <minsi>, %select_n3A_2674, %reduce_min3A_2675 [0] : vector<64x512xi32> to vector<512xi32>
    %eq3A_2677 = arith.constant 26 : i32
    %eq3A_2678 = vector.broadcast %eq3A_2677 : i32 to vector<32x512xi32>
    %eq3A_2679 = arith.cmpi eq, %iota3A, %eq3A_2678 : vector<32x512xi32>
    %broadcast_in_dim3A_2680 = vector.shape_cast %reduce_min3A_2676 : vector<512xi32> to vector<1x512xi32>
    %broadcast_in_dim3A_2681 = vector.shape_cast %broadcast_in_dim3A_2680 : vector<1x512xi32> to vector<1x512xi32>
    %broadcast_in_dim3A_2682 = vector.broadcast %broadcast_in_dim3A_2681 : vector<1x512xi32> to vector<32x512xi32>
    %select_n3A_2683 = arith.select %eq3A_2679, %broadcast_in_dim3A_2682, %select_n3A_2587 : vector<32x512xi1>, vector<32x512xi32>
    %jit3A_2684 = arith.constant 32 : i32
    %div3A_2685 = vector.broadcast %jit3A_2684 : i32 to vector<512xi32>
    %div3A_2686 = arith.divsi %reduce_min3A_2676, %div3A_2685 : vector<512xi32>
    %sign3A_2687 = arith.constant 0 : i32
    %sign3A_2688 = vector.broadcast %sign3A_2687 : i32 to vector<512xi32>
    %sign3A_2689 = arith.cmpi sgt, %reduce_min3A_2676, %sign3A_2688 : vector<512xi32>
    %sign3A_2690 = arith.extui %sign3A_2689 : vector<512xi1> to vector<512xi32>
    %sign3A_2691 = arith.constant 0 : i32
    %sign3A_2692 = vector.broadcast %sign3A_2691 : i32 to vector<512xi32>
    %sign3A_2693 = arith.cmpi slt, %reduce_min3A_2676, %sign3A_2692 : vector<512xi32>
    %sign3A_2694 = arith.extui %sign3A_2693 : vector<512xi1> to vector<512xi32>
    %sign3A_2695 = arith.subi %sign3A_2690, %sign3A_2694 : vector<512xi32>
    %sign3A_2696 = arith.constant 0 : i32
    %sign3A_2697 = arith.cmpi sgt, %jit3A_2684, %sign3A_2696 : i32
    %sign3A_2698 = arith.extui %sign3A_2697 : i1 to i32
    %sign3A_2699 = arith.constant 0 : i32
    %sign3A_2700 = arith.cmpi slt, %jit3A_2684, %sign3A_2699 : i32
    %sign3A_2701 = arith.extui %sign3A_2700 : i1 to i32
    %sign3A_2702 = arith.subi %sign3A_2698, %sign3A_2701 : i32
    %ne3A_2703 = vector.broadcast %sign3A_2702 : i32 to vector<512xi32>
    %ne3A_2704 = arith.cmpi ne, %sign3A_2695, %ne3A_2703 : vector<512xi32>
    %rem3A_2705 = vector.broadcast %jit3A_2684 : i32 to vector<512xi32>
    %rem3A_2706 = arith.remsi %reduce_min3A_2676, %rem3A_2705 : vector<512xi32>
    %ne3A_2707 = arith.constant 0 : i32
    %ne3A_2708 = vector.broadcast %ne3A_2707 : i32 to vector<512xi32>
    %ne3A_2709 = arith.cmpi ne, %rem3A_2706, %ne3A_2708 : vector<512xi32>
    %and3A_2710 = arith.andi %ne3A_2704, %ne3A_2709 : vector<512xi1>
    %sub3A_2711 = arith.constant 1 : i32
    %sub3A_2712 = vector.broadcast %sub3A_2711 : i32 to vector<512xi32>
    %sub3A_2713 = arith.subi %div3A_2686, %sub3A_2712 : vector<512xi32>
    %select_n3A_2714 = arith.select %and3A_2710, %sub3A_2713, %div3A_2686 : vector<512xi1>, vector<512xi32>
    %broadcast_in_dim3A_2715 = vector.shape_cast %select_n3A_2714 : vector<512xi32> to vector<1x512xi32>
    %eq3A_2716 = vector.broadcast %broadcast_in_dim3A_2715 : vector<1x512xi32> to vector<64x512xi32>
    %eq3A_2717 = arith.cmpi eq, %iota3A_21, %eq3A_2716 : vector<64x512xi32>
    %add3A_2718 = arith.constant 1 : i32
    %add3A_2719 = vector.broadcast %add3A_2718 : i32 to vector<64x512xi32>
    %add3A_2720 = arith.addi %select_n3A_2625, %add3A_2719 : vector<64x512xi32>
    %select_n3A_2721 = arith.select %eq3A_2717, %add3A_2720, %select_n3A_2625 : vector<64x512xi1>, vector<64x512xi32>
    %broadcast_in_dim3A_2722 = arith.constant 0x7F800000 : f32
    %broadcast_in_dim3A_2723 = vector.broadcast %broadcast_in_dim3A_2722 : f32 to vector<64x512xf32>
    %broadcast_in_dim3A_2724 = arith.constant 2048 : i32
    %broadcast_in_dim3A_2725 = vector.broadcast %broadcast_in_dim3A_2724 : i32 to vector<64x512xi32>
    %eq3A_2726 = arith.constant 1 : i32
    %eq3A_2727 = vector.broadcast %eq3A_2726 : i32 to vector<64x512xi32>
    %eq3A_2728 = arith.cmpi eq, %select_n3A_2721, %eq3A_2727 : vector<64x512xi32>
    %select_n3A_2729 = arith.select %eq3A_2728, %reduce_min3A_39, %broadcast_in_dim3A_2723 : vector<64x512xi1>, vector<64x512xf32>
    %select_n3A_2730 = arith.select %eq3A_2728, %add3A_51, %broadcast_in_dim3A_2725 : vector<64x512xi1>, vector<64x512xi32>
    %eq3A_2731 = arith.constant 2 : i32
    %eq3A_2732 = vector.broadcast %eq3A_2731 : i32 to vector<64x512xi32>
    %eq3A_2733 = arith.cmpi eq, %select_n3A_2721, %eq3A_2732 : vector<64x512xi32>
    %select_n3A_2734 = arith.select %eq3A_2733, %reduce_min3A_59, %select_n3A_2729 : vector<64x512xi1>, vector<64x512xf32>
    %select_n3A_2735 = arith.select %eq3A_2733, %add3A_71, %select_n3A_2730 : vector<64x512xi1>, vector<64x512xi32>
    %eq3A_2736 = arith.constant 3 : i32
    %eq3A_2737 = vector.broadcast %eq3A_2736 : i32 to vector<64x512xi32>
    %eq3A_2738 = arith.cmpi eq, %select_n3A_2721, %eq3A_2737 : vector<64x512xi32>
    %select_n3A_2739 = arith.select %eq3A_2738, %reduce_min3A_79, %select_n3A_2734 : vector<64x512xi1>, vector<64x512xf32>
    %select_n3A_2740 = arith.select %eq3A_2738, %add3A_91, %select_n3A_2735 : vector<64x512xi1>, vector<64x512xi32>
    %eq3A_2741 = arith.constant 4 : i32
    %eq3A_2742 = vector.broadcast %eq3A_2741 : i32 to vector<64x512xi32>
    %eq3A_2743 = arith.cmpi eq, %select_n3A_2721, %eq3A_2742 : vector<64x512xi32>
    %select_n3A_2744 = arith.select %eq3A_2743, %reduce_min3A_99, %select_n3A_2739 : vector<64x512xi1>, vector<64x512xf32>
    %select_n3A_2745 = arith.select %eq3A_2743, %add3A_111, %select_n3A_2740 : vector<64x512xi1>, vector<64x512xi32>
    %eq3A_2746 = arith.constant 5 : i32
    %eq3A_2747 = vector.broadcast %eq3A_2746 : i32 to vector<64x512xi32>
    %eq3A_2748 = arith.cmpi eq, %select_n3A_2721, %eq3A_2747 : vector<64x512xi32>
    %select_n3A_2749 = arith.select %eq3A_2748, %reduce_min3A_119, %select_n3A_2744 : vector<64x512xi1>, vector<64x512xf32>
    %select_n3A_2750 = arith.select %eq3A_2748, %add3A_131, %select_n3A_2745 : vector<64x512xi1>, vector<64x512xi32>
    %eq3A_2751 = arith.constant 6 : i32
    %eq3A_2752 = vector.broadcast %eq3A_2751 : i32 to vector<64x512xi32>
    %eq3A_2753 = arith.cmpi eq, %select_n3A_2721, %eq3A_2752 : vector<64x512xi32>
    %select_n3A_2754 = arith.select %eq3A_2753, %reduce_min3A_139, %select_n3A_2749 : vector<64x512xi1>, vector<64x512xf32>
    %select_n3A_2755 = arith.select %eq3A_2753, %add3A_151, %select_n3A_2750 : vector<64x512xi1>, vector<64x512xi32>
    %eq3A_2756 = arith.constant 7 : i32
    %eq3A_2757 = vector.broadcast %eq3A_2756 : i32 to vector<64x512xi32>
    %eq3A_2758 = arith.cmpi eq, %select_n3A_2721, %eq3A_2757 : vector<64x512xi32>
    %select_n3A_2759 = arith.select %eq3A_2758, %reduce_min3A_159, %select_n3A_2754 : vector<64x512xi1>, vector<64x512xf32>
    %select_n3A_2760 = arith.select %eq3A_2758, %add3A_171, %select_n3A_2755 : vector<64x512xi1>, vector<64x512xi32>
    %select_n3A_2761 = arith.select %eq3A_2717, %select_n3A_2759, %select_n3A_2665 : vector<64x512xi1>, vector<64x512xf32>
    %select_n3A_2762 = arith.select %eq3A_2717, %select_n3A_2760, %select_n3A_2666 : vector<64x512xi1>, vector<64x512xi32>
    %reduce_min3A_2763 = arith.constant dense<0x7F800000> : vector<512xf32>
    %reduce_min3A_2764 = vector.multi_reduction <minimumf>, %select_n3A_2761, %reduce_min3A_2763 [0] : vector<64x512xf32> to vector<512xf32>
    %broadcast_in_dim3A_2765 = vector.shape_cast %reduce_min3A_2764 : vector<512xf32> to vector<1x512xf32>
    %eq3A_2766 = vector.broadcast %broadcast_in_dim3A_2765 : vector<1x512xf32> to vector<64x512xf32>
    %eq3A_2767 = arith.cmpf oeq, %select_n3A_2761, %eq3A_2766 : vector<64x512xf32>
    %jit3A_2768 = arith.constant 2048 : i32
    %broadcast_in_dim3A_2769 = vector.broadcast %jit3A_2768 : i32 to vector<64x512xi32>
    %select_n3A_2770 = arith.select %eq3A_2767, %select_n3A_2762, %broadcast_in_dim3A_2769 : vector<64x512xi1>, vector<64x512xi32>
    %reduce_min3A_2771 = arith.constant dense<2147483647> : vector<512xi32>
    %reduce_min3A_2772 = vector.multi_reduction <minsi>, %select_n3A_2770, %reduce_min3A_2771 [0] : vector<64x512xi32> to vector<512xi32>
    %eq3A_2773 = arith.constant 27 : i32
    %eq3A_2774 = vector.broadcast %eq3A_2773 : i32 to vector<32x512xi32>
    %eq3A_2775 = arith.cmpi eq, %iota3A, %eq3A_2774 : vector<32x512xi32>
    %broadcast_in_dim3A_2776 = vector.shape_cast %reduce_min3A_2772 : vector<512xi32> to vector<1x512xi32>
    %broadcast_in_dim3A_2777 = vector.shape_cast %broadcast_in_dim3A_2776 : vector<1x512xi32> to vector<1x512xi32>
    %broadcast_in_dim3A_2778 = vector.broadcast %broadcast_in_dim3A_2777 : vector<1x512xi32> to vector<32x512xi32>
    %select_n3A_2779 = arith.select %eq3A_2775, %broadcast_in_dim3A_2778, %select_n3A_2683 : vector<32x512xi1>, vector<32x512xi32>
    %jit3A_2780 = arith.constant 32 : i32
    %div3A_2781 = vector.broadcast %jit3A_2780 : i32 to vector<512xi32>
    %div3A_2782 = arith.divsi %reduce_min3A_2772, %div3A_2781 : vector<512xi32>
    %sign3A_2783 = arith.constant 0 : i32
    %sign3A_2784 = vector.broadcast %sign3A_2783 : i32 to vector<512xi32>
    %sign3A_2785 = arith.cmpi sgt, %reduce_min3A_2772, %sign3A_2784 : vector<512xi32>
    %sign3A_2786 = arith.extui %sign3A_2785 : vector<512xi1> to vector<512xi32>
    %sign3A_2787 = arith.constant 0 : i32
    %sign3A_2788 = vector.broadcast %sign3A_2787 : i32 to vector<512xi32>
    %sign3A_2789 = arith.cmpi slt, %reduce_min3A_2772, %sign3A_2788 : vector<512xi32>
    %sign3A_2790 = arith.extui %sign3A_2789 : vector<512xi1> to vector<512xi32>
    %sign3A_2791 = arith.subi %sign3A_2786, %sign3A_2790 : vector<512xi32>
    %sign3A_2792 = arith.constant 0 : i32
    %sign3A_2793 = arith.cmpi sgt, %jit3A_2780, %sign3A_2792 : i32
    %sign3A_2794 = arith.extui %sign3A_2793 : i1 to i32
    %sign3A_2795 = arith.constant 0 : i32
    %sign3A_2796 = arith.cmpi slt, %jit3A_2780, %sign3A_2795 : i32
    %sign3A_2797 = arith.extui %sign3A_2796 : i1 to i32
    %sign3A_2798 = arith.subi %sign3A_2794, %sign3A_2797 : i32
    %ne3A_2799 = vector.broadcast %sign3A_2798 : i32 to vector<512xi32>
    %ne3A_2800 = arith.cmpi ne, %sign3A_2791, %ne3A_2799 : vector<512xi32>
    %rem3A_2801 = vector.broadcast %jit3A_2780 : i32 to vector<512xi32>
    %rem3A_2802 = arith.remsi %reduce_min3A_2772, %rem3A_2801 : vector<512xi32>
    %ne3A_2803 = arith.constant 0 : i32
    %ne3A_2804 = vector.broadcast %ne3A_2803 : i32 to vector<512xi32>
    %ne3A_2805 = arith.cmpi ne, %rem3A_2802, %ne3A_2804 : vector<512xi32>
    %and3A_2806 = arith.andi %ne3A_2800, %ne3A_2805 : vector<512xi1>
    %sub3A_2807 = arith.constant 1 : i32
    %sub3A_2808 = vector.broadcast %sub3A_2807 : i32 to vector<512xi32>
    %sub3A_2809 = arith.subi %div3A_2782, %sub3A_2808 : vector<512xi32>
    %select_n3A_2810 = arith.select %and3A_2806, %sub3A_2809, %div3A_2782 : vector<512xi1>, vector<512xi32>
    %broadcast_in_dim3A_2811 = vector.shape_cast %select_n3A_2810 : vector<512xi32> to vector<1x512xi32>
    %eq3A_2812 = vector.broadcast %broadcast_in_dim3A_2811 : vector<1x512xi32> to vector<64x512xi32>
    %eq3A_2813 = arith.cmpi eq, %iota3A_21, %eq3A_2812 : vector<64x512xi32>
    %add3A_2814 = arith.constant 1 : i32
    %add3A_2815 = vector.broadcast %add3A_2814 : i32 to vector<64x512xi32>
    %add3A_2816 = arith.addi %select_n3A_2721, %add3A_2815 : vector<64x512xi32>
    %select_n3A_2817 = arith.select %eq3A_2813, %add3A_2816, %select_n3A_2721 : vector<64x512xi1>, vector<64x512xi32>
    %broadcast_in_dim3A_2818 = arith.constant 0x7F800000 : f32
    %broadcast_in_dim3A_2819 = vector.broadcast %broadcast_in_dim3A_2818 : f32 to vector<64x512xf32>
    %broadcast_in_dim3A_2820 = arith.constant 2048 : i32
    %broadcast_in_dim3A_2821 = vector.broadcast %broadcast_in_dim3A_2820 : i32 to vector<64x512xi32>
    %eq3A_2822 = arith.constant 1 : i32
    %eq3A_2823 = vector.broadcast %eq3A_2822 : i32 to vector<64x512xi32>
    %eq3A_2824 = arith.cmpi eq, %select_n3A_2817, %eq3A_2823 : vector<64x512xi32>
    %select_n3A_2825 = arith.select %eq3A_2824, %reduce_min3A_39, %broadcast_in_dim3A_2819 : vector<64x512xi1>, vector<64x512xf32>
    %select_n3A_2826 = arith.select %eq3A_2824, %add3A_51, %broadcast_in_dim3A_2821 : vector<64x512xi1>, vector<64x512xi32>
    %eq3A_2827 = arith.constant 2 : i32
    %eq3A_2828 = vector.broadcast %eq3A_2827 : i32 to vector<64x512xi32>
    %eq3A_2829 = arith.cmpi eq, %select_n3A_2817, %eq3A_2828 : vector<64x512xi32>
    %select_n3A_2830 = arith.select %eq3A_2829, %reduce_min3A_59, %select_n3A_2825 : vector<64x512xi1>, vector<64x512xf32>
    %select_n3A_2831 = arith.select %eq3A_2829, %add3A_71, %select_n3A_2826 : vector<64x512xi1>, vector<64x512xi32>
    %eq3A_2832 = arith.constant 3 : i32
    %eq3A_2833 = vector.broadcast %eq3A_2832 : i32 to vector<64x512xi32>
    %eq3A_2834 = arith.cmpi eq, %select_n3A_2817, %eq3A_2833 : vector<64x512xi32>
    %select_n3A_2835 = arith.select %eq3A_2834, %reduce_min3A_79, %select_n3A_2830 : vector<64x512xi1>, vector<64x512xf32>
    %select_n3A_2836 = arith.select %eq3A_2834, %add3A_91, %select_n3A_2831 : vector<64x512xi1>, vector<64x512xi32>
    %eq3A_2837 = arith.constant 4 : i32
    %eq3A_2838 = vector.broadcast %eq3A_2837 : i32 to vector<64x512xi32>
    %eq3A_2839 = arith.cmpi eq, %select_n3A_2817, %eq3A_2838 : vector<64x512xi32>
    %select_n3A_2840 = arith.select %eq3A_2839, %reduce_min3A_99, %select_n3A_2835 : vector<64x512xi1>, vector<64x512xf32>
    %select_n3A_2841 = arith.select %eq3A_2839, %add3A_111, %select_n3A_2836 : vector<64x512xi1>, vector<64x512xi32>
    %eq3A_2842 = arith.constant 5 : i32
    %eq3A_2843 = vector.broadcast %eq3A_2842 : i32 to vector<64x512xi32>
    %eq3A_2844 = arith.cmpi eq, %select_n3A_2817, %eq3A_2843 : vector<64x512xi32>
    %select_n3A_2845 = arith.select %eq3A_2844, %reduce_min3A_119, %select_n3A_2840 : vector<64x512xi1>, vector<64x512xf32>
    %select_n3A_2846 = arith.select %eq3A_2844, %add3A_131, %select_n3A_2841 : vector<64x512xi1>, vector<64x512xi32>
    %eq3A_2847 = arith.constant 6 : i32
    %eq3A_2848 = vector.broadcast %eq3A_2847 : i32 to vector<64x512xi32>
    %eq3A_2849 = arith.cmpi eq, %select_n3A_2817, %eq3A_2848 : vector<64x512xi32>
    %select_n3A_2850 = arith.select %eq3A_2849, %reduce_min3A_139, %select_n3A_2845 : vector<64x512xi1>, vector<64x512xf32>
    %select_n3A_2851 = arith.select %eq3A_2849, %add3A_151, %select_n3A_2846 : vector<64x512xi1>, vector<64x512xi32>
    %eq3A_2852 = arith.constant 7 : i32
    %eq3A_2853 = vector.broadcast %eq3A_2852 : i32 to vector<64x512xi32>
    %eq3A_2854 = arith.cmpi eq, %select_n3A_2817, %eq3A_2853 : vector<64x512xi32>
    %select_n3A_2855 = arith.select %eq3A_2854, %reduce_min3A_159, %select_n3A_2850 : vector<64x512xi1>, vector<64x512xf32>
    %select_n3A_2856 = arith.select %eq3A_2854, %add3A_171, %select_n3A_2851 : vector<64x512xi1>, vector<64x512xi32>
    %select_n3A_2857 = arith.select %eq3A_2813, %select_n3A_2855, %select_n3A_2761 : vector<64x512xi1>, vector<64x512xf32>
    %select_n3A_2858 = arith.select %eq3A_2813, %select_n3A_2856, %select_n3A_2762 : vector<64x512xi1>, vector<64x512xi32>
    %reduce_min3A_2859 = arith.constant dense<0x7F800000> : vector<512xf32>
    %reduce_min3A_2860 = vector.multi_reduction <minimumf>, %select_n3A_2857, %reduce_min3A_2859 [0] : vector<64x512xf32> to vector<512xf32>
    %broadcast_in_dim3A_2861 = vector.shape_cast %reduce_min3A_2860 : vector<512xf32> to vector<1x512xf32>
    %eq3A_2862 = vector.broadcast %broadcast_in_dim3A_2861 : vector<1x512xf32> to vector<64x512xf32>
    %eq3A_2863 = arith.cmpf oeq, %select_n3A_2857, %eq3A_2862 : vector<64x512xf32>
    %jit3A_2864 = arith.constant 2048 : i32
    %broadcast_in_dim3A_2865 = vector.broadcast %jit3A_2864 : i32 to vector<64x512xi32>
    %select_n3A_2866 = arith.select %eq3A_2863, %select_n3A_2858, %broadcast_in_dim3A_2865 : vector<64x512xi1>, vector<64x512xi32>
    %reduce_min3A_2867 = arith.constant dense<2147483647> : vector<512xi32>
    %reduce_min3A_2868 = vector.multi_reduction <minsi>, %select_n3A_2866, %reduce_min3A_2867 [0] : vector<64x512xi32> to vector<512xi32>
    %eq3A_2869 = arith.constant 28 : i32
    %eq3A_2870 = vector.broadcast %eq3A_2869 : i32 to vector<32x512xi32>
    %eq3A_2871 = arith.cmpi eq, %iota3A, %eq3A_2870 : vector<32x512xi32>
    %broadcast_in_dim3A_2872 = vector.shape_cast %reduce_min3A_2868 : vector<512xi32> to vector<1x512xi32>
    %broadcast_in_dim3A_2873 = vector.shape_cast %broadcast_in_dim3A_2872 : vector<1x512xi32> to vector<1x512xi32>
    %broadcast_in_dim3A_2874 = vector.broadcast %broadcast_in_dim3A_2873 : vector<1x512xi32> to vector<32x512xi32>
    %select_n3A_2875 = arith.select %eq3A_2871, %broadcast_in_dim3A_2874, %select_n3A_2779 : vector<32x512xi1>, vector<32x512xi32>
    %jit3A_2876 = arith.constant 32 : i32
    %div3A_2877 = vector.broadcast %jit3A_2876 : i32 to vector<512xi32>
    %div3A_2878 = arith.divsi %reduce_min3A_2868, %div3A_2877 : vector<512xi32>
    %sign3A_2879 = arith.constant 0 : i32
    %sign3A_2880 = vector.broadcast %sign3A_2879 : i32 to vector<512xi32>
    %sign3A_2881 = arith.cmpi sgt, %reduce_min3A_2868, %sign3A_2880 : vector<512xi32>
    %sign3A_2882 = arith.extui %sign3A_2881 : vector<512xi1> to vector<512xi32>
    %sign3A_2883 = arith.constant 0 : i32
    %sign3A_2884 = vector.broadcast %sign3A_2883 : i32 to vector<512xi32>
    %sign3A_2885 = arith.cmpi slt, %reduce_min3A_2868, %sign3A_2884 : vector<512xi32>
    %sign3A_2886 = arith.extui %sign3A_2885 : vector<512xi1> to vector<512xi32>
    %sign3A_2887 = arith.subi %sign3A_2882, %sign3A_2886 : vector<512xi32>
    %sign3A_2888 = arith.constant 0 : i32
    %sign3A_2889 = arith.cmpi sgt, %jit3A_2876, %sign3A_2888 : i32
    %sign3A_2890 = arith.extui %sign3A_2889 : i1 to i32
    %sign3A_2891 = arith.constant 0 : i32
    %sign3A_2892 = arith.cmpi slt, %jit3A_2876, %sign3A_2891 : i32
    %sign3A_2893 = arith.extui %sign3A_2892 : i1 to i32
    %sign3A_2894 = arith.subi %sign3A_2890, %sign3A_2893 : i32
    %ne3A_2895 = vector.broadcast %sign3A_2894 : i32 to vector<512xi32>
    %ne3A_2896 = arith.cmpi ne, %sign3A_2887, %ne3A_2895 : vector<512xi32>
    %rem3A_2897 = vector.broadcast %jit3A_2876 : i32 to vector<512xi32>
    %rem3A_2898 = arith.remsi %reduce_min3A_2868, %rem3A_2897 : vector<512xi32>
    %ne3A_2899 = arith.constant 0 : i32
    %ne3A_2900 = vector.broadcast %ne3A_2899 : i32 to vector<512xi32>
    %ne3A_2901 = arith.cmpi ne, %rem3A_2898, %ne3A_2900 : vector<512xi32>
    %and3A_2902 = arith.andi %ne3A_2896, %ne3A_2901 : vector<512xi1>
    %sub3A_2903 = arith.constant 1 : i32
    %sub3A_2904 = vector.broadcast %sub3A_2903 : i32 to vector<512xi32>
    %sub3A_2905 = arith.subi %div3A_2878, %sub3A_2904 : vector<512xi32>
    %select_n3A_2906 = arith.select %and3A_2902, %sub3A_2905, %div3A_2878 : vector<512xi1>, vector<512xi32>
    %broadcast_in_dim3A_2907 = vector.shape_cast %select_n3A_2906 : vector<512xi32> to vector<1x512xi32>
    %eq3A_2908 = vector.broadcast %broadcast_in_dim3A_2907 : vector<1x512xi32> to vector<64x512xi32>
    %eq3A_2909 = arith.cmpi eq, %iota3A_21, %eq3A_2908 : vector<64x512xi32>
    %add3A_2910 = arith.constant 1 : i32
    %add3A_2911 = vector.broadcast %add3A_2910 : i32 to vector<64x512xi32>
    %add3A_2912 = arith.addi %select_n3A_2817, %add3A_2911 : vector<64x512xi32>
    %select_n3A_2913 = arith.select %eq3A_2909, %add3A_2912, %select_n3A_2817 : vector<64x512xi1>, vector<64x512xi32>
    %broadcast_in_dim3A_2914 = arith.constant 0x7F800000 : f32
    %broadcast_in_dim3A_2915 = vector.broadcast %broadcast_in_dim3A_2914 : f32 to vector<64x512xf32>
    %broadcast_in_dim3A_2916 = arith.constant 2048 : i32
    %broadcast_in_dim3A_2917 = vector.broadcast %broadcast_in_dim3A_2916 : i32 to vector<64x512xi32>
    %eq3A_2918 = arith.constant 1 : i32
    %eq3A_2919 = vector.broadcast %eq3A_2918 : i32 to vector<64x512xi32>
    %eq3A_2920 = arith.cmpi eq, %select_n3A_2913, %eq3A_2919 : vector<64x512xi32>
    %select_n3A_2921 = arith.select %eq3A_2920, %reduce_min3A_39, %broadcast_in_dim3A_2915 : vector<64x512xi1>, vector<64x512xf32>
    %select_n3A_2922 = arith.select %eq3A_2920, %add3A_51, %broadcast_in_dim3A_2917 : vector<64x512xi1>, vector<64x512xi32>
    %eq3A_2923 = arith.constant 2 : i32
    %eq3A_2924 = vector.broadcast %eq3A_2923 : i32 to vector<64x512xi32>
    %eq3A_2925 = arith.cmpi eq, %select_n3A_2913, %eq3A_2924 : vector<64x512xi32>
    %select_n3A_2926 = arith.select %eq3A_2925, %reduce_min3A_59, %select_n3A_2921 : vector<64x512xi1>, vector<64x512xf32>
    %select_n3A_2927 = arith.select %eq3A_2925, %add3A_71, %select_n3A_2922 : vector<64x512xi1>, vector<64x512xi32>
    %eq3A_2928 = arith.constant 3 : i32
    %eq3A_2929 = vector.broadcast %eq3A_2928 : i32 to vector<64x512xi32>
    %eq3A_2930 = arith.cmpi eq, %select_n3A_2913, %eq3A_2929 : vector<64x512xi32>
    %select_n3A_2931 = arith.select %eq3A_2930, %reduce_min3A_79, %select_n3A_2926 : vector<64x512xi1>, vector<64x512xf32>
    %select_n3A_2932 = arith.select %eq3A_2930, %add3A_91, %select_n3A_2927 : vector<64x512xi1>, vector<64x512xi32>
    %eq3A_2933 = arith.constant 4 : i32
    %eq3A_2934 = vector.broadcast %eq3A_2933 : i32 to vector<64x512xi32>
    %eq3A_2935 = arith.cmpi eq, %select_n3A_2913, %eq3A_2934 : vector<64x512xi32>
    %select_n3A_2936 = arith.select %eq3A_2935, %reduce_min3A_99, %select_n3A_2931 : vector<64x512xi1>, vector<64x512xf32>
    %select_n3A_2937 = arith.select %eq3A_2935, %add3A_111, %select_n3A_2932 : vector<64x512xi1>, vector<64x512xi32>
    %eq3A_2938 = arith.constant 5 : i32
    %eq3A_2939 = vector.broadcast %eq3A_2938 : i32 to vector<64x512xi32>
    %eq3A_2940 = arith.cmpi eq, %select_n3A_2913, %eq3A_2939 : vector<64x512xi32>
    %select_n3A_2941 = arith.select %eq3A_2940, %reduce_min3A_119, %select_n3A_2936 : vector<64x512xi1>, vector<64x512xf32>
    %select_n3A_2942 = arith.select %eq3A_2940, %add3A_131, %select_n3A_2937 : vector<64x512xi1>, vector<64x512xi32>
    %eq3A_2943 = arith.constant 6 : i32
    %eq3A_2944 = vector.broadcast %eq3A_2943 : i32 to vector<64x512xi32>
    %eq3A_2945 = arith.cmpi eq, %select_n3A_2913, %eq3A_2944 : vector<64x512xi32>
    %select_n3A_2946 = arith.select %eq3A_2945, %reduce_min3A_139, %select_n3A_2941 : vector<64x512xi1>, vector<64x512xf32>
    %select_n3A_2947 = arith.select %eq3A_2945, %add3A_151, %select_n3A_2942 : vector<64x512xi1>, vector<64x512xi32>
    %eq3A_2948 = arith.constant 7 : i32
    %eq3A_2949 = vector.broadcast %eq3A_2948 : i32 to vector<64x512xi32>
    %eq3A_2950 = arith.cmpi eq, %select_n3A_2913, %eq3A_2949 : vector<64x512xi32>
    %select_n3A_2951 = arith.select %eq3A_2950, %reduce_min3A_159, %select_n3A_2946 : vector<64x512xi1>, vector<64x512xf32>
    %select_n3A_2952 = arith.select %eq3A_2950, %add3A_171, %select_n3A_2947 : vector<64x512xi1>, vector<64x512xi32>
    %select_n3A_2953 = arith.select %eq3A_2909, %select_n3A_2951, %select_n3A_2857 : vector<64x512xi1>, vector<64x512xf32>
    %select_n3A_2954 = arith.select %eq3A_2909, %select_n3A_2952, %select_n3A_2858 : vector<64x512xi1>, vector<64x512xi32>
    %reduce_min3A_2955 = arith.constant dense<0x7F800000> : vector<512xf32>
    %reduce_min3A_2956 = vector.multi_reduction <minimumf>, %select_n3A_2953, %reduce_min3A_2955 [0] : vector<64x512xf32> to vector<512xf32>
    %broadcast_in_dim3A_2957 = vector.shape_cast %reduce_min3A_2956 : vector<512xf32> to vector<1x512xf32>
    %eq3A_2958 = vector.broadcast %broadcast_in_dim3A_2957 : vector<1x512xf32> to vector<64x512xf32>
    %eq3A_2959 = arith.cmpf oeq, %select_n3A_2953, %eq3A_2958 : vector<64x512xf32>
    %jit3A_2960 = arith.constant 2048 : i32
    %broadcast_in_dim3A_2961 = vector.broadcast %jit3A_2960 : i32 to vector<64x512xi32>
    %select_n3A_2962 = arith.select %eq3A_2959, %select_n3A_2954, %broadcast_in_dim3A_2961 : vector<64x512xi1>, vector<64x512xi32>
    %reduce_min3A_2963 = arith.constant dense<2147483647> : vector<512xi32>
    %reduce_min3A_2964 = vector.multi_reduction <minsi>, %select_n3A_2962, %reduce_min3A_2963 [0] : vector<64x512xi32> to vector<512xi32>
    %eq3A_2965 = arith.constant 29 : i32
    %eq3A_2966 = vector.broadcast %eq3A_2965 : i32 to vector<32x512xi32>
    %eq3A_2967 = arith.cmpi eq, %iota3A, %eq3A_2966 : vector<32x512xi32>
    %broadcast_in_dim3A_2968 = vector.shape_cast %reduce_min3A_2964 : vector<512xi32> to vector<1x512xi32>
    %broadcast_in_dim3A_2969 = vector.shape_cast %broadcast_in_dim3A_2968 : vector<1x512xi32> to vector<1x512xi32>
    %broadcast_in_dim3A_2970 = vector.broadcast %broadcast_in_dim3A_2969 : vector<1x512xi32> to vector<32x512xi32>
    %select_n3A_2971 = arith.select %eq3A_2967, %broadcast_in_dim3A_2970, %select_n3A_2875 : vector<32x512xi1>, vector<32x512xi32>
    %jit3A_2972 = arith.constant 32 : i32
    %div3A_2973 = vector.broadcast %jit3A_2972 : i32 to vector<512xi32>
    %div3A_2974 = arith.divsi %reduce_min3A_2964, %div3A_2973 : vector<512xi32>
    %sign3A_2975 = arith.constant 0 : i32
    %sign3A_2976 = vector.broadcast %sign3A_2975 : i32 to vector<512xi32>
    %sign3A_2977 = arith.cmpi sgt, %reduce_min3A_2964, %sign3A_2976 : vector<512xi32>
    %sign3A_2978 = arith.extui %sign3A_2977 : vector<512xi1> to vector<512xi32>
    %sign3A_2979 = arith.constant 0 : i32
    %sign3A_2980 = vector.broadcast %sign3A_2979 : i32 to vector<512xi32>
    %sign3A_2981 = arith.cmpi slt, %reduce_min3A_2964, %sign3A_2980 : vector<512xi32>
    %sign3A_2982 = arith.extui %sign3A_2981 : vector<512xi1> to vector<512xi32>
    %sign3A_2983 = arith.subi %sign3A_2978, %sign3A_2982 : vector<512xi32>
    %sign3A_2984 = arith.constant 0 : i32
    %sign3A_2985 = arith.cmpi sgt, %jit3A_2972, %sign3A_2984 : i32
    %sign3A_2986 = arith.extui %sign3A_2985 : i1 to i32
    %sign3A_2987 = arith.constant 0 : i32
    %sign3A_2988 = arith.cmpi slt, %jit3A_2972, %sign3A_2987 : i32
    %sign3A_2989 = arith.extui %sign3A_2988 : i1 to i32
    %sign3A_2990 = arith.subi %sign3A_2986, %sign3A_2989 : i32
    %ne3A_2991 = vector.broadcast %sign3A_2990 : i32 to vector<512xi32>
    %ne3A_2992 = arith.cmpi ne, %sign3A_2983, %ne3A_2991 : vector<512xi32>
    %rem3A_2993 = vector.broadcast %jit3A_2972 : i32 to vector<512xi32>
    %rem3A_2994 = arith.remsi %reduce_min3A_2964, %rem3A_2993 : vector<512xi32>
    %ne3A_2995 = arith.constant 0 : i32
    %ne3A_2996 = vector.broadcast %ne3A_2995 : i32 to vector<512xi32>
    %ne3A_2997 = arith.cmpi ne, %rem3A_2994, %ne3A_2996 : vector<512xi32>
    %and3A_2998 = arith.andi %ne3A_2992, %ne3A_2997 : vector<512xi1>
    %sub3A_2999 = arith.constant 1 : i32
    %sub3A_3000 = vector.broadcast %sub3A_2999 : i32 to vector<512xi32>
    %sub3A_3001 = arith.subi %div3A_2974, %sub3A_3000 : vector<512xi32>
    %select_n3A_3002 = arith.select %and3A_2998, %sub3A_3001, %div3A_2974 : vector<512xi1>, vector<512xi32>
    %broadcast_in_dim3A_3003 = vector.shape_cast %select_n3A_3002 : vector<512xi32> to vector<1x512xi32>
    %eq3A_3004 = vector.broadcast %broadcast_in_dim3A_3003 : vector<1x512xi32> to vector<64x512xi32>
    %eq3A_3005 = arith.cmpi eq, %iota3A_21, %eq3A_3004 : vector<64x512xi32>
    %add3A_3006 = arith.constant 1 : i32
    %add3A_3007 = vector.broadcast %add3A_3006 : i32 to vector<64x512xi32>
    %add3A_3008 = arith.addi %select_n3A_2913, %add3A_3007 : vector<64x512xi32>
    %select_n3A_3009 = arith.select %eq3A_3005, %add3A_3008, %select_n3A_2913 : vector<64x512xi1>, vector<64x512xi32>
    %broadcast_in_dim3A_3010 = arith.constant 0x7F800000 : f32
    %broadcast_in_dim3A_3011 = vector.broadcast %broadcast_in_dim3A_3010 : f32 to vector<64x512xf32>
    %broadcast_in_dim3A_3012 = arith.constant 2048 : i32
    %broadcast_in_dim3A_3013 = vector.broadcast %broadcast_in_dim3A_3012 : i32 to vector<64x512xi32>
    %eq3A_3014 = arith.constant 1 : i32
    %eq3A_3015 = vector.broadcast %eq3A_3014 : i32 to vector<64x512xi32>
    %eq3A_3016 = arith.cmpi eq, %select_n3A_3009, %eq3A_3015 : vector<64x512xi32>
    %select_n3A_3017 = arith.select %eq3A_3016, %reduce_min3A_39, %broadcast_in_dim3A_3011 : vector<64x512xi1>, vector<64x512xf32>
    %select_n3A_3018 = arith.select %eq3A_3016, %add3A_51, %broadcast_in_dim3A_3013 : vector<64x512xi1>, vector<64x512xi32>
    %eq3A_3019 = arith.constant 2 : i32
    %eq3A_3020 = vector.broadcast %eq3A_3019 : i32 to vector<64x512xi32>
    %eq3A_3021 = arith.cmpi eq, %select_n3A_3009, %eq3A_3020 : vector<64x512xi32>
    %select_n3A_3022 = arith.select %eq3A_3021, %reduce_min3A_59, %select_n3A_3017 : vector<64x512xi1>, vector<64x512xf32>
    %select_n3A_3023 = arith.select %eq3A_3021, %add3A_71, %select_n3A_3018 : vector<64x512xi1>, vector<64x512xi32>
    %eq3A_3024 = arith.constant 3 : i32
    %eq3A_3025 = vector.broadcast %eq3A_3024 : i32 to vector<64x512xi32>
    %eq3A_3026 = arith.cmpi eq, %select_n3A_3009, %eq3A_3025 : vector<64x512xi32>
    %select_n3A_3027 = arith.select %eq3A_3026, %reduce_min3A_79, %select_n3A_3022 : vector<64x512xi1>, vector<64x512xf32>
    %select_n3A_3028 = arith.select %eq3A_3026, %add3A_91, %select_n3A_3023 : vector<64x512xi1>, vector<64x512xi32>
    %eq3A_3029 = arith.constant 4 : i32
    %eq3A_3030 = vector.broadcast %eq3A_3029 : i32 to vector<64x512xi32>
    %eq3A_3031 = arith.cmpi eq, %select_n3A_3009, %eq3A_3030 : vector<64x512xi32>
    %select_n3A_3032 = arith.select %eq3A_3031, %reduce_min3A_99, %select_n3A_3027 : vector<64x512xi1>, vector<64x512xf32>
    %select_n3A_3033 = arith.select %eq3A_3031, %add3A_111, %select_n3A_3028 : vector<64x512xi1>, vector<64x512xi32>
    %eq3A_3034 = arith.constant 5 : i32
    %eq3A_3035 = vector.broadcast %eq3A_3034 : i32 to vector<64x512xi32>
    %eq3A_3036 = arith.cmpi eq, %select_n3A_3009, %eq3A_3035 : vector<64x512xi32>
    %select_n3A_3037 = arith.select %eq3A_3036, %reduce_min3A_119, %select_n3A_3032 : vector<64x512xi1>, vector<64x512xf32>
    %select_n3A_3038 = arith.select %eq3A_3036, %add3A_131, %select_n3A_3033 : vector<64x512xi1>, vector<64x512xi32>
    %eq3A_3039 = arith.constant 6 : i32
    %eq3A_3040 = vector.broadcast %eq3A_3039 : i32 to vector<64x512xi32>
    %eq3A_3041 = arith.cmpi eq, %select_n3A_3009, %eq3A_3040 : vector<64x512xi32>
    %select_n3A_3042 = arith.select %eq3A_3041, %reduce_min3A_139, %select_n3A_3037 : vector<64x512xi1>, vector<64x512xf32>
    %select_n3A_3043 = arith.select %eq3A_3041, %add3A_151, %select_n3A_3038 : vector<64x512xi1>, vector<64x512xi32>
    %eq3A_3044 = arith.constant 7 : i32
    %eq3A_3045 = vector.broadcast %eq3A_3044 : i32 to vector<64x512xi32>
    %eq3A_3046 = arith.cmpi eq, %select_n3A_3009, %eq3A_3045 : vector<64x512xi32>
    %select_n3A_3047 = arith.select %eq3A_3046, %reduce_min3A_159, %select_n3A_3042 : vector<64x512xi1>, vector<64x512xf32>
    %select_n3A_3048 = arith.select %eq3A_3046, %add3A_171, %select_n3A_3043 : vector<64x512xi1>, vector<64x512xi32>
    %select_n3A_3049 = arith.select %eq3A_3005, %select_n3A_3047, %select_n3A_2953 : vector<64x512xi1>, vector<64x512xf32>
    %select_n3A_3050 = arith.select %eq3A_3005, %select_n3A_3048, %select_n3A_2954 : vector<64x512xi1>, vector<64x512xi32>
    %reduce_min3A_3051 = arith.constant dense<0x7F800000> : vector<512xf32>
    %reduce_min3A_3052 = vector.multi_reduction <minimumf>, %select_n3A_3049, %reduce_min3A_3051 [0] : vector<64x512xf32> to vector<512xf32>
    %broadcast_in_dim3A_3053 = vector.shape_cast %reduce_min3A_3052 : vector<512xf32> to vector<1x512xf32>
    %eq3A_3054 = vector.broadcast %broadcast_in_dim3A_3053 : vector<1x512xf32> to vector<64x512xf32>
    %eq3A_3055 = arith.cmpf oeq, %select_n3A_3049, %eq3A_3054 : vector<64x512xf32>
    %jit3A_3056 = arith.constant 2048 : i32
    %broadcast_in_dim3A_3057 = vector.broadcast %jit3A_3056 : i32 to vector<64x512xi32>
    %select_n3A_3058 = arith.select %eq3A_3055, %select_n3A_3050, %broadcast_in_dim3A_3057 : vector<64x512xi1>, vector<64x512xi32>
    %reduce_min3A_3059 = arith.constant dense<2147483647> : vector<512xi32>
    %reduce_min3A_3060 = vector.multi_reduction <minsi>, %select_n3A_3058, %reduce_min3A_3059 [0] : vector<64x512xi32> to vector<512xi32>
    %eq3A_3061 = arith.constant 30 : i32
    %eq3A_3062 = vector.broadcast %eq3A_3061 : i32 to vector<32x512xi32>
    %eq3A_3063 = arith.cmpi eq, %iota3A, %eq3A_3062 : vector<32x512xi32>
    %broadcast_in_dim3A_3064 = vector.shape_cast %reduce_min3A_3060 : vector<512xi32> to vector<1x512xi32>
    %broadcast_in_dim3A_3065 = vector.shape_cast %broadcast_in_dim3A_3064 : vector<1x512xi32> to vector<1x512xi32>
    %broadcast_in_dim3A_3066 = vector.broadcast %broadcast_in_dim3A_3065 : vector<1x512xi32> to vector<32x512xi32>
    %select_n3A_3067 = arith.select %eq3A_3063, %broadcast_in_dim3A_3066, %select_n3A_2971 : vector<32x512xi1>, vector<32x512xi32>
    %jit3A_3068 = arith.constant 32 : i32
    %div3A_3069 = vector.broadcast %jit3A_3068 : i32 to vector<512xi32>
    %div3A_3070 = arith.divsi %reduce_min3A_3060, %div3A_3069 : vector<512xi32>
    %sign3A_3071 = arith.constant 0 : i32
    %sign3A_3072 = vector.broadcast %sign3A_3071 : i32 to vector<512xi32>
    %sign3A_3073 = arith.cmpi sgt, %reduce_min3A_3060, %sign3A_3072 : vector<512xi32>
    %sign3A_3074 = arith.extui %sign3A_3073 : vector<512xi1> to vector<512xi32>
    %sign3A_3075 = arith.constant 0 : i32
    %sign3A_3076 = vector.broadcast %sign3A_3075 : i32 to vector<512xi32>
    %sign3A_3077 = arith.cmpi slt, %reduce_min3A_3060, %sign3A_3076 : vector<512xi32>
    %sign3A_3078 = arith.extui %sign3A_3077 : vector<512xi1> to vector<512xi32>
    %sign3A_3079 = arith.subi %sign3A_3074, %sign3A_3078 : vector<512xi32>
    %sign3A_3080 = arith.constant 0 : i32
    %sign3A_3081 = arith.cmpi sgt, %jit3A_3068, %sign3A_3080 : i32
    %sign3A_3082 = arith.extui %sign3A_3081 : i1 to i32
    %sign3A_3083 = arith.constant 0 : i32
    %sign3A_3084 = arith.cmpi slt, %jit3A_3068, %sign3A_3083 : i32
    %sign3A_3085 = arith.extui %sign3A_3084 : i1 to i32
    %sign3A_3086 = arith.subi %sign3A_3082, %sign3A_3085 : i32
    %ne3A_3087 = vector.broadcast %sign3A_3086 : i32 to vector<512xi32>
    %ne3A_3088 = arith.cmpi ne, %sign3A_3079, %ne3A_3087 : vector<512xi32>
    %rem3A_3089 = vector.broadcast %jit3A_3068 : i32 to vector<512xi32>
    %rem3A_3090 = arith.remsi %reduce_min3A_3060, %rem3A_3089 : vector<512xi32>
    %ne3A_3091 = arith.constant 0 : i32
    %ne3A_3092 = vector.broadcast %ne3A_3091 : i32 to vector<512xi32>
    %ne3A_3093 = arith.cmpi ne, %rem3A_3090, %ne3A_3092 : vector<512xi32>
    %and3A_3094 = arith.andi %ne3A_3088, %ne3A_3093 : vector<512xi1>
    %sub3A_3095 = arith.constant 1 : i32
    %sub3A_3096 = vector.broadcast %sub3A_3095 : i32 to vector<512xi32>
    %sub3A_3097 = arith.subi %div3A_3070, %sub3A_3096 : vector<512xi32>
    %select_n3A_3098 = arith.select %and3A_3094, %sub3A_3097, %div3A_3070 : vector<512xi1>, vector<512xi32>
    %broadcast_in_dim3A_3099 = vector.shape_cast %select_n3A_3098 : vector<512xi32> to vector<1x512xi32>
    %eq3A_3100 = vector.broadcast %broadcast_in_dim3A_3099 : vector<1x512xi32> to vector<64x512xi32>
    %eq3A_3101 = arith.cmpi eq, %iota3A_21, %eq3A_3100 : vector<64x512xi32>
    %add3A_3102 = arith.constant 1 : i32
    %add3A_3103 = vector.broadcast %add3A_3102 : i32 to vector<64x512xi32>
    %add3A_3104 = arith.addi %select_n3A_3009, %add3A_3103 : vector<64x512xi32>
    %select_n3A_3105 = arith.select %eq3A_3101, %add3A_3104, %select_n3A_3009 : vector<64x512xi1>, vector<64x512xi32>
    %broadcast_in_dim3A_3106 = arith.constant 0x7F800000 : f32
    %broadcast_in_dim3A_3107 = vector.broadcast %broadcast_in_dim3A_3106 : f32 to vector<64x512xf32>
    %broadcast_in_dim3A_3108 = arith.constant 2048 : i32
    %broadcast_in_dim3A_3109 = vector.broadcast %broadcast_in_dim3A_3108 : i32 to vector<64x512xi32>
    %eq3A_3110 = arith.constant 1 : i32
    %eq3A_3111 = vector.broadcast %eq3A_3110 : i32 to vector<64x512xi32>
    %eq3A_3112 = arith.cmpi eq, %select_n3A_3105, %eq3A_3111 : vector<64x512xi32>
    %select_n3A_3113 = arith.select %eq3A_3112, %reduce_min3A_39, %broadcast_in_dim3A_3107 : vector<64x512xi1>, vector<64x512xf32>
    %select_n3A_3114 = arith.select %eq3A_3112, %add3A_51, %broadcast_in_dim3A_3109 : vector<64x512xi1>, vector<64x512xi32>
    %eq3A_3115 = arith.constant 2 : i32
    %eq3A_3116 = vector.broadcast %eq3A_3115 : i32 to vector<64x512xi32>
    %eq3A_3117 = arith.cmpi eq, %select_n3A_3105, %eq3A_3116 : vector<64x512xi32>
    %select_n3A_3118 = arith.select %eq3A_3117, %reduce_min3A_59, %select_n3A_3113 : vector<64x512xi1>, vector<64x512xf32>
    %select_n3A_3119 = arith.select %eq3A_3117, %add3A_71, %select_n3A_3114 : vector<64x512xi1>, vector<64x512xi32>
    %eq3A_3120 = arith.constant 3 : i32
    %eq3A_3121 = vector.broadcast %eq3A_3120 : i32 to vector<64x512xi32>
    %eq3A_3122 = arith.cmpi eq, %select_n3A_3105, %eq3A_3121 : vector<64x512xi32>
    %select_n3A_3123 = arith.select %eq3A_3122, %reduce_min3A_79, %select_n3A_3118 : vector<64x512xi1>, vector<64x512xf32>
    %select_n3A_3124 = arith.select %eq3A_3122, %add3A_91, %select_n3A_3119 : vector<64x512xi1>, vector<64x512xi32>
    %eq3A_3125 = arith.constant 4 : i32
    %eq3A_3126 = vector.broadcast %eq3A_3125 : i32 to vector<64x512xi32>
    %eq3A_3127 = arith.cmpi eq, %select_n3A_3105, %eq3A_3126 : vector<64x512xi32>
    %select_n3A_3128 = arith.select %eq3A_3127, %reduce_min3A_99, %select_n3A_3123 : vector<64x512xi1>, vector<64x512xf32>
    %select_n3A_3129 = arith.select %eq3A_3127, %add3A_111, %select_n3A_3124 : vector<64x512xi1>, vector<64x512xi32>
    %eq3A_3130 = arith.constant 5 : i32
    %eq3A_3131 = vector.broadcast %eq3A_3130 : i32 to vector<64x512xi32>
    %eq3A_3132 = arith.cmpi eq, %select_n3A_3105, %eq3A_3131 : vector<64x512xi32>
    %select_n3A_3133 = arith.select %eq3A_3132, %reduce_min3A_119, %select_n3A_3128 : vector<64x512xi1>, vector<64x512xf32>
    %select_n3A_3134 = arith.select %eq3A_3132, %add3A_131, %select_n3A_3129 : vector<64x512xi1>, vector<64x512xi32>
    %eq3A_3135 = arith.constant 6 : i32
    %eq3A_3136 = vector.broadcast %eq3A_3135 : i32 to vector<64x512xi32>
    %eq3A_3137 = arith.cmpi eq, %select_n3A_3105, %eq3A_3136 : vector<64x512xi32>
    %select_n3A_3138 = arith.select %eq3A_3137, %reduce_min3A_139, %select_n3A_3133 : vector<64x512xi1>, vector<64x512xf32>
    %select_n3A_3139 = arith.select %eq3A_3137, %add3A_151, %select_n3A_3134 : vector<64x512xi1>, vector<64x512xi32>
    %eq3A_3140 = arith.constant 7 : i32
    %eq3A_3141 = vector.broadcast %eq3A_3140 : i32 to vector<64x512xi32>
    %eq3A_3142 = arith.cmpi eq, %select_n3A_3105, %eq3A_3141 : vector<64x512xi32>
    %select_n3A_3143 = arith.select %eq3A_3142, %reduce_min3A_159, %select_n3A_3138 : vector<64x512xi1>, vector<64x512xf32>
    %select_n3A_3144 = arith.select %eq3A_3142, %add3A_171, %select_n3A_3139 : vector<64x512xi1>, vector<64x512xi32>
    %select_n3A_3145 = arith.select %eq3A_3101, %select_n3A_3143, %select_n3A_3049 : vector<64x512xi1>, vector<64x512xf32>
    %select_n3A_3146 = arith.select %eq3A_3101, %select_n3A_3144, %select_n3A_3050 : vector<64x512xi1>, vector<64x512xi32>
    %reduce_min3A_3147 = arith.constant dense<0x7F800000> : vector<512xf32>
    %reduce_min3A_3148 = vector.multi_reduction <minimumf>, %select_n3A_3145, %reduce_min3A_3147 [0] : vector<64x512xf32> to vector<512xf32>
    %broadcast_in_dim3A_3149 = vector.shape_cast %reduce_min3A_3148 : vector<512xf32> to vector<1x512xf32>
    %eq3A_3150 = vector.broadcast %broadcast_in_dim3A_3149 : vector<1x512xf32> to vector<64x512xf32>
    %eq3A_3151 = arith.cmpf oeq, %select_n3A_3145, %eq3A_3150 : vector<64x512xf32>
    %jit3A_3152 = arith.constant 2048 : i32
    %broadcast_in_dim3A_3153 = vector.broadcast %jit3A_3152 : i32 to vector<64x512xi32>
    %select_n3A_3154 = arith.select %eq3A_3151, %select_n3A_3146, %broadcast_in_dim3A_3153 : vector<64x512xi1>, vector<64x512xi32>
    %reduce_min3A_3155 = arith.constant dense<2147483647> : vector<512xi32>
    %reduce_min3A_3156 = vector.multi_reduction <minsi>, %select_n3A_3154, %reduce_min3A_3155 [0] : vector<64x512xi32> to vector<512xi32>
    %eq3A_3157 = arith.constant 31 : i32
    %eq3A_3158 = vector.broadcast %eq3A_3157 : i32 to vector<32x512xi32>
    %eq3A_3159 = arith.cmpi eq, %iota3A, %eq3A_3158 : vector<32x512xi32>
    %broadcast_in_dim3A_3160 = vector.shape_cast %reduce_min3A_3156 : vector<512xi32> to vector<1x512xi32>
    %broadcast_in_dim3A_3161 = vector.shape_cast %broadcast_in_dim3A_3160 : vector<1x512xi32> to vector<1x512xi32>
    %broadcast_in_dim3A_3162 = vector.broadcast %broadcast_in_dim3A_3161 : vector<1x512xi32> to vector<32x512xi32>
    %select_n3A_3163 = arith.select %eq3A_3159, %broadcast_in_dim3A_3162, %select_n3A_3067 : vector<32x512xi1>, vector<32x512xi32>
    %jit3A_3164 = arith.constant 32 : i32
    %div3A_3165 = vector.broadcast %jit3A_3164 : i32 to vector<512xi32>
    %div3A_3166 = arith.divsi %reduce_min3A_3156, %div3A_3165 : vector<512xi32>
    %sign3A_3167 = arith.constant 0 : i32
    %sign3A_3168 = vector.broadcast %sign3A_3167 : i32 to vector<512xi32>
    %sign3A_3169 = arith.cmpi sgt, %reduce_min3A_3156, %sign3A_3168 : vector<512xi32>
    %sign3A_3170 = arith.extui %sign3A_3169 : vector<512xi1> to vector<512xi32>
    %sign3A_3171 = arith.constant 0 : i32
    %sign3A_3172 = vector.broadcast %sign3A_3171 : i32 to vector<512xi32>
    %sign3A_3173 = arith.cmpi slt, %reduce_min3A_3156, %sign3A_3172 : vector<512xi32>
    %sign3A_3174 = arith.extui %sign3A_3173 : vector<512xi1> to vector<512xi32>
    %sign3A_3175 = arith.subi %sign3A_3170, %sign3A_3174 : vector<512xi32>
    %sign3A_3176 = arith.constant 0 : i32
    %sign3A_3177 = arith.cmpi sgt, %jit3A_3164, %sign3A_3176 : i32
    %sign3A_3178 = arith.extui %sign3A_3177 : i1 to i32
    %sign3A_3179 = arith.constant 0 : i32
    %sign3A_3180 = arith.cmpi slt, %jit3A_3164, %sign3A_3179 : i32
    %sign3A_3181 = arith.extui %sign3A_3180 : i1 to i32
    %sign3A_3182 = arith.subi %sign3A_3178, %sign3A_3181 : i32
    %ne3A_3183 = vector.broadcast %sign3A_3182 : i32 to vector<512xi32>
    %ne3A_3184 = arith.cmpi ne, %sign3A_3175, %ne3A_3183 : vector<512xi32>
    %rem3A_3185 = vector.broadcast %jit3A_3164 : i32 to vector<512xi32>
    %rem3A_3186 = arith.remsi %reduce_min3A_3156, %rem3A_3185 : vector<512xi32>
    %ne3A_3187 = arith.constant 0 : i32
    %ne3A_3188 = vector.broadcast %ne3A_3187 : i32 to vector<512xi32>
    %ne3A_3189 = arith.cmpi ne, %rem3A_3186, %ne3A_3188 : vector<512xi32>
    %and3A_3190 = arith.andi %ne3A_3184, %ne3A_3189 : vector<512xi1>
    %sub3A_3191 = arith.constant 1 : i32
    %sub3A_3192 = vector.broadcast %sub3A_3191 : i32 to vector<512xi32>
    %sub3A_3193 = arith.subi %div3A_3166, %sub3A_3192 : vector<512xi32>
    %select_n3A_3194 = arith.select %and3A_3190, %sub3A_3193, %div3A_3166 : vector<512xi1>, vector<512xi32>
    %broadcast_in_dim3A_3195 = vector.shape_cast %select_n3A_3194 : vector<512xi32> to vector<1x512xi32>
    %eq3A_3196 = vector.broadcast %broadcast_in_dim3A_3195 : vector<1x512xi32> to vector<64x512xi32>
    %eq3A_3197 = arith.cmpi eq, %iota3A_21, %eq3A_3196 : vector<64x512xi32>
    %add3A_3198 = arith.constant 1 : i32
    %add3A_3199 = vector.broadcast %add3A_3198 : i32 to vector<64x512xi32>
    %add3A_3200 = arith.addi %select_n3A_3105, %add3A_3199 : vector<64x512xi32>
    %select_n3A_3201 = arith.select %eq3A_3197, %add3A_3200, %select_n3A_3105 : vector<64x512xi1>, vector<64x512xi32>
    %reduce_max3A = vector.shape_cast %select_n3A_3201 : vector<64x512xi32> to vector<1x64x512xi32>
    %reduce_max3A_3202 = arith.constant dense<-2147483648> : vector<1xi32>
    %reduce_max3A_3203 = vector.multi_reduction <maxsi>, %reduce_max3A, %reduce_max3A_3202 [1, 2] : vector<1x64x512xi32> to vector<1xi32>
    %reduce_max3A_3204 = vector.shape_cast %reduce_max3A_3203 : vector<1xi32> to vector<1x1x1xi32>
    %reduce_max3A_3205 = vector.extract %reduce_max3A_3204[0, 0, 0] : i32 from vector<1x1x1xi32>
    %ge3A = arith.constant 8 : i32
    %ge3A_3206 = arith.cmpi sge, %reduce_max3A_3205, %ge3A : i32
    %convert_element_type3A = arith.extui %ge3A_3206 : i1 to i32
    %cond3A = arith.constant 0 : i32
    %cond3A_3207 = arith.cmpi ne, %convert_element_type3A, %cond3A : i32
    %cond3A_3208 = scf.if %cond3A_3207 -> (vector<32x512xi32>) {
      %broadcast_in_dim3A_3214 = vector.shape_cast %reduce_sum3A_13 : vector<2048xf32> to vector<2048x1xf32>
      %mul3A_3215 = arith.constant 2.000000e+00 : f32
      %mul3A_3216 = vector.broadcast %mul3A_3215 : f32 to vector<2048x512xf32>
      %mul3A_3217 = arith.mulf %mul3A_3216, %dot_general3A_9 : vector<2048x512xf32>
      %sub3A_3218 = vector.broadcast %broadcast_in_dim3A_3214 : vector<2048x1xf32> to vector<2048x512xf32>
      %sub3A_3219 = arith.subf %sub3A_3218, %mul3A_3217 : vector<2048x512xf32>
      %broadcast_in_dim3A_3220 = vector.shape_cast %reduce_sum3A_10 : vector<512xf32> to vector<1x512xf32>
      %add3A_3221 = vector.broadcast %broadcast_in_dim3A_3220 : vector<1x512xf32> to vector<2048x512xf32>
      %add3A_3222 = arith.addf %sub3A_3219, %add3A_3221 : vector<2048x512xf32>
      %iota3A_3223 = tpu.iota {dimensions = array<i32: 0>} : vector<2048x512xi32>
      %broadcast_in_dim3A_3224 = arith.constant 0 : i32
      %broadcast_in_dim3A_3225 = vector.broadcast %broadcast_in_dim3A_3224 : i32 to vector<32x512xi32>
      %scan3A = arith.constant 0 : i32
      %scan3A_3226 = arith.constant 32 : i32
      %scan3A_3227 = arith.addi %scan3A, %scan3A_3226 : i32
      %scan3A_3228 = arith.constant 1 : i32
      %scan3A_3229:2 = scf.for %scan3A_3231 = %scan3A to %scan3A_3227 step %scan3A_3228 iter_args(%scan3A_3232 = %add3A_3222, %scan3A_3233 = %broadcast_in_dim3A_3225) -> (vector<2048x512xf32>, vector<32x512xi32>)  : i32 {
        %reduce_min3A_3234 = arith.constant dense<0x7F800000> : vector<512xf32>
        %reduce_min3A_3235 = vector.multi_reduction <minimumf>, %scan3A_3232, %reduce_min3A_3234 [0] : vector<2048x512xf32> to vector<512xf32>
        %broadcast_in_dim3A_3236 = vector.shape_cast %reduce_min3A_3235 : vector<512xf32> to vector<1x512xf32>
        %eq3A_3237 = vector.broadcast %broadcast_in_dim3A_3236 : vector<1x512xf32> to vector<2048x512xf32>
        %eq3A_3238 = arith.cmpf oeq, %scan3A_3232, %eq3A_3237 : vector<2048x512xf32>
        %jit3A_3239 = arith.constant 2048 : i32
        %broadcast_in_dim3A_3240 = vector.broadcast %jit3A_3239 : i32 to vector<2048x512xi32>
        %select_n3A_3241 = arith.select %eq3A_3238, %iota3A_3223, %broadcast_in_dim3A_3240 : vector<2048x512xi1>, vector<2048x512xi32>
        %reduce_min3A_3242 = arith.constant dense<2147483647> : vector<512xi32>
        %reduce_min3A_3243 = vector.multi_reduction <minsi>, %select_n3A_3241, %reduce_min3A_3242 [0] : vector<2048x512xi32> to vector<512xi32>
        %eq3A_3244 = vector.broadcast %scan3A_3231 : i32 to vector<32x512xi32>
        %eq3A_3245 = arith.cmpi eq, %iota3A, %eq3A_3244 : vector<32x512xi32>
        %broadcast_in_dim3A_3246 = vector.shape_cast %reduce_min3A_3243 : vector<512xi32> to vector<1x512xi32>
        %broadcast_in_dim3A_3247 = vector.shape_cast %broadcast_in_dim3A_3246 : vector<1x512xi32> to vector<1x512xi32>
        %broadcast_in_dim3A_3248 = vector.broadcast %broadcast_in_dim3A_3247 : vector<1x512xi32> to vector<32x512xi32>
        %select_n3A_3249 = arith.select %eq3A_3245, %broadcast_in_dim3A_3248, %scan3A_3233 : vector<32x512xi1>, vector<32x512xi32>
        %broadcast_in_dim3A_3250 = vector.shape_cast %reduce_min3A_3243 : vector<512xi32> to vector<1x512xi32>
        %eq3A_3251 = vector.broadcast %broadcast_in_dim3A_3250 : vector<1x512xi32> to vector<2048x512xi32>
        %eq3A_3252 = arith.cmpi eq, %iota3A_3223, %eq3A_3251 : vector<2048x512xi32>
        %jit3A_3253 = arith.constant 0x7F800000 : f32
        %broadcast_in_dim3A_3254 = vector.broadcast %jit3A_3253 : f32 to vector<2048x512xf32>
        %select_n3A_3255 = arith.select %eq3A_3252, %broadcast_in_dim3A_3254, %scan3A_3232 : vector<2048x512xi1>, vector<2048x512xf32>
        scf.yield %select_n3A_3255, %select_n3A_3249 : vector<2048x512xf32>, vector<32x512xi32>
      }
      %scan3A_3230 = arith.constant 32 : i32
      scf.yield %scan3A_3229#1 : vector<32x512xi32>
    } else {
      scf.yield %select_n3A_3163 : vector<32x512xi32>
    }
    %swap3A = arith.constant 0 : index
    %swap3A_3209 = arith.constant 0 : index
    %swap3A_3210 = arith.constant 0 : index
    %swap3A_3211 = vector.load %arg4[%swap3A, %swap3A_3209, %swap3A_3210] : memref<1x32x512xi32, #tpu.memory_space<vmem>>, vector<1x32x512xi32>
    %swap3A_3212 = vector.shape_cast %swap3A_3211 : vector<1x32x512xi32> to vector<32x512xi32>
    %swap3A_3213 = vector.shape_cast %cond3A_3208 : vector<32x512xi32> to vector<1x32x512xi32>
    tpu.vector_store %arg4[%swap3A, %swap3A_3209, %swap3A_3210], %swap3A_3213 {strides = array<i32>} : memref<1x32x512xi32, #tpu.memory_space<vmem>>, vector<1x32x512xi32>,
    return
  }
  func.func @transform_0(%arg0: i32, %arg1: i32) -> (i32, i32, i32) {
    %c0_i32 = arith.constant 0 : i32
    %c0_i32_0 = arith.constant 0 : i32
    return %arg0, %arg1, %c0_i32 : i32, i32, i32
  }
  func.func @transform_1(%arg0: i32, %arg1: i32) -> (i32, i32, i32) {
    %c0_i32 = arith.constant 0 : i32
    %c0_i32_0 = arith.constant 0 : i32
    %c0_i32_1 = arith.constant 0 : i32
    return %arg0, %c0_i32, %c0_i32_0 : i32, i32, i32
  }
  func.func @transform_2(%arg0: i32, %arg1: i32) -> (i32, i32, i32) {
    %c0_i32 = arith.constant 0 : i32
    %c0_i32_0 = arith.constant 0 : i32
    return %arg0, %c0_i32, %arg1 : i32, i32, i32
  }
}

module attributes {stable_mosaic.version = 14 : i64} {
  func.func @_c1_body(%arg0: i32, %arg1: i32, %arg2: memref<1x512x4xf32, #tpu.memory_space<vmem>>, %arg3: memref<1x16384x4xf32, #tpu.memory_space<vmem>>, %arg4: memref<1x4xf32, #tpu.memory_space<vmem>>, %arg5: memref<1x4xf32, #tpu.memory_space<vmem>>, %arg6: memref<4x4xf32, #tpu.memory_space<vmem>>, %arg7: memref<4x4xf32, #tpu.memory_space<vmem>>, %arg8: memref<4x4xf32, #tpu.memory_space<vmem>>) attributes {dimension_semantics = [#tpu.dimension_semantics<arbitrary>, #tpu.dimension_semantics<arbitrary>], iteration_bounds = array<i64: 8, 4>, scalar_prefetch = 0 : i64, scratch_operands = 0 : i64, tpu.core_type = #tpu.core_type<tc>, window_params = [{transform_indices = @transform_0, window_bounds = array<i64: 1, 512, 4>}, {transform_indices = @transform_1, window_bounds = array<i64: 1, 16384, 4>}, {pipeline_mode = #tpu.pipeline_mode<synchronous>, transform_indices = @transform_2, window_bounds = array<i64: 1, 4>}, {pipeline_mode = #tpu.pipeline_mode<synchronous>, transform_indices = @transform_3, window_bounds = array<i64: 1, 4>}, {pipeline_mode = #tpu.pipeline_mode<synchronous>, transform_indices = @transform_4, window_bounds = array<i64: 4, 4>}, {pipeline_mode = #tpu.pipeline_mode<synchronous>, transform_indices = @transform_5, window_bounds = array<i64: 4, 4>}, {pipeline_mode = #tpu.pipeline_mode<synchronous>, transform_indices = @transform_6, window_bounds = array<i64: 4, 4>}]} {
    %eq3A = arith.constant 0 : i32
    %eq3A_0 = arith.cmpi eq, %arg0, %eq3A : i32
    %eq3A_1 = arith.constant 0 : i32
    %eq3A_2 = arith.cmpi eq, %arg1, %eq3A_1 : i32
    %and3A = arith.andi %eq3A_0, %eq3A_2 : i1
    %convert_element_type3A = arith.extui %and3A : i1 to i32
    %cond3A = arith.constant 0 : i32
    %cond3A_3 = arith.cmpi ne, %convert_element_type3A, %cond3A : i32
    scf.if %cond3A_3 {
      %broadcast_in_dim3A_57 = arith.constant 0.000000e+00 : f32
      %broadcast_in_dim3A_58 = vector.broadcast %broadcast_in_dim3A_57 : f32 to vector<1x4xf32>
      %swap3A_59 = arith.constant 0 : index
      %swap3A_60 = arith.constant 0 : index
      %swap3A_61 = vector.load %arg4[%swap3A_59, %swap3A_60] : memref<1x4xf32, #tpu.memory_space<vmem>>, vector<1x4xf32>
      tpu.vector_store %arg4[%swap3A_59, %swap3A_60], %broadcast_in_dim3A_58 {strides = array<i32>} : memref<1x4xf32, #tpu.memory_space<vmem>>, vector<1x4xf32>,
      %broadcast_in_dim3A_62 = arith.constant 0.000000e+00 : f32
      %broadcast_in_dim3A_63 = vector.broadcast %broadcast_in_dim3A_62 : f32 to vector<1x4xf32>
      %swap3A_64 = arith.constant 0 : index
      %swap3A_65 = arith.constant 0 : index
      %swap3A_66 = vector.load %arg5[%swap3A_64, %swap3A_65] : memref<1x4xf32, #tpu.memory_space<vmem>>, vector<1x4xf32>
      tpu.vector_store %arg5[%swap3A_64, %swap3A_65], %broadcast_in_dim3A_63 {strides = array<i32>} : memref<1x4xf32, #tpu.memory_space<vmem>>, vector<1x4xf32>,
      %broadcast_in_dim3A_67 = arith.constant 0.000000e+00 : f32
      %broadcast_in_dim3A_68 = vector.broadcast %broadcast_in_dim3A_67 : f32 to vector<4x4xf32>
      %swap3A_69 = arith.constant 0 : index
      %swap3A_70 = arith.constant 0 : index
      %swap3A_71 = vector.load %arg6[%swap3A_69, %swap3A_70] : memref<4x4xf32, #tpu.memory_space<vmem>>, vector<4x4xf32>
      tpu.vector_store %arg6[%swap3A_69, %swap3A_70], %broadcast_in_dim3A_68 {strides = array<i32>} : memref<4x4xf32, #tpu.memory_space<vmem>>, vector<4x4xf32>,
      %broadcast_in_dim3A_72 = arith.constant 0.000000e+00 : f32
      %broadcast_in_dim3A_73 = vector.broadcast %broadcast_in_dim3A_72 : f32 to vector<4x4xf32>
      %swap3A_74 = arith.constant 0 : index
      %swap3A_75 = arith.constant 0 : index
      %swap3A_76 = vector.load %arg7[%swap3A_74, %swap3A_75] : memref<4x4xf32, #tpu.memory_space<vmem>>, vector<4x4xf32>
      tpu.vector_store %arg7[%swap3A_74, %swap3A_75], %broadcast_in_dim3A_73 {strides = array<i32>} : memref<4x4xf32, #tpu.memory_space<vmem>>, vector<4x4xf32>,
      %broadcast_in_dim3A_77 = arith.constant 0.000000e+00 : f32
      %broadcast_in_dim3A_78 = vector.broadcast %broadcast_in_dim3A_77 : f32 to vector<4x4xf32>
      %swap3A_79 = arith.constant 0 : index
      %swap3A_80 = arith.constant 0 : index
      %swap3A_81 = vector.load %arg8[%swap3A_79, %swap3A_80] : memref<4x4xf32, #tpu.memory_space<vmem>>, vector<4x4xf32>
      tpu.vector_store %arg8[%swap3A_79, %swap3A_80], %broadcast_in_dim3A_78 {strides = array<i32>} : memref<4x4xf32, #tpu.memory_space<vmem>>, vector<4x4xf32>,
    } else {
    }
    %get3A = arith.constant 0 : index
    %get3A_4 = arith.constant 0 : index
    %get3A_5 = arith.constant 0 : index
    %get3A_6 = vector.load %arg2[%get3A, %get3A_4, %get3A_5] : memref<1x512x4xf32, #tpu.memory_space<vmem>>, vector<1x512x4xf32>
    %get3A_7 = vector.shape_cast %get3A_6 : vector<1x512x4xf32> to vector<512x4xf32>
    %get3A_8 = arith.constant 0 : index
    %get3A_9 = arith.constant 0 : index
    %get3A_10 = arith.constant 0 : index
    %get3A_11 = vector.load %arg3[%get3A_8, %get3A_9, %get3A_10] : memref<1x16384x4xf32, #tpu.memory_space<vmem>>, vector<1x16384x4xf32>
    %get3A_12 = vector.shape_cast %get3A_11 : vector<1x16384x4xf32> to vector<16384x4xf32>
    %reshape3A = vector.shape_cast %get3A_12 : vector<16384x4xf32> to vector<512x32x4xf32>
    %reduce_sum3A = arith.constant dense<0.000000e+00> : vector<512x4xf32>
    %reduce_sum3A_13 = vector.multi_reduction <add>, %reshape3A, %reduce_sum3A [1] : vector<512x32x4xf32> to vector<512x4xf32>
    %get3A_14 = arith.constant 0 : index
    %get3A_15 = arith.constant 0 : index
    %get3A_16 = vector.load %arg4[%get3A_14, %get3A_15] : memref<1x4xf32, #tpu.memory_space<vmem>>, vector<1x4xf32>
    %reduce_sum3A_17 = arith.constant dense<0.000000e+00> : vector<4xf32>
    %reduce_sum3A_18 = vector.multi_reduction <add>, %get3A_7, %reduce_sum3A_17 [0] : vector<512x4xf32> to vector<4xf32>
    %broadcast_in_dim3A = vector.shape_cast %reduce_sum3A_18 : vector<4xf32> to vector<1x4xf32>
    %add3A = arith.addf %get3A_16, %broadcast_in_dim3A : vector<1x4xf32>
    %swap3A = arith.constant 0 : index
    %swap3A_19 = arith.constant 0 : index
    %swap3A_20 = vector.load %arg4[%swap3A, %swap3A_19] : memref<1x4xf32, #tpu.memory_space<vmem>>, vector<1x4xf32>
    tpu.vector_store %arg4[%swap3A, %swap3A_19], %add3A {strides = array<i32>} : memref<1x4xf32, #tpu.memory_space<vmem>>, vector<1x4xf32>,
    %get3A_21 = arith.constant 0 : index
    %get3A_22 = arith.constant 0 : index
    %get3A_23 = vector.load %arg5[%get3A_21, %get3A_22] : memref<1x4xf32, #tpu.memory_space<vmem>>, vector<1x4xf32>
    %reduce_sum3A_24 = arith.constant dense<0.000000e+00> : vector<4xf32>
    %reduce_sum3A_25 = vector.multi_reduction <add>, %reduce_sum3A_13, %reduce_sum3A_24 [0] : vector<512x4xf32> to vector<4xf32>
    %broadcast_in_dim3A_26 = vector.shape_cast %reduce_sum3A_25 : vector<4xf32> to vector<1x4xf32>
    %add3A_27 = arith.addf %get3A_23, %broadcast_in_dim3A_26 : vector<1x4xf32>
    %swap3A_28 = arith.constant 0 : index
    %swap3A_29 = arith.constant 0 : index
    %swap3A_30 = vector.load %arg5[%swap3A_28, %swap3A_29] : memref<1x4xf32, #tpu.memory_space<vmem>>, vector<1x4xf32>
    tpu.vector_store %arg5[%swap3A_28, %swap3A_29], %add3A_27 {strides = array<i32>} : memref<1x4xf32, #tpu.memory_space<vmem>>, vector<1x4xf32>,
    %get3A_31 = arith.constant 0 : index
    %get3A_32 = arith.constant 0 : index
    %get3A_33 = vector.load %arg6[%get3A_31, %get3A_32] : memref<4x4xf32, #tpu.memory_space<vmem>>, vector<4x4xf32>
    %dot_general3A = arith.constant dense<0.000000e+00> : vector<4x4xf32>
    %dot_general3A_34 = tpu.matmul %get3A_7, %get3A_7, %dot_general3A {dimension_numbers = #tpu.dot_dimension_numbers<[0], [0], [1], [1], [0, 1, 1, 1], [], []>, transpose_lhs_hint = false} : vector<512x4xf32>, vector<512x4xf32>, vector<4x4xf32> -> vector<4x4xf32>
    %add3A_35 = arith.addf %get3A_33, %dot_general3A_34 : vector<4x4xf32>
    %swap3A_36 = arith.constant 0 : index
    %swap3A_37 = arith.constant 0 : index
    %swap3A_38 = vector.load %arg6[%swap3A_36, %swap3A_37] : memref<4x4xf32, #tpu.memory_space<vmem>>, vector<4x4xf32>
    tpu.vector_store %arg6[%swap3A_36, %swap3A_37], %add3A_35 {strides = array<i32>} : memref<4x4xf32, #tpu.memory_space<vmem>>, vector<4x4xf32>,
    %get3A_39 = arith.constant 0 : index
    %get3A_40 = arith.constant 0 : index
    %get3A_41 = vector.load %arg7[%get3A_39, %get3A_40] : memref<4x4xf32, #tpu.memory_space<vmem>>, vector<4x4xf32>
    %dot_general3A_42 = arith.constant dense<0.000000e+00> : vector<4x4xf32>
    %dot_general3A_43 = tpu.matmul %get3A_12, %get3A_12, %dot_general3A_42 {dimension_numbers = #tpu.dot_dimension_numbers<[0], [0], [1], [1], [0, 1, 1, 1], [], []>, transpose_lhs_hint = false} : vector<16384x4xf32>, vector<16384x4xf32>, vector<4x4xf32> -> vector<4x4xf32>
    %add3A_44 = arith.addf %get3A_41, %dot_general3A_43 : vector<4x4xf32>
    %swap3A_45 = arith.constant 0 : index
    %swap3A_46 = arith.constant 0 : index
    %swap3A_47 = vector.load %arg7[%swap3A_45, %swap3A_46] : memref<4x4xf32, #tpu.memory_space<vmem>>, vector<4x4xf32>
    tpu.vector_store %arg7[%swap3A_45, %swap3A_46], %add3A_44 {strides = array<i32>} : memref<4x4xf32, #tpu.memory_space<vmem>>, vector<4x4xf32>,
    %get3A_48 = arith.constant 0 : index
    %get3A_49 = arith.constant 0 : index
    %get3A_50 = vector.load %arg8[%get3A_48, %get3A_49] : memref<4x4xf32, #tpu.memory_space<vmem>>, vector<4x4xf32>
    %dot_general3A_51 = arith.constant dense<0.000000e+00> : vector<4x4xf32>
    %dot_general3A_52 = tpu.matmul %get3A_7, %reduce_sum3A_13, %dot_general3A_51 {dimension_numbers = #tpu.dot_dimension_numbers<[0], [0], [1], [1], [0, 1, 1, 1], [], []>, transpose_lhs_hint = false} : vector<512x4xf32>, vector<512x4xf32>, vector<4x4xf32> -> vector<4x4xf32>
    %add3A_53 = arith.addf %get3A_50, %dot_general3A_52 : vector<4x4xf32>
    %swap3A_54 = arith.constant 0 : index
    %swap3A_55 = arith.constant 0 : index
    %swap3A_56 = vector.load %arg8[%swap3A_54, %swap3A_55] : memref<4x4xf32, #tpu.memory_space<vmem>>, vector<4x4xf32>
    tpu.vector_store %arg8[%swap3A_54, %swap3A_55], %add3A_53 {strides = array<i32>} : memref<4x4xf32, #tpu.memory_space<vmem>>, vector<4x4xf32>,
    return
  }
  func.func @transform_0(%arg0: i32, %arg1: i32) -> (i32, i32, i32) {
    %c0_i32 = arith.constant 0 : i32
    %c0_i32_0 = arith.constant 0 : i32
    return %arg0, %arg1, %c0_i32 : i32, i32, i32
  }
  func.func @transform_1(%arg0: i32, %arg1: i32) -> (i32, i32, i32) {
    %c0_i32 = arith.constant 0 : i32
    %c0_i32_0 = arith.constant 0 : i32
    return %arg0, %arg1, %c0_i32 : i32, i32, i32
  }
  func.func @transform_2(%arg0: i32, %arg1: i32) -> (i32, i32) {
    %c0_i32 = arith.constant 0 : i32
    %c0_i32_0 = arith.constant 0 : i32
    %c0_i32_1 = arith.constant 0 : i32
    return %c0_i32, %c0_i32_0 : i32, i32
  }
  func.func @transform_3(%arg0: i32, %arg1: i32) -> (i32, i32) {
    %c0_i32 = arith.constant 0 : i32
    %c0_i32_0 = arith.constant 0 : i32
    %c0_i32_1 = arith.constant 0 : i32
    return %c0_i32, %c0_i32_0 : i32, i32
  }
  func.func @transform_4(%arg0: i32, %arg1: i32) -> (i32, i32) {
    %c0_i32 = arith.constant 0 : i32
    %c0_i32_0 = arith.constant 0 : i32
    %c0_i32_1 = arith.constant 0 : i32
    return %c0_i32, %c0_i32_0 : i32, i32
  }
  func.func @transform_5(%arg0: i32, %arg1: i32) -> (i32, i32) {
    %c0_i32 = arith.constant 0 : i32
    %c0_i32_0 = arith.constant 0 : i32
    %c0_i32_1 = arith.constant 0 : i32
    return %c0_i32, %c0_i32_0 : i32, i32
  }
  func.func @transform_6(%arg0: i32, %arg1: i32) -> (i32, i32) {
    %c0_i32 = arith.constant 0 : i32
    %c0_i32_0 = arith.constant 0 : i32
    %c0_i32_1 = arith.constant 0 : i32
    return %c0_i32, %c0_i32_0 : i32, i32
  }
}

module attributes {stable_mosaic.version = 14 : i64} {
  func.func @_c2_body(%arg0: i32, %arg1: i32, %arg2: memref<1x512x4xf32, #tpu.memory_space<vmem>>, %arg3: memref<1x16384x4xf32, #tpu.memory_space<vmem>>, %arg4: memref<4x64xf32, #tpu.memory_space<vmem>>, %arg5: memref<4x64xf32, #tpu.memory_space<vmem>>, %arg6: memref<1x64xf32, #tpu.memory_space<vmem>>, %arg7: memref<1x64xf32, #tpu.memory_space<vmem>>, %arg8: memref<64x64xf32, #tpu.memory_space<vmem>>) attributes {dimension_semantics = [#tpu.dimension_semantics<arbitrary>, #tpu.dimension_semantics<arbitrary>], iteration_bounds = array<i64: 8, 4>, scalar_prefetch = 0 : i64, scratch_operands = 0 : i64, tpu.core_type = #tpu.core_type<tc>, window_params = [{transform_indices = @transform_0, window_bounds = array<i64: 1, 512, 4>}, {transform_indices = @transform_1, window_bounds = array<i64: 1, 16384, 4>}, {pipeline_mode = #tpu.pipeline_mode<synchronous>, transform_indices = @transform_2, window_bounds = array<i64: 4, 64>}, {pipeline_mode = #tpu.pipeline_mode<synchronous>, transform_indices = @transform_3, window_bounds = array<i64: 4, 64>}, {pipeline_mode = #tpu.pipeline_mode<synchronous>, transform_indices = @transform_4, window_bounds = array<i64: 1, 64>}, {pipeline_mode = #tpu.pipeline_mode<synchronous>, transform_indices = @transform_5, window_bounds = array<i64: 1, 64>}, {pipeline_mode = #tpu.pipeline_mode<synchronous>, transform_indices = @transform_6, window_bounds = array<i64: 64, 64>}]} {
    %eq3A = arith.constant 0 : i32
    %eq3A_0 = arith.cmpi eq, %arg0, %eq3A : i32
    %eq3A_1 = arith.constant 0 : i32
    %eq3A_2 = arith.cmpi eq, %arg1, %eq3A_1 : i32
    %and3A = arith.andi %eq3A_0, %eq3A_2 : i1
    %convert_element_type3A = arith.extui %and3A : i1 to i32
    %cond3A = arith.constant 0 : i32
    %cond3A_3 = arith.cmpi ne, %convert_element_type3A, %cond3A : i32
    scf.if %cond3A_3 {
      %broadcast_in_dim3A_59 = arith.constant 0.000000e+00 : f32
      %broadcast_in_dim3A_60 = vector.broadcast %broadcast_in_dim3A_59 : f32 to vector<1x64xf32>
      %swap3A_61 = arith.constant 0 : index
      %swap3A_62 = arith.constant 0 : index
      %swap3A_63 = vector.load %arg7[%swap3A_61, %swap3A_62] : memref<1x64xf32, #tpu.memory_space<vmem>>, vector<1x64xf32>
      tpu.vector_store %arg7[%swap3A_61, %swap3A_62], %broadcast_in_dim3A_60 {strides = array<i32>} : memref<1x64xf32, #tpu.memory_space<vmem>>, vector<1x64xf32>,
      %broadcast_in_dim3A_64 = arith.constant 0.000000e+00 : f32
      %broadcast_in_dim3A_65 = vector.broadcast %broadcast_in_dim3A_64 : f32 to vector<64x64xf32>
      %swap3A_66 = arith.constant 0 : index
      %swap3A_67 = arith.constant 0 : index
      %swap3A_68 = vector.load %arg8[%swap3A_66, %swap3A_67] : memref<64x64xf32, #tpu.memory_space<vmem>>, vector<64x64xf32>
      tpu.vector_store %arg8[%swap3A_66, %swap3A_67], %broadcast_in_dim3A_65 {strides = array<i32>} : memref<64x64xf32, #tpu.memory_space<vmem>>, vector<64x64xf32>,
    } else {
    }
    %get3A = arith.constant 0 : index
    %get3A_4 = arith.constant 0 : index
    %get3A_5 = arith.constant 0 : index
    %get3A_6 = vector.load %arg2[%get3A, %get3A_4, %get3A_5] : memref<1x512x4xf32, #tpu.memory_space<vmem>>, vector<1x512x4xf32>
    %get3A_7 = vector.shape_cast %get3A_6 : vector<1x512x4xf32> to vector<512x4xf32>
    %get3A_8 = arith.constant 0 : index
    %get3A_9 = arith.constant 0 : index
    %get3A_10 = arith.constant 0 : index
    %get3A_11 = vector.load %arg2[%get3A_8, %get3A_9, %get3A_10] : memref<1x512x4xf32, #tpu.memory_space<vmem>>, vector<1x512x4xf32>
    %get3A_12 = vector.shape_cast %get3A_11 : vector<1x512x4xf32> to vector<512x4xf32>
    %broadcast_in_dim3A = vector.shape_cast %get3A_12 : vector<512x4xf32> to vector<512x1x4xf32>
    %broadcast_in_dim3A_13 = vector.shape_cast %broadcast_in_dim3A : vector<512x1x4xf32> to vector<512x1x4xf32>
    %broadcast_in_dim3A_14 = vector.broadcast %broadcast_in_dim3A_13 : vector<512x1x4xf32> to vector<512x32x4xf32>
    %reshape3A = vector.shape_cast %broadcast_in_dim3A_14 : vector<512x32x4xf32> to vector<16384x4xf32>
    %get3A_15 = arith.constant 0 : index
    %get3A_16 = arith.constant 0 : index
    %get3A_17 = arith.constant 0 : index
    %get3A_18 = vector.load %arg3[%get3A_15, %get3A_16, %get3A_17] : memref<1x16384x4xf32, #tpu.memory_space<vmem>>, vector<1x16384x4xf32>
    %get3A_19 = vector.shape_cast %get3A_18 : vector<1x16384x4xf32> to vector<16384x4xf32>
    %sub3A = arith.subf %get3A_19, %reshape3A : vector<16384x4xf32>
    %get3A_20 = arith.constant 0 : index
    %get3A_21 = arith.constant 0 : index
    %get3A_22 = vector.load %arg4[%get3A_20, %get3A_21] : memref<4x64xf32, #tpu.memory_space<vmem>>, vector<4x64xf32>
    %dot_general3A = arith.constant dense<0.000000e+00> : vector<512x64xf32>
    %dot_general3A_23 = tpu.matmul %get3A_7, %get3A_22, %dot_general3A {dimension_numbers = #tpu.dot_dimension_numbers<[1], [0], [0], [1], [0, 0, 1, 1], [], []>, transpose_lhs_hint = false} : vector<512x4xf32>, vector<4x64xf32>, vector<512x64xf32> -> vector<512x64xf32>
    %get3A_24 = arith.constant 0 : index
    %get3A_25 = arith.constant 0 : index
    %get3A_26 = vector.load %arg6[%get3A_24, %get3A_25] : memref<1x64xf32, #tpu.memory_space<vmem>>, vector<1x64xf32>
    %add3A = vector.broadcast %get3A_26 : vector<1x64xf32> to vector<512x64xf32>
    %add3A_27 = arith.addf %dot_general3A_23, %add3A : vector<512x64xf32>
    %get3A_28 = arith.constant 0 : index
    %get3A_29 = arith.constant 0 : index
    %get3A_30 = vector.load %arg5[%get3A_28, %get3A_29] : memref<4x64xf32, #tpu.memory_space<vmem>>, vector<4x64xf32>
    %dot_general3A_31 = arith.constant dense<0.000000e+00> : vector<16384x64xf32>
    %dot_general3A_32 = tpu.matmul %sub3A, %get3A_30, %dot_general3A_31 {dimension_numbers = #tpu.dot_dimension_numbers<[1], [0], [0], [1], [0, 0, 1, 1], [], []>, transpose_lhs_hint = false} : vector<16384x4xf32>, vector<4x64xf32>, vector<16384x64xf32> -> vector<16384x64xf32>
    %reshape3A_33 = vector.shape_cast %dot_general3A_32 : vector<16384x64xf32> to vector<512x32x64xf32>
    %broadcast_in_dim3A_34 = vector.shape_cast %add3A_27 : vector<512x64xf32> to vector<512x1x64xf32>
    %add3A_35 = vector.broadcast %broadcast_in_dim3A_34 : vector<512x1x64xf32> to vector<512x32x64xf32>
    %add3A_36 = arith.addf %reshape3A_33, %add3A_35 : vector<512x32x64xf32>
    %gt3A = arith.constant 0.000000e+00 : f32
    %gt3A_37 = vector.broadcast %gt3A : f32 to vector<512x32x64xf32>
    %gt3A_38 = arith.cmpf ogt, %add3A_36, %gt3A_37 : vector<512x32x64xf32>
    %mul3A = arith.constant 2.000000e-01 : f32
    %mul3A_39 = vector.broadcast %mul3A : f32 to vector<512x32x64xf32>
    %mul3A_40 = arith.mulf %mul3A_39, %add3A_36 : vector<512x32x64xf32>
    %select_n3A = arith.select %gt3A_38, %add3A_36, %mul3A_40 : vector<512x32x64xi1>, vector<512x32x64xf32>
    %reshape3A_41 = vector.shape_cast %select_n3A : vector<512x32x64xf32> to vector<16384x64xf32>
    %get3A_42 = arith.constant 0 : index
    %get3A_43 = arith.constant 0 : index
    %get3A_44 = vector.load %arg7[%get3A_42, %get3A_43] : memref<1x64xf32, #tpu.memory_space<vmem>>, vector<1x64xf32>
    %reduce_sum3A = arith.constant dense<0.000000e+00> : vector<64xf32>
    %reduce_sum3A_45 = vector.multi_reduction <add>, %reshape3A_41, %reduce_sum3A [0] : vector<16384x64xf32> to vector<64xf32>
    %broadcast_in_dim3A_46 = vector.shape_cast %reduce_sum3A_45 : vector<64xf32> to vector<1x64xf32>
    %add3A_47 = arith.addf %get3A_44, %broadcast_in_dim3A_46 : vector<1x64xf32>
    %swap3A = arith.constant 0 : index
    %swap3A_48 = arith.constant 0 : index
    %swap3A_49 = vector.load %arg7[%swap3A, %swap3A_48] : memref<1x64xf32, #tpu.memory_space<vmem>>, vector<1x64xf32>
    tpu.vector_store %arg7[%swap3A, %swap3A_48], %add3A_47 {strides = array<i32>} : memref<1x64xf32, #tpu.memory_space<vmem>>, vector<1x64xf32>,
    %get3A_50 = arith.constant 0 : index
    %get3A_51 = arith.constant 0 : index
    %get3A_52 = vector.load %arg8[%get3A_50, %get3A_51] : memref<64x64xf32, #tpu.memory_space<vmem>>, vector<64x64xf32>
    %dot_general3A_53 = arith.constant dense<0.000000e+00> : vector<64x64xf32>
    %dot_general3A_54 = tpu.matmul %reshape3A_41, %reshape3A_41, %dot_general3A_53 {dimension_numbers = #tpu.dot_dimension_numbers<[0], [0], [1], [1], [0, 1, 1, 1], [], []>, transpose_lhs_hint = false} : vector<16384x64xf32>, vector<16384x64xf32>, vector<64x64xf32> -> vector<64x64xf32>
    %add3A_55 = arith.addf %get3A_52, %dot_general3A_54 : vector<64x64xf32>
    %swap3A_56 = arith.constant 0 : index
    %swap3A_57 = arith.constant 0 : index
    %swap3A_58 = vector.load %arg8[%swap3A_56, %swap3A_57] : memref<64x64xf32, #tpu.memory_space<vmem>>, vector<64x64xf32>
    tpu.vector_store %arg8[%swap3A_56, %swap3A_57], %add3A_55 {strides = array<i32>} : memref<64x64xf32, #tpu.memory_space<vmem>>, vector<64x64xf32>,
    return
  }
  func.func @transform_0(%arg0: i32, %arg1: i32) -> (i32, i32, i32) {
    %c0_i32 = arith.constant 0 : i32
    %c0_i32_0 = arith.constant 0 : i32
    return %arg0, %arg1, %c0_i32 : i32, i32, i32
  }
  func.func @transform_1(%arg0: i32, %arg1: i32) -> (i32, i32, i32) {
    %c0_i32 = arith.constant 0 : i32
    %c0_i32_0 = arith.constant 0 : i32
    return %arg0, %arg1, %c0_i32 : i32, i32, i32
  }
  func.func @transform_2(%arg0: i32, %arg1: i32) -> (i32, i32) {
    %c0_i32 = arith.constant 0 : i32
    %c0_i32_0 = arith.constant 0 : i32
    %c0_i32_1 = arith.constant 0 : i32
    return %c0_i32, %c0_i32_0 : i32, i32
  }
  func.func @transform_3(%arg0: i32, %arg1: i32) -> (i32, i32) {
    %c0_i32 = arith.constant 0 : i32
    %c0_i32_0 = arith.constant 0 : i32
    %c0_i32_1 = arith.constant 0 : i32
    return %c0_i32, %c0_i32_0 : i32, i32
  }
  func.func @transform_4(%arg0: i32, %arg1: i32) -> (i32, i32) {
    %c0_i32 = arith.constant 0 : i32
    %c0_i32_0 = arith.constant 0 : i32
    %c0_i32_1 = arith.constant 0 : i32
    return %c0_i32, %c0_i32_0 : i32, i32
  }
  func.func @transform_5(%arg0: i32, %arg1: i32) -> (i32, i32) {
    %c0_i32 = arith.constant 0 : i32
    %c0_i32_0 = arith.constant 0 : i32
    %c0_i32_1 = arith.constant 0 : i32
    return %c0_i32, %c0_i32_0 : i32, i32
  }
  func.func @transform_6(%arg0: i32, %arg1: i32) -> (i32, i32) {
    %c0_i32 = arith.constant 0 : i32
    %c0_i32_0 = arith.constant 0 : i32
    %c0_i32_1 = arith.constant 0 : i32
    return %c0_i32, %c0_i32_0 : i32, i32
  }
}

module attributes {stable_mosaic.version = 14 : i64} {
  func.func @_c3_body(%arg0: i32, %arg1: i32, %arg2: memref<1x512x4xf32, #tpu.memory_space<vmem>>, %arg3: memref<1x16384x4xf32, #tpu.memory_space<vmem>>, %arg4: memref<4x64xf32, #tpu.memory_space<vmem>>, %arg5: memref<4x64xf32, #tpu.memory_space<vmem>>, %arg6: memref<1x64xf32, #tpu.memory_space<vmem>>, %arg7: memref<64x64xf32, #tpu.memory_space<vmem>>, %arg8: memref<1x64xf32, #tpu.memory_space<vmem>>, %arg9: memref<1x512x64xf32, #tpu.memory_space<vmem>>) attributes {dimension_semantics = [#tpu.dimension_semantics<arbitrary>, #tpu.dimension_semantics<arbitrary>], iteration_bounds = array<i64: 8, 4>, scalar_prefetch = 0 : i64, scratch_operands = 0 : i64, tpu.core_type = #tpu.core_type<tc>, window_params = [{transform_indices = @transform_0, window_bounds = array<i64: 1, 512, 4>}, {transform_indices = @transform_1, window_bounds = array<i64: 1, 16384, 4>}, {pipeline_mode = #tpu.pipeline_mode<synchronous>, transform_indices = @transform_2, window_bounds = array<i64: 4, 64>}, {pipeline_mode = #tpu.pipeline_mode<synchronous>, transform_indices = @transform_3, window_bounds = array<i64: 4, 64>}, {pipeline_mode = #tpu.pipeline_mode<synchronous>, transform_indices = @transform_4, window_bounds = array<i64: 1, 64>}, {pipeline_mode = #tpu.pipeline_mode<synchronous>, transform_indices = @transform_5, window_bounds = array<i64: 64, 64>}, {pipeline_mode = #tpu.pipeline_mode<synchronous>, transform_indices = @transform_6, window_bounds = array<i64: 1, 64>}, {transform_indices = @transform_7, window_bounds = array<i64: 1, 512, 64>}]} {
    %get3A = arith.constant 0 : index
    %get3A_0 = arith.constant 0 : index
    %get3A_1 = arith.constant 0 : index
    %get3A_2 = vector.load %arg2[%get3A, %get3A_0, %get3A_1] : memref<1x512x4xf32, #tpu.memory_space<vmem>>, vector<1x512x4xf32>
    %get3A_3 = vector.shape_cast %get3A_2 : vector<1x512x4xf32> to vector<512x4xf32>
    %get3A_4 = arith.constant 0 : index
    %get3A_5 = arith.constant 0 : index
    %get3A_6 = arith.constant 0 : index
    %get3A_7 = vector.load %arg2[%get3A_4, %get3A_5, %get3A_6] : memref<1x512x4xf32, #tpu.memory_space<vmem>>, vector<1x512x4xf32>
    %get3A_8 = vector.shape_cast %get3A_7 : vector<1x512x4xf32> to vector<512x4xf32>
    %broadcast_in_dim3A = vector.shape_cast %get3A_8 : vector<512x4xf32> to vector<512x1x4xf32>
    %broadcast_in_dim3A_9 = vector.shape_cast %broadcast_in_dim3A : vector<512x1x4xf32> to vector<512x1x4xf32>
    %broadcast_in_dim3A_10 = vector.broadcast %broadcast_in_dim3A_9 : vector<512x1x4xf32> to vector<512x32x4xf32>
    %reshape3A = vector.shape_cast %broadcast_in_dim3A_10 : vector<512x32x4xf32> to vector<16384x4xf32>
    %get3A_11 = arith.constant 0 : index
    %get3A_12 = arith.constant 0 : index
    %get3A_13 = arith.constant 0 : index
    %get3A_14 = vector.load %arg3[%get3A_11, %get3A_12, %get3A_13] : memref<1x16384x4xf32, #tpu.memory_space<vmem>>, vector<1x16384x4xf32>
    %get3A_15 = vector.shape_cast %get3A_14 : vector<1x16384x4xf32> to vector<16384x4xf32>
    %sub3A = arith.subf %get3A_15, %reshape3A : vector<16384x4xf32>
    %get3A_16 = arith.constant 0 : index
    %get3A_17 = arith.constant 0 : index
    %get3A_18 = vector.load %arg4[%get3A_16, %get3A_17] : memref<4x64xf32, #tpu.memory_space<vmem>>, vector<4x64xf32>
    %dot_general3A = arith.constant dense<0.000000e+00> : vector<512x64xf32>
    %dot_general3A_19 = tpu.matmul %get3A_3, %get3A_18, %dot_general3A {dimension_numbers = #tpu.dot_dimension_numbers<[1], [0], [0], [1], [0, 0, 1, 1], [], []>, transpose_lhs_hint = false} : vector<512x4xf32>, vector<4x64xf32>, vector<512x64xf32> -> vector<512x64xf32>
    %get3A_20 = arith.constant 0 : index
    %get3A_21 = arith.constant 0 : index
    %get3A_22 = vector.load %arg6[%get3A_20, %get3A_21] : memref<1x64xf32, #tpu.memory_space<vmem>>, vector<1x64xf32>
    %add3A = vector.broadcast %get3A_22 : vector<1x64xf32> to vector<512x64xf32>
    %add3A_23 = arith.addf %dot_general3A_19, %add3A : vector<512x64xf32>
    %get3A_24 = arith.constant 0 : index
    %get3A_25 = arith.constant 0 : index
    %get3A_26 = vector.load %arg5[%get3A_24, %get3A_25] : memref<4x64xf32, #tpu.memory_space<vmem>>, vector<4x64xf32>
    %dot_general3A_27 = arith.constant dense<0.000000e+00> : vector<16384x64xf32>
    %dot_general3A_28 = tpu.matmul %sub3A, %get3A_26, %dot_general3A_27 {dimension_numbers = #tpu.dot_dimension_numbers<[1], [0], [0], [1], [0, 0, 1, 1], [], []>, transpose_lhs_hint = false} : vector<16384x4xf32>, vector<4x64xf32>, vector<16384x64xf32> -> vector<16384x64xf32>
    %reshape3A_29 = vector.shape_cast %dot_general3A_28 : vector<16384x64xf32> to vector<512x32x64xf32>
    %broadcast_in_dim3A_30 = vector.shape_cast %add3A_23 : vector<512x64xf32> to vector<512x1x64xf32>
    %add3A_31 = vector.broadcast %broadcast_in_dim3A_30 : vector<512x1x64xf32> to vector<512x32x64xf32>
    %add3A_32 = arith.addf %reshape3A_29, %add3A_31 : vector<512x32x64xf32>
    %gt3A = arith.constant 0.000000e+00 : f32
    %gt3A_33 = vector.broadcast %gt3A : f32 to vector<512x32x64xf32>
    %gt3A_34 = arith.cmpf ogt, %add3A_32, %gt3A_33 : vector<512x32x64xf32>
    %mul3A = arith.constant 2.000000e-01 : f32
    %mul3A_35 = vector.broadcast %mul3A : f32 to vector<512x32x64xf32>
    %mul3A_36 = arith.mulf %mul3A_35, %add3A_32 : vector<512x32x64xf32>
    %select_n3A = arith.select %gt3A_34, %add3A_32, %mul3A_36 : vector<512x32x64xi1>, vector<512x32x64xf32>
    %reshape3A_37 = vector.shape_cast %select_n3A : vector<512x32x64xf32> to vector<16384x64xf32>
    %get3A_38 = arith.constant 0 : index
    %get3A_39 = arith.constant 0 : index
    %get3A_40 = vector.load %arg7[%get3A_38, %get3A_39] : memref<64x64xf32, #tpu.memory_space<vmem>>, vector<64x64xf32>
    %dot_general3A_41 = arith.constant dense<0.000000e+00> : vector<16384x64xf32>
    %dot_general3A_42 = tpu.matmul %reshape3A_37, %get3A_40, %dot_general3A_41 {dimension_numbers = #tpu.dot_dimension_numbers<[1], [0], [0], [1], [0, 0, 1, 1], [], []>, transpose_lhs_hint = false} : vector<16384x64xf32>, vector<64x64xf32>, vector<16384x64xf32> -> vector<16384x64xf32>
    %get3A_43 = arith.constant 0 : index
    %get3A_44 = arith.constant 0 : index
    %get3A_45 = vector.load %arg8[%get3A_43, %get3A_44] : memref<1x64xf32, #tpu.memory_space<vmem>>, vector<1x64xf32>
    %add3A_46 = vector.broadcast %get3A_45 : vector<1x64xf32> to vector<16384x64xf32>
    %add3A_47 = arith.addf %dot_general3A_42, %add3A_46 : vector<16384x64xf32>
    %gt3A_48 = arith.constant 0.000000e+00 : f32
    %gt3A_49 = vector.broadcast %gt3A_48 : f32 to vector<16384x64xf32>
    %gt3A_50 = arith.cmpf ogt, %add3A_47, %gt3A_49 : vector<16384x64xf32>
    %mul3A_51 = arith.constant 2.000000e-01 : f32
    %mul3A_52 = vector.broadcast %mul3A_51 : f32 to vector<16384x64xf32>
    %mul3A_53 = arith.mulf %mul3A_52, %add3A_47 : vector<16384x64xf32>
    %select_n3A_54 = arith.select %gt3A_50, %add3A_47, %mul3A_53 : vector<16384x64xi1>, vector<16384x64xf32>
    %reshape3A_55 = vector.shape_cast %select_n3A_54 : vector<16384x64xf32> to vector<512x32x64xf32>
    %reduce_max3A = arith.constant dense<0xFF800000> : vector<512x64xf32>
    %reduce_max3A_56 = vector.multi_reduction <maximumf>, %reshape3A_55, %reduce_max3A [1] : vector<512x32x64xf32> to vector<512x64xf32>
    %swap3A = arith.constant 0 : index
    %swap3A_57 = arith.constant 0 : index
    %swap3A_58 = arith.constant 0 : index
    %swap3A_59 = vector.load %arg9[%swap3A, %swap3A_57, %swap3A_58] : memref<1x512x64xf32, #tpu.memory_space<vmem>>, vector<1x512x64xf32>
    %swap3A_60 = vector.shape_cast %swap3A_59 : vector<1x512x64xf32> to vector<512x64xf32>
    %swap3A_61 = vector.shape_cast %reduce_max3A_56 : vector<512x64xf32> to vector<1x512x64xf32>
    tpu.vector_store %arg9[%swap3A, %swap3A_57, %swap3A_58], %swap3A_61 {strides = array<i32>} : memref<1x512x64xf32, #tpu.memory_space<vmem>>, vector<1x512x64xf32>,
    return
  }
  func.func @transform_0(%arg0: i32, %arg1: i32) -> (i32, i32, i32) {
    %c0_i32 = arith.constant 0 : i32
    %c0_i32_0 = arith.constant 0 : i32
    return %arg0, %arg1, %c0_i32 : i32, i32, i32
  }
  func.func @transform_1(%arg0: i32, %arg1: i32) -> (i32, i32, i32) {
    %c0_i32 = arith.constant 0 : i32
    %c0_i32_0 = arith.constant 0 : i32
    return %arg0, %arg1, %c0_i32 : i32, i32, i32
  }
  func.func @transform_2(%arg0: i32, %arg1: i32) -> (i32, i32) {
    %c0_i32 = arith.constant 0 : i32
    %c0_i32_0 = arith.constant 0 : i32
    %c0_i32_1 = arith.constant 0 : i32
    return %c0_i32, %c0_i32_0 : i32, i32
  }
  func.func @transform_3(%arg0: i32, %arg1: i32) -> (i32, i32) {
    %c0_i32 = arith.constant 0 : i32
    %c0_i32_0 = arith.constant 0 : i32
    %c0_i32_1 = arith.constant 0 : i32
    return %c0_i32, %c0_i32_0 : i32, i32
  }
  func.func @transform_4(%arg0: i32, %arg1: i32) -> (i32, i32) {
    %c0_i32 = arith.constant 0 : i32
    %c0_i32_0 = arith.constant 0 : i32
    %c0_i32_1 = arith.constant 0 : i32
    return %c0_i32, %c0_i32_0 : i32, i32
  }
  func.func @transform_5(%arg0: i32, %arg1: i32) -> (i32, i32) {
    %c0_i32 = arith.constant 0 : i32
    %c0_i32_0 = arith.constant 0 : i32
    %c0_i32_1 = arith.constant 0 : i32
    return %c0_i32, %c0_i32_0 : i32, i32
  }
  func.func @transform_6(%arg0: i32, %arg1: i32) -> (i32, i32) {
    %c0_i32 = arith.constant 0 : i32
    %c0_i32_0 = arith.constant 0 : i32
    %c0_i32_1 = arith.constant 0 : i32
    return %c0_i32, %c0_i32_0 : i32, i32
  }
  func.func @transform_7(%arg0: i32, %arg1: i32) -> (i32, i32, i32) {
    %c0_i32 = arith.constant 0 : i32
    %c0_i32_0 = arith.constant 0 : i32
    return %arg0, %arg1, %c0_i32 : i32, i32, i32
  }
}

</mosaic_0001>

<sc_bundles>
// kernel: kernel.7.cloned.1.call-start
scs
__scs_entry_jumppad:
0x0: {  	(pc) =	sbr.rel $0x88, $3  }
0x1: {  	(tag) =	ssettag $0x0;
	lr =	simm.s32 $0x1  }
0x2: {  	[smem:$0x3F9A] =	sst lr;
	_ =	strace $0xD0000000  }
0x3: {  	_ = 	snop  }
0x4: {  	_ = 	snop  }
0x5: {  	_ = 	snop  }
0x6: {  	_ = 	snop  }
0x7: {  	_ = 	snop  }
__scs_overlays_trampoline_lowered:
0x8: {  	[smem:$0x3FA9] =	sst s0  }
0x9: {  	[smem:$0x3FAA] =	sst s1  }
0xa: {  	[smem:$0x3FAB] =	sst s2  }
0xb: {  	[smem:$0x3FAC] =	sst s3  }
0xc: {  	[smem:$0x3FAD] =	sst s4  }
0xd: {  	[smem:$0x3FAE] =	sst s5  }
0xe: {  	[smem:$0x3FAF] =	sst s6  }
0xf: {  	[smem:$0x3FB0] =	sst s7  }
0x10: {  	[smem:$0x3FB1] =	sst s8  }
0x11: {  	[smem:$0x3FB2] =	sst s9;
	s0 =	simm.s32 @!p0 $0x0  }
0x12: {  	s1 =	sld [smem:$0x3F98];
	s0 =	simm.s32 @p0 $0x1  }
0x13: {  	[smem:$0x3FB3] =	sst s0;
	s0 =	simm.s32 @!p1 $0x0  }
0x14: {  	s2 =	sld [smem:$0x3F97];
	s0 =	simm.s32 @p1 $0x1  }
0x15: {  	[smem:$0x3FB4] =	sst s0;
	s0 =	simm.s32 @!p2 $0x0  }
0x16: {  	s3 =	sld [smem:$0x3FDB];
	s0 =	simm.s32 @p2 $0x1  }
0x17: {  	s4 =	simm.s32 $0x1BF5;
	[smem:$0x3FB6] =	sst s0  }
0x18: {  	s0 =	sld [smem:$0x3F99];
	_ =	swait.ge [sflag:s4], $0x0  }
0x19: {  	s7 =	sld [smem:$0x3F9A]  }
0x1a: {  	s8 =	sadd.s32 $0xFFFFE003, lr  }
0x1b: {  	s9 =	sadd.s32 $0xFFFFFEF7, lr;
	s5 =	simm.s32 $0xFFFFFFFF;
	p2 =	slt.u32 s8, $0xFFFFF086  }
0x1c: {  	p1 =	slt.u32 s9, $0xF7A;
	s5 =	simm.s32 @!p2 $0x0  }
0x1d: {  	s5 =	simm.s32 @p1 $0x1;
	p0 =	seq.s32 s7, s2  }
0x1e: {  	s7 =	smul.u32 @!p0 $0xF7A, s2;
	p2 =	seq.s32 @!p0 s5, $0x0  }
0x1f: {  	s9 =	smul.u32 $0xF7A, s1;
	s8 =	simm.s32 @!p0 $0x1BF5;
	p2 =	por !p2, p0  }
0x20: {  	[sflag:s8] =	ssyncset.s32 @!p0 $0xFFFFF086;
	s6 =	sadd.s32 @!p0 s3, s7;
	s7 =	simm.s32 @!p0 $0x108  }
0x21: {  	s3 =	sadd.s32 s3, s9;
	s6 =	sadd.s32 @!p0 $0x88, s6;
	s7 =	simm.s32 @p2 $0x1082  }
0x22: {  	[simem:s7], [sflag:s8] =	dma.local @!p0 [hbm:s6], $0xF7A  }
0x23: {  	s9 =	sor.u32 $0xD0000000, s2;
	s6 =	simm.s32 $0x108;
	_ =	swait.ge @!p0 [sflag:s8], $0x0  }
0x24: {  	s3 =	sadd.s32 $0x88, s3;
	s6 =	simm.s32 @!p1 $0x1082;
	[sflag:s4] =	ssyncset.s32 $0xFFFFF086  }
0x25: {  	[simem:s6], [sflag:s4] =	dma.local [hbm:s3], $0xF7A  }
0x26: {  	[smem:$0x3F9A] =	sst s1;
	(tag) =	ssettag s2;
	_ =	strace s9  }
0x27: {  	s1 =	sld [smem:$0x3FAA]  }
0x28: {  	s2 =	sld [smem:$0x3FAB]  }
0x29: {  	s4 =	sld [smem:$0x3FAD]  }
0x2a: {  	p0 =	seq.s32 s5, $0x0;
	s5 =	sld [smem:$0x3FAE]  }
0x2b: {  	s6 =	sld [smem:$0x3FAF]  }
0x2c: {  	s7 =	sld [smem:$0x3FB0]  }
0x2d: {  	s3 =	simm.s32 $0x108;
	s8 =	sld [smem:$0x3FB1]  }
0x2e: {  	s3 =	simm.s32 @!p0 $0x1082;
	s9 =	sld [smem:$0x3FB2]  }
0x2f: {  	lr =	sadd.s32 s0, s3;
	s0 =	sld [smem:$0x3FA9]  }
0x30: {  	s3 =	sld [smem:$0x3FAC]  }
0x31: {  	[smem:$0x3FB5] =	sst s10  }
0x32: {  	s10 =	sld [smem:$0x3FB3];
	_ =	sdelay $0x3  }
0x33: {  	p0 =	seq.s32 s10, $0x1;
	s10 =	sld [smem:$0x3FB5];
	_ =	sdelay $0x3  }
0x34: {  	[smem:$0x3FB5] =	sst s10  }
0x35: {  	s10 =	sld [smem:$0x3FB4];
	_ =	sdelay $0x3  }
0x36: {  	p1 =	seq.s32 s10, $0x1;
	s10 =	sld [smem:$0x3FB5];
	_ =	sdelay $0x3  }
0x37: {  	[smem:$0x3FB5] =	sst s10  }
0x38: {  	s10 =	sld [smem:$0x3FB6]  }
0x39: {  	_ = 	snop;
	(pc) =	sbr.ind lr, $3  }
0x3a: {  	_ = 	snop  }
0x3b: {  	_ = 	snop  }
0x3c: {  	p2 =	seq.s32 s10, $0x1;
	s10 =	sld [smem:$0x3FB5]  }
0x3d: {  	_ =	shalt  }
0x3e: {  	_ =	shalt  }
0x3f: {  	_ =	shalt  }
0x40: {  	_ =	shalt  }
0x41: {  	_ =	shalt  }
0x42: {  	_ =	shalt  }
0x43: {  	_ =	shalt  }
0x44: {  	_ =	shalt  }
0x45: {  	_ =	shalt  }
0x46: {  	_ =	shalt  }
0x47: {  	_ =	shalt  }
0x48: {  	_ =	shalt  }
0x49: {  	_ =	shalt  }
0x4a: {  	_ =	shalt  }
0x4b: {  	_ =	shalt  }
0x4c: {  	_ =	shalt  }
0x4d: {  	_ =	shalt  }
0x4e: {  	_ =	shalt  }
0x4f: {  	_ =	shalt  }
0x50: {  	_ =	shalt  }
0x51: {  	_ =	shalt  }
0x52: {  	_ =	shalt  }
0x53: {  	_ =	shalt  }
0x54: {  	_ =	shalt  }
0x55: {  	_ =	shalt  }
0x56: {  	_ =	shalt  }
0x57: {  	_ =	shalt  }
0x58: {  	_ =	shalt  }
0x59: {  	_ =	shalt  }
0x5a: {  	_ =	shalt  }
0x5b: {  	_ =	shalt  }
0x5c: {  	_ =	shalt  }
0x5d: {  	_ =	shalt  }
0x5e: {  	_ =	shalt  }
0x5f: {  	_ =	shalt  }
0x60: {  	_ =	shalt  }
0x61: {  	_ =	shalt  }
0x62: {  	_ =	shalt  }
0x63: {  	_ =	shalt  }
0x64: {  	_ =	shalt  }
0x65: {  	_ =	shalt  }
0x66: {  	_ =	shalt  }
0x67: {  	_ =	shalt  }
0x68: {  	_ =	shalt  }
0x69: {  	_ =	shalt  }
0x6a: {  	_ =	shalt  }
0x6b: {  	_ =	shalt  }
0x6c: {  	_ =	shalt  }
0x6d: {  	_ =	shalt  }
0x6e: {  	_ =	shalt  }
0x6f: {  	_ =	shalt  }
0x70: {  	_ =	shalt  }
0x71: {  	_ =	shalt  }
0x72: {  	_ =	shalt  }
0x73: {  	_ =	shalt  }
0x74: {  	_ =	shalt  }
0x75: {  	_ =	shalt  }
0x76: {  	_ =	shalt  }
0x77: {  	_ =	shalt  }
0x78: {  	_ =	shalt  }
0x79: {  	_ =	shalt  }
0x7a: {  	_ =	shalt  }
0x7b: {  	_ =	shalt  }
0x7c: {  	_ =	shalt  }
0x7d: {  	_ =	shalt  }
0x7e: {  	_ =	shalt  }
0x7f: {  	_ =	shalt  }
0x80: {  	_ =	shalt  }
0x81: {  	_ =	shalt  }
0x82: {  	_ =	shalt  }
0x83: {  	_ =	shalt  }
0x84: {  	_ =	shalt  }
0x85: {  	_ =	shalt  }
0x86: {  	_ =	shalt  }
0x87: {  	_ =	shalt  }
.Lfunc_end0:
.L_simem_size_0:
called_computation_lowered:
.L_overlay_start_0:
0x88: {  	s2 =	sld [smem:$0x3FD9]  }
0x89: {  	s3 =	sld [smem:$0x3FFE];
	_ =	sdelay $0x1  }
0x8a: {  	s1 =	srdreg.scid  }
0x8b: {  	s0 =	sand.u32 $0x1, s1  }
0x8c: {  	s17 =	sshll.u32 s0, $0xA;
	s2 =	sadd.s32 s3, s2  }
0x8d: {  	s2 =	sadd.s32 s2, s17  }
0x8e: {  	[smem:$0x3FC1] =	sst s2  }
0x8f: {  	_ = 	snop  }
0x90: {  	s2 =	sld [smem:$0x3FD0];
	(tm) =	ssettm $0x1  }
0x91: {  	s18 =	sld [smem:$0x3FFB];
	_ =	sdelay $0x3  }
0x92: {  	_ =	strace s18  }
0x93: {  	s3 =	sld [smem:$0x3FFC];
	_ =	sdelay $0x3  }
0x94: {  	_ =	strace s3  }
0x95: {  	s3 =	sld [smem:$0x3FFD];
	_ =	sdelay $0x3  }
0x96: {  	_ =	strace s3  }
0x97: {  	_ =	strace $0x8FFFFFFF  }
0x98: {  	s19 =	sld [smem:$0x3FDB];
	_ =	sdelay $0x1  }
0x99: {  	s4 =	simm.s32 $_scs_section_size  }
0x9a: {  	s5 =	simm.s32 $_size__tile_overlayer_lowered;
	s6 =	simm.s32 $_tile_overlayer_lowered  }
0x9b: {  	s22 =	simm.s32 $0x1BFF;
	s21 =	sshll.u32 s6, $0x1;
	s3 =	sadd.s32 s4, s19  }
0x9c: {  	s7 =	simm.s32 $0x0;
	s20 =	sshll.u32 s5, $0x1;
	s5 =	sadd.s32 s21, s3  }
0x9d: {  	[timem:s7], [sflag:s22] =	dma.local [hbm:s5], s20  }
0x9e: {  	_ =	swait.ge [sflag:s22], s20  }
0x9f: {  	s4 =	ssub.s32 $0x0, s20;
	[sflag:s22] =	ssyncset.done $0x0  }
0xa0: {  	[sflag:s22] =	ssyncadd.s32 s4;
	_ =	sdelay $0x1  }
0xa1: {  	s23 =	simm.s32 $0x1B8B  }
0xa2: {  	_ =	swait.ge [sflag:s23], $0x1  }
0xa3: {  	[sflag:s23] =	ssyncset.done $0x0  }
0xa4: {  	s25 =	simm.s32 $0x1B8E;
	s24 =	sld [smem:$0x3FFE];
	[sflag:s23] =	ssyncadd.s32 $0xFFFFFFFF  }
0xa5: {  	s26 =	simm.s32 $execute0_lowered;
	[smem:$0x3FD2] =	sst s25  }
0xa6: {  	s5 =	sshll.u32 s26, $0x1;
	_ =	strace $0x80000046;
	[dreg:$0x1] =	wrdreg $0xFFFFFFFF  }
0xa7: {  	s28 =	simm.s32 $_size_execute0_lowered;
	s3 =	sadd.s32 s3, s5;
	[dreg:$0x0] =	wrdreg $0x0  }
0xa8: {  	s5 =	sshll.u32 s28, $0x1;
	[dreg:$0x2] =	wrdreg s3  }
0xa9: {  	[dreg:$0x3] =	wrdreg s5  }
0xaa: {  	[dreg:$0x4] =	wrdreg $0xC0  }
0xab: {  	_ =	task [dreg:s7], $0x5FFFF  }
0xac: {  	[dreg:$0x1] =	wrdreg $0xFFFFFFFF  }
0xad: {  	[dreg:$0x0] =	wrdreg $0x60  }
0xae: {  	[dreg:$0x2] =	wrdreg s24  }
0xaf: {  	[dreg:$0x3] =	wrdreg s2  }
0xb0: {  	[dreg:$0x4] =	wrdreg $0x9  }
0xb1: {  	_ =	task.clear_ibuf [dreg:s7], $0x5FFFF;
	_ =	strace $0x90000046  }
0xb2: {  	s29 =	simm.s32 $0x9;
	_ =	strace $0x80000048  }
0xb3: {  	_ =	swait.ge [sflag:s29], $0x1  }
0xb4: {  	[sflag:s29] =	ssyncadd.s32 $0xFFFFFFFF  }
0xb5: {  	_ =	strace $0x90000048  }
0xb6: {  	_ =	sfence  }
0xb7: {  	s30 =	sld [smem:$0x0];
	_ =	sdelay $0x2  }
0xb8: {  	s31 =	sshll.u32 s1, $0xD;
	s1 =	sshrl.u32 s1, $0x2  }
0xb9: {  	s3 =	sand.u32 $0x4000, s31;
	s1 =	sadd.s32 s1, s30  }
0xba: {  	s0 =	sor.u32 s3, s0;
	s1 =	sshll.u32 s1, $0x11  }
0xbb: {  	s0 =	sor.u32 s1, s0  }
0xbc: {  	s0 =	sadd.s32 $0x8F2B, s0  }
0xbd: {  	[sflag:s0] =	ssyncadd.remote.s32 $0x1  }
0xbe: {  	_ =	sfence.sel $0xFFFF  }
0xbf: {  	[dreg:$0x0] =	wrdreg $0xFFFFFFFF;
	(pc) =	sbr.abs _section_cstart, $3  }
0xc0: {  	[dreg:$0x1] =	wrdreg $0xFFFFFFFF  }
0xc1: {  	_ =	task.clear_ibuf [dreg:s7], $0x2FFFF;
	_ =	strace $0x9FFFFFFF  }
0xc2: {  	(tm) =	ssettm $0x7FFFFFFF  }
0xc3: {  	_ =	shalt  }
tec
execute0_lowered:
.L_overlay_start_1:
0x0: {  	(tag) =	ssettag $0x1  }
0x1: {  	s3 =	rddreg [dreg:$0x0]  }
0x2: {  	s6 =	rddreg [dreg:$0x1]  }
0x3: {  	s0 =	rddreg [dreg:$0x2];
	s2 =	simm.s32 $0x0;
	s4 =	srdreg.scid  }
0x4: {  	s1 =	stileid.u32;
	s12 =	simm.s32 $0x5000;
	s13 =	simm.s32 $0x5800  }
0x5: {  	s14 =	simm.s32 $0x0;
	[smem:$0x7FF] =	sst s2;
	s4 =	sand.u32 $0x1, s4  }
0x6: {  	s5 =	sshll.u32 s1, $0x1;
	s7 =	sshrl.u32 s1, $0x1;
	s8 =	sadd.s32 $0x1C00, s3  }
0x7: {  	_ =	strace $0x80000047;
	s9 =	sor.u32 s4, s5;
	s29 =	smul.u32 $0x1800, s7  }
0x8: {  	s4 =	ssub.s32 $0x2, s4;
	s7 =	smul.u32 $0x300, s7;
	s10 =	sshll.u32 s9, $0xD  }
0x9: {  	s30 =	sshrl.u32 s4, $0x1;
	s31 =	sshll.u32 s9, $0xB;
	s9 =	simm.s32 $0x4000  }
0xa: {  	v0 =	vlaneseq.u32;
	s10 =	sadd.s32 s10, s3;
	s5 =	sshrl.u32 s29, $0x3;
	s11 =	ssub.s32 s4, s30  }
0xb: {  	v0 =	vmul.u32 $0x4, v0;
	s3 =	sadd.s32 s8, s7;
	s6 =	sadd.s32 s6, s31;
	s5 =	sadd.s32 s8, s5  }
0xc: {  	v4 =	vimm.f32 $0.0e+00;
	s7 =	sadd.s32 $0x3400, s10;
	s8 =	smax.u32 s11, $0x1;
	s10 =	simm.s32 $0x1  }
0xd: {  	v1 =	vor.u32 $0x1, v0;
	v2 =	vor.u32 $0x2, v0;
	v3 =	vor.u32 $0x3, v0;
	s11 =	simm.s32 $0x4800;
	s4 =	sadd.s32 $0x100, s5;
	s5 =	sadd.s32 $0x200, s5  }
.LBB2_1:
0xe: {  	[tilespmem:s9], [sflag:$0x1] =	stream.linear.gather [hbm4b:s3+s2], $0x800, $0x38;
	[tilespmem:$0x15800] =	vst v63  }
0xf: {  	_ =	swait.ge [sflag:s10], $0x800  }
0x10: {  	[sflag:s10] =	ssyncset.done $0x0  }
0x11: {  	[sflag:s10] =	ssyncadd.s32 $0xFFFFF800  }
0x12: {  	[tilespmem:s11], [sflag:$0x1] =	stream.linear.gather [hbm4b:s4+s2], $0x800, $0x38;
	[tilespmem:$0x15800] =	vst v63  }
0x13: {  	_ =	swait.ge [sflag:s10], $0x800  }
0x14: {  	[sflag:s10] =	ssyncset.done $0x0  }
0x15: {  	[sflag:s10] =	ssyncadd.s32 $0xFFFFF800  }
0x16: {  	[tilespmem:s12], [sflag:$0x1] =	stream.linear.gather [hbm4b:s5+s2], $0x800, $0x38;
	[tilespmem:$0x15800] =	vst v63  }
0x17: {  	_ =	swait.ge [sflag:s10], $0x800  }
0x18: {  	[sflag:s10] =	ssyncset.done $0x0  }
0x19: {  	[sflag:s10] =	ssyncadd.s32 $0xFFFFF800  }
0x1a: {  	[tilespmem:s2], [sflag:$0x1] =	stream.linear.gather [hbm4b:s6+s2], $0x4000, $0x38;
	[tilespmem:$0x15800] =	vst v63  }
0x1b: {  	_ =	swait.ge [sflag:s10], $0x4000  }
0x1c: {  	[sflag:s10] =	ssyncset.done $0x0  }
0x1d: {  	s15 =	simm.s32 $0x0;
	[sflag:s10] =	ssyncadd.s32 $0xFFFFC000  }
0x1e: {  	v5 =	vld [tilespmem:s15+$0x0];
	_ =	sdelay $0x7  }
0x1f: {  	v7 =	vor.u32 s2, v0;
	v6 =	vld.idx.msk [tilespmem:v5+s9+$0x0], $0xffff  }
0x20: {  	v9 =	vor.u32 s2, v1;
	v8 =	vld.idx.msk [tilespmem:v5+s11+$0x0], $0xffff  }
0x21: {  	v11 =	vor.u32 s2, v2;
	v10 =	vld.idx.msk [tilespmem:v5+s12+$0x0], $0xffff;
	_ =	sdelay $0x1  }
0x22: {  	v5 =	vor.u32 s2, v3  }
0x23: {  	[tilespmem:v7+s13+$0x0] =	vst.idx.msk $0xffff, v6  }
0x24: {  	[tilespmem:v9+s13+$0x0] =	vst.idx.msk $0xffff, v8  }
0x25: {  	s16 =	simm.s32 $0x80;
	s15 =	simm.s32 $0x40;
	[tilespmem:v11+s13+$0x0] =	vst.idx.msk $0xffff, v10  }
.LBB2_2:
0x26: {  	p0 =	sne.s32 s16, $0xFFC0  }
0x27: {  	s17 =	sshra.s32 s15, $0x2;
	[tilespmem:v5+s13+$0x0] =	vst.idx.msk $0xffff, v4;
	s18 =	smov.u32 s16;
	s16 =	sadd.s32 $0x40, s16  }
0x28: {  	v5 =	vld [tilespmem:s17+$0x0];
	_ =	sdelay $0x7  }
0x29: {  	v6 =	vld.idx.msk [tilespmem:v5+s9+$0x0], $0xffff  }
0x2a: {  	v8 =	vor.u32 s15, v0;
	v7 =	vld.idx.msk [tilespmem:v5+s11+$0x0], $0xffff  }
0x2b: {  	v10 =	vor.u32 s15, v1;
	v9 =	vld.idx.msk [tilespmem:v5+s12+$0x0], $0xffff  }
0x2c: {  	v11 =	vor.u32 s15, v2  }
.Ltmp0:
0x2d: {  	v5 =	vor.u32 s15, v3;
	s15 =	smov.u32 s18;
	(pc) =	sbr.rel @p0 .LBB2_2-.Ltmp0, $4  }
0x2e: {  	_ = 	snop  }
0x2f: {  	[tilespmem:v8+s13+$0x0] =	vst.idx.msk $0xffff, v6  }
0x30: {  	[tilespmem:v10+s13+$0x0] =	vst.idx.msk $0xffff, v7  }
0x31: {  	[tilespmem:v11+s13+$0x0] =	vst.idx.msk $0xffff, v9  }
0x32: {  	_ =	sdelay $0x3  }
0x33: {  	s16 =	sshra.s32 s15, $0x2;
	[tilespmem:v5+s13+$0x0] =	vst.idx.msk $0xffff, v4  }
0x34: {  	v5 =	vld [tilespmem:s16+$0x0];
	_ =	sdelay $0x7  }
0x35: {  	v7 =	vor.u32 s15, v0;
	v6 =	vld.idx.msk [tilespmem:v5+s9+$0x0], $0xffff  }
0x36: {  	v9 =	vor.u32 s15, v1;
	v8 =	vld.idx.msk [tilespmem:v5+s11+$0x0], $0xffff  }
0x37: {  	v10 =	vor.u32 s15, v2;
	v5 =	vld.idx.msk [tilespmem:v5+s12+$0x0], $0xffff  }
0x38: {  	v11 =	vor.u32 s15, v3;
	_ =	sdelay $0x1  }
0x39: {  	[tilespmem:v7+s13+$0x0] =	vst.idx.msk $0xffff, v6  }
0x3a: {  	s14 =	sadd.s32 $0x1, s14;
	[tilespmem:v9+s13+$0x0] =	vst.idx.msk $0xffff, v8  }
0x3b: {  	p0 =	sne.s32 s14, s8;
	[tilespmem:v10+s13+$0x0] =	vst.idx.msk $0xffff, v5  }
.Ltmp1:
0x3c: {  	[tilespmem:v11+s13+$0x0] =	vst.idx.msk $0xffff, v4;
	(pc) =	sbr.rel @p0 .LBB2_1-.Ltmp1, $4  }
0x3d: {  	[hbm4b:s7+s2] =	stream.linear.scatter [tilespmem:s13], [sflag:$0x1], $0x10000, $0x38;
	[tilespmem:$0x15800] =	vst v63  }
0x3e: {  	_ =	swait.ge [sflag:s10], $0x10000  }
0x3f: {  	[sflag:s10] =	ssyncset.done $0x0  }
0x40: {  	[sflag:s10] =	ssyncadd.s32 $0xFFFF0000  }
0x41: {  	_ =	sfence.sel $0x180000  }
0x42: {  	[bflag:$0x0] =	sbarrier.arrive $0xFFFF  }
0x43: {  	p0 =	sne.s32 s1, $0x0;
	_ =	strace $0x90000047  }
0x44: {  	s0 =	sadd.s32 @!p0 $0x100000, s0;
	[bflag:$0x2] =	sbarrier.arrive $0xFFFF  }
0x45: {  	[sflag:s0] =	ssyncadd.tile.s32 @!p0 $0x1;
	_ =	shalt  }
.Lfunc_end2:
_tile_overlayer_lowered:
.L_overlay_start_2:
0x46: {  	(tag) =	ssettag $0x2  }
0x47: {  	s0 =	rddreg [dreg:$0x0];
	s2 =	stileid.u32  }
0x48: {  	s1 =	rddreg [dreg:$0x1];
	p0 =	sne.s32 s2, $0x0  }
0x49: {  	s3 =	rddreg [dreg:$0x2];
	[bflag:$0x3] =	sbarrier.arrive $0xFFFF;
	s2 =	simm.s32 @!p0 $0x1C01  }
0x4a: {  	[timem:s3], [sflag:s2] =	dma.local @!p0 [hbm:s0], s1  }
0x4b: {  	s0 =	simm.s32 @!p0 $0x1  }
0x4c: {  	_ =	swait.ge @!p0 [sflag:s0], s1  }
0x4d: {  	s1 =	ssub.s32 @!p0 $0x0, s1;
	[sflag:s0] =	ssyncset.done @!p0 $0x0  }
0x4e: {  	[sflag:s0] =	ssyncadd.s32 @!p0 s1  }
0x4f: {  	[bflag:$0x3] =	sbarrier.arrive $0xFFFF  }
0x50: {  	_ =	shalt  }

</sc_bundles>
